<compile_context>
chip_gen: v7x
topology: tpu7x:2x2x1
jax: 0.10.2.dev20260603
libtpu: 0.0.44.dev20260713+nightly
codegen_flags: <defaults>
</compile_context>

<pallas_src>
import functools

import jax
import jax.numpy as jnp
from jax import lax
from jax.experimental import pallas as pl
from jax.experimental.pallas import tpu as pltpu
from jax.experimental.pallas import tpu_sc as plsc

D = 256
BAG = 4
NSUB = 16
NW = 32
CHUNK = 32
LANES = 16
NT_PAD = 1024
ET_PAD = 512


def _bag_sum(rows_v):
    @plsc.parallel_loop(0, CHUNK, step=1, unroll=2)
    def row_body(i):
        for d in range(D // LANES):
            sl = pl.ds(d * LANES, LANES)
            s = (rows_v[i, sl] + rows_v[CHUNK + i, sl]) + (
                rows_v[2 * CHUNK + i, sl] + rows_v[3 * CHUNK + i, sl])
            rows_v[i, sl] = s


def _embed_bag_phase(wid, idx_hbm, tab_hbm, out_hbm, idx_all, rows0,
                     rows1, sem0, sem1, rows_per_worker):
    base = wid * rows_per_worker
    npairs = rows_per_worker // (2 * CHUNK)
    nidx = rows_per_worker * BAG
    pltpu.sync_copy(idx_hbm.at[pl.ds(base * BAG, nidx)],
                    idx_all.at[pl.ds(0, nidx)])

    H = CHUNK * BAG // 2

    def fire(k, rows_v, sem):
        sa, sb = sem
        ia = idx_all.at[pl.ds(k * (2 * H), H)]
        ib = idx_all.at[pl.ds(k * (2 * H) + H, H)]
        pltpu.async_copy(tab_hbm.at[ia], rows_v.at[pl.ds(0, H)], sa)
        pltpu.async_copy(tab_hbm.at[ib], rows_v.at[pl.ds(H, H)], sb)

    def finish(k, rows_v, sem):
        sa, sb = sem
        ia = idx_all.at[pl.ds(k * (2 * H), H)]
        ib = idx_all.at[pl.ds(k * (2 * H) + H, H)]
        pltpu.make_async_copy(tab_hbm.at[ia], rows_v.at[pl.ds(0, H)], sa).wait()
        pltpu.make_async_copy(tab_hbm.at[ib], rows_v.at[pl.ds(H, H)], sb).wait()
        _bag_sum(rows_v)
        pltpu.sync_copy(rows_v.at[pl.ds(0, CHUNK)],
                        out_hbm.at[pl.ds(base + k * CHUNK, CHUNK)])

    fire(0, rows0, sem0)

    def pair_body(p, carry):
        k = 2 * p
        fire(k + 1, rows1, sem1)
        finish(k, rows0, sem0)
        @pl.when(p < npairs - 1)
        def _():
            fire(k + 2, rows0, sem0)
        finish(k + 1, rows1, sem1)
        return carry

    lax.fori_loop(0, npairs, pair_body, 0)


def _make_kernel(nv_pad, ne_pad):
    mesh = plsc.VectorSubcoreMesh(core_axis_name="c", subcore_axis_name="s")

    @functools.partial(
        pl.kernel,
        mesh=mesh,
        out_type=[
            jax.ShapeDtypeStruct((nv_pad, D), jnp.float32),
            jax.ShapeDtypeStruct((ne_pad, D), jnp.float32),
        ],
        scratch_types=[
            pltpu.VMEM((20224,), jnp.int32),
            pltpu.VMEM((CHUNK * BAG, D), jnp.float32),
            pltpu.VMEM((CHUNK * BAG, D), jnp.float32),
            pltpu.SemaphoreType.DMA,
            pltpu.SemaphoreType.DMA,
            pltpu.SemaphoreType.DMA,
            pltpu.SemaphoreType.DMA,
        ],
    )
    def k(vidx_hbm, eidx_hbm, ntab_hbm, etab_hbm, outv_hbm, oute_hbm,
          idx_all, rows0, rows1, sem0a, sem0b, sem1a, sem1b):
        sem0 = (sem0a, sem0b)
        sem1 = (sem1a, sem1b)
        wid = lax.axis_index("s") * 2 + lax.axis_index("c")
        _embed_bag_phase(wid, vidx_hbm, ntab_hbm, outv_hbm, idx_all,
                         rows0, rows1, sem0, sem1, nv_pad // NW)
        _embed_bag_phase(wid, eidx_hbm, etab_hbm, oute_hbm, idx_all,
                         rows0, rows1, sem0, sem1, ne_pad // NW)

    return k


def _prep_rows(idx, mult):
    n = idx.shape[0]
    n_pad = ((n + mult - 1) // mult) * mult
    idx = jnp.pad(idx, ((0, n_pad - n), (0, 0)))
    idx = idx.reshape(n_pad // CHUNK, CHUNK, BAG).transpose(0, 2, 1)
    return idx.reshape(-1), n_pad


def kernel(V, E, node_table, edge_table):
    n_nodes = V.shape[0]
    n_edges = E.shape[0]
    v_flat, nv_pad = _prep_rows(V, NW * CHUNK * 2)
    e_flat, ne_pad = _prep_rows(E, NW * CHUNK * 2)
    ntab = jnp.pad(node_table, ((0, NT_PAD - node_table.shape[0]), (0, 0)))
    v_emb, e_emb = _make_kernel(nv_pad, ne_pad)(
        v_flat, e_flat, ntab, edge_table)
    return (v_emb[:n_nodes], e_emb[:n_edges])

# --- scband reference (transcript-rebuilt; emitter-appended) ---
"""Pipeline reference for scband-graph-embedding-13941463843337 (READ-ONLY COPY).

The authoritative reference and input builder live on the scoring server;
editing this copy changes nothing except your own understanding.
"""

import jax, jax.numpy as jnp
import numpy as np

NUM_NODE_TYPES = 1000
NUM_EDGE_TYPES = 512
HIDDEN_DIM = 256
N_NODES = 10000
N_EDGES = 160000
BAG = 4


def setup_inputs(seed: int = 0) -> dict:
    key = jax.random.key(seed)
    k1, k2, k3, k4 = jax.random.split(key, 4)
    V = jax.random.randint(k1, (N_NODES, BAG), 0, NUM_NODE_TYPES, dtype=jnp.int32)
    E = jax.random.randint(k2, (N_EDGES, BAG), 0, NUM_EDGE_TYPES, dtype=jnp.int32)
    # Learned parameters: EmbeddingBag weight tables (torch default init ~ N(0,1))
    node_table = jax.random.normal(k3, (NUM_NODE_TYPES, HIDDEN_DIM), dtype=jnp.float32)
    edge_table = jax.random.normal(k4, (NUM_EDGE_TYPES, HIDDEN_DIM), dtype=jnp.float32)
    return {"V": V, "E": E, "node_table": node_table, "edge_table": edge_table}


def reference(V, E, node_table, edge_table):
    # nn.EmbeddingBag(mode='sum') over a [B, bag] index tensor:
    # gather rows then sum across the bag dimension.
    V_emb = jnp.take(node_table, V, axis=0).sum(axis=1)  # [N_NODES, HIDDEN_DIM]
    E_emb = jnp.take(edge_table, E, axis=0).sum(axis=1)  # [N_EDGES, HIDDEN_DIM]
    # Graph(V=V_emb, E=E_emb) -> return as tuple
    return (V_emb, E_emb)

if __name__ == "__main__":
    import jax
    _d = setup_inputs()
    print(jax.jit(kernel)(*tuple(_d.values())))

</pallas_src>

<mosaic_0001>
#map = affine_map<(d0, d1) -> (0)>
#map1 = affine_map<(d0, d1) -> (0, 0)>
module attributes {stable_mosaic.version = 14 : i64} {
  func.func @k(%arg0: i32, %arg1: i32, %arg2: memref<40960xi32, #tpu.memory_space<hbm>>, %arg3: memref<647168xi32, #tpu.memory_space<hbm>>, %arg4: memref<1024x256xf32, #tpu.memory_space<hbm>>, %arg5: memref<512x256xf32, #tpu.memory_space<hbm>>, %arg6: memref<10240x256xf32, #tpu.memory_space<hbm>>, %arg7: memref<161792x256xf32, #tpu.memory_space<hbm>>, %arg8: memref<20224xi32, #tpu.memory_space<vmem>>, %arg9: memref<128x256xf32, #tpu.memory_space<vmem>>, %arg10: memref<128x256xf32, #tpu.memory_space<vmem>>, %arg11: memref<!tpu.dma_semaphore, #tpu.memory_space<semaphore_mem>>, %arg12: memref<!tpu.dma_semaphore, #tpu.memory_space<semaphore_mem>>, %arg13: memref<!tpu.dma_semaphore, #tpu.memory_space<semaphore_mem>>, %arg14: memref<!tpu.dma_semaphore, #tpu.memory_space<semaphore_mem>>) attributes {dimension_semantics = [#tpu.dimension_semantics<core_parallel>, #tpu.dimension_semantics<subcore_parallel>], iteration_bounds = array<i64: 2, 16>, scalar_prefetch = 0 : i64, scratch_operands = 7 : i64, tpu.core_type = #tpu.core_type<sc_vector_subcore>, window_params = [{transform_indices = #map}, {transform_indices = #map}, {transform_indices = #map1}, {transform_indices = #map1}, {transform_indices = #map1}, {transform_indices = #map1}]} {
    %mul3A = arith.constant 2 : i32
    %mul3A_0 = arith.muli %arg1, %mul3A : i32
    %add3A = arith.addi %mul3A_0, %arg0 : i32
    %mul3A_1 = arith.constant 320 : i32
    %mul3A_2 = arith.muli %add3A, %mul3A_1 : i32
    %mul3A_3 = arith.constant 4 : i32
    %mul3A_4 = arith.muli %mul3A_2, %mul3A_3 : i32
    "tpu.region"() ({
      %run_scoped3A = tpu.sem_alloc : memref<!tpu.dma_semaphore, #tpu.memory_space<semaphore_mem>>
      %dma_start3A_51 = arith.constant 0 : i32
      %dma_start3A_52 = tpu.memref_slice %arg8[%dma_start3A_51] : memref<20224xi32, #tpu.memory_space<vmem>> -> memref<1280xi32, #tpu.memory_space<vmem>>
      %dma_start3A_53 = tpu.memref_slice %arg2[%mul3A_4] : memref<40960xi32, #tpu.memory_space<hbm>> -> memref<1280xi32, #tpu.memory_space<hbm>>
      %dma_start3A_54 = arith.constant 0 : i32
      %dma_start3A_55 = tpu.memref_slice %arg8[%dma_start3A_54] : memref<20224xi32, #tpu.memory_space<vmem>> -> memref<1280xi32, #tpu.memory_space<vmem>>
      %dma_start3A_56 = tpu.memref_slice %arg2[%mul3A_4] : memref<40960xi32, #tpu.memory_space<hbm>> -> memref<1280xi32, #tpu.memory_space<hbm>>
      tpu.enqueue_dma source(%dma_start3A_56 : memref<1280xi32, #tpu.memory_space<hbm>>) target(%dma_start3A_55 : memref<1280xi32, #tpu.memory_space<vmem>>) target_semaphore(%run_scoped3A : memref<!tpu.dma_semaphore, #tpu.memory_space<semaphore_mem>>)
      %dma_wait3A = arith.constant 0 : i32
      %dma_wait3A_57 = tpu.memref_slice %arg8[%dma_wait3A] : memref<20224xi32, #tpu.memory_space<vmem>> -> memref<1280xi32, #tpu.memory_space<vmem>>
      %dma_wait3A_58 = tpu.memref_slice %arg2[%mul3A_4] : memref<40960xi32, #tpu.memory_space<hbm>> -> memref<1280xi32, #tpu.memory_space<hbm>>
      %dma_wait3A_59 = arith.constant 0 : i32
      %dma_wait3A_60 = tpu.memref_slice %arg8[%dma_wait3A_59] : memref<20224xi32, #tpu.memory_space<vmem>> -> memref<1280xi32, #tpu.memory_space<vmem>>
      %dma_wait3A_61 = tpu.memref_slice %arg2[%mul3A_4] : memref<40960xi32, #tpu.memory_space<hbm>> -> memref<1280xi32, #tpu.memory_space<hbm>>
      tpu.wait_dma2 semaphore(%run_scoped3A : memref<!tpu.dma_semaphore, #tpu.memory_space<semaphore_mem>>) src(%dma_wait3A_61 : memref<1280xi32, #tpu.memory_space<hbm>>) dst(%dma_wait3A_60 : memref<1280xi32, #tpu.memory_space<vmem>>)
      tpu.yield
    }) : () -> ()
    %dma_start3A = arith.constant 0 : i32
    %dma_start3A_5 = arith.constant 0 : i32
    %dma_start3A_6 = tpu.memref_slice %arg9[%dma_start3A, %dma_start3A_5] : memref<128x256xf32, #tpu.memory_space<vmem>> -> memref<64x256xf32, #tpu.memory_space<vmem>>
    %dma_start3A_7 = arith.constant 0 : i32
    %dma_start3A_8 = tpu.memref_slice %arg8[%dma_start3A_7] : memref<20224xi32, #tpu.memory_space<vmem>> -> memref<64xi32, #tpu.memory_space<vmem>>
    %dma_start3A_9 = arith.constant 0 : i32
    %dma_start3A_10 = arith.constant 0 : i32
    %dma_start3A_11 = tpu.memref_slice %arg4[%dma_start3A_9, %dma_start3A_10] : memref<1024x256xf32, #tpu.memory_space<hbm>> -> memref<1024x256xf32, #tpu.memory_space<hbm>>
    tpu.enqueue_indirect_dma source(%dma_start3A_11 : memref<1024x256xf32, #tpu.memory_space<hbm>>) target(%dma_start3A_6 : memref<64x256xf32, #tpu.memory_space<vmem>>) offsets(%dma_start3A_8 : memref<64xi32, #tpu.memory_space<vmem>>) semaphore(%arg11 : memref<!tpu.dma_semaphore, #tpu.memory_space<semaphore_mem>>)
    %dma_start3A_12 = arith.constant 64 : i32
    %dma_start3A_13 = arith.constant 0 : i32
    %dma_start3A_14 = tpu.memref_slice %arg9[%dma_start3A_12, %dma_start3A_13] : memref<128x256xf32, #tpu.memory_space<vmem>> -> memref<64x256xf32, #tpu.memory_space<vmem>>
    %dma_start3A_15 = arith.constant 64 : i32
    %dma_start3A_16 = tpu.memref_slice %arg8[%dma_start3A_15] : memref<20224xi32, #tpu.memory_space<vmem>> -> memref<64xi32, #tpu.memory_space<vmem>>
    %dma_start3A_17 = arith.constant 0 : i32
    %dma_start3A_18 = arith.constant 0 : i32
    %dma_start3A_19 = tpu.memref_slice %arg4[%dma_start3A_17, %dma_start3A_18] : memref<1024x256xf32, #tpu.memory_space<hbm>> -> memref<1024x256xf32, #tpu.memory_space<hbm>>
    tpu.enqueue_indirect_dma source(%dma_start3A_19 : memref<1024x256xf32, #tpu.memory_space<hbm>>) target(%dma_start3A_14 : memref<64x256xf32, #tpu.memory_space<vmem>>) offsets(%dma_start3A_16 : memref<64xi32, #tpu.memory_space<vmem>>) semaphore(%arg12 : memref<!tpu.dma_semaphore, #tpu.memory_space<semaphore_mem>>)
    %scan3A = arith.constant 0 : i32
    %scan3A_20 = arith.constant 0 : i32
    %scan3A_21 = arith.constant 5 : i32
    %scan3A_22 = arith.addi %scan3A_20, %scan3A_21 : i32
    %scan3A_23 = arith.constant 1 : i32
    scf.for %scan3A_51 = %scan3A_20 to %scan3A_22 step %scan3A_23  : i32 {
      %mul3A_52 = arith.constant 2 : i32
      %mul3A_53 = arith.muli %mul3A_52, %scan3A_51 : i32
      %add3A_54 = arith.constant 1 : i32
      %add3A_55 = arith.addi %mul3A_53, %add3A_54 : i32
      %mul3A_56 = arith.constant 128 : i32
      %mul3A_57 = arith.muli %add3A_55, %mul3A_56 : i32
      %mul3A_58 = arith.constant 128 : i32
      %mul3A_59 = arith.muli %add3A_55, %mul3A_58 : i32
      %add3A_60 = arith.constant 64 : i32
      %add3A_61 = arith.addi %mul3A_59, %add3A_60 : i32
      %dma_start3A_62 = arith.constant 0 : i32
      %dma_start3A_63 = arith.constant 0 : i32
      %dma_start3A_64 = tpu.memref_slice %arg10[%dma_start3A_62, %dma_start3A_63] : memref<128x256xf32, #tpu.memory_space<vmem>> -> memref<64x256xf32, #tpu.memory_space<vmem>>
      %dma_start3A_65 = tpu.memref_slice %arg8[%mul3A_57] : memref<20224xi32, #tpu.memory_space<vmem>> -> memref<64xi32, #tpu.memory_space<vmem>>
      %dma_start3A_66 = arith.constant 0 : i32
      %dma_start3A_67 = arith.constant 0 : i32
      %dma_start3A_68 = tpu.memref_slice %arg4[%dma_start3A_66, %dma_start3A_67] : memref<1024x256xf32, #tpu.memory_space<hbm>> -> memref<1024x256xf32, #tpu.memory_space<hbm>>
      tpu.enqueue_indirect_dma source(%dma_start3A_68 : memref<1024x256xf32, #tpu.memory_space<hbm>>) target(%dma_start3A_64 : memref<64x256xf32, #tpu.memory_space<vmem>>) offsets(%dma_start3A_65 : memref<64xi32, #tpu.memory_space<vmem>>) semaphore(%arg13 : memref<!tpu.dma_semaphore, #tpu.memory_space<semaphore_mem>>)
      %dma_start3A_69 = arith.constant 64 : i32
      %dma_start3A_70 = arith.constant 0 : i32
      %dma_start3A_71 = tpu.memref_slice %arg10[%dma_start3A_69, %dma_start3A_70] : memref<128x256xf32, #tpu.memory_space<vmem>> -> memref<64x256xf32, #tpu.memory_space<vmem>>
      %dma_start3A_72 = tpu.memref_slice %arg8[%add3A_61] : memref<20224xi32, #tpu.memory_space<vmem>> -> memref<64xi32, #tpu.memory_space<vmem>>
      %dma_start3A_73 = arith.constant 0 : i32
      %dma_start3A_74 = arith.constant 0 : i32
      %dma_start3A_75 = tpu.memref_slice %arg4[%dma_start3A_73, %dma_start3A_74] : memref<1024x256xf32, #tpu.memory_space<hbm>> -> memref<1024x256xf32, #tpu.memory_space<hbm>>
      tpu.enqueue_indirect_dma source(%dma_start3A_75 : memref<1024x256xf32, #tpu.memory_space<hbm>>) target(%dma_start3A_71 : memref<64x256xf32, #tpu.memory_space<vmem>>) offsets(%dma_start3A_72 : memref<64xi32, #tpu.memory_space<vmem>>) semaphore(%arg14 : memref<!tpu.dma_semaphore, #tpu.memory_space<semaphore_mem>>)
      %mul3A_76 = arith.constant 128 : i32
      %mul3A_77 = arith.muli %mul3A_53, %mul3A_76 : i32
      %mul3A_78 = arith.constant 128 : i32
      %mul3A_79 = arith.muli %mul3A_53, %mul3A_78 : i32
      %add3A_80 = arith.constant 64 : i32
      %add3A_81 = arith.addi %mul3A_79, %add3A_80 : i32
      %dma_wait3A = arith.constant 0 : i32
      %dma_wait3A_82 = arith.constant 0 : i32
      %dma_wait3A_83 = tpu.memref_slice %arg9[%dma_wait3A, %dma_wait3A_82] : memref<128x256xf32, #tpu.memory_space<vmem>> -> memref<64x256xf32, #tpu.memory_space<vmem>>
      %dma_wait3A_84 = tpu.memref_slice %arg8[%mul3A_77] : memref<20224xi32, #tpu.memory_space<vmem>> -> memref<64xi32, #tpu.memory_space<vmem>>
      %dma_wait3A_85 = arith.constant 0 : i32
      %dma_wait3A_86 = arith.constant 0 : i32
      %dma_wait3A_87 = tpu.memref_slice %arg4[%dma_wait3A_85, %dma_wait3A_86] : memref<1024x256xf32, #tpu.memory_space<hbm>> -> memref<1024x256xf32, #tpu.memory_space<hbm>>
      tpu.wait_indirect_dma semaphore(%arg11 : memref<!tpu.dma_semaphore, #tpu.memory_space<semaphore_mem>>) src(%dma_wait3A_87 : memref<1024x256xf32, #tpu.memory_space<hbm>>) dst(%dma_wait3A_83 : memref<64x256xf32, #tpu.memory_space<vmem>>)
      %dma_wait3A_88 = arith.constant 64 : i32
      %dma_wait3A_89 = arith.constant 0 : i32
      %dma_wait3A_90 = tpu.memref_slice %arg9[%dma_wait3A_88, %dma_wait3A_89] : memref<128x256xf32, #tpu.memory_space<vmem>> -> memref<64x256xf32, #tpu.memory_space<vmem>>
      %dma_wait3A_91 = tpu.memref_slice %arg8[%add3A_81] : memref<20224xi32, #tpu.memory_space<vmem>> -> memref<64xi32, #tpu.memory_space<vmem>>
      %dma_wait3A_92 = arith.constant 0 : i32
      %dma_wait3A_93 = arith.constant 0 : i32
      %dma_wait3A_94 = tpu.memref_slice %arg4[%dma_wait3A_92, %dma_wait3A_93] : memref<1024x256xf32, #tpu.memory_space<hbm>> -> memref<1024x256xf32, #tpu.memory_space<hbm>>
      tpu.wait_indirect_dma semaphore(%arg12 : memref<!tpu.dma_semaphore, #tpu.memory_space<semaphore_mem>>) src(%dma_wait3A_94 : memref<1024x256xf32, #tpu.memory_space<hbm>>) dst(%dma_wait3A_90 : memref<64x256xf32, #tpu.memory_space<vmem>>)
      %parallel_loop3A = arith.constant 0 : i32
      %parallel_loop3A_95 = arith.constant 32 : i32
      %parallel_loop3A_96 = arith.constant 1 : i32
      scf.for %parallel_loop3A_130 = %parallel_loop3A to %parallel_loop3A_95 step %parallel_loop3A_96  : i32 {
        %parallel_loop3A_131 = arith.index_cast %parallel_loop3A_130 : i32 to index
        %parallel_loop3A_132 = arith.constant 0 : index
        %parallel_loop3A_133 = tpu.vector_load %arg9[%parallel_loop3A_131, %parallel_loop3A_132] {strides = array<i32>} : memref<128x256xf32, #tpu.memory_space<vmem>>, vector<1x16xf32>,
        %parallel_loop3A_134 = vector.shape_cast %parallel_loop3A_133 : vector<1x16xf32> to vector<16xf32>
        %parallel_loop3A_135 = arith.constant 32 : i32
        %parallel_loop3A_136 = arith.addi %parallel_loop3A_135, %parallel_loop3A_130 : i32
        %parallel_loop3A_137 = arith.index_cast %parallel_loop3A_136 : i32 to index
        %parallel_loop3A_138 = arith.constant 0 : index
        %parallel_loop3A_139 = tpu.vector_load %arg9[%parallel_loop3A_137, %parallel_loop3A_138] {strides = array<i32>} : memref<128x256xf32, #tpu.memory_space<vmem>>, vector<1x16xf32>,
        %parallel_loop3A_140 = vector.shape_cast %parallel_loop3A_139 : vector<1x16xf32> to vector<16xf32>
        %parallel_loop3A_141 = arith.addf %parallel_loop3A_134, %parallel_loop3A_140 : vector<16xf32>
        %parallel_loop3A_142 = arith.constant 64 : i32
        %parallel_loop3A_143 = arith.addi %parallel_loop3A_142, %parallel_loop3A_130 : i32
        %parallel_loop3A_144 = arith.index_cast %parallel_loop3A_143 : i32 to index
        %parallel_loop3A_145 = arith.constant 0 : index
        %parallel_loop3A_146 = tpu.vector_load %arg9[%parallel_loop3A_144, %parallel_loop3A_145] {strides = array<i32>} : memref<128x256xf32, #tpu.memory_space<vmem>>, vector<1x16xf32>,
        %parallel_loop3A_147 = vector.shape_cast %parallel_loop3A_146 : vector<1x16xf32> to vector<16xf32>
        %parallel_loop3A_148 = arith.constant 96 : i32
        %parallel_loop3A_149 = arith.addi %parallel_loop3A_148, %parallel_loop3A_130 : i32
        %parallel_loop3A_150 = arith.index_cast %parallel_loop3A_149 : i32 to index
        %parallel_loop3A_151 = arith.constant 0 : index
        %parallel_loop3A_152 = tpu.vector_load %arg9[%parallel_loop3A_150, %parallel_loop3A_151] {strides = array<i32>} : memref<128x256xf32, #tpu.memory_space<vmem>>, vector<1x16xf32>,
        %parallel_loop3A_153 = vector.shape_cast %parallel_loop3A_152 : vector<1x16xf32> to vector<16xf32>
        %parallel_loop3A_154 = arith.addf %parallel_loop3A_147, %parallel_loop3A_153 : vector<16xf32>
        %parallel_loop3A_155 = arith.addf %parallel_loop3A_141, %parallel_loop3A_154 : vector<16xf32>
        %parallel_loop3A_156 = arith.index_cast %parallel_loop3A_130 : i32 to index
        %parallel_loop3A_157 = arith.constant 0 : index
        %parallel_loop3A_158 = tpu.vector_load %arg9[%parallel_loop3A_156, %parallel_loop3A_157] {strides = array<i32>} : memref<128x256xf32, #tpu.memory_space<vmem>>, vector<1x16xf32>,
        %parallel_loop3A_159 = vector.shape_cast %parallel_loop3A_158 : vector<1x16xf32> to vector<16xf32>
        %parallel_loop3A_160 = vector.shape_cast %parallel_loop3A_155 : vector<16xf32> to vector<1x16xf32>
        tpu.vector_store %arg9[%parallel_loop3A_156, %parallel_loop3A_157], %parallel_loop3A_160 {strides = array<i32>} : memref<128x256xf32, #tpu.memory_space<vmem>>, vector<1x16xf32>,
        %parallel_loop3A_161 = arith.index_cast %parallel_loop3A_130 : i32 to index
        %parallel_loop3A_162 = arith.constant 16 : index
        %parallel_loop3A_163 = tpu.vector_load %arg9[%parallel_loop3A_161, %parallel_loop3A_162] {strides = array<i32>} : memref<128x256xf32, #tpu.memory_space<vmem>>, vector<1x16xf32>,
        %parallel_loop3A_164 = vector.shape_cast %parallel_loop3A_163 : vector<1x16xf32> to vector<16xf32>
        %parallel_loop3A_165 = arith.constant 32 : i32
        %parallel_loop3A_166 = arith.addi %parallel_loop3A_165, %parallel_loop3A_130 : i32
        %parallel_loop3A_167 = arith.index_cast %parallel_loop3A_166 : i32 to index
        %parallel_loop3A_168 = arith.constant 16 : index
        %parallel_loop3A_169 = tpu.vector_load %arg9[%parallel_loop3A_167, %parallel_loop3A_168] {strides = array<i32>} : memref<128x256xf32, #tpu.memory_space<vmem>>, vector<1x16xf32>,
        %parallel_loop3A_170 = vector.shape_cast %parallel_loop3A_169 : vector<1x16xf32> to vector<16xf32>
        %parallel_loop3A_171 = arith.addf %parallel_loop3A_164, %parallel_loop3A_170 : vector<16xf32>
        %parallel_loop3A_172 = arith.constant 64 : i32
        %parallel_loop3A_173 = arith.addi %parallel_loop3A_172, %parallel_loop3A_130 : i32
        %parallel_loop3A_174 = arith.index_cast %parallel_loop3A_173 : i32 to index
        %parallel_loop3A_175 = arith.constant 16 : index
        %parallel_loop3A_176 = tpu.vector_load %arg9[%parallel_loop3A_174, %parallel_loop3A_175] {strides = array<i32>} : memref<128x256xf32, #tpu.memory_space<vmem>>, vector<1x16xf32>,
        %parallel_loop3A_177 = vector.shape_cast %parallel_loop3A_176 : vector<1x16xf32> to vector<16xf32>
        %parallel_loop3A_178 = arith.constant 96 : i32
        %parallel_loop3A_179 = arith.addi %parallel_loop3A_178, %parallel_loop3A_130 : i32
        %parallel_loop3A_180 = arith.index_cast %parallel_loop3A_179 : i32 to index
        %parallel_loop3A_181 = arith.constant 16 : index
        %parallel_loop3A_182 = tpu.vector_load %arg9[%parallel_loop3A_180, %parallel_loop3A_181] {strides = array<i32>} : memref<128x256xf32, #tpu.memory_space<vmem>>, vector<1x16xf32>,
        %parallel_loop3A_183 = vector.shape_cast %parallel_loop3A_182 : vector<1x16xf32> to vector<16xf32>
        %parallel_loop3A_184 = arith.addf %parallel_loop3A_177, %parallel_loop3A_183 : vector<16xf32>
        %parallel_loop3A_185 = arith.addf %parallel_loop3A_171, %parallel_loop3A_184 : vector<16xf32>
        %parallel_loop3A_186 = arith.index_cast %parallel_loop3A_130 : i32 to index
        %parallel_loop3A_187 = arith.constant 16 : index
        %parallel_loop3A_188 = tpu.vector_load %arg9[%parallel_loop3A_186, %parallel_loop3A_187] {strides = array<i32>} : memref<128x256xf32, #tpu.memory_space<vmem>>, vector<1x16xf32>,
        %parallel_loop3A_189 = vector.shape_cast %parallel_loop3A_188 : vector<1x16xf32> to vector<16xf32>
        %parallel_loop3A_190 = vector.shape_cast %parallel_loop3A_185 : vector<16xf32> to vector<1x16xf32>
        tpu.vector_store %arg9[%parallel_loop3A_186, %parallel_loop3A_187], %parallel_loop3A_190 {strides = array<i32>} : memref<128x256xf32, #tpu.memory_space<vmem>>, vector<1x16xf32>,
        %parallel_loop3A_191 = arith.index_cast %parallel_loop3A_130 : i32 to index
        %parallel_loop3A_192 = arith.constant 32 : index
        %parallel_loop3A_193 = tpu.vector_load %arg9[%parallel_loop3A_191, %parallel_loop3A_192] {strides = array<i32>} : memref<128x256xf32, #tpu.memory_space<vmem>>, vector<1x16xf32>,
        %parallel_loop3A_194 = vector.shape_cast %parallel_loop3A_193 : vector<1x16xf32> to vector<16xf32>
        %parallel_loop3A_195 = arith.constant 32 : i32
        %parallel_loop3A_196 = arith.addi %parallel_loop3A_195, %parallel_loop3A_130 : i32
        %parallel_loop3A_197 = arith.index_cast %parallel_loop3A_196 : i32 to index
        %parallel_loop3A_198 = arith.constant 32 : index
        %parallel_loop3A_199 = tpu.vector_load %arg9[%parallel_loop3A_197, %parallel_loop3A_198] {strides = array<i32>} : memref<128x256xf32, #tpu.memory_space<vmem>>, vector<1x16xf32>,
        %parallel_loop3A_200 = vector.shape_cast %parallel_loop3A_199 : vector<1x16xf32> to vector<16xf32>
        %parallel_loop3A_201 = arith.addf %parallel_loop3A_194, %parallel_loop3A_200 : vector<16xf32>
        %parallel_loop3A_202 = arith.constant 64 : i32
        %parallel_loop3A_203 = arith.addi %parallel_loop3A_202, %parallel_loop3A_130 : i32
        %parallel_loop3A_204 = arith.index_cast %parallel_loop3A_203 : i32 to index
        %parallel_loop3A_205 = arith.constant 32 : index
        %parallel_loop3A_206 = tpu.vector_load %arg9[%parallel_loop3A_204, %parallel_loop3A_205] {strides = array<i32>} : memref<128x256xf32, #tpu.memory_space<vmem>>, vector<1x16xf32>,
        %parallel_loop3A_207 = vector.shape_cast %parallel_loop3A_206 : vector<1x16xf32> to vector<16xf32>
        %parallel_loop3A_208 = arith.constant 96 : i32
        %parallel_loop3A_209 = arith.addi %parallel_loop3A_208, %parallel_loop3A_130 : i32
        %parallel_loop3A_210 = arith.index_cast %parallel_loop3A_209 : i32 to index
        %parallel_loop3A_211 = arith.constant 32 : index
        %parallel_loop3A_212 = tpu.vector_load %arg9[%parallel_loop3A_210, %parallel_loop3A_211] {strides = array<i32>} : memref<128x256xf32, #tpu.memory_space<vmem>>, vector<1x16xf32>,
        %parallel_loop3A_213 = vector.shape_cast %parallel_loop3A_212 : vector<1x16xf32> to vector<16xf32>
        %parallel_loop3A_214 = arith.addf %parallel_loop3A_207, %parallel_loop3A_213 : vector<16xf32>
        %parallel_loop3A_215 = arith.addf %parallel_loop3A_201, %parallel_loop3A_214 : vector<16xf32>
        %parallel_loop3A_216 = arith.index_cast %parallel_loop3A_130 : i32 to index
        %parallel_loop3A_217 = arith.constant 32 : index
        %parallel_loop3A_218 = tpu.vector_load %arg9[%parallel_loop3A_216, %parallel_loop3A_217] {strides = array<i32>} : memref<128x256xf32, #tpu.memory_space<vmem>>, vector<1x16xf32>,
        %parallel_loop3A_219 = vector.shape_cast %parallel_loop3A_218 : vector<1x16xf32> to vector<16xf32>
        %parallel_loop3A_220 = vector.shape_cast %parallel_loop3A_215 : vector<16xf32> to vector<1x16xf32>
        tpu.vector_store %arg9[%parallel_loop3A_216, %parallel_loop3A_217], %parallel_loop3A_220 {strides = array<i32>} : memref<128x256xf32, #tpu.memory_space<vmem>>, vector<1x16xf32>,
        %parallel_loop3A_221 = arith.index_cast %parallel_loop3A_130 : i32 to index
        %parallel_loop3A_222 = arith.constant 48 : index
        %parallel_loop3A_223 = tpu.vector_load %arg9[%parallel_loop3A_221, %parallel_loop3A_222] {strides = array<i32>} : memref<128x256xf32, #tpu.memory_space<vmem>>, vector<1x16xf32>,
        %parallel_loop3A_224 = vector.shape_cast %parallel_loop3A_223 : vector<1x16xf32> to vector<16xf32>
        %parallel_loop3A_225 = arith.constant 32 : i32
        %parallel_loop3A_226 = arith.addi %parallel_loop3A_225, %parallel_loop3A_130 : i32
        %parallel_loop3A_227 = arith.index_cast %parallel_loop3A_226 : i32 to index
        %parallel_loop3A_228 = arith.constant 48 : index
        %parallel_loop3A_229 = tpu.vector_load %arg9[%parallel_loop3A_227, %parallel_loop3A_228] {strides = array<i32>} : memref<128x256xf32, #tpu.memory_space<vmem>>, vector<1x16xf32>,
        %parallel_loop3A_230 = vector.shape_cast %parallel_loop3A_229 : vector<1x16xf32> to vector<16xf32>
        %parallel_loop3A_231 = arith.addf %parallel_loop3A_224, %parallel_loop3A_230 : vector<16xf32>
        %parallel_loop3A_232 = arith.constant 64 : i32
        %parallel_loop3A_233 = arith.addi %parallel_loop3A_232, %parallel_loop3A_130 : i32
        %parallel_loop3A_234 = arith.index_cast %parallel_loop3A_233 : i32 to index
        %parallel_loop3A_235 = arith.constant 48 : index
        %parallel_loop3A_236 = tpu.vector_load %arg9[%parallel_loop3A_234, %parallel_loop3A_235] {strides = array<i32>} : memref<128x256xf32, #tpu.memory_space<vmem>>, vector<1x16xf32>,
        %parallel_loop3A_237 = vector.shape_cast %parallel_loop3A_236 : vector<1x16xf32> to vector<16xf32>
        %parallel_loop3A_238 = arith.constant 96 : i32
        %parallel_loop3A_239 = arith.addi %parallel_loop3A_238, %parallel_loop3A_130 : i32
        %parallel_loop3A_240 = arith.index_cast %parallel_loop3A_239 : i32 to index
        %parallel_loop3A_241 = arith.constant 48 : index
        %parallel_loop3A_242 = tpu.vector_load %arg9[%parallel_loop3A_240, %parallel_loop3A_241] {strides = array<i32>} : memref<128x256xf32, #tpu.memory_space<vmem>>, vector<1x16xf32>,
        %parallel_loop3A_243 = vector.shape_cast %parallel_loop3A_242 : vector<1x16xf32> to vector<16xf32>
        %parallel_loop3A_244 = arith.addf %parallel_loop3A_237, %parallel_loop3A_243 : vector<16xf32>
        %parallel_loop3A_245 = arith.addf %parallel_loop3A_231, %parallel_loop3A_244 : vector<16xf32>
        %parallel_loop3A_246 = arith.index_cast %parallel_loop3A_130 : i32 to index
        %parallel_loop3A_247 = arith.constant 48 : index
        %parallel_loop3A_248 = tpu.vector_load %arg9[%parallel_loop3A_246, %parallel_loop3A_247] {strides = array<i32>} : memref<128x256xf32, #tpu.memory_space<vmem>>, vector<1x16xf32>,
        %parallel_loop3A_249 = vector.shape_cast %parallel_loop3A_248 : vector<1x16xf32> to vector<16xf32>
        %parallel_loop3A_250 = vector.shape_cast %parallel_loop3A_245 : vector<16xf32> to vector<1x16xf32>
        tpu.vector_store %arg9[%parallel_loop3A_246, %parallel_loop3A_247], %parallel_loop3A_250 {strides = array<i32>} : memref<128x256xf32, #tpu.memory_space<vmem>>, vector<1x16xf32>,
        %parallel_loop3A_251 = arith.index_cast %parallel_loop3A_130 : i32 to index
        %parallel_loop3A_252 = arith.constant 64 : index
        %parallel_loop3A_253 = tpu.vector_load %arg9[%parallel_loop3A_251, %parallel_loop3A_252] {strides = array<i32>} : memref<128x256xf32, #tpu.memory_space<vmem>>, vector<1x16xf32>,
        %parallel_loop3A_254 = vector.shape_cast %parallel_loop3A_253 : vector<1x16xf32> to vector<16xf32>
        %parallel_loop3A_255 = arith.constant 32 : i32
        %parallel_loop3A_256 = arith.addi %parallel_loop3A_255, %parallel_loop3A_130 : i32
        %parallel_loop3A_257 = arith.index_cast %parallel_loop3A_256 : i32 to index
        %parallel_loop3A_258 = arith.constant 64 : index
        %parallel_loop3A_259 = tpu.vector_load %arg9[%parallel_loop3A_257, %parallel_loop3A_258] {strides = array<i32>} : memref<128x256xf32, #tpu.memory_space<vmem>>, vector<1x16xf32>,
        %parallel_loop3A_260 = vector.shape_cast %parallel_loop3A_259 : vector<1x16xf32> to vector<16xf32>
        %parallel_loop3A_261 = arith.addf %parallel_loop3A_254, %parallel_loop3A_260 : vector<16xf32>
        %parallel_loop3A_262 = arith.constant 64 : i32
        %parallel_loop3A_263 = arith.addi %parallel_loop3A_262, %parallel_loop3A_130 : i32
        %parallel_loop3A_264 = arith.index_cast %parallel_loop3A_263 : i32 to index
        %parallel_loop3A_265 = arith.constant 64 : index
        %parallel_loop3A_266 = tpu.vector_load %arg9[%parallel_loop3A_264, %parallel_loop3A_265] {strides = array<i32>} : memref<128x256xf32, #tpu.memory_space<vmem>>, vector<1x16xf32>,
        %parallel_loop3A_267 = vector.shape_cast %parallel_loop3A_266 : vector<1x16xf32> to vector<16xf32>
        %parallel_loop3A_268 = arith.constant 96 : i32
        %parallel_loop3A_269 = arith.addi %parallel_loop3A_268, %parallel_loop3A_130 : i32
        %parallel_loop3A_270 = arith.index_cast %parallel_loop3A_269 : i32 to index
        %parallel_loop3A_271 = arith.constant 64 : index
        %parallel_loop3A_272 = tpu.vector_load %arg9[%parallel_loop3A_270, %parallel_loop3A_271] {strides = array<i32>} : memref<128x256xf32, #tpu.memory_space<vmem>>, vector<1x16xf32>,
        %parallel_loop3A_273 = vector.shape_cast %parallel_loop3A_272 : vector<1x16xf32> to vector<16xf32>
        %parallel_loop3A_274 = arith.addf %parallel_loop3A_267, %parallel_loop3A_273 : vector<16xf32>
        %parallel_loop3A_275 = arith.addf %parallel_loop3A_261, %parallel_loop3A_274 : vector<16xf32>
        %parallel_loop3A_276 = arith.index_cast %parallel_loop3A_130 : i32 to index
        %parallel_loop3A_277 = arith.constant 64 : index
        %parallel_loop3A_278 = tpu.vector_load %arg9[%parallel_loop3A_276, %parallel_loop3A_277] {strides = array<i32>} : memref<128x256xf32, #tpu.memory_space<vmem>>, vector<1x16xf32>,
        %parallel_loop3A_279 = vector.shape_cast %parallel_loop3A_278 : vector<1x16xf32> to vector<16xf32>
        %parallel_loop3A_280 = vector.shape_cast %parallel_loop3A_275 : vector<16xf32> to vector<1x16xf32>
        tpu.vector_store %arg9[%parallel_loop3A_276, %parallel_loop3A_277], %parallel_loop3A_280 {strides = array<i32>} : memref<128x256xf32, #tpu.memory_space<vmem>>, vector<1x16xf32>,
        %parallel_loop3A_281 = arith.index_cast %parallel_loop3A_130 : i32 to index
        %parallel_loop3A_282 = arith.constant 80 : index
        %parallel_loop3A_283 = tpu.vector_load %arg9[%parallel_loop3A_281, %parallel_loop3A_282] {strides = array<i32>} : memref<128x256xf32, #tpu.memory_space<vmem>>, vector<1x16xf32>,
        %parallel_loop3A_284 = vector.shape_cast %parallel_loop3A_283 : vector<1x16xf32> to vector<16xf32>
        %parallel_loop3A_285 = arith.constant 32 : i32
        %parallel_loop3A_286 = arith.addi %parallel_loop3A_285, %parallel_loop3A_130 : i32
        %parallel_loop3A_287 = arith.index_cast %parallel_loop3A_286 : i32 to index
        %parallel_loop3A_288 = arith.constant 80 : index
        %parallel_loop3A_289 = tpu.vector_load %arg9[%parallel_loop3A_287, %parallel_loop3A_288] {strides = array<i32>} : memref<128x256xf32, #tpu.memory_space<vmem>>, vector<1x16xf32>,
        %parallel_loop3A_290 = vector.shape_cast %parallel_loop3A_289 : vector<1x16xf32> to vector<16xf32>
        %parallel_loop3A_291 = arith.addf %parallel_loop3A_284, %parallel_loop3A_290 : vector<16xf32>
        %parallel_loop3A_292 = arith.constant 64 : i32
        %parallel_loop3A_293 = arith.addi %parallel_loop3A_292, %parallel_loop3A_130 : i32
        %parallel_loop3A_294 = arith.index_cast %parallel_loop3A_293 : i32 to index
        %parallel_loop3A_295 = arith.constant 80 : index
        %parallel_loop3A_296 = tpu.vector_load %arg9[%parallel_loop3A_294, %parallel_loop3A_295] {strides = array<i32>} : memref<128x256xf32, #tpu.memory_space<vmem>>, vector<1x16xf32>,
        %parallel_loop3A_297 = vector.shape_cast %parallel_loop3A_296 : vector<1x16xf32> to vector<16xf32>
        %parallel_loop3A_298 = arith.constant 96 : i32
        %parallel_loop3A_299 = arith.addi %parallel_loop3A_298, %parallel_loop3A_130 : i32
        %parallel_loop3A_300 = arith.index_cast %parallel_loop3A_299 : i32 to index
        %parallel_loop3A_301 = arith.constant 80 : index
        %parallel_loop3A_302 = tpu.vector_load %arg9[%parallel_loop3A_300, %parallel_loop3A_301] {strides = array<i32>} : memref<128x256xf32, #tpu.memory_space<vmem>>, vector<1x16xf32>,
        %parallel_loop3A_303 = vector.shape_cast %parallel_loop3A_302 : vector<1x16xf32> to vector<16xf32>
        %parallel_loop3A_304 = arith.addf %parallel_loop3A_297, %parallel_loop3A_303 : vector<16xf32>
        %parallel_loop3A_305 = arith.addf %parallel_loop3A_291, %parallel_loop3A_304 : vector<16xf32>
        %parallel_loop3A_306 = arith.index_cast %parallel_loop3A_130 : i32 to index
        %parallel_loop3A_307 = arith.constant 80 : index
        %parallel_loop3A_308 = tpu.vector_load %arg9[%parallel_loop3A_306, %parallel_loop3A_307] {strides = array<i32>} : memref<128x256xf32, #tpu.memory_space<vmem>>, vector<1x16xf32>,
        %parallel_loop3A_309 = vector.shape_cast %parallel_loop3A_308 : vector<1x16xf32> to vector<16xf32>
        %parallel_loop3A_310 = vector.shape_cast %parallel_loop3A_305 : vector<16xf32> to vector<1x16xf32>
        tpu.vector_store %arg9[%parallel_loop3A_306, %parallel_loop3A_307], %parallel_loop3A_310 {strides = array<i32>} : memref<128x256xf32, #tpu.memory_space<vmem>>, vector<1x16xf32>,
        %parallel_loop3A_311 = arith.index_cast %parallel_loop3A_130 : i32 to index
        %parallel_loop3A_312 = arith.constant 96 : index
        %parallel_loop3A_313 = tpu.vector_load %arg9[%parallel_loop3A_311, %parallel_loop3A_312] {strides = array<i32>} : memref<128x256xf32, #tpu.memory_space<vmem>>, vector<1x16xf32>,
        %parallel_loop3A_314 = vector.shape_cast %parallel_loop3A_313 : vector<1x16xf32> to vector<16xf32>
        %parallel_loop3A_315 = arith.constant 32 : i32
        %parallel_loop3A_316 = arith.addi %parallel_loop3A_315, %parallel_loop3A_130 : i32
        %parallel_loop3A_317 = arith.index_cast %parallel_loop3A_316 : i32 to index
        %parallel_loop3A_318 = arith.constant 96 : index
        %parallel_loop3A_319 = tpu.vector_load %arg9[%parallel_loop3A_317, %parallel_loop3A_318] {strides = array<i32>} : memref<128x256xf32, #tpu.memory_space<vmem>>, vector<1x16xf32>,
        %parallel_loop3A_320 = vector.shape_cast %parallel_loop3A_319 : vector<1x16xf32> to vector<16xf32>
        %parallel_loop3A_321 = arith.addf %parallel_loop3A_314, %parallel_loop3A_320 : vector<16xf32>
        %parallel_loop3A_322 = arith.constant 64 : i32
        %parallel_loop3A_323 = arith.addi %parallel_loop3A_322, %parallel_loop3A_130 : i32
        %parallel_loop3A_324 = arith.index_cast %parallel_loop3A_323 : i32 to index
        %parallel_loop3A_325 = arith.constant 96 : index
        %parallel_loop3A_326 = tpu.vector_load %arg9[%parallel_loop3A_324, %parallel_loop3A_325] {strides = array<i32>} : memref<128x256xf32, #tpu.memory_space<vmem>>, vector<1x16xf32>,
        %parallel_loop3A_327 = vector.shape_cast %parallel_loop3A_326 : vector<1x16xf32> to vector<16xf32>
        %parallel_loop3A_328 = arith.constant 96 : i32
        %parallel_loop3A_329 = arith.addi %parallel_loop3A_328, %parallel_loop3A_130 : i32
        %parallel_loop3A_330 = arith.index_cast %parallel_loop3A_329 : i32 to index
        %parallel_loop3A_331 = arith.constant 96 : index
        %parallel_loop3A_332 = tpu.vector_load %arg9[%parallel_loop3A_330, %parallel_loop3A_331] {strides = array<i32>} : memref<128x256xf32, #tpu.memory_space<vmem>>, vector<1x16xf32>,
        %parallel_loop3A_333 = vector.shape_cast %parallel_loop3A_332 : vector<1x16xf32> to vector<16xf32>
        %parallel_loop3A_334 = arith.addf %parallel_loop3A_327, %parallel_loop3A_333 : vector<16xf32>
        %parallel_loop3A_335 = arith.addf %parallel_loop3A_321, %parallel_loop3A_334 : vector<16xf32>
        %parallel_loop3A_336 = arith.index_cast %parallel_loop3A_130 : i32 to index
        %parallel_loop3A_337 = arith.constant 96 : index
        %parallel_loop3A_338 = tpu.vector_load %arg9[%parallel_loop3A_336, %parallel_loop3A_337] {strides = array<i32>} : memref<128x256xf32, #tpu.memory_space<vmem>>, vector<1x16xf32>,
        %parallel_loop3A_339 = vector.shape_cast %parallel_loop3A_338 : vector<1x16xf32> to vector<16xf32>
        %parallel_loop3A_340 = vector.shape_cast %parallel_loop3A_335 : vector<16xf32> to vector<1x16xf32>
        tpu.vector_store %arg9[%parallel_loop3A_336, %parallel_loop3A_337], %parallel_loop3A_340 {strides = array<i32>} : memref<128x256xf32, #tpu.memory_space<vmem>>, vector<1x16xf32>,
        %parallel_loop3A_341 = arith.index_cast %parallel_loop3A_130 : i32 to index
        %parallel_loop3A_342 = arith.constant 112 : index
        %parallel_loop3A_343 = tpu.vector_load %arg9[%parallel_loop3A_341, %parallel_loop3A_342] {strides = array<i32>} : memref<128x256xf32, #tpu.memory_space<vmem>>, vector<1x16xf32>,
        %parallel_loop3A_344 = vector.shape_cast %parallel_loop3A_343 : vector<1x16xf32> to vector<16xf32>
        %parallel_loop3A_345 = arith.constant 32 : i32
        %parallel_loop3A_346 = arith.addi %parallel_loop3A_345, %parallel_loop3A_130 : i32
        %parallel_loop3A_347 = arith.index_cast %parallel_loop3A_346 : i32 to index
        %parallel_loop3A_348 = arith.constant 112 : index
        %parallel_loop3A_349 = tpu.vector_load %arg9[%parallel_loop3A_347, %parallel_loop3A_348] {strides = array<i32>} : memref<128x256xf32, #tpu.memory_space<vmem>>, vector<1x16xf32>,
        %parallel_loop3A_350 = vector.shape_cast %parallel_loop3A_349 : vector<1x16xf32> to vector<16xf32>
        %parallel_loop3A_351 = arith.addf %parallel_loop3A_344, %parallel_loop3A_350 : vector<16xf32>
        %parallel_loop3A_352 = arith.constant 64 : i32
        %parallel_loop3A_353 = arith.addi %parallel_loop3A_352, %parallel_loop3A_130 : i32
        %parallel_loop3A_354 = arith.index_cast %parallel_loop3A_353 : i32 to index
        %parallel_loop3A_355 = arith.constant 112 : index
        %parallel_loop3A_356 = tpu.vector_load %arg9[%parallel_loop3A_354, %parallel_loop3A_355] {strides = array<i32>} : memref<128x256xf32, #tpu.memory_space<vmem>>, vector<1x16xf32>,
        %parallel_loop3A_357 = vector.shape_cast %parallel_loop3A_356 : vector<1x16xf32> to vector<16xf32>
        %parallel_loop3A_358 = arith.constant 96 : i32
        %parallel_loop3A_359 = arith.addi %parallel_loop3A_358, %parallel_loop3A_130 : i32
        %parallel_loop3A_360 = arith.index_cast %parallel_loop3A_359 : i32 to index
        %parallel_loop3A_361 = arith.constant 112 : index
        %parallel_loop3A_362 = tpu.vector_load %arg9[%parallel_loop3A_360, %parallel_loop3A_361] {strides = array<i32>} : memref<128x256xf32, #tpu.memory_space<vmem>>, vector<1x16xf32>,
        %parallel_loop3A_363 = vector.shape_cast %parallel_loop3A_362 : vector<1x16xf32> to vector<16xf32>
        %parallel_loop3A_364 = arith.addf %parallel_loop3A_357, %parallel_loop3A_363 : vector<16xf32>
        %parallel_loop3A_365 = arith.addf %parallel_loop3A_351, %parallel_loop3A_364 : vector<16xf32>
        %parallel_loop3A_366 = arith.index_cast %parallel_loop3A_130 : i32 to index
        %parallel_loop3A_367 = arith.constant 112 : index
        %parallel_loop3A_368 = tpu.vector_load %arg9[%parallel_loop3A_366, %parallel_loop3A_367] {strides = array<i32>} : memref<128x256xf32, #tpu.memory_space<vmem>>, vector<1x16xf32>,
        %parallel_loop3A_369 = vector.shape_cast %parallel_loop3A_368 : vector<1x16xf32> to vector<16xf32>
        %parallel_loop3A_370 = vector.shape_cast %parallel_loop3A_365 : vector<16xf32> to vector<1x16xf32>
        tpu.vector_store %arg9[%parallel_loop3A_366, %parallel_loop3A_367], %parallel_loop3A_370 {strides = array<i32>} : memref<128x256xf32, #tpu.memory_space<vmem>>, vector<1x16xf32>,
        %parallel_loop3A_371 = arith.index_cast %parallel_loop3A_130 : i32 to index
        %parallel_loop3A_372 = arith.constant 128 : index
        %parallel_loop3A_373 = tpu.vector_load %arg9[%parallel_loop3A_371, %parallel_loop3A_372] {strides = array<i32>} : memref<128x256xf32, #tpu.memory_space<vmem>>, vector<1x16xf32>,
        %parallel_loop3A_374 = vector.shape_cast %parallel_loop3A_373 : vector<1x16xf32> to vector<16xf32>
        %parallel_loop3A_375 = arith.constant 32 : i32
        %parallel_loop3A_376 = arith.addi %parallel_loop3A_375, %parallel_loop3A_130 : i32
        %parallel_loop3A_377 = arith.index_cast %parallel_loop3A_376 : i32 to index
        %parallel_loop3A_378 = arith.constant 128 : index
        %parallel_loop3A_379 = tpu.vector_load %arg9[%parallel_loop3A_377, %parallel_loop3A_378] {strides = array<i32>} : memref<128x256xf32, #tpu.memory_space<vmem>>, vector<1x16xf32>,
        %parallel_loop3A_380 = vector.shape_cast %parallel_loop3A_379 : vector<1x16xf32> to vector<16xf32>
        %parallel_loop3A_381 = arith.addf %parallel_loop3A_374, %parallel_loop3A_380 : vector<16xf32>
        %parallel_loop3A_382 = arith.constant 64 : i32
        %parallel_loop3A_383 = arith.addi %parallel_loop3A_382, %parallel_loop3A_130 : i32
        %parallel_loop3A_384 = arith.index_cast %parallel_loop3A_383 : i32 to index
        %parallel_loop3A_385 = arith.constant 128 : index
        %parallel_loop3A_386 = tpu.vector_load %arg9[%parallel_loop3A_384, %parallel_loop3A_385] {strides = array<i32>} : memref<128x256xf32, #tpu.memory_space<vmem>>, vector<1x16xf32>,
        %parallel_loop3A_387 = vector.shape_cast %parallel_loop3A_386 : vector<1x16xf32> to vector<16xf32>
        %parallel_loop3A_388 = arith.constant 96 : i32
        %parallel_loop3A_389 = arith.addi %parallel_loop3A_388, %parallel_loop3A_130 : i32
        %parallel_loop3A_390 = arith.index_cast %parallel_loop3A_389 : i32 to index
        %parallel_loop3A_391 = arith.constant 128 : index
        %parallel_loop3A_392 = tpu.vector_load %arg9[%parallel_loop3A_390, %parallel_loop3A_391] {strides = array<i32>} : memref<128x256xf32, #tpu.memory_space<vmem>>, vector<1x16xf32>,
        %parallel_loop3A_393 = vector.shape_cast %parallel_loop3A_392 : vector<1x16xf32> to vector<16xf32>
        %parallel_loop3A_394 = arith.addf %parallel_loop3A_387, %parallel_loop3A_393 : vector<16xf32>
        %parallel_loop3A_395 = arith.addf %parallel_loop3A_381, %parallel_loop3A_394 : vector<16xf32>
        %parallel_loop3A_396 = arith.index_cast %parallel_loop3A_130 : i32 to index
        %parallel_loop3A_397 = arith.constant 128 : index
        %parallel_loop3A_398 = tpu.vector_load %arg9[%parallel_loop3A_396, %parallel_loop3A_397] {strides = array<i32>} : memref<128x256xf32, #tpu.memory_space<vmem>>, vector<1x16xf32>,
        %parallel_loop3A_399 = vector.shape_cast %parallel_loop3A_398 : vector<1x16xf32> to vector<16xf32>
        %parallel_loop3A_400 = vector.shape_cast %parallel_loop3A_395 : vector<16xf32> to vector<1x16xf32>
        tpu.vector_store %arg9[%parallel_loop3A_396, %parallel_loop3A_397], %parallel_loop3A_400 {strides = array<i32>} : memref<128x256xf32, #tpu.memory_space<vmem>>, vector<1x16xf32>,
        %parallel_loop3A_401 = arith.index_cast %parallel_loop3A_130 : i32 to index
        %parallel_loop3A_402 = arith.constant 144 : index
        %parallel_loop3A_403 = tpu.vector_load %arg9[%parallel_loop3A_401, %parallel_loop3A_402] {strides = array<i32>} : memref<128x256xf32, #tpu.memory_space<vmem>>, vector<1x16xf32>,
        %parallel_loop3A_404 = vector.shape_cast %parallel_loop3A_403 : vector<1x16xf32> to vector<16xf32>
        %parallel_loop3A_405 = arith.constant 32 : i32
        %parallel_loop3A_406 = arith.addi %parallel_loop3A_405, %parallel_loop3A_130 : i32
        %parallel_loop3A_407 = arith.index_cast %parallel_loop3A_406 : i32 to index
        %parallel_loop3A_408 = arith.constant 144 : index
        %parallel_loop3A_409 = tpu.vector_load %arg9[%parallel_loop3A_407, %parallel_loop3A_408] {strides = array<i32>} : memref<128x256xf32, #tpu.memory_space<vmem>>, vector<1x16xf32>,
        %parallel_loop3A_410 = vector.shape_cast %parallel_loop3A_409 : vector<1x16xf32> to vector<16xf32>
        %parallel_loop3A_411 = arith.addf %parallel_loop3A_404, %parallel_loop3A_410 : vector<16xf32>
        %parallel_loop3A_412 = arith.constant 64 : i32
        %parallel_loop3A_413 = arith.addi %parallel_loop3A_412, %parallel_loop3A_130 : i32
        %parallel_loop3A_414 = arith.index_cast %parallel_loop3A_413 : i32 to index
        %parallel_loop3A_415 = arith.constant 144 : index
        %parallel_loop3A_416 = tpu.vector_load %arg9[%parallel_loop3A_414, %parallel_loop3A_415] {strides = array<i32>} : memref<128x256xf32, #tpu.memory_space<vmem>>, vector<1x16xf32>,
        %parallel_loop3A_417 = vector.shape_cast %parallel_loop3A_416 : vector<1x16xf32> to vector<16xf32>
        %parallel_loop3A_418 = arith.constant 96 : i32
        %parallel_loop3A_419 = arith.addi %parallel_loop3A_418, %parallel_loop3A_130 : i32
        %parallel_loop3A_420 = arith.index_cast %parallel_loop3A_419 : i32 to index
        %parallel_loop3A_421 = arith.constant 144 : index
        %parallel_loop3A_422 = tpu.vector_load %arg9[%parallel_loop3A_420, %parallel_loop3A_421] {strides = array<i32>} : memref<128x256xf32, #tpu.memory_space<vmem>>, vector<1x16xf32>,
        %parallel_loop3A_423 = vector.shape_cast %parallel_loop3A_422 : vector<1x16xf32> to vector<16xf32>
        %parallel_loop3A_424 = arith.addf %parallel_loop3A_417, %parallel_loop3A_423 : vector<16xf32>
        %parallel_loop3A_425 = arith.addf %parallel_loop3A_411, %parallel_loop3A_424 : vector<16xf32>
        %parallel_loop3A_426 = arith.index_cast %parallel_loop3A_130 : i32 to index
        %parallel_loop3A_427 = arith.constant 144 : index
        %parallel_loop3A_428 = tpu.vector_load %arg9[%parallel_loop3A_426, %parallel_loop3A_427] {strides = array<i32>} : memref<128x256xf32, #tpu.memory_space<vmem>>, vector<1x16xf32>,
        %parallel_loop3A_429 = vector.shape_cast %parallel_loop3A_428 : vector<1x16xf32> to vector<16xf32>
        %parallel_loop3A_430 = vector.shape_cast %parallel_loop3A_425 : vector<16xf32> to vector<1x16xf32>
        tpu.vector_store %arg9[%parallel_loop3A_426, %parallel_loop3A_427], %parallel_loop3A_430 {strides = array<i32>} : memref<128x256xf32, #tpu.memory_space<vmem>>, vector<1x16xf32>,
        %parallel_loop3A_431 = arith.index_cast %parallel_loop3A_130 : i32 to index
        %parallel_loop3A_432 = arith.constant 160 : index
        %parallel_loop3A_433 = tpu.vector_load %arg9[%parallel_loop3A_431, %parallel_loop3A_432] {strides = array<i32>} : memref<128x256xf32, #tpu.memory_space<vmem>>, vector<1x16xf32>,
        %parallel_loop3A_434 = vector.shape_cast %parallel_loop3A_433 : vector<1x16xf32> to vector<16xf32>
        %parallel_loop3A_435 = arith.constant 32 : i32
        %parallel_loop3A_436 = arith.addi %parallel_loop3A_435, %parallel_loop3A_130 : i32
        %parallel_loop3A_437 = arith.index_cast %parallel_loop3A_436 : i32 to index
        %parallel_loop3A_438 = arith.constant 160 : index
        %parallel_loop3A_439 = tpu.vector_load %arg9[%parallel_loop3A_437, %parallel_loop3A_438] {strides = array<i32>} : memref<128x256xf32, #tpu.memory_space<vmem>>, vector<1x16xf32>,
        %parallel_loop3A_440 = vector.shape_cast %parallel_loop3A_439 : vector<1x16xf32> to vector<16xf32>
        %parallel_loop3A_441 = arith.addf %parallel_loop3A_434, %parallel_loop3A_440 : vector<16xf32>
        %parallel_loop3A_442 = arith.constant 64 : i32
        %parallel_loop3A_443 = arith.addi %parallel_loop3A_442, %parallel_loop3A_130 : i32
        %parallel_loop3A_444 = arith.index_cast %parallel_loop3A_443 : i32 to index
        %parallel_loop3A_445 = arith.constant 160 : index
        %parallel_loop3A_446 = tpu.vector_load %arg9[%parallel_loop3A_444, %parallel_loop3A_445] {strides = array<i32>} : memref<128x256xf32, #tpu.memory_space<vmem>>, vector<1x16xf32>,
        %parallel_loop3A_447 = vector.shape_cast %parallel_loop3A_446 : vector<1x16xf32> to vector<16xf32>
        %parallel_loop3A_448 = arith.constant 96 : i32
        %parallel_loop3A_449 = arith.addi %parallel_loop3A_448, %parallel_loop3A_130 : i32
        %parallel_loop3A_450 = arith.index_cast %parallel_loop3A_449 : i32 to index
        %parallel_loop3A_451 = arith.constant 160 : index
        %parallel_loop3A_452 = tpu.vector_load %arg9[%parallel_loop3A_450, %parallel_loop3A_451] {strides = array<i32>} : memref<128x256xf32, #tpu.memory_space<vmem>>, vector<1x16xf32>,
        %parallel_loop3A_453 = vector.shape_cast %parallel_loop3A_452 : vector<1x16xf32> to vector<16xf32>
        %parallel_loop3A_454 = arith.addf %parallel_loop3A_447, %parallel_loop3A_453 : vector<16xf32>
        %parallel_loop3A_455 = arith.addf %parallel_loop3A_441, %parallel_loop3A_454 : vector<16xf32>
        %parallel_loop3A_456 = arith.index_cast %parallel_loop3A_130 : i32 to index
        %parallel_loop3A_457 = arith.constant 160 : index
        %parallel_loop3A_458 = tpu.vector_load %arg9[%parallel_loop3A_456, %parallel_loop3A_457] {strides = array<i32>} : memref<128x256xf32, #tpu.memory_space<vmem>>, vector<1x16xf32>,
        %parallel_loop3A_459 = vector.shape_cast %parallel_loop3A_458 : vector<1x16xf32> to vector<16xf32>
        %parallel_loop3A_460 = vector.shape_cast %parallel_loop3A_455 : vector<16xf32> to vector<1x16xf32>
        tpu.vector_store %arg9[%parallel_loop3A_456, %parallel_loop3A_457], %parallel_loop3A_460 {strides = array<i32>} : memref<128x256xf32, #tpu.memory_space<vmem>>, vector<1x16xf32>,
        %parallel_loop3A_461 = arith.index_cast %parallel_loop3A_130 : i32 to index
        %parallel_loop3A_462 = arith.constant 176 : index
        %parallel_loop3A_463 = tpu.vector_load %arg9[%parallel_loop3A_461, %parallel_loop3A_462] {strides = array<i32>} : memref<128x256xf32, #tpu.memory_space<vmem>>, vector<1x16xf32>,
        %parallel_loop3A_464 = vector.shape_cast %parallel_loop3A_463 : vector<1x16xf32> to vector<16xf32>
        %parallel_loop3A_465 = arith.constant 32 : i32
        %parallel_loop3A_466 = arith.addi %parallel_loop3A_465, %parallel_loop3A_130 : i32
        %parallel_loop3A_467 = arith.index_cast %parallel_loop3A_466 : i32 to index
        %parallel_loop3A_468 = arith.constant 176 : index
        %parallel_loop3A_469 = tpu.vector_load %arg9[%parallel_loop3A_467, %parallel_loop3A_468] {strides = array<i32>} : memref<128x256xf32, #tpu.memory_space<vmem>>, vector<1x16xf32>,
        %parallel_loop3A_470 = vector.shape_cast %parallel_loop3A_469 : vector<1x16xf32> to vector<16xf32>
        %parallel_loop3A_471 = arith.addf %parallel_loop3A_464, %parallel_loop3A_470 : vector<16xf32>
        %parallel_loop3A_472 = arith.constant 64 : i32
        %parallel_loop3A_473 = arith.addi %parallel_loop3A_472, %parallel_loop3A_130 : i32
        %parallel_loop3A_474 = arith.index_cast %parallel_loop3A_473 : i32 to index
        %parallel_loop3A_475 = arith.constant 176 : index
        %parallel_loop3A_476 = tpu.vector_load %arg9[%parallel_loop3A_474, %parallel_loop3A_475] {strides = array<i32>} : memref<128x256xf32, #tpu.memory_space<vmem>>, vector<1x16xf32>,
        %parallel_loop3A_477 = vector.shape_cast %parallel_loop3A_476 : vector<1x16xf32> to vector<16xf32>
        %parallel_loop3A_478 = arith.constant 96 : i32
        %parallel_loop3A_479 = arith.addi %parallel_loop3A_478, %parallel_loop3A_130 : i32
        %parallel_loop3A_480 = arith.index_cast %parallel_loop3A_479 : i32 to index
        %parallel_loop3A_481 = arith.constant 176 : index
        %parallel_loop3A_482 = tpu.vector_load %arg9[%parallel_loop3A_480, %parallel_loop3A_481] {strides = array<i32>} : memref<128x256xf32, #tpu.memory_space<vmem>>, vector<1x16xf32>,
        %parallel_loop3A_483 = vector.shape_cast %parallel_loop3A_482 : vector<1x16xf32> to vector<16xf32>
        %parallel_loop3A_484 = arith.addf %parallel_loop3A_477, %parallel_loop3A_483 : vector<16xf32>
        %parallel_loop3A_485 = arith.addf %parallel_loop3A_471, %parallel_loop3A_484 : vector<16xf32>
        %parallel_loop3A_486 = arith.index_cast %parallel_loop3A_130 : i32 to index
        %parallel_loop3A_487 = arith.constant 176 : index
        %parallel_loop3A_488 = tpu.vector_load %arg9[%parallel_loop3A_486, %parallel_loop3A_487] {strides = array<i32>} : memref<128x256xf32, #tpu.memory_space<vmem>>, vector<1x16xf32>,
        %parallel_loop3A_489 = vector.shape_cast %parallel_loop3A_488 : vector<1x16xf32> to vector<16xf32>
        %parallel_loop3A_490 = vector.shape_cast %parallel_loop3A_485 : vector<16xf32> to vector<1x16xf32>
        tpu.vector_store %arg9[%parallel_loop3A_486, %parallel_loop3A_487], %parallel_loop3A_490 {strides = array<i32>} : memref<128x256xf32, #tpu.memory_space<vmem>>, vector<1x16xf32>,
        %parallel_loop3A_491 = arith.index_cast %parallel_loop3A_130 : i32 to index
        %parallel_loop3A_492 = arith.constant 192 : index
        %parallel_loop3A_493 = tpu.vector_load %arg9[%parallel_loop3A_491, %parallel_loop3A_492] {strides = array<i32>} : memref<128x256xf32, #tpu.memory_space<vmem>>, vector<1x16xf32>,
        %parallel_loop3A_494 = vector.shape_cast %parallel_loop3A_493 : vector<1x16xf32> to vector<16xf32>
        %parallel_loop3A_495 = arith.constant 32 : i32
        %parallel_loop3A_496 = arith.addi %parallel_loop3A_495, %parallel_loop3A_130 : i32
        %parallel_loop3A_497 = arith.index_cast %parallel_loop3A_496 : i32 to index
        %parallel_loop3A_498 = arith.constant 192 : index
        %parallel_loop3A_499 = tpu.vector_load %arg9[%parallel_loop3A_497, %parallel_loop3A_498] {strides = array<i32>} : memref<128x256xf32, #tpu.memory_space<vmem>>, vector<1x16xf32>,
        %parallel_loop3A_500 = vector.shape_cast %parallel_loop3A_499 : vector<1x16xf32> to vector<16xf32>
        %parallel_loop3A_501 = arith.addf %parallel_loop3A_494, %parallel_loop3A_500 : vector<16xf32>
        %parallel_loop3A_502 = arith.constant 64 : i32
        %parallel_loop3A_503 = arith.addi %parallel_loop3A_502, %parallel_loop3A_130 : i32
        %parallel_loop3A_504 = arith.index_cast %parallel_loop3A_503 : i32 to index
        %parallel_loop3A_505 = arith.constant 192 : index
        %parallel_loop3A_506 = tpu.vector_load %arg9[%parallel_loop3A_504, %parallel_loop3A_505] {strides = array<i32>} : memref<128x256xf32, #tpu.memory_space<vmem>>, vector<1x16xf32>,
        %parallel_loop3A_507 = vector.shape_cast %parallel_loop3A_506 : vector<1x16xf32> to vector<16xf32>
        %parallel_loop3A_508 = arith.constant 96 : i32
        %parallel_loop3A_509 = arith.addi %parallel_loop3A_508, %parallel_loop3A_130 : i32
        %parallel_loop3A_510 = arith.index_cast %parallel_loop3A_509 : i32 to index
        %parallel_loop3A_511 = arith.constant 192 : index
        %parallel_loop3A_512 = tpu.vector_load %arg9[%parallel_loop3A_510, %parallel_loop3A_511] {strides = array<i32>} : memref<128x256xf32, #tpu.memory_space<vmem>>, vector<1x16xf32>,
        %parallel_loop3A_513 = vector.shape_cast %parallel_loop3A_512 : vector<1x16xf32> to vector<16xf32>
        %parallel_loop3A_514 = arith.addf %parallel_loop3A_507, %parallel_loop3A_513 : vector<16xf32>
        %parallel_loop3A_515 = arith.addf %parallel_loop3A_501, %parallel_loop3A_514 : vector<16xf32>
        %parallel_loop3A_516 = arith.index_cast %parallel_loop3A_130 : i32 to index
        %parallel_loop3A_517 = arith.constant 192 : index
        %parallel_loop3A_518 = tpu.vector_load %arg9[%parallel_loop3A_516, %parallel_loop3A_517] {strides = array<i32>} : memref<128x256xf32, #tpu.memory_space<vmem>>, vector<1x16xf32>,
        %parallel_loop3A_519 = vector.shape_cast %parallel_loop3A_518 : vector<1x16xf32> to vector<16xf32>
        %parallel_loop3A_520 = vector.shape_cast %parallel_loop3A_515 : vector<16xf32> to vector<1x16xf32>
        tpu.vector_store %arg9[%parallel_loop3A_516, %parallel_loop3A_517], %parallel_loop3A_520 {strides = array<i32>} : memref<128x256xf32, #tpu.memory_space<vmem>>, vector<1x16xf32>,
        %parallel_loop3A_521 = arith.index_cast %parallel_loop3A_130 : i32 to index
        %parallel_loop3A_522 = arith.constant 208 : index
        %parallel_loop3A_523 = tpu.vector_load %arg9[%parallel_loop3A_521, %parallel_loop3A_522] {strides = array<i32>} : memref<128x256xf32, #tpu.memory_space<vmem>>, vector<1x16xf32>,
        %parallel_loop3A_524 = vector.shape_cast %parallel_loop3A_523 : vector<1x16xf32> to vector<16xf32>
        %parallel_loop3A_525 = arith.constant 32 : i32
        %parallel_loop3A_526 = arith.addi %parallel_loop3A_525, %parallel_loop3A_130 : i32
        %parallel_loop3A_527 = arith.index_cast %parallel_loop3A_526 : i32 to index
        %parallel_loop3A_528 = arith.constant 208 : index
        %parallel_loop3A_529 = tpu.vector_load %arg9[%parallel_loop3A_527, %parallel_loop3A_528] {strides = array<i32>} : memref<128x256xf32, #tpu.memory_space<vmem>>, vector<1x16xf32>,
        %parallel_loop3A_530 = vector.shape_cast %parallel_loop3A_529 : vector<1x16xf32> to vector<16xf32>
        %parallel_loop3A_531 = arith.addf %parallel_loop3A_524, %parallel_loop3A_530 : vector<16xf32>
        %parallel_loop3A_532 = arith.constant 64 : i32
        %parallel_loop3A_533 = arith.addi %parallel_loop3A_532, %parallel_loop3A_130 : i32
        %parallel_loop3A_534 = arith.index_cast %parallel_loop3A_533 : i32 to index
        %parallel_loop3A_535 = arith.constant 208 : index
        %parallel_loop3A_536 = tpu.vector_load %arg9[%parallel_loop3A_534, %parallel_loop3A_535] {strides = array<i32>} : memref<128x256xf32, #tpu.memory_space<vmem>>, vector<1x16xf32>,
        %parallel_loop3A_537 = vector.shape_cast %parallel_loop3A_536 : vector<1x16xf32> to vector<16xf32>
        %parallel_loop3A_538 = arith.constant 96 : i32
        %parallel_loop3A_539 = arith.addi %parallel_loop3A_538, %parallel_loop3A_130 : i32
        %parallel_loop3A_540 = arith.index_cast %parallel_loop3A_539 : i32 to index
        %parallel_loop3A_541 = arith.constant 208 : index
        %parallel_loop3A_542 = tpu.vector_load %arg9[%parallel_loop3A_540, %parallel_loop3A_541] {strides = array<i32>} : memref<128x256xf32, #tpu.memory_space<vmem>>, vector<1x16xf32>,
        %parallel_loop3A_543 = vector.shape_cast %parallel_loop3A_542 : vector<1x16xf32> to vector<16xf32>
        %parallel_loop3A_544 = arith.addf %parallel_loop3A_537, %parallel_loop3A_543 : vector<16xf32>
        %parallel_loop3A_545 = arith.addf %parallel_loop3A_531, %parallel_loop3A_544 : vector<16xf32>
        %parallel_loop3A_546 = arith.index_cast %parallel_loop3A_130 : i32 to index
        %parallel_loop3A_547 = arith.constant 208 : index
        %parallel_loop3A_548 = tpu.vector_load %arg9[%parallel_loop3A_546, %parallel_loop3A_547] {strides = array<i32>} : memref<128x256xf32, #tpu.memory_space<vmem>>, vector<1x16xf32>,
        %parallel_loop3A_549 = vector.shape_cast %parallel_loop3A_548 : vector<1x16xf32> to vector<16xf32>
        %parallel_loop3A_550 = vector.shape_cast %parallel_loop3A_545 : vector<16xf32> to vector<1x16xf32>
        tpu.vector_store %arg9[%parallel_loop3A_546, %parallel_loop3A_547], %parallel_loop3A_550 {strides = array<i32>} : memref<128x256xf32, #tpu.memory_space<vmem>>, vector<1x16xf32>,
        %parallel_loop3A_551 = arith.index_cast %parallel_loop3A_130 : i32 to index
        %parallel_loop3A_552 = arith.constant 224 : index
        %parallel_loop3A_553 = tpu.vector_load %arg9[%parallel_loop3A_551, %parallel_loop3A_552] {strides = array<i32>} : memref<128x256xf32, #tpu.memory_space<vmem>>, vector<1x16xf32>,
        %parallel_loop3A_554 = vector.shape_cast %parallel_loop3A_553 : vector<1x16xf32> to vector<16xf32>
        %parallel_loop3A_555 = arith.constant 32 : i32
        %parallel_loop3A_556 = arith.addi %parallel_loop3A_555, %parallel_loop3A_130 : i32
        %parallel_loop3A_557 = arith.index_cast %parallel_loop3A_556 : i32 to index
        %parallel_loop3A_558 = arith.constant 224 : index
        %parallel_loop3A_559 = tpu.vector_load %arg9[%parallel_loop3A_557, %parallel_loop3A_558] {strides = array<i32>} : memref<128x256xf32, #tpu.memory_space<vmem>>, vector<1x16xf32>,
        %parallel_loop3A_560 = vector.shape_cast %parallel_loop3A_559 : vector<1x16xf32> to vector<16xf32>
        %parallel_loop3A_561 = arith.addf %parallel_loop3A_554, %parallel_loop3A_560 : vector<16xf32>
        %parallel_loop3A_562 = arith.constant 64 : i32
        %parallel_loop3A_563 = arith.addi %parallel_loop3A_562, %parallel_loop3A_130 : i32
        %parallel_loop3A_564 = arith.index_cast %parallel_loop3A_563 : i32 to index
        %parallel_loop3A_565 = arith.constant 224 : index
        %parallel_loop3A_566 = tpu.vector_load %arg9[%parallel_loop3A_564, %parallel_loop3A_565] {strides = array<i32>} : memref<128x256xf32, #tpu.memory_space<vmem>>, vector<1x16xf32>,
        %parallel_loop3A_567 = vector.shape_cast %parallel_loop3A_566 : vector<1x16xf32> to vector<16xf32>
        %parallel_loop3A_568 = arith.constant 96 : i32
        %parallel_loop3A_569 = arith.addi %parallel_loop3A_568, %parallel_loop3A_130 : i32
        %parallel_loop3A_570 = arith.index_cast %parallel_loop3A_569 : i32 to index
        %parallel_loop3A_571 = arith.constant 224 : index
        %parallel_loop3A_572 = tpu.vector_load %arg9[%parallel_loop3A_570, %parallel_loop3A_571] {strides = array<i32>} : memref<128x256xf32, #tpu.memory_space<vmem>>, vector<1x16xf32>,
        %parallel_loop3A_573 = vector.shape_cast %parallel_loop3A_572 : vector<1x16xf32> to vector<16xf32>
        %parallel_loop3A_574 = arith.addf %parallel_loop3A_567, %parallel_loop3A_573 : vector<16xf32>
        %parallel_loop3A_575 = arith.addf %parallel_loop3A_561, %parallel_loop3A_574 : vector<16xf32>
        %parallel_loop3A_576 = arith.index_cast %parallel_loop3A_130 : i32 to index
        %parallel_loop3A_577 = arith.constant 224 : index
        %parallel_loop3A_578 = tpu.vector_load %arg9[%parallel_loop3A_576, %parallel_loop3A_577] {strides = array<i32>} : memref<128x256xf32, #tpu.memory_space<vmem>>, vector<1x16xf32>,
        %parallel_loop3A_579 = vector.shape_cast %parallel_loop3A_578 : vector<1x16xf32> to vector<16xf32>
        %parallel_loop3A_580 = vector.shape_cast %parallel_loop3A_575 : vector<16xf32> to vector<1x16xf32>
        tpu.vector_store %arg9[%parallel_loop3A_576, %parallel_loop3A_577], %parallel_loop3A_580 {strides = array<i32>} : memref<128x256xf32, #tpu.memory_space<vmem>>, vector<1x16xf32>,
        %parallel_loop3A_581 = arith.index_cast %parallel_loop3A_130 : i32 to index
        %parallel_loop3A_582 = arith.constant 240 : index
        %parallel_loop3A_583 = tpu.vector_load %arg9[%parallel_loop3A_581, %parallel_loop3A_582] {strides = array<i32>} : memref<128x256xf32, #tpu.memory_space<vmem>>, vector<1x16xf32>,
        %parallel_loop3A_584 = vector.shape_cast %parallel_loop3A_583 : vector<1x16xf32> to vector<16xf32>
        %parallel_loop3A_585 = arith.constant 32 : i32
        %parallel_loop3A_586 = arith.addi %parallel_loop3A_585, %parallel_loop3A_130 : i32
        %parallel_loop3A_587 = arith.index_cast %parallel_loop3A_586 : i32 to index
        %parallel_loop3A_588 = arith.constant 240 : index
        %parallel_loop3A_589 = tpu.vector_load %arg9[%parallel_loop3A_587, %parallel_loop3A_588] {strides = array<i32>} : memref<128x256xf32, #tpu.memory_space<vmem>>, vector<1x16xf32>,
        %parallel_loop3A_590 = vector.shape_cast %parallel_loop3A_589 : vector<1x16xf32> to vector<16xf32>
        %parallel_loop3A_591 = arith.addf %parallel_loop3A_584, %parallel_loop3A_590 : vector<16xf32>
        %parallel_loop3A_592 = arith.constant 64 : i32
        %parallel_loop3A_593 = arith.addi %parallel_loop3A_592, %parallel_loop3A_130 : i32
        %parallel_loop3A_594 = arith.index_cast %parallel_loop3A_593 : i32 to index
        %parallel_loop3A_595 = arith.constant 240 : index
        %parallel_loop3A_596 = tpu.vector_load %arg9[%parallel_loop3A_594, %parallel_loop3A_595] {strides = array<i32>} : memref<128x256xf32, #tpu.memory_space<vmem>>, vector<1x16xf32>,
        %parallel_loop3A_597 = vector.shape_cast %parallel_loop3A_596 : vector<1x16xf32> to vector<16xf32>
        %parallel_loop3A_598 = arith.constant 96 : i32
        %parallel_loop3A_599 = arith.addi %parallel_loop3A_598, %parallel_loop3A_130 : i32
        %parallel_loop3A_600 = arith.index_cast %parallel_loop3A_599 : i32 to index
        %parallel_loop3A_601 = arith.constant 240 : index
        %parallel_loop3A_602 = tpu.vector_load %arg9[%parallel_loop3A_600, %parallel_loop3A_601] {strides = array<i32>} : memref<128x256xf32, #tpu.memory_space<vmem>>, vector<1x16xf32>,
        %parallel_loop3A_603 = vector.shape_cast %parallel_loop3A_602 : vector<1x16xf32> to vector<16xf32>
        %parallel_loop3A_604 = arith.addf %parallel_loop3A_597, %parallel_loop3A_603 : vector<16xf32>
        %parallel_loop3A_605 = arith.addf %parallel_loop3A_591, %parallel_loop3A_604 : vector<16xf32>
        %parallel_loop3A_606 = arith.index_cast %parallel_loop3A_130 : i32 to index
        %parallel_loop3A_607 = arith.constant 240 : index
        %parallel_loop3A_608 = tpu.vector_load %arg9[%parallel_loop3A_606, %parallel_loop3A_607] {strides = array<i32>} : memref<128x256xf32, #tpu.memory_space<vmem>>, vector<1x16xf32>,
        %parallel_loop3A_609 = vector.shape_cast %parallel_loop3A_608 : vector<1x16xf32> to vector<16xf32>
        %parallel_loop3A_610 = vector.shape_cast %parallel_loop3A_605 : vector<16xf32> to vector<1x16xf32>
        tpu.vector_store %arg9[%parallel_loop3A_606, %parallel_loop3A_607], %parallel_loop3A_610 {strides = array<i32>} : memref<128x256xf32, #tpu.memory_space<vmem>>, vector<1x16xf32>,
      } {sc.loop_unroll_factor = 2 : i64, sc.parallel_access}
      %mul3A_97 = arith.constant 32 : i32
      %mul3A_98 = arith.muli %mul3A_53, %mul3A_97 : i32
      %add3A_99 = arith.addi %mul3A_2, %mul3A_98 : i32
      "tpu.region"() ({
        %run_scoped3A = tpu.sem_alloc : memref<!tpu.dma_semaphore, #tpu.memory_space<semaphore_mem>>
        %dma_start3A_130 = arith.constant 0 : i32
        %dma_start3A_131 = arith.constant 0 : i32
        %dma_start3A_132 = tpu.memref_slice %arg9[%dma_start3A_130, %dma_start3A_131] : memref<128x256xf32, #tpu.memory_space<vmem>> -> memref<32x256xf32, #tpu.memory_space<vmem>>
        %dma_start3A_133 = arith.constant 0 : i32
        %dma_start3A_134 = tpu.memref_slice %arg6[%add3A_99, %dma_start3A_133] : memref<10240x256xf32, #tpu.memory_space<hbm>> -> memref<32x256xf32, #tpu.memory_space<hbm>>
        %dma_start3A_135 = arith.constant 0 : i32
        %dma_start3A_136 = tpu.memref_slice %arg6[%add3A_99, %dma_start3A_135] : memref<10240x256xf32, #tpu.memory_space<hbm>> -> memref<32x256xf32, #tpu.memory_space<hbm>>
        %dma_start3A_137 = arith.constant 0 : i32
        %dma_start3A_138 = arith.constant 0 : i32
        %dma_start3A_139 = tpu.memref_slice %arg9[%dma_start3A_137, %dma_start3A_138] : memref<128x256xf32, #tpu.memory_space<vmem>> -> memref<32x256xf32, #tpu.memory_space<vmem>>
        tpu.enqueue_dma source(%dma_start3A_139 : memref<32x256xf32, #tpu.memory_space<vmem>>) target(%dma_start3A_136 : memref<32x256xf32, #tpu.memory_space<hbm>>) target_semaphore(%run_scoped3A : memref<!tpu.dma_semaphore, #tpu.memory_space<semaphore_mem>>)
        %dma_wait3A_140 = arith.constant 0 : i32
        %dma_wait3A_141 = arith.constant 0 : i32
        %dma_wait3A_142 = tpu.memref_slice %arg9[%dma_wait3A_140, %dma_wait3A_141] : memref<128x256xf32, #tpu.memory_space<vmem>> -> memref<32x256xf32, #tpu.memory_space<vmem>>
        %dma_wait3A_143 = arith.constant 0 : i32
        %dma_wait3A_144 = tpu.memref_slice %arg6[%add3A_99, %dma_wait3A_143] : memref<10240x256xf32, #tpu.memory_space<hbm>> -> memref<32x256xf32, #tpu.memory_space<hbm>>
        %dma_wait3A_145 = arith.constant 0 : i32
        %dma_wait3A_146 = tpu.memref_slice %arg6[%add3A_99, %dma_wait3A_145] : memref<10240x256xf32, #tpu.memory_space<hbm>> -> memref<32x256xf32, #tpu.memory_space<hbm>>
        %dma_wait3A_147 = arith.constant 0 : i32
        %dma_wait3A_148 = arith.constant 0 : i32
        %dma_wait3A_149 = tpu.memref_slice %arg9[%dma_wait3A_147, %dma_wait3A_148] : memref<128x256xf32, #tpu.memory_space<vmem>> -> memref<32x256xf32, #tpu.memory_space<vmem>>
        tpu.wait_dma2 semaphore(%run_scoped3A : memref<!tpu.dma_semaphore, #tpu.memory_space<semaphore_mem>>) src(%dma_wait3A_149 : memref<32x256xf32, #tpu.memory_space<vmem>>) dst(%dma_wait3A_146 : memref<32x256xf32, #tpu.memory_space<hbm>>)
        tpu.yield
      }) : () -> ()
      %lt3A = arith.constant 4 : i32
      %lt3A_100 = arith.cmpi slt, %scan3A_51, %lt3A : i32
      %convert_element_type3A = arith.extui %lt3A_100 : i1 to i32
      %cond3A = arith.constant 0 : i32
      %cond3A_101 = arith.cmpi ne, %convert_element_type3A, %cond3A : i32
      scf.if %cond3A_101 {
        %add3A_130 = arith.constant 2 : i32
        %add3A_131 = arith.addi %mul3A_53, %add3A_130 : i32
        %mul3A_132 = arith.constant 128 : i32
        %mul3A_133 = arith.muli %add3A_131, %mul3A_132 : i32
        %mul3A_134 = arith.constant 128 : i32
        %mul3A_135 = arith.muli %add3A_131, %mul3A_134 : i32
        %add3A_136 = arith.constant 64 : i32
        %add3A_137 = arith.addi %mul3A_135, %add3A_136 : i32
        %dma_start3A_138 = arith.constant 0 : i32
        %dma_start3A_139 = arith.constant 0 : i32
        %dma_start3A_140 = tpu.memref_slice %arg9[%dma_start3A_138, %dma_start3A_139] : memref<128x256xf32, #tpu.memory_space<vmem>> -> memref<64x256xf32, #tpu.memory_space<vmem>>
        %dma_start3A_141 = tpu.memref_slice %arg8[%mul3A_133] : memref<20224xi32, #tpu.memory_space<vmem>> -> memref<64xi32, #tpu.memory_space<vmem>>
        %dma_start3A_142 = arith.constant 0 : i32
        %dma_start3A_143 = arith.constant 0 : i32
        %dma_start3A_144 = tpu.memref_slice %arg4[%dma_start3A_142, %dma_start3A_143] : memref<1024x256xf32, #tpu.memory_space<hbm>> -> memref<1024x256xf32, #tpu.memory_space<hbm>>
        tpu.enqueue_indirect_dma source(%dma_start3A_144 : memref<1024x256xf32, #tpu.memory_space<hbm>>) target(%dma_start3A_140 : memref<64x256xf32, #tpu.memory_space<vmem>>) offsets(%dma_start3A_141 : memref<64xi32, #tpu.memory_space<vmem>>) semaphore(%arg11 : memref<!tpu.dma_semaphore, #tpu.memory_space<semaphore_mem>>)
        %dma_start3A_145 = arith.constant 64 : i32
        %dma_start3A_146 = arith.constant 0 : i32
        %dma_start3A_147 = tpu.memref_slice %arg9[%dma_start3A_145, %dma_start3A_146] : memref<128x256xf32, #tpu.memory_space<vmem>> -> memref<64x256xf32, #tpu.memory_space<vmem>>
        %dma_start3A_148 = tpu.memref_slice %arg8[%add3A_137] : memref<20224xi32, #tpu.memory_space<vmem>> -> memref<64xi32, #tpu.memory_space<vmem>>
        %dma_start3A_149 = arith.constant 0 : i32
        %dma_start3A_150 = arith.constant 0 : i32
        %dma_start3A_151 = tpu.memref_slice %arg4[%dma_start3A_149, %dma_start3A_150] : memref<1024x256xf32, #tpu.memory_space<hbm>> -> memref<1024x256xf32, #tpu.memory_space<hbm>>
        tpu.enqueue_indirect_dma source(%dma_start3A_151 : memref<1024x256xf32, #tpu.memory_space<hbm>>) target(%dma_start3A_147 : memref<64x256xf32, #tpu.memory_space<vmem>>) offsets(%dma_start3A_148 : memref<64xi32, #tpu.memory_space<vmem>>) semaphore(%arg12 : memref<!tpu.dma_semaphore, #tpu.memory_space<semaphore_mem>>)
      } else {
      }
      %add3A_102 = arith.constant 1 : i32
      %add3A_103 = arith.addi %mul3A_53, %add3A_102 : i32
      %mul3A_104 = arith.constant 128 : i32
      %mul3A_105 = arith.muli %add3A_103, %mul3A_104 : i32
      %mul3A_106 = arith.constant 128 : i32
      %mul3A_107 = arith.muli %add3A_103, %mul3A_106 : i32
      %add3A_108 = arith.constant 64 : i32
      %add3A_109 = arith.addi %mul3A_107, %add3A_108 : i32
      %dma_wait3A_110 = arith.constant 0 : i32
      %dma_wait3A_111 = arith.constant 0 : i32
      %dma_wait3A_112 = tpu.memref_slice %arg10[%dma_wait3A_110, %dma_wait3A_111] : memref<128x256xf32, #tpu.memory_space<vmem>> -> memref<64x256xf32, #tpu.memory_space<vmem>>
      %dma_wait3A_113 = tpu.memref_slice %arg8[%mul3A_105] : memref<20224xi32, #tpu.memory_space<vmem>> -> memref<64xi32, #tpu.memory_space<vmem>>
      %dma_wait3A_114 = arith.constant 0 : i32
      %dma_wait3A_115 = arith.constant 0 : i32
      %dma_wait3A_116 = tpu.memref_slice %arg4[%dma_wait3A_114, %dma_wait3A_115] : memref<1024x256xf32, #tpu.memory_space<hbm>> -> memref<1024x256xf32, #tpu.memory_space<hbm>>
      tpu.wait_indirect_dma semaphore(%arg13 : memref<!tpu.dma_semaphore, #tpu.memory_space<semaphore_mem>>) src(%dma_wait3A_116 : memref<1024x256xf32, #tpu.memory_space<hbm>>) dst(%dma_wait3A_112 : memref<64x256xf32, #tpu.memory_space<vmem>>)
      %dma_wait3A_117 = arith.constant 64 : i32
      %dma_wait3A_118 = arith.constant 0 : i32
      %dma_wait3A_119 = tpu.memref_slice %arg10[%dma_wait3A_117, %dma_wait3A_118] : memref<128x256xf32, #tpu.memory_space<vmem>> -> memref<64x256xf32, #tpu.memory_space<vmem>>
      %dma_wait3A_120 = tpu.memref_slice %arg8[%add3A_109] : memref<20224xi32, #tpu.memory_space<vmem>> -> memref<64xi32, #tpu.memory_space<vmem>>
      %dma_wait3A_121 = arith.constant 0 : i32
      %dma_wait3A_122 = arith.constant 0 : i32
      %dma_wait3A_123 = tpu.memref_slice %arg4[%dma_wait3A_121, %dma_wait3A_122] : memref<1024x256xf32, #tpu.memory_space<hbm>> -> memref<1024x256xf32, #tpu.memory_space<hbm>>
      tpu.wait_indirect_dma semaphore(%arg14 : memref<!tpu.dma_semaphore, #tpu.memory_space<semaphore_mem>>) src(%dma_wait3A_123 : memref<1024x256xf32, #tpu.memory_space<hbm>>) dst(%dma_wait3A_119 : memref<64x256xf32, #tpu.memory_space<vmem>>)
      %parallel_loop3A_124 = arith.constant 0 : i32
      %parallel_loop3A_125 = arith.constant 32 : i32
      %parallel_loop3A_126 = arith.constant 1 : i32
      scf.for %parallel_loop3A_130 = %parallel_loop3A_124 to %parallel_loop3A_125 step %parallel_loop3A_126  : i32 {
        %parallel_loop3A_131 = arith.index_cast %parallel_loop3A_130 : i32 to index
        %parallel_loop3A_132 = arith.constant 0 : index
        %parallel_loop3A_133 = tpu.vector_load %arg10[%parallel_loop3A_131, %parallel_loop3A_132] {strides = array<i32>} : memref<128x256xf32, #tpu.memory_space<vmem>>, vector<1x16xf32>,
        %parallel_loop3A_134 = vector.shape_cast %parallel_loop3A_133 : vector<1x16xf32> to vector<16xf32>
        %parallel_loop3A_135 = arith.constant 32 : i32
        %parallel_loop3A_136 = arith.addi %parallel_loop3A_135, %parallel_loop3A_130 : i32
        %parallel_loop3A_137 = arith.index_cast %parallel_loop3A_136 : i32 to index
        %parallel_loop3A_138 = arith.constant 0 : index
        %parallel_loop3A_139 = tpu.vector_load %arg10[%parallel_loop3A_137, %parallel_loop3A_138] {strides = array<i32>} : memref<128x256xf32, #tpu.memory_space<vmem>>, vector<1x16xf32>,
        %parallel_loop3A_140 = vector.shape_cast %parallel_loop3A_139 : vector<1x16xf32> to vector<16xf32>
        %parallel_loop3A_141 = arith.addf %parallel_loop3A_134, %parallel_loop3A_140 : vector<16xf32>
        %parallel_loop3A_142 = arith.constant 64 : i32
        %parallel_loop3A_143 = arith.addi %parallel_loop3A_142, %parallel_loop3A_130 : i32
        %parallel_loop3A_144 = arith.index_cast %parallel_loop3A_143 : i32 to index
        %parallel_loop3A_145 = arith.constant 0 : index
        %parallel_loop3A_146 = tpu.vector_load %arg10[%parallel_loop3A_144, %parallel_loop3A_145] {strides = array<i32>} : memref<128x256xf32, #tpu.memory_space<vmem>>, vector<1x16xf32>,
        %parallel_loop3A_147 = vector.shape_cast %parallel_loop3A_146 : vector<1x16xf32> to vector<16xf32>
        %parallel_loop3A_148 = arith.constant 96 : i32
        %parallel_loop3A_149 = arith.addi %parallel_loop3A_148, %parallel_loop3A_130 : i32
        %parallel_loop3A_150 = arith.index_cast %parallel_loop3A_149 : i32 to index
        %parallel_loop3A_151 = arith.constant 0 : index
        %parallel_loop3A_152 = tpu.vector_load %arg10[%parallel_loop3A_150, %parallel_loop3A_151] {strides = array<i32>} : memref<128x256xf32, #tpu.memory_space<vmem>>, vector<1x16xf32>,
        %parallel_loop3A_153 = vector.shape_cast %parallel_loop3A_152 : vector<1x16xf32> to vector<16xf32>
        %parallel_loop3A_154 = arith.addf %parallel_loop3A_147, %parallel_loop3A_153 : vector<16xf32>
        %parallel_loop3A_155 = arith.addf %parallel_loop3A_141, %parallel_loop3A_154 : vector<16xf32>
        %parallel_loop3A_156 = arith.index_cast %parallel_loop3A_130 : i32 to index
        %parallel_loop3A_157 = arith.constant 0 : index
        %parallel_loop3A_158 = tpu.vector_load %arg10[%parallel_loop3A_156, %parallel_loop3A_157] {strides = array<i32>} : memref<128x256xf32, #tpu.memory_space<vmem>>, vector<1x16xf32>,
        %parallel_loop3A_159 = vector.shape_cast %parallel_loop3A_158 : vector<1x16xf32> to vector<16xf32>
        %parallel_loop3A_160 = vector.shape_cast %parallel_loop3A_155 : vector<16xf32> to vector<1x16xf32>
        tpu.vector_store %arg10[%parallel_loop3A_156, %parallel_loop3A_157], %parallel_loop3A_160 {strides = array<i32>} : memref<128x256xf32, #tpu.memory_space<vmem>>, vector<1x16xf32>,
        %parallel_loop3A_161 = arith.index_cast %parallel_loop3A_130 : i32 to index
        %parallel_loop3A_162 = arith.constant 16 : index
        %parallel_loop3A_163 = tpu.vector_load %arg10[%parallel_loop3A_161, %parallel_loop3A_162] {strides = array<i32>} : memref<128x256xf32, #tpu.memory_space<vmem>>, vector<1x16xf32>,
        %parallel_loop3A_164 = vector.shape_cast %parallel_loop3A_163 : vector<1x16xf32> to vector<16xf32>
        %parallel_loop3A_165 = arith.constant 32 : i32
        %parallel_loop3A_166 = arith.addi %parallel_loop3A_165, %parallel_loop3A_130 : i32
        %parallel_loop3A_167 = arith.index_cast %parallel_loop3A_166 : i32 to index
        %parallel_loop3A_168 = arith.constant 16 : index
        %parallel_loop3A_169 = tpu.vector_load %arg10[%parallel_loop3A_167, %parallel_loop3A_168] {strides = array<i32>} : memref<128x256xf32, #tpu.memory_space<vmem>>, vector<1x16xf32>,
        %parallel_loop3A_170 = vector.shape_cast %parallel_loop3A_169 : vector<1x16xf32> to vector<16xf32>
        %parallel_loop3A_171 = arith.addf %parallel_loop3A_164, %parallel_loop3A_170 : vector<16xf32>
        %parallel_loop3A_172 = arith.constant 64 : i32
        %parallel_loop3A_173 = arith.addi %parallel_loop3A_172, %parallel_loop3A_130 : i32
        %parallel_loop3A_174 = arith.index_cast %parallel_loop3A_173 : i32 to index
        %parallel_loop3A_175 = arith.constant 16 : index
        %parallel_loop3A_176 = tpu.vector_load %arg10[%parallel_loop3A_174, %parallel_loop3A_175] {strides = array<i32>} : memref<128x256xf32, #tpu.memory_space<vmem>>, vector<1x16xf32>,
        %parallel_loop3A_177 = vector.shape_cast %parallel_loop3A_176 : vector<1x16xf32> to vector<16xf32>
        %parallel_loop3A_178 = arith.constant 96 : i32
        %parallel_loop3A_179 = arith.addi %parallel_loop3A_178, %parallel_loop3A_130 : i32
        %parallel_loop3A_180 = arith.index_cast %parallel_loop3A_179 : i32 to index
        %parallel_loop3A_181 = arith.constant 16 : index
        %parallel_loop3A_182 = tpu.vector_load %arg10[%parallel_loop3A_180, %parallel_loop3A_181] {strides = array<i32>} : memref<128x256xf32, #tpu.memory_space<vmem>>, vector<1x16xf32>,
        %parallel_loop3A_183 = vector.shape_cast %parallel_loop3A_182 : vector<1x16xf32> to vector<16xf32>
        %parallel_loop3A_184 = arith.addf %parallel_loop3A_177, %parallel_loop3A_183 : vector<16xf32>
        %parallel_loop3A_185 = arith.addf %parallel_loop3A_171, %parallel_loop3A_184 : vector<16xf32>
        %parallel_loop3A_186 = arith.index_cast %parallel_loop3A_130 : i32 to index
        %parallel_loop3A_187 = arith.constant 16 : index
        %parallel_loop3A_188 = tpu.vector_load %arg10[%parallel_loop3A_186, %parallel_loop3A_187] {strides = array<i32>} : memref<128x256xf32, #tpu.memory_space<vmem>>, vector<1x16xf32>,
        %parallel_loop3A_189 = vector.shape_cast %parallel_loop3A_188 : vector<1x16xf32> to vector<16xf32>
        %parallel_loop3A_190 = vector.shape_cast %parallel_loop3A_185 : vector<16xf32> to vector<1x16xf32>
        tpu.vector_store %arg10[%parallel_loop3A_186, %parallel_loop3A_187], %parallel_loop3A_190 {strides = array<i32>} : memref<128x256xf32, #tpu.memory_space<vmem>>, vector<1x16xf32>,
        %parallel_loop3A_191 = arith.index_cast %parallel_loop3A_130 : i32 to index
        %parallel_loop3A_192 = arith.constant 32 : index
        %parallel_loop3A_193 = tpu.vector_load %arg10[%parallel_loop3A_191, %parallel_loop3A_192] {strides = array<i32>} : memref<128x256xf32, #tpu.memory_space<vmem>>, vector<1x16xf32>,
        %parallel_loop3A_194 = vector.shape_cast %parallel_loop3A_193 : vector<1x16xf32> to vector<16xf32>
        %parallel_loop3A_195 = arith.constant 32 : i32
        %parallel_loop3A_196 = arith.addi %parallel_loop3A_195, %parallel_loop3A_130 : i32
        %parallel_loop3A_197 = arith.index_cast %parallel_loop3A_196 : i32 to index
        %parallel_loop3A_198 = arith.constant 32 : index
        %parallel_loop3A_199 = tpu.vector_load %arg10[%parallel_loop3A_197, %parallel_loop3A_198] {strides = array<i32>} : memref<128x256xf32, #tpu.memory_space<vmem>>, vector<1x16xf32>,
        %parallel_loop3A_200 = vector.shape_cast %parallel_loop3A_199 : vector<1x16xf32> to vector<16xf32>
        %parallel_loop3A_201 = arith.addf %parallel_loop3A_194, %parallel_loop3A_200 : vector<16xf32>
        %parallel_loop3A_202 = arith.constant 64 : i32
        %parallel_loop3A_203 = arith.addi %parallel_loop3A_202, %parallel_loop3A_130 : i32
        %parallel_loop3A_204 = arith.index_cast %parallel_loop3A_203 : i32 to index
        %parallel_loop3A_205 = arith.constant 32 : index
        %parallel_loop3A_206 = tpu.vector_load %arg10[%parallel_loop3A_204, %parallel_loop3A_205] {strides = array<i32>} : memref<128x256xf32, #tpu.memory_space<vmem>>, vector<1x16xf32>,
        %parallel_loop3A_207 = vector.shape_cast %parallel_loop3A_206 : vector<1x16xf32> to vector<16xf32>
        %parallel_loop3A_208 = arith.constant 96 : i32
        %parallel_loop3A_209 = arith.addi %parallel_loop3A_208, %parallel_loop3A_130 : i32
        %parallel_loop3A_210 = arith.index_cast %parallel_loop3A_209 : i32 to index
        %parallel_loop3A_211 = arith.constant 32 : index
        %parallel_loop3A_212 = tpu.vector_load %arg10[%parallel_loop3A_210, %parallel_loop3A_211] {strides = array<i32>} : memref<128x256xf32, #tpu.memory_space<vmem>>, vector<1x16xf32>,
        %parallel_loop3A_213 = vector.shape_cast %parallel_loop3A_212 : vector<1x16xf32> to vector<16xf32>
        %parallel_loop3A_214 = arith.addf %parallel_loop3A_207, %parallel_loop3A_213 : vector<16xf32>
        %parallel_loop3A_215 = arith.addf %parallel_loop3A_201, %parallel_loop3A_214 : vector<16xf32>
        %parallel_loop3A_216 = arith.index_cast %parallel_loop3A_130 : i32 to index
        %parallel_loop3A_217 = arith.constant 32 : index
        %parallel_loop3A_218 = tpu.vector_load %arg10[%parallel_loop3A_216, %parallel_loop3A_217] {strides = array<i32>} : memref<128x256xf32, #tpu.memory_space<vmem>>, vector<1x16xf32>,
        %parallel_loop3A_219 = vector.shape_cast %parallel_loop3A_218 : vector<1x16xf32> to vector<16xf32>
        %parallel_loop3A_220 = vector.shape_cast %parallel_loop3A_215 : vector<16xf32> to vector<1x16xf32>
        tpu.vector_store %arg10[%parallel_loop3A_216, %parallel_loop3A_217], %parallel_loop3A_220 {strides = array<i32>} : memref<128x256xf32, #tpu.memory_space<vmem>>, vector<1x16xf32>,
        %parallel_loop3A_221 = arith.index_cast %parallel_loop3A_130 : i32 to index
        %parallel_loop3A_222 = arith.constant 48 : index
        %parallel_loop3A_223 = tpu.vector_load %arg10[%parallel_loop3A_221, %parallel_loop3A_222] {strides = array<i32>} : memref<128x256xf32, #tpu.memory_space<vmem>>, vector<1x16xf32>,
        %parallel_loop3A_224 = vector.shape_cast %parallel_loop3A_223 : vector<1x16xf32> to vector<16xf32>
        %parallel_loop3A_225 = arith.constant 32 : i32
        %parallel_loop3A_226 = arith.addi %parallel_loop3A_225, %parallel_loop3A_130 : i32
        %parallel_loop3A_227 = arith.index_cast %parallel_loop3A_226 : i32 to index
        %parallel_loop3A_228 = arith.constant 48 : index
        %parallel_loop3A_229 = tpu.vector_load %arg10[%parallel_loop3A_227, %parallel_loop3A_228] {strides = array<i32>} : memref<128x256xf32, #tpu.memory_space<vmem>>, vector<1x16xf32>,
        %parallel_loop3A_230 = vector.shape_cast %parallel_loop3A_229 : vector<1x16xf32> to vector<16xf32>
        %parallel_loop3A_231 = arith.addf %parallel_loop3A_224, %parallel_loop3A_230 : vector<16xf32>
        %parallel_loop3A_232 = arith.constant 64 : i32
        %parallel_loop3A_233 = arith.addi %parallel_loop3A_232, %parallel_loop3A_130 : i32
        %parallel_loop3A_234 = arith.index_cast %parallel_loop3A_233 : i32 to index
        %parallel_loop3A_235 = arith.constant 48 : index
        %parallel_loop3A_236 = tpu.vector_load %arg10[%parallel_loop3A_234, %parallel_loop3A_235] {strides = array<i32>} : memref<128x256xf32, #tpu.memory_space<vmem>>, vector<1x16xf32>,
        %parallel_loop3A_237 = vector.shape_cast %parallel_loop3A_236 : vector<1x16xf32> to vector<16xf32>
        %parallel_loop3A_238 = arith.constant 96 : i32
        %parallel_loop3A_239 = arith.addi %parallel_loop3A_238, %parallel_loop3A_130 : i32
        %parallel_loop3A_240 = arith.index_cast %parallel_loop3A_239 : i32 to index
        %parallel_loop3A_241 = arith.constant 48 : index
        %parallel_loop3A_242 = tpu.vector_load %arg10[%parallel_loop3A_240, %parallel_loop3A_241] {strides = array<i32>} : memref<128x256xf32, #tpu.memory_space<vmem>>, vector<1x16xf32>,
        %parallel_loop3A_243 = vector.shape_cast %parallel_loop3A_242 : vector<1x16xf32> to vector<16xf32>
        %parallel_loop3A_244 = arith.addf %parallel_loop3A_237, %parallel_loop3A_243 : vector<16xf32>
        %parallel_loop3A_245 = arith.addf %parallel_loop3A_231, %parallel_loop3A_244 : vector<16xf32>
        %parallel_loop3A_246 = arith.index_cast %parallel_loop3A_130 : i32 to index
        %parallel_loop3A_247 = arith.constant 48 : index
        %parallel_loop3A_248 = tpu.vector_load %arg10[%parallel_loop3A_246, %parallel_loop3A_247] {strides = array<i32>} : memref<128x256xf32, #tpu.memory_space<vmem>>, vector<1x16xf32>,
        %parallel_loop3A_249 = vector.shape_cast %parallel_loop3A_248 : vector<1x16xf32> to vector<16xf32>
        %parallel_loop3A_250 = vector.shape_cast %parallel_loop3A_245 : vector<16xf32> to vector<1x16xf32>
        tpu.vector_store %arg10[%parallel_loop3A_246, %parallel_loop3A_247], %parallel_loop3A_250 {strides = array<i32>} : memref<128x256xf32, #tpu.memory_space<vmem>>, vector<1x16xf32>,
        %parallel_loop3A_251 = arith.index_cast %parallel_loop3A_130 : i32 to index
        %parallel_loop3A_252 = arith.constant 64 : index
        %parallel_loop3A_253 = tpu.vector_load %arg10[%parallel_loop3A_251, %parallel_loop3A_252] {strides = array<i32>} : memref<128x256xf32, #tpu.memory_space<vmem>>, vector<1x16xf32>,
        %parallel_loop3A_254 = vector.shape_cast %parallel_loop3A_253 : vector<1x16xf32> to vector<16xf32>
        %parallel_loop3A_255 = arith.constant 32 : i32
        %parallel_loop3A_256 = arith.addi %parallel_loop3A_255, %parallel_loop3A_130 : i32
        %parallel_loop3A_257 = arith.index_cast %parallel_loop3A_256 : i32 to index
        %parallel_loop3A_258 = arith.constant 64 : index
        %parallel_loop3A_259 = tpu.vector_load %arg10[%parallel_loop3A_257, %parallel_loop3A_258] {strides = array<i32>} : memref<128x256xf32, #tpu.memory_space<vmem>>, vector<1x16xf32>,
        %parallel_loop3A_260 = vector.shape_cast %parallel_loop3A_259 : vector<1x16xf32> to vector<16xf32>
        %parallel_loop3A_261 = arith.addf %parallel_loop3A_254, %parallel_loop3A_260 : vector<16xf32>
        %parallel_loop3A_262 = arith.constant 64 : i32
        %parallel_loop3A_263 = arith.addi %parallel_loop3A_262, %parallel_loop3A_130 : i32
        %parallel_loop3A_264 = arith.index_cast %parallel_loop3A_263 : i32 to index
        %parallel_loop3A_265 = arith.constant 64 : index
        %parallel_loop3A_266 = tpu.vector_load %arg10[%parallel_loop3A_264, %parallel_loop3A_265] {strides = array<i32>} : memref<128x256xf32, #tpu.memory_space<vmem>>, vector<1x16xf32>,
        %parallel_loop3A_267 = vector.shape_cast %parallel_loop3A_266 : vector<1x16xf32> to vector<16xf32>
        %parallel_loop3A_268 = arith.constant 96 : i32
        %parallel_loop3A_269 = arith.addi %parallel_loop3A_268, %parallel_loop3A_130 : i32
        %parallel_loop3A_270 = arith.index_cast %parallel_loop3A_269 : i32 to index
        %parallel_loop3A_271 = arith.constant 64 : index
        %parallel_loop3A_272 = tpu.vector_load %arg10[%parallel_loop3A_270, %parallel_loop3A_271] {strides = array<i32>} : memref<128x256xf32, #tpu.memory_space<vmem>>, vector<1x16xf32>,
        %parallel_loop3A_273 = vector.shape_cast %parallel_loop3A_272 : vector<1x16xf32> to vector<16xf32>
        %parallel_loop3A_274 = arith.addf %parallel_loop3A_267, %parallel_loop3A_273 : vector<16xf32>
        %parallel_loop3A_275 = arith.addf %parallel_loop3A_261, %parallel_loop3A_274 : vector<16xf32>
        %parallel_loop3A_276 = arith.index_cast %parallel_loop3A_130 : i32 to index
        %parallel_loop3A_277 = arith.constant 64 : index
        %parallel_loop3A_278 = tpu.vector_load %arg10[%parallel_loop3A_276, %parallel_loop3A_277] {strides = array<i32>} : memref<128x256xf32, #tpu.memory_space<vmem>>, vector<1x16xf32>,
        %parallel_loop3A_279 = vector.shape_cast %parallel_loop3A_278 : vector<1x16xf32> to vector<16xf32>
        %parallel_loop3A_280 = vector.shape_cast %parallel_loop3A_275 : vector<16xf32> to vector<1x16xf32>
        tpu.vector_store %arg10[%parallel_loop3A_276, %parallel_loop3A_277], %parallel_loop3A_280 {strides = array<i32>} : memref<128x256xf32, #tpu.memory_space<vmem>>, vector<1x16xf32>,
        %parallel_loop3A_281 = arith.index_cast %parallel_loop3A_130 : i32 to index
        %parallel_loop3A_282 = arith.constant 80 : index
        %parallel_loop3A_283 = tpu.vector_load %arg10[%parallel_loop3A_281, %parallel_loop3A_282] {strides = array<i32>} : memref<128x256xf32, #tpu.memory_space<vmem>>, vector<1x16xf32>,
        %parallel_loop3A_284 = vector.shape_cast %parallel_loop3A_283 : vector<1x16xf32> to vector<16xf32>
        %parallel_loop3A_285 = arith.constant 32 : i32
        %parallel_loop3A_286 = arith.addi %parallel_loop3A_285, %parallel_loop3A_130 : i32
        %parallel_loop3A_287 = arith.index_cast %parallel_loop3A_286 : i32 to index
        %parallel_loop3A_288 = arith.constant 80 : index
        %parallel_loop3A_289 = tpu.vector_load %arg10[%parallel_loop3A_287, %parallel_loop3A_288] {strides = array<i32>} : memref<128x256xf32, #tpu.memory_space<vmem>>, vector<1x16xf32>,
        %parallel_loop3A_290 = vector.shape_cast %parallel_loop3A_289 : vector<1x16xf32> to vector<16xf32>
        %parallel_loop3A_291 = arith.addf %parallel_loop3A_284, %parallel_loop3A_290 : vector<16xf32>
        %parallel_loop3A_292 = arith.constant 64 : i32
        %parallel_loop3A_293 = arith.addi %parallel_loop3A_292, %parallel_loop3A_130 : i32
        %parallel_loop3A_294 = arith.index_cast %parallel_loop3A_293 : i32 to index
        %parallel_loop3A_295 = arith.constant 80 : index
        %parallel_loop3A_296 = tpu.vector_load %arg10[%parallel_loop3A_294, %parallel_loop3A_295] {strides = array<i32>} : memref<128x256xf32, #tpu.memory_space<vmem>>, vector<1x16xf32>,
        %parallel_loop3A_297 = vector.shape_cast %parallel_loop3A_296 : vector<1x16xf32> to vector<16xf32>
        %parallel_loop3A_298 = arith.constant 96 : i32
        %parallel_loop3A_299 = arith.addi %parallel_loop3A_298, %parallel_loop3A_130 : i32
        %parallel_loop3A_300 = arith.index_cast %parallel_loop3A_299 : i32 to index
        %parallel_loop3A_301 = arith.constant 80 : index
        %parallel_loop3A_302 = tpu.vector_load %arg10[%parallel_loop3A_300, %parallel_loop3A_301] {strides = array<i32>} : memref<128x256xf32, #tpu.memory_space<vmem>>, vector<1x16xf32>,
        %parallel_loop3A_303 = vector.shape_cast %parallel_loop3A_302 : vector<1x16xf32> to vector<16xf32>
        %parallel_loop3A_304 = arith.addf %parallel_loop3A_297, %parallel_loop3A_303 : vector<16xf32>
        %parallel_loop3A_305 = arith.addf %parallel_loop3A_291, %parallel_loop3A_304 : vector<16xf32>
        %parallel_loop3A_306 = arith.index_cast %parallel_loop3A_130 : i32 to index
        %parallel_loop3A_307 = arith.constant 80 : index
        %parallel_loop3A_308 = tpu.vector_load %arg10[%parallel_loop3A_306, %parallel_loop3A_307] {strides = array<i32>} : memref<128x256xf32, #tpu.memory_space<vmem>>, vector<1x16xf32>,
        %parallel_loop3A_309 = vector.shape_cast %parallel_loop3A_308 : vector<1x16xf32> to vector<16xf32>
        %parallel_loop3A_310 = vector.shape_cast %parallel_loop3A_305 : vector<16xf32> to vector<1x16xf32>
        tpu.vector_store %arg10[%parallel_loop3A_306, %parallel_loop3A_307], %parallel_loop3A_310 {strides = array<i32>} : memref<128x256xf32, #tpu.memory_space<vmem>>, vector<1x16xf32>,
        %parallel_loop3A_311 = arith.index_cast %parallel_loop3A_130 : i32 to index
        %parallel_loop3A_312 = arith.constant 96 : index
        %parallel_loop3A_313 = tpu.vector_load %arg10[%parallel_loop3A_311, %parallel_loop3A_312] {strides = array<i32>} : memref<128x256xf32, #tpu.memory_space<vmem>>, vector<1x16xf32>,
        %parallel_loop3A_314 = vector.shape_cast %parallel_loop3A_313 : vector<1x16xf32> to vector<16xf32>
        %parallel_loop3A_315 = arith.constant 32 : i32
        %parallel_loop3A_316 = arith.addi %parallel_loop3A_315, %parallel_loop3A_130 : i32
        %parallel_loop3A_317 = arith.index_cast %parallel_loop3A_316 : i32 to index
        %parallel_loop3A_318 = arith.constant 96 : index
        %parallel_loop3A_319 = tpu.vector_load %arg10[%parallel_loop3A_317, %parallel_loop3A_318] {strides = array<i32>} : memref<128x256xf32, #tpu.memory_space<vmem>>, vector<1x16xf32>,
        %parallel_loop3A_320 = vector.shape_cast %parallel_loop3A_319 : vector<1x16xf32> to vector<16xf32>
        %parallel_loop3A_321 = arith.addf %parallel_loop3A_314, %parallel_loop3A_320 : vector<16xf32>
        %parallel_loop3A_322 = arith.constant 64 : i32
        %parallel_loop3A_323 = arith.addi %parallel_loop3A_322, %parallel_loop3A_130 : i32
        %parallel_loop3A_324 = arith.index_cast %parallel_loop3A_323 : i32 to index
        %parallel_loop3A_325 = arith.constant 96 : index
        %parallel_loop3A_326 = tpu.vector_load %arg10[%parallel_loop3A_324, %parallel_loop3A_325] {strides = array<i32>} : memref<128x256xf32, #tpu.memory_space<vmem>>, vector<1x16xf32>,
        %parallel_loop3A_327 = vector.shape_cast %parallel_loop3A_326 : vector<1x16xf32> to vector<16xf32>
        %parallel_loop3A_328 = arith.constant 96 : i32
        %parallel_loop3A_329 = arith.addi %parallel_loop3A_328, %parallel_loop3A_130 : i32
        %parallel_loop3A_330 = arith.index_cast %parallel_loop3A_329 : i32 to index
        %parallel_loop3A_331 = arith.constant 96 : index
        %parallel_loop3A_332 = tpu.vector_load %arg10[%parallel_loop3A_330, %parallel_loop3A_331] {strides = array<i32>} : memref<128x256xf32, #tpu.memory_space<vmem>>, vector<1x16xf32>,
        %parallel_loop3A_333 = vector.shape_cast %parallel_loop3A_332 : vector<1x16xf32> to vector<16xf32>
        %parallel_loop3A_334 = arith.addf %parallel_loop3A_327, %parallel_loop3A_333 : vector<16xf32>
        %parallel_loop3A_335 = arith.addf %parallel_loop3A_321, %parallel_loop3A_334 : vector<16xf32>
        %parallel_loop3A_336 = arith.index_cast %parallel_loop3A_130 : i32 to index
        %parallel_loop3A_337 = arith.constant 96 : index
        %parallel_loop3A_338 = tpu.vector_load %arg10[%parallel_loop3A_336, %parallel_loop3A_337] {strides = array<i32>} : memref<128x256xf32, #tpu.memory_space<vmem>>, vector<1x16xf32>,
        %parallel_loop3A_339 = vector.shape_cast %parallel_loop3A_338 : vector<1x16xf32> to vector<16xf32>
        %parallel_loop3A_340 = vector.shape_cast %parallel_loop3A_335 : vector<16xf32> to vector<1x16xf32>
        tpu.vector_store %arg10[%parallel_loop3A_336, %parallel_loop3A_337], %parallel_loop3A_340 {strides = array<i32>} : memref<128x256xf32, #tpu.memory_space<vmem>>, vector<1x16xf32>,
        %parallel_loop3A_341 = arith.index_cast %parallel_loop3A_130 : i32 to index
        %parallel_loop3A_342 = arith.constant 112 : index
        %parallel_loop3A_343 = tpu.vector_load %arg10[%parallel_loop3A_341, %parallel_loop3A_342] {strides = array<i32>} : memref<128x256xf32, #tpu.memory_space<vmem>>, vector<1x16xf32>,
        %parallel_loop3A_344 = vector.shape_cast %parallel_loop3A_343 : vector<1x16xf32> to vector<16xf32>
        %parallel_loop3A_345 = arith.constant 32 : i32
        %parallel_loop3A_346 = arith.addi %parallel_loop3A_345, %parallel_loop3A_130 : i32
        %parallel_loop3A_347 = arith.index_cast %parallel_loop3A_346 : i32 to index
        %parallel_loop3A_348 = arith.constant 112 : index
        %parallel_loop3A_349 = tpu.vector_load %arg10[%parallel_loop3A_347, %parallel_loop3A_348] {strides = array<i32>} : memref<128x256xf32, #tpu.memory_space<vmem>>, vector<1x16xf32>,
        %parallel_loop3A_350 = vector.shape_cast %parallel_loop3A_349 : vector<1x16xf32> to vector<16xf32>
        %parallel_loop3A_351 = arith.addf %parallel_loop3A_344, %parallel_loop3A_350 : vector<16xf32>
        %parallel_loop3A_352 = arith.constant 64 : i32
        %parallel_loop3A_353 = arith.addi %parallel_loop3A_352, %parallel_loop3A_130 : i32
        %parallel_loop3A_354 = arith.index_cast %parallel_loop3A_353 : i32 to index
        %parallel_loop3A_355 = arith.constant 112 : index
        %parallel_loop3A_356 = tpu.vector_load %arg10[%parallel_loop3A_354, %parallel_loop3A_355] {strides = array<i32>} : memref<128x256xf32, #tpu.memory_space<vmem>>, vector<1x16xf32>,
        %parallel_loop3A_357 = vector.shape_cast %parallel_loop3A_356 : vector<1x16xf32> to vector<16xf32>
        %parallel_loop3A_358 = arith.constant 96 : i32
        %parallel_loop3A_359 = arith.addi %parallel_loop3A_358, %parallel_loop3A_130 : i32
        %parallel_loop3A_360 = arith.index_cast %parallel_loop3A_359 : i32 to index
        %parallel_loop3A_361 = arith.constant 112 : index
        %parallel_loop3A_362 = tpu.vector_load %arg10[%parallel_loop3A_360, %parallel_loop3A_361] {strides = array<i32>} : memref<128x256xf32, #tpu.memory_space<vmem>>, vector<1x16xf32>,
        %parallel_loop3A_363 = vector.shape_cast %parallel_loop3A_362 : vector<1x16xf32> to vector<16xf32>
        %parallel_loop3A_364 = arith.addf %parallel_loop3A_357, %parallel_loop3A_363 : vector<16xf32>
        %parallel_loop3A_365 = arith.addf %parallel_loop3A_351, %parallel_loop3A_364 : vector<16xf32>
        %parallel_loop3A_366 = arith.index_cast %parallel_loop3A_130 : i32 to index
        %parallel_loop3A_367 = arith.constant 112 : index
        %parallel_loop3A_368 = tpu.vector_load %arg10[%parallel_loop3A_366, %parallel_loop3A_367] {strides = array<i32>} : memref<128x256xf32, #tpu.memory_space<vmem>>, vector<1x16xf32>,
        %parallel_loop3A_369 = vector.shape_cast %parallel_loop3A_368 : vector<1x16xf32> to vector<16xf32>
        %parallel_loop3A_370 = vector.shape_cast %parallel_loop3A_365 : vector<16xf32> to vector<1x16xf32>
        tpu.vector_store %arg10[%parallel_loop3A_366, %parallel_loop3A_367], %parallel_loop3A_370 {strides = array<i32>} : memref<128x256xf32, #tpu.memory_space<vmem>>, vector<1x16xf32>,
        %parallel_loop3A_371 = arith.index_cast %parallel_loop3A_130 : i32 to index
        %parallel_loop3A_372 = arith.constant 128 : index
        %parallel_loop3A_373 = tpu.vector_load %arg10[%parallel_loop3A_371, %parallel_loop3A_372] {strides = array<i32>} : memref<128x256xf32, #tpu.memory_space<vmem>>, vector<1x16xf32>,
        %parallel_loop3A_374 = vector.shape_cast %parallel_loop3A_373 : vector<1x16xf32> to vector<16xf32>
        %parallel_loop3A_375 = arith.constant 32 : i32
        %parallel_loop3A_376 = arith.addi %parallel_loop3A_375, %parallel_loop3A_130 : i32
        %parallel_loop3A_377 = arith.index_cast %parallel_loop3A_376 : i32 to index
        %parallel_loop3A_378 = arith.constant 128 : index
        %parallel_loop3A_379 = tpu.vector_load %arg10[%parallel_loop3A_377, %parallel_loop3A_378] {strides = array<i32>} : memref<128x256xf32, #tpu.memory_space<vmem>>, vector<1x16xf32>,
        %parallel_loop3A_380 = vector.shape_cast %parallel_loop3A_379 : vector<1x16xf32> to vector<16xf32>
        %parallel_loop3A_381 = arith.addf %parallel_loop3A_374, %parallel_loop3A_380 : vector<16xf32>
        %parallel_loop3A_382 = arith.constant 64 : i32
        %parallel_loop3A_383 = arith.addi %parallel_loop3A_382, %parallel_loop3A_130 : i32
        %parallel_loop3A_384 = arith.index_cast %parallel_loop3A_383 : i32 to index
        %parallel_loop3A_385 = arith.constant 128 : index
        %parallel_loop3A_386 = tpu.vector_load %arg10[%parallel_loop3A_384, %parallel_loop3A_385] {strides = array<i32>} : memref<128x256xf32, #tpu.memory_space<vmem>>, vector<1x16xf32>,
        %parallel_loop3A_387 = vector.shape_cast %parallel_loop3A_386 : vector<1x16xf32> to vector<16xf32>
        %parallel_loop3A_388 = arith.constant 96 : i32
        %parallel_loop3A_389 = arith.addi %parallel_loop3A_388, %parallel_loop3A_130 : i32
        %parallel_loop3A_390 = arith.index_cast %parallel_loop3A_389 : i32 to index
        %parallel_loop3A_391 = arith.constant 128 : index
        %parallel_loop3A_392 = tpu.vector_load %arg10[%parallel_loop3A_390, %parallel_loop3A_391] {strides = array<i32>} : memref<128x256xf32, #tpu.memory_space<vmem>>, vector<1x16xf32>,
        %parallel_loop3A_393 = vector.shape_cast %parallel_loop3A_392 : vector<1x16xf32> to vector<16xf32>
        %parallel_loop3A_394 = arith.addf %parallel_loop3A_387, %parallel_loop3A_393 : vector<16xf32>
        %parallel_loop3A_395 = arith.addf %parallel_loop3A_381, %parallel_loop3A_394 : vector<16xf32>
        %parallel_loop3A_396 = arith.index_cast %parallel_loop3A_130 : i32 to index
        %parallel_loop3A_397 = arith.constant 128 : index
        %parallel_loop3A_398 = tpu.vector_load %arg10[%parallel_loop3A_396, %parallel_loop3A_397] {strides = array<i32>} : memref<128x256xf32, #tpu.memory_space<vmem>>, vector<1x16xf32>,
        %parallel_loop3A_399 = vector.shape_cast %parallel_loop3A_398 : vector<1x16xf32> to vector<16xf32>
        %parallel_loop3A_400 = vector.shape_cast %parallel_loop3A_395 : vector<16xf32> to vector<1x16xf32>
        tpu.vector_store %arg10[%parallel_loop3A_396, %parallel_loop3A_397], %parallel_loop3A_400 {strides = array<i32>} : memref<128x256xf32, #tpu.memory_space<vmem>>, vector<1x16xf32>,
        %parallel_loop3A_401 = arith.index_cast %parallel_loop3A_130 : i32 to index
        %parallel_loop3A_402 = arith.constant 144 : index
        %parallel_loop3A_403 = tpu.vector_load %arg10[%parallel_loop3A_401, %parallel_loop3A_402] {strides = array<i32>} : memref<128x256xf32, #tpu.memory_space<vmem>>, vector<1x16xf32>,
        %parallel_loop3A_404 = vector.shape_cast %parallel_loop3A_403 : vector<1x16xf32> to vector<16xf32>
        %parallel_loop3A_405 = arith.constant 32 : i32
        %parallel_loop3A_406 = arith.addi %parallel_loop3A_405, %parallel_loop3A_130 : i32
        %parallel_loop3A_407 = arith.index_cast %parallel_loop3A_406 : i32 to index
        %parallel_loop3A_408 = arith.constant 144 : index
        %parallel_loop3A_409 = tpu.vector_load %arg10[%parallel_loop3A_407, %parallel_loop3A_408] {strides = array<i32>} : memref<128x256xf32, #tpu.memory_space<vmem>>, vector<1x16xf32>,
        %parallel_loop3A_410 = vector.shape_cast %parallel_loop3A_409 : vector<1x16xf32> to vector<16xf32>
        %parallel_loop3A_411 = arith.addf %parallel_loop3A_404, %parallel_loop3A_410 : vector<16xf32>
        %parallel_loop3A_412 = arith.constant 64 : i32
        %parallel_loop3A_413 = arith.addi %parallel_loop3A_412, %parallel_loop3A_130 : i32
        %parallel_loop3A_414 = arith.index_cast %parallel_loop3A_413 : i32 to index
        %parallel_loop3A_415 = arith.constant 144 : index
        %parallel_loop3A_416 = tpu.vector_load %arg10[%parallel_loop3A_414, %parallel_loop3A_415] {strides = array<i32>} : memref<128x256xf32, #tpu.memory_space<vmem>>, vector<1x16xf32>,
        %parallel_loop3A_417 = vector.shape_cast %parallel_loop3A_416 : vector<1x16xf32> to vector<16xf32>
        %parallel_loop3A_418 = arith.constant 96 : i32
        %parallel_loop3A_419 = arith.addi %parallel_loop3A_418, %parallel_loop3A_130 : i32
        %parallel_loop3A_420 = arith.index_cast %parallel_loop3A_419 : i32 to index
        %parallel_loop3A_421 = arith.constant 144 : index
        %parallel_loop3A_422 = tpu.vector_load %arg10[%parallel_loop3A_420, %parallel_loop3A_421] {strides = array<i32>} : memref<128x256xf32, #tpu.memory_space<vmem>>, vector<1x16xf32>,
        %parallel_loop3A_423 = vector.shape_cast %parallel_loop3A_422 : vector<1x16xf32> to vector<16xf32>
        %parallel_loop3A_424 = arith.addf %parallel_loop3A_417, %parallel_loop3A_423 : vector<16xf32>
        %parallel_loop3A_425 = arith.addf %parallel_loop3A_411, %parallel_loop3A_424 : vector<16xf32>
        %parallel_loop3A_426 = arith.index_cast %parallel_loop3A_130 : i32 to index
        %parallel_loop3A_427 = arith.constant 144 : index
        %parallel_loop3A_428 = tpu.vector_load %arg10[%parallel_loop3A_426, %parallel_loop3A_427] {strides = array<i32>} : memref<128x256xf32, #tpu.memory_space<vmem>>, vector<1x16xf32>,
        %parallel_loop3A_429 = vector.shape_cast %parallel_loop3A_428 : vector<1x16xf32> to vector<16xf32>
        %parallel_loop3A_430 = vector.shape_cast %parallel_loop3A_425 : vector<16xf32> to vector<1x16xf32>
        tpu.vector_store %arg10[%parallel_loop3A_426, %parallel_loop3A_427], %parallel_loop3A_430 {strides = array<i32>} : memref<128x256xf32, #tpu.memory_space<vmem>>, vector<1x16xf32>,
        %parallel_loop3A_431 = arith.index_cast %parallel_loop3A_130 : i32 to index
        %parallel_loop3A_432 = arith.constant 160 : index
        %parallel_loop3A_433 = tpu.vector_load %arg10[%parallel_loop3A_431, %parallel_loop3A_432] {strides = array<i32>} : memref<128x256xf32, #tpu.memory_space<vmem>>, vector<1x16xf32>,
        %parallel_loop3A_434 = vector.shape_cast %parallel_loop3A_433 : vector<1x16xf32> to vector<16xf32>
        %parallel_loop3A_435 = arith.constant 32 : i32
        %parallel_loop3A_436 = arith.addi %parallel_loop3A_435, %parallel_loop3A_130 : i32
        %parallel_loop3A_437 = arith.index_cast %parallel_loop3A_436 : i32 to index
        %parallel_loop3A_438 = arith.constant 160 : index
        %parallel_loop3A_439 = tpu.vector_load %arg10[%parallel_loop3A_437, %parallel_loop3A_438] {strides = array<i32>} : memref<128x256xf32, #tpu.memory_space<vmem>>, vector<1x16xf32>,
        %parallel_loop3A_440 = vector.shape_cast %parallel_loop3A_439 : vector<1x16xf32> to vector<16xf32>
        %parallel_loop3A_441 = arith.addf %parallel_loop3A_434, %parallel_loop3A_440 : vector<16xf32>
        %parallel_loop3A_442 = arith.constant 64 : i32
        %parallel_loop3A_443 = arith.addi %parallel_loop3A_442, %parallel_loop3A_130 : i32
        %parallel_loop3A_444 = arith.index_cast %parallel_loop3A_443 : i32 to index
        %parallel_loop3A_445 = arith.constant 160 : index
        %parallel_loop3A_446 = tpu.vector_load %arg10[%parallel_loop3A_444, %parallel_loop3A_445] {strides = array<i32>} : memref<128x256xf32, #tpu.memory_space<vmem>>, vector<1x16xf32>,
        %parallel_loop3A_447 = vector.shape_cast %parallel_loop3A_446 : vector<1x16xf32> to vector<16xf32>
        %parallel_loop3A_448 = arith.constant 96 : i32
        %parallel_loop3A_449 = arith.addi %parallel_loop3A_448, %parallel_loop3A_130 : i32
        %parallel_loop3A_450 = arith.index_cast %parallel_loop3A_449 : i32 to index
        %parallel_loop3A_451 = arith.constant 160 : index
        %parallel_loop3A_452 = tpu.vector_load %arg10[%parallel_loop3A_450, %parallel_loop3A_451] {strides = array<i32>} : memref<128x256xf32, #tpu.memory_space<vmem>>, vector<1x16xf32>,
        %parallel_loop3A_453 = vector.shape_cast %parallel_loop3A_452 : vector<1x16xf32> to vector<16xf32>
        %parallel_loop3A_454 = arith.addf %parallel_loop3A_447, %parallel_loop3A_453 : vector<16xf32>
        %parallel_loop3A_455 = arith.addf %parallel_loop3A_441, %parallel_loop3A_454 : vector<16xf32>
        %parallel_loop3A_456 = arith.index_cast %parallel_loop3A_130 : i32 to index
        %parallel_loop3A_457 = arith.constant 160 : index
        %parallel_loop3A_458 = tpu.vector_load %arg10[%parallel_loop3A_456, %parallel_loop3A_457] {strides = array<i32>} : memref<128x256xf32, #tpu.memory_space<vmem>>, vector<1x16xf32>,
        %parallel_loop3A_459 = vector.shape_cast %parallel_loop3A_458 : vector<1x16xf32> to vector<16xf32>
        %parallel_loop3A_460 = vector.shape_cast %parallel_loop3A_455 : vector<16xf32> to vector<1x16xf32>
        tpu.vector_store %arg10[%parallel_loop3A_456, %parallel_loop3A_457], %parallel_loop3A_460 {strides = array<i32>} : memref<128x256xf32, #tpu.memory_space<vmem>>, vector<1x16xf32>,
        %parallel_loop3A_461 = arith.index_cast %parallel_loop3A_130 : i32 to index
        %parallel_loop3A_462 = arith.constant 176 : index
        %parallel_loop3A_463 = tpu.vector_load %arg10[%parallel_loop3A_461, %parallel_loop3A_462] {strides = array<i32>} : memref<128x256xf32, #tpu.memory_space<vmem>>, vector<1x16xf32>,
        %parallel_loop3A_464 = vector.shape_cast %parallel_loop3A_463 : vector<1x16xf32> to vector<16xf32>
        %parallel_loop3A_465 = arith.constant 32 : i32
        %parallel_loop3A_466 = arith.addi %parallel_loop3A_465, %parallel_loop3A_130 : i32
        %parallel_loop3A_467 = arith.index_cast %parallel_loop3A_466 : i32 to index
        %parallel_loop3A_468 = arith.constant 176 : index
        %parallel_loop3A_469 = tpu.vector_load %arg10[%parallel_loop3A_467, %parallel_loop3A_468] {strides = array<i32>} : memref<128x256xf32, #tpu.memory_space<vmem>>, vector<1x16xf32>,
        %parallel_loop3A_470 = vector.shape_cast %parallel_loop3A_469 : vector<1x16xf32> to vector<16xf32>
        %parallel_loop3A_471 = arith.addf %parallel_loop3A_464, %parallel_loop3A_470 : vector<16xf32>
        %parallel_loop3A_472 = arith.constant 64 : i32
        %parallel_loop3A_473 = arith.addi %parallel_loop3A_472, %parallel_loop3A_130 : i32
        %parallel_loop3A_474 = arith.index_cast %parallel_loop3A_473 : i32 to index
        %parallel_loop3A_475 = arith.constant 176 : index
        %parallel_loop3A_476 = tpu.vector_load %arg10[%parallel_loop3A_474, %parallel_loop3A_475] {strides = array<i32>} : memref<128x256xf32, #tpu.memory_space<vmem>>, vector<1x16xf32>,
        %parallel_loop3A_477 = vector.shape_cast %parallel_loop3A_476 : vector<1x16xf32> to vector<16xf32>
        %parallel_loop3A_478 = arith.constant 96 : i32
        %parallel_loop3A_479 = arith.addi %parallel_loop3A_478, %parallel_loop3A_130 : i32
        %parallel_loop3A_480 = arith.index_cast %parallel_loop3A_479 : i32 to index
        %parallel_loop3A_481 = arith.constant 176 : index
        %parallel_loop3A_482 = tpu.vector_load %arg10[%parallel_loop3A_480, %parallel_loop3A_481] {strides = array<i32>} : memref<128x256xf32, #tpu.memory_space<vmem>>, vector<1x16xf32>,
        %parallel_loop3A_483 = vector.shape_cast %parallel_loop3A_482 : vector<1x16xf32> to vector<16xf32>
        %parallel_loop3A_484 = arith.addf %parallel_loop3A_477, %parallel_loop3A_483 : vector<16xf32>
        %parallel_loop3A_485 = arith.addf %parallel_loop3A_471, %parallel_loop3A_484 : vector<16xf32>
        %parallel_loop3A_486 = arith.index_cast %parallel_loop3A_130 : i32 to index
        %parallel_loop3A_487 = arith.constant 176 : index
        %parallel_loop3A_488 = tpu.vector_load %arg10[%parallel_loop3A_486, %parallel_loop3A_487] {strides = array<i32>} : memref<128x256xf32, #tpu.memory_space<vmem>>, vector<1x16xf32>,
        %parallel_loop3A_489 = vector.shape_cast %parallel_loop3A_488 : vector<1x16xf32> to vector<16xf32>
        %parallel_loop3A_490 = vector.shape_cast %parallel_loop3A_485 : vector<16xf32> to vector<1x16xf32>
        tpu.vector_store %arg10[%parallel_loop3A_486, %parallel_loop3A_487], %parallel_loop3A_490 {strides = array<i32>} : memref<128x256xf32, #tpu.memory_space<vmem>>, vector<1x16xf32>,
        %parallel_loop3A_491 = arith.index_cast %parallel_loop3A_130 : i32 to index
        %parallel_loop3A_492 = arith.constant 192 : index
        %parallel_loop3A_493 = tpu.vector_load %arg10[%parallel_loop3A_491, %parallel_loop3A_492] {strides = array<i32>} : memref<128x256xf32, #tpu.memory_space<vmem>>, vector<1x16xf32>,
        %parallel_loop3A_494 = vector.shape_cast %parallel_loop3A_493 : vector<1x16xf32> to vector<16xf32>
        %parallel_loop3A_495 = arith.constant 32 : i32
        %parallel_loop3A_496 = arith.addi %parallel_loop3A_495, %parallel_loop3A_130 : i32
        %parallel_loop3A_497 = arith.index_cast %parallel_loop3A_496 : i32 to index
        %parallel_loop3A_498 = arith.constant 192 : index
        %parallel_loop3A_499 = tpu.vector_load %arg10[%parallel_loop3A_497, %parallel_loop3A_498] {strides = array<i32>} : memref<128x256xf32, #tpu.memory_space<vmem>>, vector<1x16xf32>,
        %parallel_loop3A_500 = vector.shape_cast %parallel_loop3A_499 : vector<1x16xf32> to vector<16xf32>
        %parallel_loop3A_501 = arith.addf %parallel_loop3A_494, %parallel_loop3A_500 : vector<16xf32>
        %parallel_loop3A_502 = arith.constant 64 : i32
        %parallel_loop3A_503 = arith.addi %parallel_loop3A_502, %parallel_loop3A_130 : i32
        %parallel_loop3A_504 = arith.index_cast %parallel_loop3A_503 : i32 to index
        %parallel_loop3A_505 = arith.constant 192 : index
        %parallel_loop3A_506 = tpu.vector_load %arg10[%parallel_loop3A_504, %parallel_loop3A_505] {strides = array<i32>} : memref<128x256xf32, #tpu.memory_space<vmem>>, vector<1x16xf32>,
        %parallel_loop3A_507 = vector.shape_cast %parallel_loop3A_506 : vector<1x16xf32> to vector<16xf32>
        %parallel_loop3A_508 = arith.constant 96 : i32
        %parallel_loop3A_509 = arith.addi %parallel_loop3A_508, %parallel_loop3A_130 : i32
        %parallel_loop3A_510 = arith.index_cast %parallel_loop3A_509 : i32 to index
        %parallel_loop3A_511 = arith.constant 192 : index
        %parallel_loop3A_512 = tpu.vector_load %arg10[%parallel_loop3A_510, %parallel_loop3A_511] {strides = array<i32>} : memref<128x256xf32, #tpu.memory_space<vmem>>, vector<1x16xf32>,
        %parallel_loop3A_513 = vector.shape_cast %parallel_loop3A_512 : vector<1x16xf32> to vector<16xf32>
        %parallel_loop3A_514 = arith.addf %parallel_loop3A_507, %parallel_loop3A_513 : vector<16xf32>
        %parallel_loop3A_515 = arith.addf %parallel_loop3A_501, %parallel_loop3A_514 : vector<16xf32>
        %parallel_loop3A_516 = arith.index_cast %parallel_loop3A_130 : i32 to index
        %parallel_loop3A_517 = arith.constant 192 : index
        %parallel_loop3A_518 = tpu.vector_load %arg10[%parallel_loop3A_516, %parallel_loop3A_517] {strides = array<i32>} : memref<128x256xf32, #tpu.memory_space<vmem>>, vector<1x16xf32>,
        %parallel_loop3A_519 = vector.shape_cast %parallel_loop3A_518 : vector<1x16xf32> to vector<16xf32>
        %parallel_loop3A_520 = vector.shape_cast %parallel_loop3A_515 : vector<16xf32> to vector<1x16xf32>
        tpu.vector_store %arg10[%parallel_loop3A_516, %parallel_loop3A_517], %parallel_loop3A_520 {strides = array<i32>} : memref<128x256xf32, #tpu.memory_space<vmem>>, vector<1x16xf32>,
        %parallel_loop3A_521 = arith.index_cast %parallel_loop3A_130 : i32 to index
        %parallel_loop3A_522 = arith.constant 208 : index
        %parallel_loop3A_523 = tpu.vector_load %arg10[%parallel_loop3A_521, %parallel_loop3A_522] {strides = array<i32>} : memref<128x256xf32, #tpu.memory_space<vmem>>, vector<1x16xf32>,
        %parallel_loop3A_524 = vector.shape_cast %parallel_loop3A_523 : vector<1x16xf32> to vector<16xf32>
        %parallel_loop3A_525 = arith.constant 32 : i32
        %parallel_loop3A_526 = arith.addi %parallel_loop3A_525, %parallel_loop3A_130 : i32
        %parallel_loop3A_527 = arith.index_cast %parallel_loop3A_526 : i32 to index
        %parallel_loop3A_528 = arith.constant 208 : index
        %parallel_loop3A_529 = tpu.vector_load %arg10[%parallel_loop3A_527, %parallel_loop3A_528] {strides = array<i32>} : memref<128x256xf32, #tpu.memory_space<vmem>>, vector<1x16xf32>,
        %parallel_loop3A_530 = vector.shape_cast %parallel_loop3A_529 : vector<1x16xf32> to vector<16xf32>
        %parallel_loop3A_531 = arith.addf %parallel_loop3A_524, %parallel_loop3A_530 : vector<16xf32>
        %parallel_loop3A_532 = arith.constant 64 : i32
        %parallel_loop3A_533 = arith.addi %parallel_loop3A_532, %parallel_loop3A_130 : i32
        %parallel_loop3A_534 = arith.index_cast %parallel_loop3A_533 : i32 to index
        %parallel_loop3A_535 = arith.constant 208 : index
        %parallel_loop3A_536 = tpu.vector_load %arg10[%parallel_loop3A_534, %parallel_loop3A_535] {strides = array<i32>} : memref<128x256xf32, #tpu.memory_space<vmem>>, vector<1x16xf32>,
        %parallel_loop3A_537 = vector.shape_cast %parallel_loop3A_536 : vector<1x16xf32> to vector<16xf32>
        %parallel_loop3A_538 = arith.constant 96 : i32
        %parallel_loop3A_539 = arith.addi %parallel_loop3A_538, %parallel_loop3A_130 : i32
        %parallel_loop3A_540 = arith.index_cast %parallel_loop3A_539 : i32 to index
        %parallel_loop3A_541 = arith.constant 208 : index
        %parallel_loop3A_542 = tpu.vector_load %arg10[%parallel_loop3A_540, %parallel_loop3A_541] {strides = array<i32>} : memref<128x256xf32, #tpu.memory_space<vmem>>, vector<1x16xf32>,
        %parallel_loop3A_543 = vector.shape_cast %parallel_loop3A_542 : vector<1x16xf32> to vector<16xf32>
        %parallel_loop3A_544 = arith.addf %parallel_loop3A_537, %parallel_loop3A_543 : vector<16xf32>
        %parallel_loop3A_545 = arith.addf %parallel_loop3A_531, %parallel_loop3A_544 : vector<16xf32>
        %parallel_loop3A_546 = arith.index_cast %parallel_loop3A_130 : i32 to index
        %parallel_loop3A_547 = arith.constant 208 : index
        %parallel_loop3A_548 = tpu.vector_load %arg10[%parallel_loop3A_546, %parallel_loop3A_547] {strides = array<i32>} : memref<128x256xf32, #tpu.memory_space<vmem>>, vector<1x16xf32>,
        %parallel_loop3A_549 = vector.shape_cast %parallel_loop3A_548 : vector<1x16xf32> to vector<16xf32>
        %parallel_loop3A_550 = vector.shape_cast %parallel_loop3A_545 : vector<16xf32> to vector<1x16xf32>
        tpu.vector_store %arg10[%parallel_loop3A_546, %parallel_loop3A_547], %parallel_loop3A_550 {strides = array<i32>} : memref<128x256xf32, #tpu.memory_space<vmem>>, vector<1x16xf32>,
        %parallel_loop3A_551 = arith.index_cast %parallel_loop3A_130 : i32 to index
        %parallel_loop3A_552 = arith.constant 224 : index
        %parallel_loop3A_553 = tpu.vector_load %arg10[%parallel_loop3A_551, %parallel_loop3A_552] {strides = array<i32>} : memref<128x256xf32, #tpu.memory_space<vmem>>, vector<1x16xf32>,
        %parallel_loop3A_554 = vector.shape_cast %parallel_loop3A_553 : vector<1x16xf32> to vector<16xf32>
        %parallel_loop3A_555 = arith.constant 32 : i32
        %parallel_loop3A_556 = arith.addi %parallel_loop3A_555, %parallel_loop3A_130 : i32
        %parallel_loop3A_557 = arith.index_cast %parallel_loop3A_556 : i32 to index
        %parallel_loop3A_558 = arith.constant 224 : index
        %parallel_loop3A_559 = tpu.vector_load %arg10[%parallel_loop3A_557, %parallel_loop3A_558] {strides = array<i32>} : memref<128x256xf32, #tpu.memory_space<vmem>>, vector<1x16xf32>,
        %parallel_loop3A_560 = vector.shape_cast %parallel_loop3A_559 : vector<1x16xf32> to vector<16xf32>
        %parallel_loop3A_561 = arith.addf %parallel_loop3A_554, %parallel_loop3A_560 : vector<16xf32>
        %parallel_loop3A_562 = arith.constant 64 : i32
        %parallel_loop3A_563 = arith.addi %parallel_loop3A_562, %parallel_loop3A_130 : i32
        %parallel_loop3A_564 = arith.index_cast %parallel_loop3A_563 : i32 to index
        %parallel_loop3A_565 = arith.constant 224 : index
        %parallel_loop3A_566 = tpu.vector_load %arg10[%parallel_loop3A_564, %parallel_loop3A_565] {strides = array<i32>} : memref<128x256xf32, #tpu.memory_space<vmem>>, vector<1x16xf32>,
        %parallel_loop3A_567 = vector.shape_cast %parallel_loop3A_566 : vector<1x16xf32> to vector<16xf32>
        %parallel_loop3A_568 = arith.constant 96 : i32
        %parallel_loop3A_569 = arith.addi %parallel_loop3A_568, %parallel_loop3A_130 : i32
        %parallel_loop3A_570 = arith.index_cast %parallel_loop3A_569 : i32 to index
        %parallel_loop3A_571 = arith.constant 224 : index
        %parallel_loop3A_572 = tpu.vector_load %arg10[%parallel_loop3A_570, %parallel_loop3A_571] {strides = array<i32>} : memref<128x256xf32, #tpu.memory_space<vmem>>, vector<1x16xf32>,
        %parallel_loop3A_573 = vector.shape_cast %parallel_loop3A_572 : vector<1x16xf32> to vector<16xf32>
        %parallel_loop3A_574 = arith.addf %parallel_loop3A_567, %parallel_loop3A_573 : vector<16xf32>
        %parallel_loop3A_575 = arith.addf %parallel_loop3A_561, %parallel_loop3A_574 : vector<16xf32>
        %parallel_loop3A_576 = arith.index_cast %parallel_loop3A_130 : i32 to index
        %parallel_loop3A_577 = arith.constant 224 : index
        %parallel_loop3A_578 = tpu.vector_load %arg10[%parallel_loop3A_576, %parallel_loop3A_577] {strides = array<i32>} : memref<128x256xf32, #tpu.memory_space<vmem>>, vector<1x16xf32>,
        %parallel_loop3A_579 = vector.shape_cast %parallel_loop3A_578 : vector<1x16xf32> to vector<16xf32>
        %parallel_loop3A_580 = vector.shape_cast %parallel_loop3A_575 : vector<16xf32> to vector<1x16xf32>
        tpu.vector_store %arg10[%parallel_loop3A_576, %parallel_loop3A_577], %parallel_loop3A_580 {strides = array<i32>} : memref<128x256xf32, #tpu.memory_space<vmem>>, vector<1x16xf32>,
        %parallel_loop3A_581 = arith.index_cast %parallel_loop3A_130 : i32 to index
        %parallel_loop3A_582 = arith.constant 240 : index
        %parallel_loop3A_583 = tpu.vector_load %arg10[%parallel_loop3A_581, %parallel_loop3A_582] {strides = array<i32>} : memref<128x256xf32, #tpu.memory_space<vmem>>, vector<1x16xf32>,
        %parallel_loop3A_584 = vector.shape_cast %parallel_loop3A_583 : vector<1x16xf32> to vector<16xf32>
        %parallel_loop3A_585 = arith.constant 32 : i32
        %parallel_loop3A_586 = arith.addi %parallel_loop3A_585, %parallel_loop3A_130 : i32
        %parallel_loop3A_587 = arith.index_cast %parallel_loop3A_586 : i32 to index
        %parallel_loop3A_588 = arith.constant 240 : index
        %parallel_loop3A_589 = tpu.vector_load %arg10[%parallel_loop3A_587, %parallel_loop3A_588] {strides = array<i32>} : memref<128x256xf32, #tpu.memory_space<vmem>>, vector<1x16xf32>,
        %parallel_loop3A_590 = vector.shape_cast %parallel_loop3A_589 : vector<1x16xf32> to vector<16xf32>
        %parallel_loop3A_591 = arith.addf %parallel_loop3A_584, %parallel_loop3A_590 : vector<16xf32>
        %parallel_loop3A_592 = arith.constant 64 : i32
        %parallel_loop3A_593 = arith.addi %parallel_loop3A_592, %parallel_loop3A_130 : i32
        %parallel_loop3A_594 = arith.index_cast %parallel_loop3A_593 : i32 to index
        %parallel_loop3A_595 = arith.constant 240 : index
        %parallel_loop3A_596 = tpu.vector_load %arg10[%parallel_loop3A_594, %parallel_loop3A_595] {strides = array<i32>} : memref<128x256xf32, #tpu.memory_space<vmem>>, vector<1x16xf32>,
        %parallel_loop3A_597 = vector.shape_cast %parallel_loop3A_596 : vector<1x16xf32> to vector<16xf32>
        %parallel_loop3A_598 = arith.constant 96 : i32
        %parallel_loop3A_599 = arith.addi %parallel_loop3A_598, %parallel_loop3A_130 : i32
        %parallel_loop3A_600 = arith.index_cast %parallel_loop3A_599 : i32 to index
        %parallel_loop3A_601 = arith.constant 240 : index
        %parallel_loop3A_602 = tpu.vector_load %arg10[%parallel_loop3A_600, %parallel_loop3A_601] {strides = array<i32>} : memref<128x256xf32, #tpu.memory_space<vmem>>, vector<1x16xf32>,
        %parallel_loop3A_603 = vector.shape_cast %parallel_loop3A_602 : vector<1x16xf32> to vector<16xf32>
        %parallel_loop3A_604 = arith.addf %parallel_loop3A_597, %parallel_loop3A_603 : vector<16xf32>
        %parallel_loop3A_605 = arith.addf %parallel_loop3A_591, %parallel_loop3A_604 : vector<16xf32>
        %parallel_loop3A_606 = arith.index_cast %parallel_loop3A_130 : i32 to index
        %parallel_loop3A_607 = arith.constant 240 : index
        %parallel_loop3A_608 = tpu.vector_load %arg10[%parallel_loop3A_606, %parallel_loop3A_607] {strides = array<i32>} : memref<128x256xf32, #tpu.memory_space<vmem>>, vector<1x16xf32>,
        %parallel_loop3A_609 = vector.shape_cast %parallel_loop3A_608 : vector<1x16xf32> to vector<16xf32>
        %parallel_loop3A_610 = vector.shape_cast %parallel_loop3A_605 : vector<16xf32> to vector<1x16xf32>
        tpu.vector_store %arg10[%parallel_loop3A_606, %parallel_loop3A_607], %parallel_loop3A_610 {strides = array<i32>} : memref<128x256xf32, #tpu.memory_space<vmem>>, vector<1x16xf32>,
      } {sc.loop_unroll_factor = 2 : i64, sc.parallel_access}
      %mul3A_127 = arith.constant 32 : i32
      %mul3A_128 = arith.muli %add3A_103, %mul3A_127 : i32
      %add3A_129 = arith.addi %mul3A_2, %mul3A_128 : i32
      "tpu.region"() ({
        %run_scoped3A = tpu.sem_alloc : memref<!tpu.dma_semaphore, #tpu.memory_space<semaphore_mem>>
        %dma_start3A_130 = arith.constant 0 : i32
        %dma_start3A_131 = arith.constant 0 : i32
        %dma_start3A_132 = tpu.memref_slice %arg10[%dma_start3A_130, %dma_start3A_131] : memref<128x256xf32, #tpu.memory_space<vmem>> -> memref<32x256xf32, #tpu.memory_space<vmem>>
        %dma_start3A_133 = arith.constant 0 : i32
        %dma_start3A_134 = tpu.memref_slice %arg6[%add3A_129, %dma_start3A_133] : memref<10240x256xf32, #tpu.memory_space<hbm>> -> memref<32x256xf32, #tpu.memory_space<hbm>>
        %dma_start3A_135 = arith.constant 0 : i32
        %dma_start3A_136 = tpu.memref_slice %arg6[%add3A_129, %dma_start3A_135] : memref<10240x256xf32, #tpu.memory_space<hbm>> -> memref<32x256xf32, #tpu.memory_space<hbm>>
        %dma_start3A_137 = arith.constant 0 : i32
        %dma_start3A_138 = arith.constant 0 : i32
        %dma_start3A_139 = tpu.memref_slice %arg10[%dma_start3A_137, %dma_start3A_138] : memref<128x256xf32, #tpu.memory_space<vmem>> -> memref<32x256xf32, #tpu.memory_space<vmem>>
        tpu.enqueue_dma source(%dma_start3A_139 : memref<32x256xf32, #tpu.memory_space<vmem>>) target(%dma_start3A_136 : memref<32x256xf32, #tpu.memory_space<hbm>>) target_semaphore(%run_scoped3A : memref<!tpu.dma_semaphore, #tpu.memory_space<semaphore_mem>>)
        %dma_wait3A_140 = arith.constant 0 : i32
        %dma_wait3A_141 = arith.constant 0 : i32
        %dma_wait3A_142 = tpu.memref_slice %arg10[%dma_wait3A_140, %dma_wait3A_141] : memref<128x256xf32, #tpu.memory_space<vmem>> -> memref<32x256xf32, #tpu.memory_space<vmem>>
        %dma_wait3A_143 = arith.constant 0 : i32
        %dma_wait3A_144 = tpu.memref_slice %arg6[%add3A_129, %dma_wait3A_143] : memref<10240x256xf32, #tpu.memory_space<hbm>> -> memref<32x256xf32, #tpu.memory_space<hbm>>
        %dma_wait3A_145 = arith.constant 0 : i32
        %dma_wait3A_146 = tpu.memref_slice %arg6[%add3A_129, %dma_wait3A_145] : memref<10240x256xf32, #tpu.memory_space<hbm>> -> memref<32x256xf32, #tpu.memory_space<hbm>>
        %dma_wait3A_147 = arith.constant 0 : i32
        %dma_wait3A_148 = arith.constant 0 : i32
        %dma_wait3A_149 = tpu.memref_slice %arg10[%dma_wait3A_147, %dma_wait3A_148] : memref<128x256xf32, #tpu.memory_space<vmem>> -> memref<32x256xf32, #tpu.memory_space<vmem>>
        tpu.wait_dma2 semaphore(%run_scoped3A : memref<!tpu.dma_semaphore, #tpu.memory_space<semaphore_mem>>) src(%dma_wait3A_149 : memref<32x256xf32, #tpu.memory_space<vmem>>) dst(%dma_wait3A_146 : memref<32x256xf32, #tpu.memory_space<hbm>>)
        tpu.yield
      }) : () -> ()
    }
    %scan3A_24 = arith.constant 5 : i32
    %mul3A_25 = arith.constant 5056 : i32
    %mul3A_26 = arith.muli %add3A, %mul3A_25 : i32
    %mul3A_27 = arith.constant 4 : i32
    %mul3A_28 = arith.muli %mul3A_26, %mul3A_27 : i32
    "tpu.region"() ({
      %run_scoped3A = tpu.sem_alloc : memref<!tpu.dma_semaphore, #tpu.memory_space<semaphore_mem>>
      %dma_start3A_51 = arith.constant 0 : i32
      %dma_start3A_52 = tpu.memref_slice %arg8[%dma_start3A_51] : memref<20224xi32, #tpu.memory_space<vmem>> -> memref<20224xi32, #tpu.memory_space<vmem>>
      %dma_start3A_53 = tpu.memref_slice %arg3[%mul3A_28] : memref<647168xi32, #tpu.memory_space<hbm>> -> memref<20224xi32, #tpu.memory_space<hbm>>
      %dma_start3A_54 = arith.constant 0 : i32
      %dma_start3A_55 = tpu.memref_slice %arg8[%dma_start3A_54] : memref<20224xi32, #tpu.memory_space<vmem>> -> memref<20224xi32, #tpu.memory_space<vmem>>
      %dma_start3A_56 = tpu.memref_slice %arg3[%mul3A_28] : memref<647168xi32, #tpu.memory_space<hbm>> -> memref<20224xi32, #tpu.memory_space<hbm>>
      tpu.enqueue_dma source(%dma_start3A_56 : memref<20224xi32, #tpu.memory_space<hbm>>) target(%dma_start3A_55 : memref<20224xi32, #tpu.memory_space<vmem>>) target_semaphore(%run_scoped3A : memref<!tpu.dma_semaphore, #tpu.memory_space<semaphore_mem>>)
      %dma_wait3A = arith.constant 0 : i32
      %dma_wait3A_57 = tpu.memref_slice %arg8[%dma_wait3A] : memref<20224xi32, #tpu.memory_space<vmem>> -> memref<20224xi32, #tpu.memory_space<vmem>>
      %dma_wait3A_58 = tpu.memref_slice %arg3[%mul3A_28] : memref<647168xi32, #tpu.memory_space<hbm>> -> memref<20224xi32, #tpu.memory_space<hbm>>
      %dma_wait3A_59 = arith.constant 0 : i32
      %dma_wait3A_60 = tpu.memref_slice %arg8[%dma_wait3A_59] : memref<20224xi32, #tpu.memory_space<vmem>> -> memref<20224xi32, #tpu.memory_space<vmem>>
      %dma_wait3A_61 = tpu.memref_slice %arg3[%mul3A_28] : memref<647168xi32, #tpu.memory_space<hbm>> -> memref<20224xi32, #tpu.memory_space<hbm>>
      tpu.wait_dma2 semaphore(%run_scoped3A : memref<!tpu.dma_semaphore, #tpu.memory_space<semaphore_mem>>) src(%dma_wait3A_61 : memref<20224xi32, #tpu.memory_space<hbm>>) dst(%dma_wait3A_60 : memref<20224xi32, #tpu.memory_space<vmem>>)
      tpu.yield
    }) : () -> ()
    %dma_start3A_29 = arith.constant 0 : i32
    %dma_start3A_30 = arith.constant 0 : i32
    %dma_start3A_31 = tpu.memref_slice %arg9[%dma_start3A_29, %dma_start3A_30] : memref<128x256xf32, #tpu.memory_space<vmem>> -> memref<64x256xf32, #tpu.memory_space<vmem>>
    %dma_start3A_32 = arith.constant 0 : i32
    %dma_start3A_33 = tpu.memref_slice %arg8[%dma_start3A_32] : memref<20224xi32, #tpu.memory_space<vmem>> -> memref<64xi32, #tpu.memory_space<vmem>>
    %dma_start3A_34 = arith.constant 0 : i32
    %dma_start3A_35 = arith.constant 0 : i32
    %dma_start3A_36 = tpu.memref_slice %arg5[%dma_start3A_34, %dma_start3A_35] : memref<512x256xf32, #tpu.memory_space<hbm>> -> memref<512x256xf32, #tpu.memory_space<hbm>>
    tpu.enqueue_indirect_dma source(%dma_start3A_36 : memref<512x256xf32, #tpu.memory_space<hbm>>) target(%dma_start3A_31 : memref<64x256xf32, #tpu.memory_space<vmem>>) offsets(%dma_start3A_33 : memref<64xi32, #tpu.memory_space<vmem>>) semaphore(%arg11 : memref<!tpu.dma_semaphore, #tpu.memory_space<semaphore_mem>>)
    %dma_start3A_37 = arith.constant 64 : i32
    %dma_start3A_38 = arith.constant 0 : i32
    %dma_start3A_39 = tpu.memref_slice %arg9[%dma_start3A_37, %dma_start3A_38] : memref<128x256xf32, #tpu.memory_space<vmem>> -> memref<64x256xf32, #tpu.memory_space<vmem>>
    %dma_start3A_40 = arith.constant 64 : i32
    %dma_start3A_41 = tpu.memref_slice %arg8[%dma_start3A_40] : memref<20224xi32, #tpu.memory_space<vmem>> -> memref<64xi32, #tpu.memory_space<vmem>>
    %dma_start3A_42 = arith.constant 0 : i32
    %dma_start3A_43 = arith.constant 0 : i32
    %dma_start3A_44 = tpu.memref_slice %arg5[%dma_start3A_42, %dma_start3A_43] : memref<512x256xf32, #tpu.memory_space<hbm>> -> memref<512x256xf32, #tpu.memory_space<hbm>>
    tpu.enqueue_indirect_dma source(%dma_start3A_44 : memref<512x256xf32, #tpu.memory_space<hbm>>) target(%dma_start3A_39 : memref<64x256xf32, #tpu.memory_space<vmem>>) offsets(%dma_start3A_41 : memref<64xi32, #tpu.memory_space<vmem>>) semaphore(%arg12 : memref<!tpu.dma_semaphore, #tpu.memory_space<semaphore_mem>>)
    %scan3A_45 = arith.constant 0 : i32
    %scan3A_46 = arith.constant 0 : i32
    %scan3A_47 = arith.constant 79 : i32
    %scan3A_48 = arith.addi %scan3A_46, %scan3A_47 : i32
    %scan3A_49 = arith.constant 1 : i32
    scf.for %scan3A_51 = %scan3A_46 to %scan3A_48 step %scan3A_49  : i32 {
      %mul3A_52 = arith.constant 2 : i32
      %mul3A_53 = arith.muli %mul3A_52, %scan3A_51 : i32
      %add3A_54 = arith.constant 1 : i32
      %add3A_55 = arith.addi %mul3A_53, %add3A_54 : i32
      %mul3A_56 = arith.constant 128 : i32
      %mul3A_57 = arith.muli %add3A_55, %mul3A_56 : i32
      %mul3A_58 = arith.constant 128 : i32
      %mul3A_59 = arith.muli %add3A_55, %mul3A_58 : i32
      %add3A_60 = arith.constant 64 : i32
      %add3A_61 = arith.addi %mul3A_59, %add3A_60 : i32
      %dma_start3A_62 = arith.constant 0 : i32
      %dma_start3A_63 = arith.constant 0 : i32
      %dma_start3A_64 = tpu.memref_slice %arg10[%dma_start3A_62, %dma_start3A_63] : memref<128x256xf32, #tpu.memory_space<vmem>> -> memref<64x256xf32, #tpu.memory_space<vmem>>
      %dma_start3A_65 = tpu.memref_slice %arg8[%mul3A_57] : memref<20224xi32, #tpu.memory_space<vmem>> -> memref<64xi32, #tpu.memory_space<vmem>>
      %dma_start3A_66 = arith.constant 0 : i32
      %dma_start3A_67 = arith.constant 0 : i32
      %dma_start3A_68 = tpu.memref_slice %arg5[%dma_start3A_66, %dma_start3A_67] : memref<512x256xf32, #tpu.memory_space<hbm>> -> memref<512x256xf32, #tpu.memory_space<hbm>>
      tpu.enqueue_indirect_dma source(%dma_start3A_68 : memref<512x256xf32, #tpu.memory_space<hbm>>) target(%dma_start3A_64 : memref<64x256xf32, #tpu.memory_space<vmem>>) offsets(%dma_start3A_65 : memref<64xi32, #tpu.memory_space<vmem>>) semaphore(%arg13 : memref<!tpu.dma_semaphore, #tpu.memory_space<semaphore_mem>>)
      %dma_start3A_69 = arith.constant 64 : i32
      %dma_start3A_70 = arith.constant 0 : i32
      %dma_start3A_71 = tpu.memref_slice %arg10[%dma_start3A_69, %dma_start3A_70] : memref<128x256xf32, #tpu.memory_space<vmem>> -> memref<64x256xf32, #tpu.memory_space<vmem>>
      %dma_start3A_72 = tpu.memref_slice %arg8[%add3A_61] : memref<20224xi32, #tpu.memory_space<vmem>> -> memref<64xi32, #tpu.memory_space<vmem>>
      %dma_start3A_73 = arith.constant 0 : i32
      %dma_start3A_74 = arith.constant 0 : i32
      %dma_start3A_75 = tpu.memref_slice %arg5[%dma_start3A_73, %dma_start3A_74] : memref<512x256xf32, #tpu.memory_space<hbm>> -> memref<512x256xf32, #tpu.memory_space<hbm>>
      tpu.enqueue_indirect_dma source(%dma_start3A_75 : memref<512x256xf32, #tpu.memory_space<hbm>>) target(%dma_start3A_71 : memref<64x256xf32, #tpu.memory_space<vmem>>) offsets(%dma_start3A_72 : memref<64xi32, #tpu.memory_space<vmem>>) semaphore(%arg14 : memref<!tpu.dma_semaphore, #tpu.memory_space<semaphore_mem>>)
      %mul3A_76 = arith.constant 128 : i32
      %mul3A_77 = arith.muli %mul3A_53, %mul3A_76 : i32
      %mul3A_78 = arith.constant 128 : i32
      %mul3A_79 = arith.muli %mul3A_53, %mul3A_78 : i32
      %add3A_80 = arith.constant 64 : i32
      %add3A_81 = arith.addi %mul3A_79, %add3A_80 : i32
      %dma_wait3A = arith.constant 0 : i32
      %dma_wait3A_82 = arith.constant 0 : i32
      %dma_wait3A_83 = tpu.memref_slice %arg9[%dma_wait3A, %dma_wait3A_82] : memref<128x256xf32, #tpu.memory_space<vmem>> -> memref<64x256xf32, #tpu.memory_space<vmem>>
      %dma_wait3A_84 = tpu.memref_slice %arg8[%mul3A_77] : memref<20224xi32, #tpu.memory_space<vmem>> -> memref<64xi32, #tpu.memory_space<vmem>>
      %dma_wait3A_85 = arith.constant 0 : i32
      %dma_wait3A_86 = arith.constant 0 : i32
      %dma_wait3A_87 = tpu.memref_slice %arg5[%dma_wait3A_85, %dma_wait3A_86] : memref<512x256xf32, #tpu.memory_space<hbm>> -> memref<512x256xf32, #tpu.memory_space<hbm>>
      tpu.wait_indirect_dma semaphore(%arg11 : memref<!tpu.dma_semaphore, #tpu.memory_space<semaphore_mem>>) src(%dma_wait3A_87 : memref<512x256xf32, #tpu.memory_space<hbm>>) dst(%dma_wait3A_83 : memref<64x256xf32, #tpu.memory_space<vmem>>)
      %dma_wait3A_88 = arith.constant 64 : i32
      %dma_wait3A_89 = arith.constant 0 : i32
      %dma_wait3A_90 = tpu.memref_slice %arg9[%dma_wait3A_88, %dma_wait3A_89] : memref<128x256xf32, #tpu.memory_space<vmem>> -> memref<64x256xf32, #tpu.memory_space<vmem>>
      %dma_wait3A_91 = tpu.memref_slice %arg8[%add3A_81] : memref<20224xi32, #tpu.memory_space<vmem>> -> memref<64xi32, #tpu.memory_space<vmem>>
      %dma_wait3A_92 = arith.constant 0 : i32
      %dma_wait3A_93 = arith.constant 0 : i32
      %dma_wait3A_94 = tpu.memref_slice %arg5[%dma_wait3A_92, %dma_wait3A_93] : memref<512x256xf32, #tpu.memory_space<hbm>> -> memref<512x256xf32, #tpu.memory_space<hbm>>
      tpu.wait_indirect_dma semaphore(%arg12 : memref<!tpu.dma_semaphore, #tpu.memory_space<semaphore_mem>>) src(%dma_wait3A_94 : memref<512x256xf32, #tpu.memory_space<hbm>>) dst(%dma_wait3A_90 : memref<64x256xf32, #tpu.memory_space<vmem>>)
      %parallel_loop3A = arith.constant 0 : i32
      %parallel_loop3A_95 = arith.constant 32 : i32
      %parallel_loop3A_96 = arith.constant 1 : i32
      scf.for %parallel_loop3A_130 = %parallel_loop3A to %parallel_loop3A_95 step %parallel_loop3A_96  : i32 {
        %parallel_loop3A_131 = arith.index_cast %parallel_loop3A_130 : i32 to index
        %parallel_loop3A_132 = arith.constant 0 : index
        %parallel_loop3A_133 = tpu.vector_load %arg9[%parallel_loop3A_131, %parallel_loop3A_132] {strides = array<i32>} : memref<128x256xf32, #tpu.memory_space<vmem>>, vector<1x16xf32>,
        %parallel_loop3A_134 = vector.shape_cast %parallel_loop3A_133 : vector<1x16xf32> to vector<16xf32>
        %parallel_loop3A_135 = arith.constant 32 : i32
        %parallel_loop3A_136 = arith.addi %parallel_loop3A_135, %parallel_loop3A_130 : i32
        %parallel_loop3A_137 = arith.index_cast %parallel_loop3A_136 : i32 to index
        %parallel_loop3A_138 = arith.constant 0 : index
        %parallel_loop3A_139 = tpu.vector_load %arg9[%parallel_loop3A_137, %parallel_loop3A_138] {strides = array<i32>} : memref<128x256xf32, #tpu.memory_space<vmem>>, vector<1x16xf32>,
        %parallel_loop3A_140 = vector.shape_cast %parallel_loop3A_139 : vector<1x16xf32> to vector<16xf32>
        %parallel_loop3A_141 = arith.addf %parallel_loop3A_134, %parallel_loop3A_140 : vector<16xf32>
        %parallel_loop3A_142 = arith.constant 64 : i32
        %parallel_loop3A_143 = arith.addi %parallel_loop3A_142, %parallel_loop3A_130 : i32
        %parallel_loop3A_144 = arith.index_cast %parallel_loop3A_143 : i32 to index
        %parallel_loop3A_145 = arith.constant 0 : index
        %parallel_loop3A_146 = tpu.vector_load %arg9[%parallel_loop3A_144, %parallel_loop3A_145] {strides = array<i32>} : memref<128x256xf32, #tpu.memory_space<vmem>>, vector<1x16xf32>,
        %parallel_loop3A_147 = vector.shape_cast %parallel_loop3A_146 : vector<1x16xf32> to vector<16xf32>
        %parallel_loop3A_148 = arith.constant 96 : i32
        %parallel_loop3A_149 = arith.addi %parallel_loop3A_148, %parallel_loop3A_130 : i32
        %parallel_loop3A_150 = arith.index_cast %parallel_loop3A_149 : i32 to index
        %parallel_loop3A_151 = arith.constant 0 : index
        %parallel_loop3A_152 = tpu.vector_load %arg9[%parallel_loop3A_150, %parallel_loop3A_151] {strides = array<i32>} : memref<128x256xf32, #tpu.memory_space<vmem>>, vector<1x16xf32>,
        %parallel_loop3A_153 = vector.shape_cast %parallel_loop3A_152 : vector<1x16xf32> to vector<16xf32>
        %parallel_loop3A_154 = arith.addf %parallel_loop3A_147, %parallel_loop3A_153 : vector<16xf32>
        %parallel_loop3A_155 = arith.addf %parallel_loop3A_141, %parallel_loop3A_154 : vector<16xf32>
        %parallel_loop3A_156 = arith.index_cast %parallel_loop3A_130 : i32 to index
        %parallel_loop3A_157 = arith.constant 0 : index
        %parallel_loop3A_158 = tpu.vector_load %arg9[%parallel_loop3A_156, %parallel_loop3A_157] {strides = array<i32>} : memref<128x256xf32, #tpu.memory_space<vmem>>, vector<1x16xf32>,
        %parallel_loop3A_159 = vector.shape_cast %parallel_loop3A_158 : vector<1x16xf32> to vector<16xf32>
        %parallel_loop3A_160 = vector.shape_cast %parallel_loop3A_155 : vector<16xf32> to vector<1x16xf32>
        tpu.vector_store %arg9[%parallel_loop3A_156, %parallel_loop3A_157], %parallel_loop3A_160 {strides = array<i32>} : memref<128x256xf32, #tpu.memory_space<vmem>>, vector<1x16xf32>,
        %parallel_loop3A_161 = arith.index_cast %parallel_loop3A_130 : i32 to index
        %parallel_loop3A_162 = arith.constant 16 : index
        %parallel_loop3A_163 = tpu.vector_load %arg9[%parallel_loop3A_161, %parallel_loop3A_162] {strides = array<i32>} : memref<128x256xf32, #tpu.memory_space<vmem>>, vector<1x16xf32>,
        %parallel_loop3A_164 = vector.shape_cast %parallel_loop3A_163 : vector<1x16xf32> to vector<16xf32>
        %parallel_loop3A_165 = arith.constant 32 : i32
        %parallel_loop3A_166 = arith.addi %parallel_loop3A_165, %parallel_loop3A_130 : i32
        %parallel_loop3A_167 = arith.index_cast %parallel_loop3A_166 : i32 to index
        %parallel_loop3A_168 = arith.constant 16 : index
        %parallel_loop3A_169 = tpu.vector_load %arg9[%parallel_loop3A_167, %parallel_loop3A_168] {strides = array<i32>} : memref<128x256xf32, #tpu.memory_space<vmem>>, vector<1x16xf32>,
        %parallel_loop3A_170 = vector.shape_cast %parallel_loop3A_169 : vector<1x16xf32> to vector<16xf32>
        %parallel_loop3A_171 = arith.addf %parallel_loop3A_164, %parallel_loop3A_170 : vector<16xf32>
        %parallel_loop3A_172 = arith.constant 64 : i32
        %parallel_loop3A_173 = arith.addi %parallel_loop3A_172, %parallel_loop3A_130 : i32
        %parallel_loop3A_174 = arith.index_cast %parallel_loop3A_173 : i32 to index
        %parallel_loop3A_175 = arith.constant 16 : index
        %parallel_loop3A_176 = tpu.vector_load %arg9[%parallel_loop3A_174, %parallel_loop3A_175] {strides = array<i32>} : memref<128x256xf32, #tpu.memory_space<vmem>>, vector<1x16xf32>,
        %parallel_loop3A_177 = vector.shape_cast %parallel_loop3A_176 : vector<1x16xf32> to vector<16xf32>
        %parallel_loop3A_178 = arith.constant 96 : i32
        %parallel_loop3A_179 = arith.addi %parallel_loop3A_178, %parallel_loop3A_130 : i32
        %parallel_loop3A_180 = arith.index_cast %parallel_loop3A_179 : i32 to index
        %parallel_loop3A_181 = arith.constant 16 : index
        %parallel_loop3A_182 = tpu.vector_load %arg9[%parallel_loop3A_180, %parallel_loop3A_181] {strides = array<i32>} : memref<128x256xf32, #tpu.memory_space<vmem>>, vector<1x16xf32>,
        %parallel_loop3A_183 = vector.shape_cast %parallel_loop3A_182 : vector<1x16xf32> to vector<16xf32>
        %parallel_loop3A_184 = arith.addf %parallel_loop3A_177, %parallel_loop3A_183 : vector<16xf32>
        %parallel_loop3A_185 = arith.addf %parallel_loop3A_171, %parallel_loop3A_184 : vector<16xf32>
        %parallel_loop3A_186 = arith.index_cast %parallel_loop3A_130 : i32 to index
        %parallel_loop3A_187 = arith.constant 16 : index
        %parallel_loop3A_188 = tpu.vector_load %arg9[%parallel_loop3A_186, %parallel_loop3A_187] {strides = array<i32>} : memref<128x256xf32, #tpu.memory_space<vmem>>, vector<1x16xf32>,
        %parallel_loop3A_189 = vector.shape_cast %parallel_loop3A_188 : vector<1x16xf32> to vector<16xf32>
        %parallel_loop3A_190 = vector.shape_cast %parallel_loop3A_185 : vector<16xf32> to vector<1x16xf32>
        tpu.vector_store %arg9[%parallel_loop3A_186, %parallel_loop3A_187], %parallel_loop3A_190 {strides = array<i32>} : memref<128x256xf32, #tpu.memory_space<vmem>>, vector<1x16xf32>,
        %parallel_loop3A_191 = arith.index_cast %parallel_loop3A_130 : i32 to index
        %parallel_loop3A_192 = arith.constant 32 : index
        %parallel_loop3A_193 = tpu.vector_load %arg9[%parallel_loop3A_191, %parallel_loop3A_192] {strides = array<i32>} : memref<128x256xf32, #tpu.memory_space<vmem>>, vector<1x16xf32>,
        %parallel_loop3A_194 = vector.shape_cast %parallel_loop3A_193 : vector<1x16xf32> to vector<16xf32>
        %parallel_loop3A_195 = arith.constant 32 : i32
        %parallel_loop3A_196 = arith.addi %parallel_loop3A_195, %parallel_loop3A_130 : i32
        %parallel_loop3A_197 = arith.index_cast %parallel_loop3A_196 : i32 to index
        %parallel_loop3A_198 = arith.constant 32 : index
        %parallel_loop3A_199 = tpu.vector_load %arg9[%parallel_loop3A_197, %parallel_loop3A_198] {strides = array<i32>} : memref<128x256xf32, #tpu.memory_space<vmem>>, vector<1x16xf32>,
        %parallel_loop3A_200 = vector.shape_cast %parallel_loop3A_199 : vector<1x16xf32> to vector<16xf32>
        %parallel_loop3A_201 = arith.addf %parallel_loop3A_194, %parallel_loop3A_200 : vector<16xf32>
        %parallel_loop3A_202 = arith.constant 64 : i32
        %parallel_loop3A_203 = arith.addi %parallel_loop3A_202, %parallel_loop3A_130 : i32
        %parallel_loop3A_204 = arith.index_cast %parallel_loop3A_203 : i32 to index
        %parallel_loop3A_205 = arith.constant 32 : index
        %parallel_loop3A_206 = tpu.vector_load %arg9[%parallel_loop3A_204, %parallel_loop3A_205] {strides = array<i32>} : memref<128x256xf32, #tpu.memory_space<vmem>>, vector<1x16xf32>,
        %parallel_loop3A_207 = vector.shape_cast %parallel_loop3A_206 : vector<1x16xf32> to vector<16xf32>
        %parallel_loop3A_208 = arith.constant 96 : i32
        %parallel_loop3A_209 = arith.addi %parallel_loop3A_208, %parallel_loop3A_130 : i32
        %parallel_loop3A_210 = arith.index_cast %parallel_loop3A_209 : i32 to index
        %parallel_loop3A_211 = arith.constant 32 : index
        %parallel_loop3A_212 = tpu.vector_load %arg9[%parallel_loop3A_210, %parallel_loop3A_211] {strides = array<i32>} : memref<128x256xf32, #tpu.memory_space<vmem>>, vector<1x16xf32>,
        %parallel_loop3A_213 = vector.shape_cast %parallel_loop3A_212 : vector<1x16xf32> to vector<16xf32>
        %parallel_loop3A_214 = arith.addf %parallel_loop3A_207, %parallel_loop3A_213 : vector<16xf32>
        %parallel_loop3A_215 = arith.addf %parallel_loop3A_201, %parallel_loop3A_214 : vector<16xf32>
        %parallel_loop3A_216 = arith.index_cast %parallel_loop3A_130 : i32 to index
        %parallel_loop3A_217 = arith.constant 32 : index
        %parallel_loop3A_218 = tpu.vector_load %arg9[%parallel_loop3A_216, %parallel_loop3A_217] {strides = array<i32>} : memref<128x256xf32, #tpu.memory_space<vmem>>, vector<1x16xf32>,
        %parallel_loop3A_219 = vector.shape_cast %parallel_loop3A_218 : vector<1x16xf32> to vector<16xf32>
        %parallel_loop3A_220 = vector.shape_cast %parallel_loop3A_215 : vector<16xf32> to vector<1x16xf32>
        tpu.vector_store %arg9[%parallel_loop3A_216, %parallel_loop3A_217], %parallel_loop3A_220 {strides = array<i32>} : memref<128x256xf32, #tpu.memory_space<vmem>>, vector<1x16xf32>,
        %parallel_loop3A_221 = arith.index_cast %parallel_loop3A_130 : i32 to index
        %parallel_loop3A_222 = arith.constant 48 : index
        %parallel_loop3A_223 = tpu.vector_load %arg9[%parallel_loop3A_221, %parallel_loop3A_222] {strides = array<i32>} : memref<128x256xf32, #tpu.memory_space<vmem>>, vector<1x16xf32>,
        %parallel_loop3A_224 = vector.shape_cast %parallel_loop3A_223 : vector<1x16xf32> to vector<16xf32>
        %parallel_loop3A_225 = arith.constant 32 : i32
        %parallel_loop3A_226 = arith.addi %parallel_loop3A_225, %parallel_loop3A_130 : i32
        %parallel_loop3A_227 = arith.index_cast %parallel_loop3A_226 : i32 to index
        %parallel_loop3A_228 = arith.constant 48 : index
        %parallel_loop3A_229 = tpu.vector_load %arg9[%parallel_loop3A_227, %parallel_loop3A_228] {strides = array<i32>} : memref<128x256xf32, #tpu.memory_space<vmem>>, vector<1x16xf32>,
        %parallel_loop3A_230 = vector.shape_cast %parallel_loop3A_229 : vector<1x16xf32> to vector<16xf32>
        %parallel_loop3A_231 = arith.addf %parallel_loop3A_224, %parallel_loop3A_230 : vector<16xf32>
        %parallel_loop3A_232 = arith.constant 64 : i32
        %parallel_loop3A_233 = arith.addi %parallel_loop3A_232, %parallel_loop3A_130 : i32
        %parallel_loop3A_234 = arith.index_cast %parallel_loop3A_233 : i32 to index
        %parallel_loop3A_235 = arith.constant 48 : index
        %parallel_loop3A_236 = tpu.vector_load %arg9[%parallel_loop3A_234, %parallel_loop3A_235] {strides = array<i32>} : memref<128x256xf32, #tpu.memory_space<vmem>>, vector<1x16xf32>,
        %parallel_loop3A_237 = vector.shape_cast %parallel_loop3A_236 : vector<1x16xf32> to vector<16xf32>
        %parallel_loop3A_238 = arith.constant 96 : i32
        %parallel_loop3A_239 = arith.addi %parallel_loop3A_238, %parallel_loop3A_130 : i32
        %parallel_loop3A_240 = arith.index_cast %parallel_loop3A_239 : i32 to index
        %parallel_loop3A_241 = arith.constant 48 : index
        %parallel_loop3A_242 = tpu.vector_load %arg9[%parallel_loop3A_240, %parallel_loop3A_241] {strides = array<i32>} : memref<128x256xf32, #tpu.memory_space<vmem>>, vector<1x16xf32>,
        %parallel_loop3A_243 = vector.shape_cast %parallel_loop3A_242 : vector<1x16xf32> to vector<16xf32>
        %parallel_loop3A_244 = arith.addf %parallel_loop3A_237, %parallel_loop3A_243 : vector<16xf32>
        %parallel_loop3A_245 = arith.addf %parallel_loop3A_231, %parallel_loop3A_244 : vector<16xf32>
        %parallel_loop3A_246 = arith.index_cast %parallel_loop3A_130 : i32 to index
        %parallel_loop3A_247 = arith.constant 48 : index
        %parallel_loop3A_248 = tpu.vector_load %arg9[%parallel_loop3A_246, %parallel_loop3A_247] {strides = array<i32>} : memref<128x256xf32, #tpu.memory_space<vmem>>, vector<1x16xf32>,
        %parallel_loop3A_249 = vector.shape_cast %parallel_loop3A_248 : vector<1x16xf32> to vector<16xf32>
        %parallel_loop3A_250 = vector.shape_cast %parallel_loop3A_245 : vector<16xf32> to vector<1x16xf32>
        tpu.vector_store %arg9[%parallel_loop3A_246, %parallel_loop3A_247], %parallel_loop3A_250 {strides = array<i32>} : memref<128x256xf32, #tpu.memory_space<vmem>>, vector<1x16xf32>,
        %parallel_loop3A_251 = arith.index_cast %parallel_loop3A_130 : i32 to index
        %parallel_loop3A_252 = arith.constant 64 : index
        %parallel_loop3A_253 = tpu.vector_load %arg9[%parallel_loop3A_251, %parallel_loop3A_252] {strides = array<i32>} : memref<128x256xf32, #tpu.memory_space<vmem>>, vector<1x16xf32>,
        %parallel_loop3A_254 = vector.shape_cast %parallel_loop3A_253 : vector<1x16xf32> to vector<16xf32>
        %parallel_loop3A_255 = arith.constant 32 : i32
        %parallel_loop3A_256 = arith.addi %parallel_loop3A_255, %parallel_loop3A_130 : i32
        %parallel_loop3A_257 = arith.index_cast %parallel_loop3A_256 : i32 to index
        %parallel_loop3A_258 = arith.constant 64 : index
        %parallel_loop3A_259 = tpu.vector_load %arg9[%parallel_loop3A_257, %parallel_loop3A_258] {strides = array<i32>} : memref<128x256xf32, #tpu.memory_space<vmem>>, vector<1x16xf32>,
        %parallel_loop3A_260 = vector.shape_cast %parallel_loop3A_259 : vector<1x16xf32> to vector<16xf32>
        %parallel_loop3A_261 = arith.addf %parallel_loop3A_254, %parallel_loop3A_260 : vector<16xf32>
        %parallel_loop3A_262 = arith.constant 64 : i32
        %parallel_loop3A_263 = arith.addi %parallel_loop3A_262, %parallel_loop3A_130 : i32
        %parallel_loop3A_264 = arith.index_cast %parallel_loop3A_263 : i32 to index
        %parallel_loop3A_265 = arith.constant 64 : index
        %parallel_loop3A_266 = tpu.vector_load %arg9[%parallel_loop3A_264, %parallel_loop3A_265] {strides = array<i32>} : memref<128x256xf32, #tpu.memory_space<vmem>>, vector<1x16xf32>,
        %parallel_loop3A_267 = vector.shape_cast %parallel_loop3A_266 : vector<1x16xf32> to vector<16xf32>
        %parallel_loop3A_268 = arith.constant 96 : i32
        %parallel_loop3A_269 = arith.addi %parallel_loop3A_268, %parallel_loop3A_130 : i32
        %parallel_loop3A_270 = arith.index_cast %parallel_loop3A_269 : i32 to index
        %parallel_loop3A_271 = arith.constant 64 : index
        %parallel_loop3A_272 = tpu.vector_load %arg9[%parallel_loop3A_270, %parallel_loop3A_271] {strides = array<i32>} : memref<128x256xf32, #tpu.memory_space<vmem>>, vector<1x16xf32>,
        %parallel_loop3A_273 = vector.shape_cast %parallel_loop3A_272 : vector<1x16xf32> to vector<16xf32>
        %parallel_loop3A_274 = arith.addf %parallel_loop3A_267, %parallel_loop3A_273 : vector<16xf32>
        %parallel_loop3A_275 = arith.addf %parallel_loop3A_261, %parallel_loop3A_274 : vector<16xf32>
        %parallel_loop3A_276 = arith.index_cast %parallel_loop3A_130 : i32 to index
        %parallel_loop3A_277 = arith.constant 64 : index
        %parallel_loop3A_278 = tpu.vector_load %arg9[%parallel_loop3A_276, %parallel_loop3A_277] {strides = array<i32>} : memref<128x256xf32, #tpu.memory_space<vmem>>, vector<1x16xf32>,
        %parallel_loop3A_279 = vector.shape_cast %parallel_loop3A_278 : vector<1x16xf32> to vector<16xf32>
        %parallel_loop3A_280 = vector.shape_cast %parallel_loop3A_275 : vector<16xf32> to vector<1x16xf32>
        tpu.vector_store %arg9[%parallel_loop3A_276, %parallel_loop3A_277], %parallel_loop3A_280 {strides = array<i32>} : memref<128x256xf32, #tpu.memory_space<vmem>>, vector<1x16xf32>,
        %parallel_loop3A_281 = arith.index_cast %parallel_loop3A_130 : i32 to index
        %parallel_loop3A_282 = arith.constant 80 : index
        %parallel_loop3A_283 = tpu.vector_load %arg9[%parallel_loop3A_281, %parallel_loop3A_282] {strides = array<i32>} : memref<128x256xf32, #tpu.memory_space<vmem>>, vector<1x16xf32>,
        %parallel_loop3A_284 = vector.shape_cast %parallel_loop3A_283 : vector<1x16xf32> to vector<16xf32>
        %parallel_loop3A_285 = arith.constant 32 : i32
        %parallel_loop3A_286 = arith.addi %parallel_loop3A_285, %parallel_loop3A_130 : i32
        %parallel_loop3A_287 = arith.index_cast %parallel_loop3A_286 : i32 to index
        %parallel_loop3A_288 = arith.constant 80 : index
        %parallel_loop3A_289 = tpu.vector_load %arg9[%parallel_loop3A_287, %parallel_loop3A_288] {strides = array<i32>} : memref<128x256xf32, #tpu.memory_space<vmem>>, vector<1x16xf32>,
        %parallel_loop3A_290 = vector.shape_cast %parallel_loop3A_289 : vector<1x16xf32> to vector<16xf32>
        %parallel_loop3A_291 = arith.addf %parallel_loop3A_284, %parallel_loop3A_290 : vector<16xf32>
        %parallel_loop3A_292 = arith.constant 64 : i32
        %parallel_loop3A_293 = arith.addi %parallel_loop3A_292, %parallel_loop3A_130 : i32
        %parallel_loop3A_294 = arith.index_cast %parallel_loop3A_293 : i32 to index
        %parallel_loop3A_295 = arith.constant 80 : index
        %parallel_loop3A_296 = tpu.vector_load %arg9[%parallel_loop3A_294, %parallel_loop3A_295] {strides = array<i32>} : memref<128x256xf32, #tpu.memory_space<vmem>>, vector<1x16xf32>,
        %parallel_loop3A_297 = vector.shape_cast %parallel_loop3A_296 : vector<1x16xf32> to vector<16xf32>
        %parallel_loop3A_298 = arith.constant 96 : i32
        %parallel_loop3A_299 = arith.addi %parallel_loop3A_298, %parallel_loop3A_130 : i32
        %parallel_loop3A_300 = arith.index_cast %parallel_loop3A_299 : i32 to index
        %parallel_loop3A_301 = arith.constant 80 : index
        %parallel_loop3A_302 = tpu.vector_load %arg9[%parallel_loop3A_300, %parallel_loop3A_301] {strides = array<i32>} : memref<128x256xf32, #tpu.memory_space<vmem>>, vector<1x16xf32>,
        %parallel_loop3A_303 = vector.shape_cast %parallel_loop3A_302 : vector<1x16xf32> to vector<16xf32>
        %parallel_loop3A_304 = arith.addf %parallel_loop3A_297, %parallel_loop3A_303 : vector<16xf32>
        %parallel_loop3A_305 = arith.addf %parallel_loop3A_291, %parallel_loop3A_304 : vector<16xf32>
        %parallel_loop3A_306 = arith.index_cast %parallel_loop3A_130 : i32 to index
        %parallel_loop3A_307 = arith.constant 80 : index
        %parallel_loop3A_308 = tpu.vector_load %arg9[%parallel_loop3A_306, %parallel_loop3A_307] {strides = array<i32>} : memref<128x256xf32, #tpu.memory_space<vmem>>, vector<1x16xf32>,
        %parallel_loop3A_309 = vector.shape_cast %parallel_loop3A_308 : vector<1x16xf32> to vector<16xf32>
        %parallel_loop3A_310 = vector.shape_cast %parallel_loop3A_305 : vector<16xf32> to vector<1x16xf32>
        tpu.vector_store %arg9[%parallel_loop3A_306, %parallel_loop3A_307], %parallel_loop3A_310 {strides = array<i32>} : memref<128x256xf32, #tpu.memory_space<vmem>>, vector<1x16xf32>,
        %parallel_loop3A_311 = arith.index_cast %parallel_loop3A_130 : i32 to index
        %parallel_loop3A_312 = arith.constant 96 : index
        %parallel_loop3A_313 = tpu.vector_load %arg9[%parallel_loop3A_311, %parallel_loop3A_312] {strides = array<i32>} : memref<128x256xf32, #tpu.memory_space<vmem>>, vector<1x16xf32>,
        %parallel_loop3A_314 = vector.shape_cast %parallel_loop3A_313 : vector<1x16xf32> to vector<16xf32>
        %parallel_loop3A_315 = arith.constant 32 : i32
        %parallel_loop3A_316 = arith.addi %parallel_loop3A_315, %parallel_loop3A_130 : i32
        %parallel_loop3A_317 = arith.index_cast %parallel_loop3A_316 : i32 to index
        %parallel_loop3A_318 = arith.constant 96 : index
        %parallel_loop3A_319 = tpu.vector_load %arg9[%parallel_loop3A_317, %parallel_loop3A_318] {strides = array<i32>} : memref<128x256xf32, #tpu.memory_space<vmem>>, vector<1x16xf32>,
        %parallel_loop3A_320 = vector.shape_cast %parallel_loop3A_319 : vector<1x16xf32> to vector<16xf32>
        %parallel_loop3A_321 = arith.addf %parallel_loop3A_314, %parallel_loop3A_320 : vector<16xf32>
        %parallel_loop3A_322 = arith.constant 64 : i32
        %parallel_loop3A_323 = arith.addi %parallel_loop3A_322, %parallel_loop3A_130 : i32
        %parallel_loop3A_324 = arith.index_cast %parallel_loop3A_323 : i32 to index
        %parallel_loop3A_325 = arith.constant 96 : index
        %parallel_loop3A_326 = tpu.vector_load %arg9[%parallel_loop3A_324, %parallel_loop3A_325] {strides = array<i32>} : memref<128x256xf32, #tpu.memory_space<vmem>>, vector<1x16xf32>,
        %parallel_loop3A_327 = vector.shape_cast %parallel_loop3A_326 : vector<1x16xf32> to vector<16xf32>
        %parallel_loop3A_328 = arith.constant 96 : i32
        %parallel_loop3A_329 = arith.addi %parallel_loop3A_328, %parallel_loop3A_130 : i32
        %parallel_loop3A_330 = arith.index_cast %parallel_loop3A_329 : i32 to index
        %parallel_loop3A_331 = arith.constant 96 : index
        %parallel_loop3A_332 = tpu.vector_load %arg9[%parallel_loop3A_330, %parallel_loop3A_331] {strides = array<i32>} : memref<128x256xf32, #tpu.memory_space<vmem>>, vector<1x16xf32>,
        %parallel_loop3A_333 = vector.shape_cast %parallel_loop3A_332 : vector<1x16xf32> to vector<16xf32>
        %parallel_loop3A_334 = arith.addf %parallel_loop3A_327, %parallel_loop3A_333 : vector<16xf32>
        %parallel_loop3A_335 = arith.addf %parallel_loop3A_321, %parallel_loop3A_334 : vector<16xf32>
        %parallel_loop3A_336 = arith.index_cast %parallel_loop3A_130 : i32 to index
        %parallel_loop3A_337 = arith.constant 96 : index
        %parallel_loop3A_338 = tpu.vector_load %arg9[%parallel_loop3A_336, %parallel_loop3A_337] {strides = array<i32>} : memref<128x256xf32, #tpu.memory_space<vmem>>, vector<1x16xf32>,
        %parallel_loop3A_339 = vector.shape_cast %parallel_loop3A_338 : vector<1x16xf32> to vector<16xf32>
        %parallel_loop3A_340 = vector.shape_cast %parallel_loop3A_335 : vector<16xf32> to vector<1x16xf32>
        tpu.vector_store %arg9[%parallel_loop3A_336, %parallel_loop3A_337], %parallel_loop3A_340 {strides = array<i32>} : memref<128x256xf32, #tpu.memory_space<vmem>>, vector<1x16xf32>,
        %parallel_loop3A_341 = arith.index_cast %parallel_loop3A_130 : i32 to index
        %parallel_loop3A_342 = arith.constant 112 : index
        %parallel_loop3A_343 = tpu.vector_load %arg9[%parallel_loop3A_341, %parallel_loop3A_342] {strides = array<i32>} : memref<128x256xf32, #tpu.memory_space<vmem>>, vector<1x16xf32>,
        %parallel_loop3A_344 = vector.shape_cast %parallel_loop3A_343 : vector<1x16xf32> to vector<16xf32>
        %parallel_loop3A_345 = arith.constant 32 : i32
        %parallel_loop3A_346 = arith.addi %parallel_loop3A_345, %parallel_loop3A_130 : i32
        %parallel_loop3A_347 = arith.index_cast %parallel_loop3A_346 : i32 to index
        %parallel_loop3A_348 = arith.constant 112 : index
        %parallel_loop3A_349 = tpu.vector_load %arg9[%parallel_loop3A_347, %parallel_loop3A_348] {strides = array<i32>} : memref<128x256xf32, #tpu.memory_space<vmem>>, vector<1x16xf32>,
        %parallel_loop3A_350 = vector.shape_cast %parallel_loop3A_349 : vector<1x16xf32> to vector<16xf32>
        %parallel_loop3A_351 = arith.addf %parallel_loop3A_344, %parallel_loop3A_350 : vector<16xf32>
        %parallel_loop3A_352 = arith.constant 64 : i32
        %parallel_loop3A_353 = arith.addi %parallel_loop3A_352, %parallel_loop3A_130 : i32
        %parallel_loop3A_354 = arith.index_cast %parallel_loop3A_353 : i32 to index
        %parallel_loop3A_355 = arith.constant 112 : index
        %parallel_loop3A_356 = tpu.vector_load %arg9[%parallel_loop3A_354, %parallel_loop3A_355] {strides = array<i32>} : memref<128x256xf32, #tpu.memory_space<vmem>>, vector<1x16xf32>,
        %parallel_loop3A_357 = vector.shape_cast %parallel_loop3A_356 : vector<1x16xf32> to vector<16xf32>
        %parallel_loop3A_358 = arith.constant 96 : i32
        %parallel_loop3A_359 = arith.addi %parallel_loop3A_358, %parallel_loop3A_130 : i32
        %parallel_loop3A_360 = arith.index_cast %parallel_loop3A_359 : i32 to index
        %parallel_loop3A_361 = arith.constant 112 : index
        %parallel_loop3A_362 = tpu.vector_load %arg9[%parallel_loop3A_360, %parallel_loop3A_361] {strides = array<i32>} : memref<128x256xf32, #tpu.memory_space<vmem>>, vector<1x16xf32>,
        %parallel_loop3A_363 = vector.shape_cast %parallel_loop3A_362 : vector<1x16xf32> to vector<16xf32>
        %parallel_loop3A_364 = arith.addf %parallel_loop3A_357, %parallel_loop3A_363 : vector<16xf32>
        %parallel_loop3A_365 = arith.addf %parallel_loop3A_351, %parallel_loop3A_364 : vector<16xf32>
        %parallel_loop3A_366 = arith.index_cast %parallel_loop3A_130 : i32 to index
        %parallel_loop3A_367 = arith.constant 112 : index
        %parallel_loop3A_368 = tpu.vector_load %arg9[%parallel_loop3A_366, %parallel_loop3A_367] {strides = array<i32>} : memref<128x256xf32, #tpu.memory_space<vmem>>, vector<1x16xf32>,
        %parallel_loop3A_369 = vector.shape_cast %parallel_loop3A_368 : vector<1x16xf32> to vector<16xf32>
        %parallel_loop3A_370 = vector.shape_cast %parallel_loop3A_365 : vector<16xf32> to vector<1x16xf32>
        tpu.vector_store %arg9[%parallel_loop3A_366, %parallel_loop3A_367], %parallel_loop3A_370 {strides = array<i32>} : memref<128x256xf32, #tpu.memory_space<vmem>>, vector<1x16xf32>,
        %parallel_loop3A_371 = arith.index_cast %parallel_loop3A_130 : i32 to index
        %parallel_loop3A_372 = arith.constant 128 : index
        %parallel_loop3A_373 = tpu.vector_load %arg9[%parallel_loop3A_371, %parallel_loop3A_372] {strides = array<i32>} : memref<128x256xf32, #tpu.memory_space<vmem>>, vector<1x16xf32>,
        %parallel_loop3A_374 = vector.shape_cast %parallel_loop3A_373 : vector<1x16xf32> to vector<16xf32>
        %parallel_loop3A_375 = arith.constant 32 : i32
        %parallel_loop3A_376 = arith.addi %parallel_loop3A_375, %parallel_loop3A_130 : i32
        %parallel_loop3A_377 = arith.index_cast %parallel_loop3A_376 : i32 to index
        %parallel_loop3A_378 = arith.constant 128 : index
        %parallel_loop3A_379 = tpu.vector_load %arg9[%parallel_loop3A_377, %parallel_loop3A_378] {strides = array<i32>} : memref<128x256xf32, #tpu.memory_space<vmem>>, vector<1x16xf32>,
        %parallel_loop3A_380 = vector.shape_cast %parallel_loop3A_379 : vector<1x16xf32> to vector<16xf32>
        %parallel_loop3A_381 = arith.addf %parallel_loop3A_374, %parallel_loop3A_380 : vector<16xf32>
        %parallel_loop3A_382 = arith.constant 64 : i32
        %parallel_loop3A_383 = arith.addi %parallel_loop3A_382, %parallel_loop3A_130 : i32
        %parallel_loop3A_384 = arith.index_cast %parallel_loop3A_383 : i32 to index
        %parallel_loop3A_385 = arith.constant 128 : index
        %parallel_loop3A_386 = tpu.vector_load %arg9[%parallel_loop3A_384, %parallel_loop3A_385] {strides = array<i32>} : memref<128x256xf32, #tpu.memory_space<vmem>>, vector<1x16xf32>,
        %parallel_loop3A_387 = vector.shape_cast %parallel_loop3A_386 : vector<1x16xf32> to vector<16xf32>
        %parallel_loop3A_388 = arith.constant 96 : i32
        %parallel_loop3A_389 = arith.addi %parallel_loop3A_388, %parallel_loop3A_130 : i32
        %parallel_loop3A_390 = arith.index_cast %parallel_loop3A_389 : i32 to index
        %parallel_loop3A_391 = arith.constant 128 : index
        %parallel_loop3A_392 = tpu.vector_load %arg9[%parallel_loop3A_390, %parallel_loop3A_391] {strides = array<i32>} : memref<128x256xf32, #tpu.memory_space<vmem>>, vector<1x16xf32>,
        %parallel_loop3A_393 = vector.shape_cast %parallel_loop3A_392 : vector<1x16xf32> to vector<16xf32>
        %parallel_loop3A_394 = arith.addf %parallel_loop3A_387, %parallel_loop3A_393 : vector<16xf32>
        %parallel_loop3A_395 = arith.addf %parallel_loop3A_381, %parallel_loop3A_394 : vector<16xf32>
        %parallel_loop3A_396 = arith.index_cast %parallel_loop3A_130 : i32 to index
        %parallel_loop3A_397 = arith.constant 128 : index
        %parallel_loop3A_398 = tpu.vector_load %arg9[%parallel_loop3A_396, %parallel_loop3A_397] {strides = array<i32>} : memref<128x256xf32, #tpu.memory_space<vmem>>, vector<1x16xf32>,
        %parallel_loop3A_399 = vector.shape_cast %parallel_loop3A_398 : vector<1x16xf32> to vector<16xf32>
        %parallel_loop3A_400 = vector.shape_cast %parallel_loop3A_395 : vector<16xf32> to vector<1x16xf32>
        tpu.vector_store %arg9[%parallel_loop3A_396, %parallel_loop3A_397], %parallel_loop3A_400 {strides = array<i32>} : memref<128x256xf32, #tpu.memory_space<vmem>>, vector<1x16xf32>,
        %parallel_loop3A_401 = arith.index_cast %parallel_loop3A_130 : i32 to index
        %parallel_loop3A_402 = arith.constant 144 : index
        %parallel_loop3A_403 = tpu.vector_load %arg9[%parallel_loop3A_401, %parallel_loop3A_402] {strides = array<i32>} : memref<128x256xf32, #tpu.memory_space<vmem>>, vector<1x16xf32>,
        %parallel_loop3A_404 = vector.shape_cast %parallel_loop3A_403 : vector<1x16xf32> to vector<16xf32>
        %parallel_loop3A_405 = arith.constant 32 : i32
        %parallel_loop3A_406 = arith.addi %parallel_loop3A_405, %parallel_loop3A_130 : i32
        %parallel_loop3A_407 = arith.index_cast %parallel_loop3A_406 : i32 to index
        %parallel_loop3A_408 = arith.constant 144 : index
        %parallel_loop3A_409 = tpu.vector_load %arg9[%parallel_loop3A_407, %parallel_loop3A_408] {strides = array<i32>} : memref<128x256xf32, #tpu.memory_space<vmem>>, vector<1x16xf32>,
        %parallel_loop3A_410 = vector.shape_cast %parallel_loop3A_409 : vector<1x16xf32> to vector<16xf32>
        %parallel_loop3A_411 = arith.addf %parallel_loop3A_404, %parallel_loop3A_410 : vector<16xf32>
        %parallel_loop3A_412 = arith.constant 64 : i32
        %parallel_loop3A_413 = arith.addi %parallel_loop3A_412, %parallel_loop3A_130 : i32
        %parallel_loop3A_414 = arith.index_cast %parallel_loop3A_413 : i32 to index
        %parallel_loop3A_415 = arith.constant 144 : index
        %parallel_loop3A_416 = tpu.vector_load %arg9[%parallel_loop3A_414, %parallel_loop3A_415] {strides = array<i32>} : memref<128x256xf32, #tpu.memory_space<vmem>>, vector<1x16xf32>,
        %parallel_loop3A_417 = vector.shape_cast %parallel_loop3A_416 : vector<1x16xf32> to vector<16xf32>
        %parallel_loop3A_418 = arith.constant 96 : i32
        %parallel_loop3A_419 = arith.addi %parallel_loop3A_418, %parallel_loop3A_130 : i32
        %parallel_loop3A_420 = arith.index_cast %parallel_loop3A_419 : i32 to index
        %parallel_loop3A_421 = arith.constant 144 : index
        %parallel_loop3A_422 = tpu.vector_load %arg9[%parallel_loop3A_420, %parallel_loop3A_421] {strides = array<i32>} : memref<128x256xf32, #tpu.memory_space<vmem>>, vector<1x16xf32>,
        %parallel_loop3A_423 = vector.shape_cast %parallel_loop3A_422 : vector<1x16xf32> to vector<16xf32>
        %parallel_loop3A_424 = arith.addf %parallel_loop3A_417, %parallel_loop3A_423 : vector<16xf32>
        %parallel_loop3A_425 = arith.addf %parallel_loop3A_411, %parallel_loop3A_424 : vector<16xf32>
        %parallel_loop3A_426 = arith.index_cast %parallel_loop3A_130 : i32 to index
        %parallel_loop3A_427 = arith.constant 144 : index
        %parallel_loop3A_428 = tpu.vector_load %arg9[%parallel_loop3A_426, %parallel_loop3A_427] {strides = array<i32>} : memref<128x256xf32, #tpu.memory_space<vmem>>, vector<1x16xf32>,
        %parallel_loop3A_429 = vector.shape_cast %parallel_loop3A_428 : vector<1x16xf32> to vector<16xf32>
        %parallel_loop3A_430 = vector.shape_cast %parallel_loop3A_425 : vector<16xf32> to vector<1x16xf32>
        tpu.vector_store %arg9[%parallel_loop3A_426, %parallel_loop3A_427], %parallel_loop3A_430 {strides = array<i32>} : memref<128x256xf32, #tpu.memory_space<vmem>>, vector<1x16xf32>,
        %parallel_loop3A_431 = arith.index_cast %parallel_loop3A_130 : i32 to index
        %parallel_loop3A_432 = arith.constant 160 : index
        %parallel_loop3A_433 = tpu.vector_load %arg9[%parallel_loop3A_431, %parallel_loop3A_432] {strides = array<i32>} : memref<128x256xf32, #tpu.memory_space<vmem>>, vector<1x16xf32>,
        %parallel_loop3A_434 = vector.shape_cast %parallel_loop3A_433 : vector<1x16xf32> to vector<16xf32>
        %parallel_loop3A_435 = arith.constant 32 : i32
        %parallel_loop3A_436 = arith.addi %parallel_loop3A_435, %parallel_loop3A_130 : i32
        %parallel_loop3A_437 = arith.index_cast %parallel_loop3A_436 : i32 to index
        %parallel_loop3A_438 = arith.constant 160 : index
        %parallel_loop3A_439 = tpu.vector_load %arg9[%parallel_loop3A_437, %parallel_loop3A_438] {strides = array<i32>} : memref<128x256xf32, #tpu.memory_space<vmem>>, vector<1x16xf32>,
        %parallel_loop3A_440 = vector.shape_cast %parallel_loop3A_439 : vector<1x16xf32> to vector<16xf32>
        %parallel_loop3A_441 = arith.addf %parallel_loop3A_434, %parallel_loop3A_440 : vector<16xf32>
        %parallel_loop3A_442 = arith.constant 64 : i32
        %parallel_loop3A_443 = arith.addi %parallel_loop3A_442, %parallel_loop3A_130 : i32
        %parallel_loop3A_444 = arith.index_cast %parallel_loop3A_443 : i32 to index
        %parallel_loop3A_445 = arith.constant 160 : index
        %parallel_loop3A_446 = tpu.vector_load %arg9[%parallel_loop3A_444, %parallel_loop3A_445] {strides = array<i32>} : memref<128x256xf32, #tpu.memory_space<vmem>>, vector<1x16xf32>,
        %parallel_loop3A_447 = vector.shape_cast %parallel_loop3A_446 : vector<1x16xf32> to vector<16xf32>
        %parallel_loop3A_448 = arith.constant 96 : i32
        %parallel_loop3A_449 = arith.addi %parallel_loop3A_448, %parallel_loop3A_130 : i32
        %parallel_loop3A_450 = arith.index_cast %parallel_loop3A_449 : i32 to index
        %parallel_loop3A_451 = arith.constant 160 : index
        %parallel_loop3A_452 = tpu.vector_load %arg9[%parallel_loop3A_450, %parallel_loop3A_451] {strides = array<i32>} : memref<128x256xf32, #tpu.memory_space<vmem>>, vector<1x16xf32>,
        %parallel_loop3A_453 = vector.shape_cast %parallel_loop3A_452 : vector<1x16xf32> to vector<16xf32>
        %parallel_loop3A_454 = arith.addf %parallel_loop3A_447, %parallel_loop3A_453 : vector<16xf32>
        %parallel_loop3A_455 = arith.addf %parallel_loop3A_441, %parallel_loop3A_454 : vector<16xf32>
        %parallel_loop3A_456 = arith.index_cast %parallel_loop3A_130 : i32 to index
        %parallel_loop3A_457 = arith.constant 160 : index
        %parallel_loop3A_458 = tpu.vector_load %arg9[%parallel_loop3A_456, %parallel_loop3A_457] {strides = array<i32>} : memref<128x256xf32, #tpu.memory_space<vmem>>, vector<1x16xf32>,
        %parallel_loop3A_459 = vector.shape_cast %parallel_loop3A_458 : vector<1x16xf32> to vector<16xf32>
        %parallel_loop3A_460 = vector.shape_cast %parallel_loop3A_455 : vector<16xf32> to vector<1x16xf32>
        tpu.vector_store %arg9[%parallel_loop3A_456, %parallel_loop3A_457], %parallel_loop3A_460 {strides = array<i32>} : memref<128x256xf32, #tpu.memory_space<vmem>>, vector<1x16xf32>,
        %parallel_loop3A_461 = arith.index_cast %parallel_loop3A_130 : i32 to index
        %parallel_loop3A_462 = arith.constant 176 : index
        %parallel_loop3A_463 = tpu.vector_load %arg9[%parallel_loop3A_461, %parallel_loop3A_462] {strides = array<i32>} : memref<128x256xf32, #tpu.memory_space<vmem>>, vector<1x16xf32>,
        %parallel_loop3A_464 = vector.shape_cast %parallel_loop3A_463 : vector<1x16xf32> to vector<16xf32>
        %parallel_loop3A_465 = arith.constant 32 : i32
        %parallel_loop3A_466 = arith.addi %parallel_loop3A_465, %parallel_loop3A_130 : i32
        %parallel_loop3A_467 = arith.index_cast %parallel_loop3A_466 : i32 to index
        %parallel_loop3A_468 = arith.constant 176 : index
        %parallel_loop3A_469 = tpu.vector_load %arg9[%parallel_loop3A_467, %parallel_loop3A_468] {strides = array<i32>} : memref<128x256xf32, #tpu.memory_space<vmem>>, vector<1x16xf32>,
        %parallel_loop3A_470 = vector.shape_cast %parallel_loop3A_469 : vector<1x16xf32> to vector<16xf32>
        %parallel_loop3A_471 = arith.addf %parallel_loop3A_464, %parallel_loop3A_470 : vector<16xf32>
        %parallel_loop3A_472 = arith.constant 64 : i32
        %parallel_loop3A_473 = arith.addi %parallel_loop3A_472, %parallel_loop3A_130 : i32
        %parallel_loop3A_474 = arith.index_cast %parallel_loop3A_473 : i32 to index
        %parallel_loop3A_475 = arith.constant 176 : index
        %parallel_loop3A_476 = tpu.vector_load %arg9[%parallel_loop3A_474, %parallel_loop3A_475] {strides = array<i32>} : memref<128x256xf32, #tpu.memory_space<vmem>>, vector<1x16xf32>,
        %parallel_loop3A_477 = vector.shape_cast %parallel_loop3A_476 : vector<1x16xf32> to vector<16xf32>
        %parallel_loop3A_478 = arith.constant 96 : i32
        %parallel_loop3A_479 = arith.addi %parallel_loop3A_478, %parallel_loop3A_130 : i32
        %parallel_loop3A_480 = arith.index_cast %parallel_loop3A_479 : i32 to index
        %parallel_loop3A_481 = arith.constant 176 : index
        %parallel_loop3A_482 = tpu.vector_load %arg9[%parallel_loop3A_480, %parallel_loop3A_481] {strides = array<i32>} : memref<128x256xf32, #tpu.memory_space<vmem>>, vector<1x16xf32>,
        %parallel_loop3A_483 = vector.shape_cast %parallel_loop3A_482 : vector<1x16xf32> to vector<16xf32>
        %parallel_loop3A_484 = arith.addf %parallel_loop3A_477, %parallel_loop3A_483 : vector<16xf32>
        %parallel_loop3A_485 = arith.addf %parallel_loop3A_471, %parallel_loop3A_484 : vector<16xf32>
        %parallel_loop3A_486 = arith.index_cast %parallel_loop3A_130 : i32 to index
        %parallel_loop3A_487 = arith.constant 176 : index
        %parallel_loop3A_488 = tpu.vector_load %arg9[%parallel_loop3A_486, %parallel_loop3A_487] {strides = array<i32>} : memref<128x256xf32, #tpu.memory_space<vmem>>, vector<1x16xf32>,
        %parallel_loop3A_489 = vector.shape_cast %parallel_loop3A_488 : vector<1x16xf32> to vector<16xf32>
        %parallel_loop3A_490 = vector.shape_cast %parallel_loop3A_485 : vector<16xf32> to vector<1x16xf32>
        tpu.vector_store %arg9[%parallel_loop3A_486, %parallel_loop3A_487], %parallel_loop3A_490 {strides = array<i32>} : memref<128x256xf32, #tpu.memory_space<vmem>>, vector<1x16xf32>,
        %parallel_loop3A_491 = arith.index_cast %parallel_loop3A_130 : i32 to index
        %parallel_loop3A_492 = arith.constant 192 : index
        %parallel_loop3A_493 = tpu.vector_load %arg9[%parallel_loop3A_491, %parallel_loop3A_492] {strides = array<i32>} : memref<128x256xf32, #tpu.memory_space<vmem>>, vector<1x16xf32>,
        %parallel_loop3A_494 = vector.shape_cast %parallel_loop3A_493 : vector<1x16xf32> to vector<16xf32>
        %parallel_loop3A_495 = arith.constant 32 : i32
        %parallel_loop3A_496 = arith.addi %parallel_loop3A_495, %parallel_loop3A_130 : i32
        %parallel_loop3A_497 = arith.index_cast %parallel_loop3A_496 : i32 to index
        %parallel_loop3A_498 = arith.constant 192 : index
        %parallel_loop3A_499 = tpu.vector_load %arg9[%parallel_loop3A_497, %parallel_loop3A_498] {strides = array<i32>} : memref<128x256xf32, #tpu.memory_space<vmem>>, vector<1x16xf32>,
        %parallel_loop3A_500 = vector.shape_cast %parallel_loop3A_499 : vector<1x16xf32> to vector<16xf32>
        %parallel_loop3A_501 = arith.addf %parallel_loop3A_494, %parallel_loop3A_500 : vector<16xf32>
        %parallel_loop3A_502 = arith.constant 64 : i32
        %parallel_loop3A_503 = arith.addi %parallel_loop3A_502, %parallel_loop3A_130 : i32
        %parallel_loop3A_504 = arith.index_cast %parallel_loop3A_503 : i32 to index
        %parallel_loop3A_505 = arith.constant 192 : index
        %parallel_loop3A_506 = tpu.vector_load %arg9[%parallel_loop3A_504, %parallel_loop3A_505] {strides = array<i32>} : memref<128x256xf32, #tpu.memory_space<vmem>>, vector<1x16xf32>,
        %parallel_loop3A_507 = vector.shape_cast %parallel_loop3A_506 : vector<1x16xf32> to vector<16xf32>
        %parallel_loop3A_508 = arith.constant 96 : i32
        %parallel_loop3A_509 = arith.addi %parallel_loop3A_508, %parallel_loop3A_130 : i32
        %parallel_loop3A_510 = arith.index_cast %parallel_loop3A_509 : i32 to index
        %parallel_loop3A_511 = arith.constant 192 : index
        %parallel_loop3A_512 = tpu.vector_load %arg9[%parallel_loop3A_510, %parallel_loop3A_511] {strides = array<i32>} : memref<128x256xf32, #tpu.memory_space<vmem>>, vector<1x16xf32>,
        %parallel_loop3A_513 = vector.shape_cast %parallel_loop3A_512 : vector<1x16xf32> to vector<16xf32>
        %parallel_loop3A_514 = arith.addf %parallel_loop3A_507, %parallel_loop3A_513 : vector<16xf32>
        %parallel_loop3A_515 = arith.addf %parallel_loop3A_501, %parallel_loop3A_514 : vector<16xf32>
        %parallel_loop3A_516 = arith.index_cast %parallel_loop3A_130 : i32 to index
        %parallel_loop3A_517 = arith.constant 192 : index
        %parallel_loop3A_518 = tpu.vector_load %arg9[%parallel_loop3A_516, %parallel_loop3A_517] {strides = array<i32>} : memref<128x256xf32, #tpu.memory_space<vmem>>, vector<1x16xf32>,
        %parallel_loop3A_519 = vector.shape_cast %parallel_loop3A_518 : vector<1x16xf32> to vector<16xf32>
        %parallel_loop3A_520 = vector.shape_cast %parallel_loop3A_515 : vector<16xf32> to vector<1x16xf32>
        tpu.vector_store %arg9[%parallel_loop3A_516, %parallel_loop3A_517], %parallel_loop3A_520 {strides = array<i32>} : memref<128x256xf32, #tpu.memory_space<vmem>>, vector<1x16xf32>,
        %parallel_loop3A_521 = arith.index_cast %parallel_loop3A_130 : i32 to index
        %parallel_loop3A_522 = arith.constant 208 : index
        %parallel_loop3A_523 = tpu.vector_load %arg9[%parallel_loop3A_521, %parallel_loop3A_522] {strides = array<i32>} : memref<128x256xf32, #tpu.memory_space<vmem>>, vector<1x16xf32>,
        %parallel_loop3A_524 = vector.shape_cast %parallel_loop3A_523 : vector<1x16xf32> to vector<16xf32>
        %parallel_loop3A_525 = arith.constant 32 : i32
        %parallel_loop3A_526 = arith.addi %parallel_loop3A_525, %parallel_loop3A_130 : i32
        %parallel_loop3A_527 = arith.index_cast %parallel_loop3A_526 : i32 to index
        %parallel_loop3A_528 = arith.constant 208 : index
        %parallel_loop3A_529 = tpu.vector_load %arg9[%parallel_loop3A_527, %parallel_loop3A_528] {strides = array<i32>} : memref<128x256xf32, #tpu.memory_space<vmem>>, vector<1x16xf32>,
        %parallel_loop3A_530 = vector.shape_cast %parallel_loop3A_529 : vector<1x16xf32> to vector<16xf32>
        %parallel_loop3A_531 = arith.addf %parallel_loop3A_524, %parallel_loop3A_530 : vector<16xf32>
        %parallel_loop3A_532 = arith.constant 64 : i32
        %parallel_loop3A_533 = arith.addi %parallel_loop3A_532, %parallel_loop3A_130 : i32
        %parallel_loop3A_534 = arith.index_cast %parallel_loop3A_533 : i32 to index
        %parallel_loop3A_535 = arith.constant 208 : index
        %parallel_loop3A_536 = tpu.vector_load %arg9[%parallel_loop3A_534, %parallel_loop3A_535] {strides = array<i32>} : memref<128x256xf32, #tpu.memory_space<vmem>>, vector<1x16xf32>,
        %parallel_loop3A_537 = vector.shape_cast %parallel_loop3A_536 : vector<1x16xf32> to vector<16xf32>
        %parallel_loop3A_538 = arith.constant 96 : i32
        %parallel_loop3A_539 = arith.addi %parallel_loop3A_538, %parallel_loop3A_130 : i32
        %parallel_loop3A_540 = arith.index_cast %parallel_loop3A_539 : i32 to index
        %parallel_loop3A_541 = arith.constant 208 : index
        %parallel_loop3A_542 = tpu.vector_load %arg9[%parallel_loop3A_540, %parallel_loop3A_541] {strides = array<i32>} : memref<128x256xf32, #tpu.memory_space<vmem>>, vector<1x16xf32>,
        %parallel_loop3A_543 = vector.shape_cast %parallel_loop3A_542 : vector<1x16xf32> to vector<16xf32>
        %parallel_loop3A_544 = arith.addf %parallel_loop3A_537, %parallel_loop3A_543 : vector<16xf32>
        %parallel_loop3A_545 = arith.addf %parallel_loop3A_531, %parallel_loop3A_544 : vector<16xf32>
        %parallel_loop3A_546 = arith.index_cast %parallel_loop3A_130 : i32 to index
        %parallel_loop3A_547 = arith.constant 208 : index
        %parallel_loop3A_548 = tpu.vector_load %arg9[%parallel_loop3A_546, %parallel_loop3A_547] {strides = array<i32>} : memref<128x256xf32, #tpu.memory_space<vmem>>, vector<1x16xf32>,
        %parallel_loop3A_549 = vector.shape_cast %parallel_loop3A_548 : vector<1x16xf32> to vector<16xf32>
        %parallel_loop3A_550 = vector.shape_cast %parallel_loop3A_545 : vector<16xf32> to vector<1x16xf32>
        tpu.vector_store %arg9[%parallel_loop3A_546, %parallel_loop3A_547], %parallel_loop3A_550 {strides = array<i32>} : memref<128x256xf32, #tpu.memory_space<vmem>>, vector<1x16xf32>,
        %parallel_loop3A_551 = arith.index_cast %parallel_loop3A_130 : i32 to index
        %parallel_loop3A_552 = arith.constant 224 : index
        %parallel_loop3A_553 = tpu.vector_load %arg9[%parallel_loop3A_551, %parallel_loop3A_552] {strides = array<i32>} : memref<128x256xf32, #tpu.memory_space<vmem>>, vector<1x16xf32>,
        %parallel_loop3A_554 = vector.shape_cast %parallel_loop3A_553 : vector<1x16xf32> to vector<16xf32>
        %parallel_loop3A_555 = arith.constant 32 : i32
        %parallel_loop3A_556 = arith.addi %parallel_loop3A_555, %parallel_loop3A_130 : i32
        %parallel_loop3A_557 = arith.index_cast %parallel_loop3A_556 : i32 to index
        %parallel_loop3A_558 = arith.constant 224 : index
        %parallel_loop3A_559 = tpu.vector_load %arg9[%parallel_loop3A_557, %parallel_loop3A_558] {strides = array<i32>} : memref<128x256xf32, #tpu.memory_space<vmem>>, vector<1x16xf32>,
        %parallel_loop3A_560 = vector.shape_cast %parallel_loop3A_559 : vector<1x16xf32> to vector<16xf32>
        %parallel_loop3A_561 = arith.addf %parallel_loop3A_554, %parallel_loop3A_560 : vector<16xf32>
        %parallel_loop3A_562 = arith.constant 64 : i32
        %parallel_loop3A_563 = arith.addi %parallel_loop3A_562, %parallel_loop3A_130 : i32
        %parallel_loop3A_564 = arith.index_cast %parallel_loop3A_563 : i32 to index
        %parallel_loop3A_565 = arith.constant 224 : index
        %parallel_loop3A_566 = tpu.vector_load %arg9[%parallel_loop3A_564, %parallel_loop3A_565] {strides = array<i32>} : memref<128x256xf32, #tpu.memory_space<vmem>>, vector<1x16xf32>,
        %parallel_loop3A_567 = vector.shape_cast %parallel_loop3A_566 : vector<1x16xf32> to vector<16xf32>
        %parallel_loop3A_568 = arith.constant 96 : i32
        %parallel_loop3A_569 = arith.addi %parallel_loop3A_568, %parallel_loop3A_130 : i32
        %parallel_loop3A_570 = arith.index_cast %parallel_loop3A_569 : i32 to index
        %parallel_loop3A_571 = arith.constant 224 : index
        %parallel_loop3A_572 = tpu.vector_load %arg9[%parallel_loop3A_570, %parallel_loop3A_571] {strides = array<i32>} : memref<128x256xf32, #tpu.memory_space<vmem>>, vector<1x16xf32>,
        %parallel_loop3A_573 = vector.shape_cast %parallel_loop3A_572 : vector<1x16xf32> to vector<16xf32>
        %parallel_loop3A_574 = arith.addf %parallel_loop3A_567, %parallel_loop3A_573 : vector<16xf32>
        %parallel_loop3A_575 = arith.addf %parallel_loop3A_561, %parallel_loop3A_574 : vector<16xf32>
        %parallel_loop3A_576 = arith.index_cast %parallel_loop3A_130 : i32 to index
        %parallel_loop3A_577 = arith.constant 224 : index
        %parallel_loop3A_578 = tpu.vector_load %arg9[%parallel_loop3A_576, %parallel_loop3A_577] {strides = array<i32>} : memref<128x256xf32, #tpu.memory_space<vmem>>, vector<1x16xf32>,
        %parallel_loop3A_579 = vector.shape_cast %parallel_loop3A_578 : vector<1x16xf32> to vector<16xf32>
        %parallel_loop3A_580 = vector.shape_cast %parallel_loop3A_575 : vector<16xf32> to vector<1x16xf32>
        tpu.vector_store %arg9[%parallel_loop3A_576, %parallel_loop3A_577], %parallel_loop3A_580 {strides = array<i32>} : memref<128x256xf32, #tpu.memory_space<vmem>>, vector<1x16xf32>,
        %parallel_loop3A_581 = arith.index_cast %parallel_loop3A_130 : i32 to index
        %parallel_loop3A_582 = arith.constant 240 : index
        %parallel_loop3A_583 = tpu.vector_load %arg9[%parallel_loop3A_581, %parallel_loop3A_582] {strides = array<i32>} : memref<128x256xf32, #tpu.memory_space<vmem>>, vector<1x16xf32>,
        %parallel_loop3A_584 = vector.shape_cast %parallel_loop3A_583 : vector<1x16xf32> to vector<16xf32>
        %parallel_loop3A_585 = arith.constant 32 : i32
        %parallel_loop3A_586 = arith.addi %parallel_loop3A_585, %parallel_loop3A_130 : i32
        %parallel_loop3A_587 = arith.index_cast %parallel_loop3A_586 : i32 to index
        %parallel_loop3A_588 = arith.constant 240 : index
        %parallel_loop3A_589 = tpu.vector_load %arg9[%parallel_loop3A_587, %parallel_loop3A_588] {strides = array<i32>} : memref<128x256xf32, #tpu.memory_space<vmem>>, vector<1x16xf32>,
        %parallel_loop3A_590 = vector.shape_cast %parallel_loop3A_589 : vector<1x16xf32> to vector<16xf32>
        %parallel_loop3A_591 = arith.addf %parallel_loop3A_584, %parallel_loop3A_590 : vector<16xf32>
        %parallel_loop3A_592 = arith.constant 64 : i32
        %parallel_loop3A_593 = arith.addi %parallel_loop3A_592, %parallel_loop3A_130 : i32
        %parallel_loop3A_594 = arith.index_cast %parallel_loop3A_593 : i32 to index
        %parallel_loop3A_595 = arith.constant 240 : index
        %parallel_loop3A_596 = tpu.vector_load %arg9[%parallel_loop3A_594, %parallel_loop3A_595] {strides = array<i32>} : memref<128x256xf32, #tpu.memory_space<vmem>>, vector<1x16xf32>,
        %parallel_loop3A_597 = vector.shape_cast %parallel_loop3A_596 : vector<1x16xf32> to vector<16xf32>
        %parallel_loop3A_598 = arith.constant 96 : i32
        %parallel_loop3A_599 = arith.addi %parallel_loop3A_598, %parallel_loop3A_130 : i32
        %parallel_loop3A_600 = arith.index_cast %parallel_loop3A_599 : i32 to index
        %parallel_loop3A_601 = arith.constant 240 : index
        %parallel_loop3A_602 = tpu.vector_load %arg9[%parallel_loop3A_600, %parallel_loop3A_601] {strides = array<i32>} : memref<128x256xf32, #tpu.memory_space<vmem>>, vector<1x16xf32>,
        %parallel_loop3A_603 = vector.shape_cast %parallel_loop3A_602 : vector<1x16xf32> to vector<16xf32>
        %parallel_loop3A_604 = arith.addf %parallel_loop3A_597, %parallel_loop3A_603 : vector<16xf32>
        %parallel_loop3A_605 = arith.addf %parallel_loop3A_591, %parallel_loop3A_604 : vector<16xf32>
        %parallel_loop3A_606 = arith.index_cast %parallel_loop3A_130 : i32 to index
        %parallel_loop3A_607 = arith.constant 240 : index
        %parallel_loop3A_608 = tpu.vector_load %arg9[%parallel_loop3A_606, %parallel_loop3A_607] {strides = array<i32>} : memref<128x256xf32, #tpu.memory_space<vmem>>, vector<1x16xf32>,
        %parallel_loop3A_609 = vector.shape_cast %parallel_loop3A_608 : vector<1x16xf32> to vector<16xf32>
        %parallel_loop3A_610 = vector.shape_cast %parallel_loop3A_605 : vector<16xf32> to vector<1x16xf32>
        tpu.vector_store %arg9[%parallel_loop3A_606, %parallel_loop3A_607], %parallel_loop3A_610 {strides = array<i32>} : memref<128x256xf32, #tpu.memory_space<vmem>>, vector<1x16xf32>,
      } {sc.loop_unroll_factor = 2 : i64, sc.parallel_access}
      %mul3A_97 = arith.constant 32 : i32
      %mul3A_98 = arith.muli %mul3A_53, %mul3A_97 : i32
      %add3A_99 = arith.addi %mul3A_26, %mul3A_98 : i32
      "tpu.region"() ({
        %run_scoped3A = tpu.sem_alloc : memref<!tpu.dma_semaphore, #tpu.memory_space<semaphore_mem>>
        %dma_start3A_130 = arith.constant 0 : i32
        %dma_start3A_131 = arith.constant 0 : i32
        %dma_start3A_132 = tpu.memref_slice %arg9[%dma_start3A_130, %dma_start3A_131] : memref<128x256xf32, #tpu.memory_space<vmem>> -> memref<32x256xf32, #tpu.memory_space<vmem>>
        %dma_start3A_133 = arith.constant 0 : i32
        %dma_start3A_134 = tpu.memref_slice %arg7[%add3A_99, %dma_start3A_133] : memref<161792x256xf32, #tpu.memory_space<hbm>> -> memref<32x256xf32, #tpu.memory_space<hbm>>
        %dma_start3A_135 = arith.constant 0 : i32
        %dma_start3A_136 = tpu.memref_slice %arg7[%add3A_99, %dma_start3A_135] : memref<161792x256xf32, #tpu.memory_space<hbm>> -> memref<32x256xf32, #tpu.memory_space<hbm>>
        %dma_start3A_137 = arith.constant 0 : i32
        %dma_start3A_138 = arith.constant 0 : i32
        %dma_start3A_139 = tpu.memref_slice %arg9[%dma_start3A_137, %dma_start3A_138] : memref<128x256xf32, #tpu.memory_space<vmem>> -> memref<32x256xf32, #tpu.memory_space<vmem>>
        tpu.enqueue_dma source(%dma_start3A_139 : memref<32x256xf32, #tpu.memory_space<vmem>>) target(%dma_start3A_136 : memref<32x256xf32, #tpu.memory_space<hbm>>) target_semaphore(%run_scoped3A : memref<!tpu.dma_semaphore, #tpu.memory_space<semaphore_mem>>)
        %dma_wait3A_140 = arith.constant 0 : i32
        %dma_wait3A_141 = arith.constant 0 : i32
        %dma_wait3A_142 = tpu.memref_slice %arg9[%dma_wait3A_140, %dma_wait3A_141] : memref<128x256xf32, #tpu.memory_space<vmem>> -> memref<32x256xf32, #tpu.memory_space<vmem>>
        %dma_wait3A_143 = arith.constant 0 : i32
        %dma_wait3A_144 = tpu.memref_slice %arg7[%add3A_99, %dma_wait3A_143] : memref<161792x256xf32, #tpu.memory_space<hbm>> -> memref<32x256xf32, #tpu.memory_space<hbm>>
        %dma_wait3A_145 = arith.constant 0 : i32
        %dma_wait3A_146 = tpu.memref_slice %arg7[%add3A_99, %dma_wait3A_145] : memref<161792x256xf32, #tpu.memory_space<hbm>> -> memref<32x256xf32, #tpu.memory_space<hbm>>
        %dma_wait3A_147 = arith.constant 0 : i32
        %dma_wait3A_148 = arith.constant 0 : i32
        %dma_wait3A_149 = tpu.memref_slice %arg9[%dma_wait3A_147, %dma_wait3A_148] : memref<128x256xf32, #tpu.memory_space<vmem>> -> memref<32x256xf32, #tpu.memory_space<vmem>>
        tpu.wait_dma2 semaphore(%run_scoped3A : memref<!tpu.dma_semaphore, #tpu.memory_space<semaphore_mem>>) src(%dma_wait3A_149 : memref<32x256xf32, #tpu.memory_space<vmem>>) dst(%dma_wait3A_146 : memref<32x256xf32, #tpu.memory_space<hbm>>)
        tpu.yield
      }) : () -> ()
      %lt3A = arith.constant 78 : i32
      %lt3A_100 = arith.cmpi slt, %scan3A_51, %lt3A : i32
      %convert_element_type3A = arith.extui %lt3A_100 : i1 to i32
      %cond3A = arith.constant 0 : i32
      %cond3A_101 = arith.cmpi ne, %convert_element_type3A, %cond3A : i32
      scf.if %cond3A_101 {
        %add3A_130 = arith.constant 2 : i32
        %add3A_131 = arith.addi %mul3A_53, %add3A_130 : i32
        %mul3A_132 = arith.constant 128 : i32
        %mul3A_133 = arith.muli %add3A_131, %mul3A_132 : i32
        %mul3A_134 = arith.constant 128 : i32
        %mul3A_135 = arith.muli %add3A_131, %mul3A_134 : i32
        %add3A_136 = arith.constant 64 : i32
        %add3A_137 = arith.addi %mul3A_135, %add3A_136 : i32
        %dma_start3A_138 = arith.constant 0 : i32
        %dma_start3A_139 = arith.constant 0 : i32
        %dma_start3A_140 = tpu.memref_slice %arg9[%dma_start3A_138, %dma_start3A_139] : memref<128x256xf32, #tpu.memory_space<vmem>> -> memref<64x256xf32, #tpu.memory_space<vmem>>
        %dma_start3A_141 = tpu.memref_slice %arg8[%mul3A_133] : memref<20224xi32, #tpu.memory_space<vmem>> -> memref<64xi32, #tpu.memory_space<vmem>>
        %dma_start3A_142 = arith.constant 0 : i32
        %dma_start3A_143 = arith.constant 0 : i32
        %dma_start3A_144 = tpu.memref_slice %arg5[%dma_start3A_142, %dma_start3A_143] : memref<512x256xf32, #tpu.memory_space<hbm>> -> memref<512x256xf32, #tpu.memory_space<hbm>>
        tpu.enqueue_indirect_dma source(%dma_start3A_144 : memref<512x256xf32, #tpu.memory_space<hbm>>) target(%dma_start3A_140 : memref<64x256xf32, #tpu.memory_space<vmem>>) offsets(%dma_start3A_141 : memref<64xi32, #tpu.memory_space<vmem>>) semaphore(%arg11 : memref<!tpu.dma_semaphore, #tpu.memory_space<semaphore_mem>>)
        %dma_start3A_145 = arith.constant 64 : i32
        %dma_start3A_146 = arith.constant 0 : i32
        %dma_start3A_147 = tpu.memref_slice %arg9[%dma_start3A_145, %dma_start3A_146] : memref<128x256xf32, #tpu.memory_space<vmem>> -> memref<64x256xf32, #tpu.memory_space<vmem>>
        %dma_start3A_148 = tpu.memref_slice %arg8[%add3A_137] : memref<20224xi32, #tpu.memory_space<vmem>> -> memref<64xi32, #tpu.memory_space<vmem>>
        %dma_start3A_149 = arith.constant 0 : i32
        %dma_start3A_150 = arith.constant 0 : i32
        %dma_start3A_151 = tpu.memref_slice %arg5[%dma_start3A_149, %dma_start3A_150] : memref<512x256xf32, #tpu.memory_space<hbm>> -> memref<512x256xf32, #tpu.memory_space<hbm>>
        tpu.enqueue_indirect_dma source(%dma_start3A_151 : memref<512x256xf32, #tpu.memory_space<hbm>>) target(%dma_start3A_147 : memref<64x256xf32, #tpu.memory_space<vmem>>) offsets(%dma_start3A_148 : memref<64xi32, #tpu.memory_space<vmem>>) semaphore(%arg12 : memref<!tpu.dma_semaphore, #tpu.memory_space<semaphore_mem>>)
      } else {
      }
      %add3A_102 = arith.constant 1 : i32
      %add3A_103 = arith.addi %mul3A_53, %add3A_102 : i32
      %mul3A_104 = arith.constant 128 : i32
      %mul3A_105 = arith.muli %add3A_103, %mul3A_104 : i32
      %mul3A_106 = arith.constant 128 : i32
      %mul3A_107 = arith.muli %add3A_103, %mul3A_106 : i32
      %add3A_108 = arith.constant 64 : i32
      %add3A_109 = arith.addi %mul3A_107, %add3A_108 : i32
      %dma_wait3A_110 = arith.constant 0 : i32
      %dma_wait3A_111 = arith.constant 0 : i32
      %dma_wait3A_112 = tpu.memref_slice %arg10[%dma_wait3A_110, %dma_wait3A_111] : memref<128x256xf32, #tpu.memory_space<vmem>> -> memref<64x256xf32, #tpu.memory_space<vmem>>
      %dma_wait3A_113 = tpu.memref_slice %arg8[%mul3A_105] : memref<20224xi32, #tpu.memory_space<vmem>> -> memref<64xi32, #tpu.memory_space<vmem>>
      %dma_wait3A_114 = arith.constant 0 : i32
      %dma_wait3A_115 = arith.constant 0 : i32
      %dma_wait3A_116 = tpu.memref_slice %arg5[%dma_wait3A_114, %dma_wait3A_115] : memref<512x256xf32, #tpu.memory_space<hbm>> -> memref<512x256xf32, #tpu.memory_space<hbm>>
      tpu.wait_indirect_dma semaphore(%arg13 : memref<!tpu.dma_semaphore, #tpu.memory_space<semaphore_mem>>) src(%dma_wait3A_116 : memref<512x256xf32, #tpu.memory_space<hbm>>) dst(%dma_wait3A_112 : memref<64x256xf32, #tpu.memory_space<vmem>>)
      %dma_wait3A_117 = arith.constant 64 : i32
      %dma_wait3A_118 = arith.constant 0 : i32
      %dma_wait3A_119 = tpu.memref_slice %arg10[%dma_wait3A_117, %dma_wait3A_118] : memref<128x256xf32, #tpu.memory_space<vmem>> -> memref<64x256xf32, #tpu.memory_space<vmem>>
      %dma_wait3A_120 = tpu.memref_slice %arg8[%add3A_109] : memref<20224xi32, #tpu.memory_space<vmem>> -> memref<64xi32, #tpu.memory_space<vmem>>
      %dma_wait3A_121 = arith.constant 0 : i32
      %dma_wait3A_122 = arith.constant 0 : i32
      %dma_wait3A_123 = tpu.memref_slice %arg5[%dma_wait3A_121, %dma_wait3A_122] : memref<512x256xf32, #tpu.memory_space<hbm>> -> memref<512x256xf32, #tpu.memory_space<hbm>>
      tpu.wait_indirect_dma semaphore(%arg14 : memref<!tpu.dma_semaphore, #tpu.memory_space<semaphore_mem>>) src(%dma_wait3A_123 : memref<512x256xf32, #tpu.memory_space<hbm>>) dst(%dma_wait3A_119 : memref<64x256xf32, #tpu.memory_space<vmem>>)
      %parallel_loop3A_124 = arith.constant 0 : i32
      %parallel_loop3A_125 = arith.constant 32 : i32
      %parallel_loop3A_126 = arith.constant 1 : i32
      scf.for %parallel_loop3A_130 = %parallel_loop3A_124 to %parallel_loop3A_125 step %parallel_loop3A_126  : i32 {
        %parallel_loop3A_131 = arith.index_cast %parallel_loop3A_130 : i32 to index
        %parallel_loop3A_132 = arith.constant 0 : index
        %parallel_loop3A_133 = tpu.vector_load %arg10[%parallel_loop3A_131, %parallel_loop3A_132] {strides = array<i32>} : memref<128x256xf32, #tpu.memory_space<vmem>>, vector<1x16xf32>,
        %parallel_loop3A_134 = vector.shape_cast %parallel_loop3A_133 : vector<1x16xf32> to vector<16xf32>
        %parallel_loop3A_135 = arith.constant 32 : i32
        %parallel_loop3A_136 = arith.addi %parallel_loop3A_135, %parallel_loop3A_130 : i32
        %parallel_loop3A_137 = arith.index_cast %parallel_loop3A_136 : i32 to index
        %parallel_loop3A_138 = arith.constant 0 : index
        %parallel_loop3A_139 = tpu.vector_load %arg10[%parallel_loop3A_137, %parallel_loop3A_138] {strides = array<i32>} : memref<128x256xf32, #tpu.memory_space<vmem>>, vector<1x16xf32>,
        %parallel_loop3A_140 = vector.shape_cast %parallel_loop3A_139 : vector<1x16xf32> to vector<16xf32>
        %parallel_loop3A_141 = arith.addf %parallel_loop3A_134, %parallel_loop3A_140 : vector<16xf32>
        %parallel_loop3A_142 = arith.constant 64 : i32
        %parallel_loop3A_143 = arith.addi %parallel_loop3A_142, %parallel_loop3A_130 : i32
        %parallel_loop3A_144 = arith.index_cast %parallel_loop3A_143 : i32 to index
        %parallel_loop3A_145 = arith.constant 0 : index
        %parallel_loop3A_146 = tpu.vector_load %arg10[%parallel_loop3A_144, %parallel_loop3A_145] {strides = array<i32>} : memref<128x256xf32, #tpu.memory_space<vmem>>, vector<1x16xf32>,
        %parallel_loop3A_147 = vector.shape_cast %parallel_loop3A_146 : vector<1x16xf32> to vector<16xf32>
        %parallel_loop3A_148 = arith.constant 96 : i32
        %parallel_loop3A_149 = arith.addi %parallel_loop3A_148, %parallel_loop3A_130 : i32
        %parallel_loop3A_150 = arith.index_cast %parallel_loop3A_149 : i32 to index
        %parallel_loop3A_151 = arith.constant 0 : index
        %parallel_loop3A_152 = tpu.vector_load %arg10[%parallel_loop3A_150, %parallel_loop3A_151] {strides = array<i32>} : memref<128x256xf32, #tpu.memory_space<vmem>>, vector<1x16xf32>,
        %parallel_loop3A_153 = vector.shape_cast %parallel_loop3A_152 : vector<1x16xf32> to vector<16xf32>
        %parallel_loop3A_154 = arith.addf %parallel_loop3A_147, %parallel_loop3A_153 : vector<16xf32>
        %parallel_loop3A_155 = arith.addf %parallel_loop3A_141, %parallel_loop3A_154 : vector<16xf32>
        %parallel_loop3A_156 = arith.index_cast %parallel_loop3A_130 : i32 to index
        %parallel_loop3A_157 = arith.constant 0 : index
        %parallel_loop3A_158 = tpu.vector_load %arg10[%parallel_loop3A_156, %parallel_loop3A_157] {strides = array<i32>} : memref<128x256xf32, #tpu.memory_space<vmem>>, vector<1x16xf32>,
        %parallel_loop3A_159 = vector.shape_cast %parallel_loop3A_158 : vector<1x16xf32> to vector<16xf32>
        %parallel_loop3A_160 = vector.shape_cast %parallel_loop3A_155 : vector<16xf32> to vector<1x16xf32>
        tpu.vector_store %arg10[%parallel_loop3A_156, %parallel_loop3A_157], %parallel_loop3A_160 {strides = array<i32>} : memref<128x256xf32, #tpu.memory_space<vmem>>, vector<1x16xf32>,
        %parallel_loop3A_161 = arith.index_cast %parallel_loop3A_130 : i32 to index
        %parallel_loop3A_162 = arith.constant 16 : index
        %parallel_loop3A_163 = tpu.vector_load %arg10[%parallel_loop3A_161, %parallel_loop3A_162] {strides = array<i32>} : memref<128x256xf32, #tpu.memory_space<vmem>>, vector<1x16xf32>,
        %parallel_loop3A_164 = vector.shape_cast %parallel_loop3A_163 : vector<1x16xf32> to vector<16xf32>
        %parallel_loop3A_165 = arith.constant 32 : i32
        %parallel_loop3A_166 = arith.addi %parallel_loop3A_165, %parallel_loop3A_130 : i32
        %parallel_loop3A_167 = arith.index_cast %parallel_loop3A_166 : i32 to index
        %parallel_loop3A_168 = arith.constant 16 : index
        %parallel_loop3A_169 = tpu.vector_load %arg10[%parallel_loop3A_167, %parallel_loop3A_168] {strides = array<i32>} : memref<128x256xf32, #tpu.memory_space<vmem>>, vector<1x16xf32>,
        %parallel_loop3A_170 = vector.shape_cast %parallel_loop3A_169 : vector<1x16xf32> to vector<16xf32>
        %parallel_loop3A_171 = arith.addf %parallel_loop3A_164, %parallel_loop3A_170 : vector<16xf32>
        %parallel_loop3A_172 = arith.constant 64 : i32
        %parallel_loop3A_173 = arith.addi %parallel_loop3A_172, %parallel_loop3A_130 : i32
        %parallel_loop3A_174 = arith.index_cast %parallel_loop3A_173 : i32 to index
        %parallel_loop3A_175 = arith.constant 16 : index
        %parallel_loop3A_176 = tpu.vector_load %arg10[%parallel_loop3A_174, %parallel_loop3A_175] {strides = array<i32>} : memref<128x256xf32, #tpu.memory_space<vmem>>, vector<1x16xf32>,
        %parallel_loop3A_177 = vector.shape_cast %parallel_loop3A_176 : vector<1x16xf32> to vector<16xf32>
        %parallel_loop3A_178 = arith.constant 96 : i32
        %parallel_loop3A_179 = arith.addi %parallel_loop3A_178, %parallel_loop3A_130 : i32
        %parallel_loop3A_180 = arith.index_cast %parallel_loop3A_179 : i32 to index
        %parallel_loop3A_181 = arith.constant 16 : index
        %parallel_loop3A_182 = tpu.vector_load %arg10[%parallel_loop3A_180, %parallel_loop3A_181] {strides = array<i32>} : memref<128x256xf32, #tpu.memory_space<vmem>>, vector<1x16xf32>,
        %parallel_loop3A_183 = vector.shape_cast %parallel_loop3A_182 : vector<1x16xf32> to vector<16xf32>
        %parallel_loop3A_184 = arith.addf %parallel_loop3A_177, %parallel_loop3A_183 : vector<16xf32>
        %parallel_loop3A_185 = arith.addf %parallel_loop3A_171, %parallel_loop3A_184 : vector<16xf32>
        %parallel_loop3A_186 = arith.index_cast %parallel_loop3A_130 : i32 to index
        %parallel_loop3A_187 = arith.constant 16 : index
        %parallel_loop3A_188 = tpu.vector_load %arg10[%parallel_loop3A_186, %parallel_loop3A_187] {strides = array<i32>} : memref<128x256xf32, #tpu.memory_space<vmem>>, vector<1x16xf32>,
        %parallel_loop3A_189 = vector.shape_cast %parallel_loop3A_188 : vector<1x16xf32> to vector<16xf32>
        %parallel_loop3A_190 = vector.shape_cast %parallel_loop3A_185 : vector<16xf32> to vector<1x16xf32>
        tpu.vector_store %arg10[%parallel_loop3A_186, %parallel_loop3A_187], %parallel_loop3A_190 {strides = array<i32>} : memref<128x256xf32, #tpu.memory_space<vmem>>, vector<1x16xf32>,
        %parallel_loop3A_191 = arith.index_cast %parallel_loop3A_130 : i32 to index
        %parallel_loop3A_192 = arith.constant 32 : index
        %parallel_loop3A_193 = tpu.vector_load %arg10[%parallel_loop3A_191, %parallel_loop3A_192] {strides = array<i32>} : memref<128x256xf32, #tpu.memory_space<vmem>>, vector<1x16xf32>,
        %parallel_loop3A_194 = vector.shape_cast %parallel_loop3A_193 : vector<1x16xf32> to vector<16xf32>
        %parallel_loop3A_195 = arith.constant 32 : i32
        %parallel_loop3A_196 = arith.addi %parallel_loop3A_195, %parallel_loop3A_130 : i32
        %parallel_loop3A_197 = arith.index_cast %parallel_loop3A_196 : i32 to index
        %parallel_loop3A_198 = arith.constant 32 : index
        %parallel_loop3A_199 = tpu.vector_load %arg10[%parallel_loop3A_197, %parallel_loop3A_198] {strides = array<i32>} : memref<128x256xf32, #tpu.memory_space<vmem>>, vector<1x16xf32>,
        %parallel_loop3A_200 = vector.shape_cast %parallel_loop3A_199 : vector<1x16xf32> to vector<16xf32>
        %parallel_loop3A_201 = arith.addf %parallel_loop3A_194, %parallel_loop3A_200 : vector<16xf32>
        %parallel_loop3A_202 = arith.constant 64 : i32
        %parallel_loop3A_203 = arith.addi %parallel_loop3A_202, %parallel_loop3A_130 : i32
        %parallel_loop3A_204 = arith.index_cast %parallel_loop3A_203 : i32 to index
        %parallel_loop3A_205 = arith.constant 32 : index
        %parallel_loop3A_206 = tpu.vector_load %arg10[%parallel_loop3A_204, %parallel_loop3A_205] {strides = array<i32>} : memref<128x256xf32, #tpu.memory_space<vmem>>, vector<1x16xf32>,
        %parallel_loop3A_207 = vector.shape_cast %parallel_loop3A_206 : vector<1x16xf32> to vector<16xf32>
        %parallel_loop3A_208 = arith.constant 96 : i32
        %parallel_loop3A_209 = arith.addi %parallel_loop3A_208, %parallel_loop3A_130 : i32
        %parallel_loop3A_210 = arith.index_cast %parallel_loop3A_209 : i32 to index
        %parallel_loop3A_211 = arith.constant 32 : index
        %parallel_loop3A_212 = tpu.vector_load %arg10[%parallel_loop3A_210, %parallel_loop3A_211] {strides = array<i32>} : memref<128x256xf32, #tpu.memory_space<vmem>>, vector<1x16xf32>,
        %parallel_loop3A_213 = vector.shape_cast %parallel_loop3A_212 : vector<1x16xf32> to vector<16xf32>
        %parallel_loop3A_214 = arith.addf %parallel_loop3A_207, %parallel_loop3A_213 : vector<16xf32>
        %parallel_loop3A_215 = arith.addf %parallel_loop3A_201, %parallel_loop3A_214 : vector<16xf32>
        %parallel_loop3A_216 = arith.index_cast %parallel_loop3A_130 : i32 to index
        %parallel_loop3A_217 = arith.constant 32 : index
        %parallel_loop3A_218 = tpu.vector_load %arg10[%parallel_loop3A_216, %parallel_loop3A_217] {strides = array<i32>} : memref<128x256xf32, #tpu.memory_space<vmem>>, vector<1x16xf32>,
        %parallel_loop3A_219 = vector.shape_cast %parallel_loop3A_218 : vector<1x16xf32> to vector<16xf32>
        %parallel_loop3A_220 = vector.shape_cast %parallel_loop3A_215 : vector<16xf32> to vector<1x16xf32>
        tpu.vector_store %arg10[%parallel_loop3A_216, %parallel_loop3A_217], %parallel_loop3A_220 {strides = array<i32>} : memref<128x256xf32, #tpu.memory_space<vmem>>, vector<1x16xf32>,
        %parallel_loop3A_221 = arith.index_cast %parallel_loop3A_130 : i32 to index
        %parallel_loop3A_222 = arith.constant 48 : index
        %parallel_loop3A_223 = tpu.vector_load %arg10[%parallel_loop3A_221, %parallel_loop3A_222] {strides = array<i32>} : memref<128x256xf32, #tpu.memory_space<vmem>>, vector<1x16xf32>,
        %parallel_loop3A_224 = vector.shape_cast %parallel_loop3A_223 : vector<1x16xf32> to vector<16xf32>
        %parallel_loop3A_225 = arith.constant 32 : i32
        %parallel_loop3A_226 = arith.addi %parallel_loop3A_225, %parallel_loop3A_130 : i32
        %parallel_loop3A_227 = arith.index_cast %parallel_loop3A_226 : i32 to index
        %parallel_loop3A_228 = arith.constant 48 : index
        %parallel_loop3A_229 = tpu.vector_load %arg10[%parallel_loop3A_227, %parallel_loop3A_228] {strides = array<i32>} : memref<128x256xf32, #tpu.memory_space<vmem>>, vector<1x16xf32>,
        %parallel_loop3A_230 = vector.shape_cast %parallel_loop3A_229 : vector<1x16xf32> to vector<16xf32>
        %parallel_loop3A_231 = arith.addf %parallel_loop3A_224, %parallel_loop3A_230 : vector<16xf32>
        %parallel_loop3A_232 = arith.constant 64 : i32
        %parallel_loop3A_233 = arith.addi %parallel_loop3A_232, %parallel_loop3A_130 : i32
        %parallel_loop3A_234 = arith.index_cast %parallel_loop3A_233 : i32 to index
        %parallel_loop3A_235 = arith.constant 48 : index
        %parallel_loop3A_236 = tpu.vector_load %arg10[%parallel_loop3A_234, %parallel_loop3A_235] {strides = array<i32>} : memref<128x256xf32, #tpu.memory_space<vmem>>, vector<1x16xf32>,
        %parallel_loop3A_237 = vector.shape_cast %parallel_loop3A_236 : vector<1x16xf32> to vector<16xf32>
        %parallel_loop3A_238 = arith.constant 96 : i32
        %parallel_loop3A_239 = arith.addi %parallel_loop3A_238, %parallel_loop3A_130 : i32
        %parallel_loop3A_240 = arith.index_cast %parallel_loop3A_239 : i32 to index
        %parallel_loop3A_241 = arith.constant 48 : index
        %parallel_loop3A_242 = tpu.vector_load %arg10[%parallel_loop3A_240, %parallel_loop3A_241] {strides = array<i32>} : memref<128x256xf32, #tpu.memory_space<vmem>>, vector<1x16xf32>,
        %parallel_loop3A_243 = vector.shape_cast %parallel_loop3A_242 : vector<1x16xf32> to vector<16xf32>
        %parallel_loop3A_244 = arith.addf %parallel_loop3A_237, %parallel_loop3A_243 : vector<16xf32>
        %parallel_loop3A_245 = arith.addf %parallel_loop3A_231, %parallel_loop3A_244 : vector<16xf32>
        %parallel_loop3A_246 = arith.index_cast %parallel_loop3A_130 : i32 to index
        %parallel_loop3A_247 = arith.constant 48 : index
        %parallel_loop3A_248 = tpu.vector_load %arg10[%parallel_loop3A_246, %parallel_loop3A_247] {strides = array<i32>} : memref<128x256xf32, #tpu.memory_space<vmem>>, vector<1x16xf32>,
        %parallel_loop3A_249 = vector.shape_cast %parallel_loop3A_248 : vector<1x16xf32> to vector<16xf32>
        %parallel_loop3A_250 = vector.shape_cast %parallel_loop3A_245 : vector<16xf32> to vector<1x16xf32>
        tpu.vector_store %arg10[%parallel_loop3A_246, %parallel_loop3A_247], %parallel_loop3A_250 {strides = array<i32>} : memref<128x256xf32, #tpu.memory_space<vmem>>, vector<1x16xf32>,
        %parallel_loop3A_251 = arith.index_cast %parallel_loop3A_130 : i32 to index
        %parallel_loop3A_252 = arith.constant 64 : index
        %parallel_loop3A_253 = tpu.vector_load %arg10[%parallel_loop3A_251, %parallel_loop3A_252] {strides = array<i32>} : memref<128x256xf32, #tpu.memory_space<vmem>>, vector<1x16xf32>,
        %parallel_loop3A_254 = vector.shape_cast %parallel_loop3A_253 : vector<1x16xf32> to vector<16xf32>
        %parallel_loop3A_255 = arith.constant 32 : i32
        %parallel_loop3A_256 = arith.addi %parallel_loop3A_255, %parallel_loop3A_130 : i32
        %parallel_loop3A_257 = arith.index_cast %parallel_loop3A_256 : i32 to index
        %parallel_loop3A_258 = arith.constant 64 : index
        %parallel_loop3A_259 = tpu.vector_load %arg10[%parallel_loop3A_257, %parallel_loop3A_258] {strides = array<i32>} : memref<128x256xf32, #tpu.memory_space<vmem>>, vector<1x16xf32>,
        %parallel_loop3A_260 = vector.shape_cast %parallel_loop3A_259 : vector<1x16xf32> to vector<16xf32>
        %parallel_loop3A_261 = arith.addf %parallel_loop3A_254, %parallel_loop3A_260 : vector<16xf32>
        %parallel_loop3A_262 = arith.constant 64 : i32
        %parallel_loop3A_263 = arith.addi %parallel_loop3A_262, %parallel_loop3A_130 : i32
        %parallel_loop3A_264 = arith.index_cast %parallel_loop3A_263 : i32 to index
        %parallel_loop3A_265 = arith.constant 64 : index
        %parallel_loop3A_266 = tpu.vector_load %arg10[%parallel_loop3A_264, %parallel_loop3A_265] {strides = array<i32>} : memref<128x256xf32, #tpu.memory_space<vmem>>, vector<1x16xf32>,
        %parallel_loop3A_267 = vector.shape_cast %parallel_loop3A_266 : vector<1x16xf32> to vector<16xf32>
        %parallel_loop3A_268 = arith.constant 96 : i32
        %parallel_loop3A_269 = arith.addi %parallel_loop3A_268, %parallel_loop3A_130 : i32
        %parallel_loop3A_270 = arith.index_cast %parallel_loop3A_269 : i32 to index
        %parallel_loop3A_271 = arith.constant 64 : index
        %parallel_loop3A_272 = tpu.vector_load %arg10[%parallel_loop3A_270, %parallel_loop3A_271] {strides = array<i32>} : memref<128x256xf32, #tpu.memory_space<vmem>>, vector<1x16xf32>,
        %parallel_loop3A_273 = vector.shape_cast %parallel_loop3A_272 : vector<1x16xf32> to vector<16xf32>
        %parallel_loop3A_274 = arith.addf %parallel_loop3A_267, %parallel_loop3A_273 : vector<16xf32>
        %parallel_loop3A_275 = arith.addf %parallel_loop3A_261, %parallel_loop3A_274 : vector<16xf32>
        %parallel_loop3A_276 = arith.index_cast %parallel_loop3A_130 : i32 to index
        %parallel_loop3A_277 = arith.constant 64 : index
        %parallel_loop3A_278 = tpu.vector_load %arg10[%parallel_loop3A_276, %parallel_loop3A_277] {strides = array<i32>} : memref<128x256xf32, #tpu.memory_space<vmem>>, vector<1x16xf32>,
        %parallel_loop3A_279 = vector.shape_cast %parallel_loop3A_278 : vector<1x16xf32> to vector<16xf32>
        %parallel_loop3A_280 = vector.shape_cast %parallel_loop3A_275 : vector<16xf32> to vector<1x16xf32>
        tpu.vector_store %arg10[%parallel_loop3A_276, %parallel_loop3A_277], %parallel_loop3A_280 {strides = array<i32>} : memref<128x256xf32, #tpu.memory_space<vmem>>, vector<1x16xf32>,
        %parallel_loop3A_281 = arith.index_cast %parallel_loop3A_130 : i32 to index
        %parallel_loop3A_282 = arith.constant 80 : index
        %parallel_loop3A_283 = tpu.vector_load %arg10[%parallel_loop3A_281, %parallel_loop3A_282] {strides = array<i32>} : memref<128x256xf32, #tpu.memory_space<vmem>>, vector<1x16xf32>,
        %parallel_loop3A_284 = vector.shape_cast %parallel_loop3A_283 : vector<1x16xf32> to vector<16xf32>
        %parallel_loop3A_285 = arith.constant 32 : i32
        %parallel_loop3A_286 = arith.addi %parallel_loop3A_285, %parallel_loop3A_130 : i32
        %parallel_loop3A_287 = arith.index_cast %parallel_loop3A_286 : i32 to index
        %parallel_loop3A_288 = arith.constant 80 : index
        %parallel_loop3A_289 = tpu.vector_load %arg10[%parallel_loop3A_287, %parallel_loop3A_288] {strides = array<i32>} : memref<128x256xf32, #tpu.memory_space<vmem>>, vector<1x16xf32>,
        %parallel_loop3A_290 = vector.shape_cast %parallel_loop3A_289 : vector<1x16xf32> to vector<16xf32>
        %parallel_loop3A_291 = arith.addf %parallel_loop3A_284, %parallel_loop3A_290 : vector<16xf32>
        %parallel_loop3A_292 = arith.constant 64 : i32
        %parallel_loop3A_293 = arith.addi %parallel_loop3A_292, %parallel_loop3A_130 : i32
        %parallel_loop3A_294 = arith.index_cast %parallel_loop3A_293 : i32 to index
        %parallel_loop3A_295 = arith.constant 80 : index
        %parallel_loop3A_296 = tpu.vector_load %arg10[%parallel_loop3A_294, %parallel_loop3A_295] {strides = array<i32>} : memref<128x256xf32, #tpu.memory_space<vmem>>, vector<1x16xf32>,
        %parallel_loop3A_297 = vector.shape_cast %parallel_loop3A_296 : vector<1x16xf32> to vector<16xf32>
        %parallel_loop3A_298 = arith.constant 96 : i32
        %parallel_loop3A_299 = arith.addi %parallel_loop3A_298, %parallel_loop3A_130 : i32
        %parallel_loop3A_300 = arith.index_cast %parallel_loop3A_299 : i32 to index
        %parallel_loop3A_301 = arith.constant 80 : index
        %parallel_loop3A_302 = tpu.vector_load %arg10[%parallel_loop3A_300, %parallel_loop3A_301] {strides = array<i32>} : memref<128x256xf32, #tpu.memory_space<vmem>>, vector<1x16xf32>,
        %parallel_loop3A_303 = vector.shape_cast %parallel_loop3A_302 : vector<1x16xf32> to vector<16xf32>
        %parallel_loop3A_304 = arith.addf %parallel_loop3A_297, %parallel_loop3A_303 : vector<16xf32>
        %parallel_loop3A_305 = arith.addf %parallel_loop3A_291, %parallel_loop3A_304 : vector<16xf32>
        %parallel_loop3A_306 = arith.index_cast %parallel_loop3A_130 : i32 to index
        %parallel_loop3A_307 = arith.constant 80 : index
        %parallel_loop3A_308 = tpu.vector_load %arg10[%parallel_loop3A_306, %parallel_loop3A_307] {strides = array<i32>} : memref<128x256xf32, #tpu.memory_space<vmem>>, vector<1x16xf32>,
        %parallel_loop3A_309 = vector.shape_cast %parallel_loop3A_308 : vector<1x16xf32> to vector<16xf32>
        %parallel_loop3A_310 = vector.shape_cast %parallel_loop3A_305 : vector<16xf32> to vector<1x16xf32>
        tpu.vector_store %arg10[%parallel_loop3A_306, %parallel_loop3A_307], %parallel_loop3A_310 {strides = array<i32>} : memref<128x256xf32, #tpu.memory_space<vmem>>, vector<1x16xf32>,
        %parallel_loop3A_311 = arith.index_cast %parallel_loop3A_130 : i32 to index
        %parallel_loop3A_312 = arith.constant 96 : index
        %parallel_loop3A_313 = tpu.vector_load %arg10[%parallel_loop3A_311, %parallel_loop3A_312] {strides = array<i32>} : memref<128x256xf32, #tpu.memory_space<vmem>>, vector<1x16xf32>,
        %parallel_loop3A_314 = vector.shape_cast %parallel_loop3A_313 : vector<1x16xf32> to vector<16xf32>
        %parallel_loop3A_315 = arith.constant 32 : i32
        %parallel_loop3A_316 = arith.addi %parallel_loop3A_315, %parallel_loop3A_130 : i32
        %parallel_loop3A_317 = arith.index_cast %parallel_loop3A_316 : i32 to index
        %parallel_loop3A_318 = arith.constant 96 : index
        %parallel_loop3A_319 = tpu.vector_load %arg10[%parallel_loop3A_317, %parallel_loop3A_318] {strides = array<i32>} : memref<128x256xf32, #tpu.memory_space<vmem>>, vector<1x16xf32>,
        %parallel_loop3A_320 = vector.shape_cast %parallel_loop3A_319 : vector<1x16xf32> to vector<16xf32>
        %parallel_loop3A_321 = arith.addf %parallel_loop3A_314, %parallel_loop3A_320 : vector<16xf32>
        %parallel_loop3A_322 = arith.constant 64 : i32
        %parallel_loop3A_323 = arith.addi %parallel_loop3A_322, %parallel_loop3A_130 : i32
        %parallel_loop3A_324 = arith.index_cast %parallel_loop3A_323 : i32 to index
        %parallel_loop3A_325 = arith.constant 96 : index
        %parallel_loop3A_326 = tpu.vector_load %arg10[%parallel_loop3A_324, %parallel_loop3A_325] {strides = array<i32>} : memref<128x256xf32, #tpu.memory_space<vmem>>, vector<1x16xf32>,
        %parallel_loop3A_327 = vector.shape_cast %parallel_loop3A_326 : vector<1x16xf32> to vector<16xf32>
        %parallel_loop3A_328 = arith.constant 96 : i32
        %parallel_loop3A_329 = arith.addi %parallel_loop3A_328, %parallel_loop3A_130 : i32
        %parallel_loop3A_330 = arith.index_cast %parallel_loop3A_329 : i32 to index
        %parallel_loop3A_331 = arith.constant 96 : index
        %parallel_loop3A_332 = tpu.vector_load %arg10[%parallel_loop3A_330, %parallel_loop3A_331] {strides = array<i32>} : memref<128x256xf32, #tpu.memory_space<vmem>>, vector<1x16xf32>,
        %parallel_loop3A_333 = vector.shape_cast %parallel_loop3A_332 : vector<1x16xf32> to vector<16xf32>
        %parallel_loop3A_334 = arith.addf %parallel_loop3A_327, %parallel_loop3A_333 : vector<16xf32>
        %parallel_loop3A_335 = arith.addf %parallel_loop3A_321, %parallel_loop3A_334 : vector<16xf32>
        %parallel_loop3A_336 = arith.index_cast %parallel_loop3A_130 : i32 to index
        %parallel_loop3A_337 = arith.constant 96 : index
        %parallel_loop3A_338 = tpu.vector_load %arg10[%parallel_loop3A_336, %parallel_loop3A_337] {strides = array<i32>} : memref<128x256xf32, #tpu.memory_space<vmem>>, vector<1x16xf32>,
        %parallel_loop3A_339 = vector.shape_cast %parallel_loop3A_338 : vector<1x16xf32> to vector<16xf32>
        %parallel_loop3A_340 = vector.shape_cast %parallel_loop3A_335 : vector<16xf32> to vector<1x16xf32>
        tpu.vector_store %arg10[%parallel_loop3A_336, %parallel_loop3A_337], %parallel_loop3A_340 {strides = array<i32>} : memref<128x256xf32, #tpu.memory_space<vmem>>, vector<1x16xf32>,
        %parallel_loop3A_341 = arith.index_cast %parallel_loop3A_130 : i32 to index
        %parallel_loop3A_342 = arith.constant 112 : index
        %parallel_loop3A_343 = tpu.vector_load %arg10[%parallel_loop3A_341, %parallel_loop3A_342] {strides = array<i32>} : memref<128x256xf32, #tpu.memory_space<vmem>>, vector<1x16xf32>,
        %parallel_loop3A_344 = vector.shape_cast %parallel_loop3A_343 : vector<1x16xf32> to vector<16xf32>
        %parallel_loop3A_345 = arith.constant 32 : i32
        %parallel_loop3A_346 = arith.addi %parallel_loop3A_345, %parallel_loop3A_130 : i32
        %parallel_loop3A_347 = arith.index_cast %parallel_loop3A_346 : i32 to index
        %parallel_loop3A_348 = arith.constant 112 : index
        %parallel_loop3A_349 = tpu.vector_load %arg10[%parallel_loop3A_347, %parallel_loop3A_348] {strides = array<i32>} : memref<128x256xf32, #tpu.memory_space<vmem>>, vector<1x16xf32>,
        %parallel_loop3A_350 = vector.shape_cast %parallel_loop3A_349 : vector<1x16xf32> to vector<16xf32>
        %parallel_loop3A_351 = arith.addf %parallel_loop3A_344, %parallel_loop3A_350 : vector<16xf32>
        %parallel_loop3A_352 = arith.constant 64 : i32
        %parallel_loop3A_353 = arith.addi %parallel_loop3A_352, %parallel_loop3A_130 : i32
        %parallel_loop3A_354 = arith.index_cast %parallel_loop3A_353 : i32 to index
        %parallel_loop3A_355 = arith.constant 112 : index
        %parallel_loop3A_356 = tpu.vector_load %arg10[%parallel_loop3A_354, %parallel_loop3A_355] {strides = array<i32>} : memref<128x256xf32, #tpu.memory_space<vmem>>, vector<1x16xf32>,
        %parallel_loop3A_357 = vector.shape_cast %parallel_loop3A_356 : vector<1x16xf32> to vector<16xf32>
        %parallel_loop3A_358 = arith.constant 96 : i32
        %parallel_loop3A_359 = arith.addi %parallel_loop3A_358, %parallel_loop3A_130 : i32
        %parallel_loop3A_360 = arith.index_cast %parallel_loop3A_359 : i32 to index
        %parallel_loop3A_361 = arith.constant 112 : index
        %parallel_loop3A_362 = tpu.vector_load %arg10[%parallel_loop3A_360, %parallel_loop3A_361] {strides = array<i32>} : memref<128x256xf32, #tpu.memory_space<vmem>>, vector<1x16xf32>,
        %parallel_loop3A_363 = vector.shape_cast %parallel_loop3A_362 : vector<1x16xf32> to vector<16xf32>
        %parallel_loop3A_364 = arith.addf %parallel_loop3A_357, %parallel_loop3A_363 : vector<16xf32>
        %parallel_loop3A_365 = arith.addf %parallel_loop3A_351, %parallel_loop3A_364 : vector<16xf32>
        %parallel_loop3A_366 = arith.index_cast %parallel_loop3A_130 : i32 to index
        %parallel_loop3A_367 = arith.constant 112 : index
        %parallel_loop3A_368 = tpu.vector_load %arg10[%parallel_loop3A_366, %parallel_loop3A_367] {strides = array<i32>} : memref<128x256xf32, #tpu.memory_space<vmem>>, vector<1x16xf32>,
        %parallel_loop3A_369 = vector.shape_cast %parallel_loop3A_368 : vector<1x16xf32> to vector<16xf32>
        %parallel_loop3A_370 = vector.shape_cast %parallel_loop3A_365 : vector<16xf32> to vector<1x16xf32>
        tpu.vector_store %arg10[%parallel_loop3A_366, %parallel_loop3A_367], %parallel_loop3A_370 {strides = array<i32>} : memref<128x256xf32, #tpu.memory_space<vmem>>, vector<1x16xf32>,
        %parallel_loop3A_371 = arith.index_cast %parallel_loop3A_130 : i32 to index
        %parallel_loop3A_372 = arith.constant 128 : index
        %parallel_loop3A_373 = tpu.vector_load %arg10[%parallel_loop3A_371, %parallel_loop3A_372] {strides = array<i32>} : memref<128x256xf32, #tpu.memory_space<vmem>>, vector<1x16xf32>,
        %parallel_loop3A_374 = vector.shape_cast %parallel_loop3A_373 : vector<1x16xf32> to vector<16xf32>
        %parallel_loop3A_375 = arith.constant 32 : i32
        %parallel_loop3A_376 = arith.addi %parallel_loop3A_375, %parallel_loop3A_130 : i32
        %parallel_loop3A_377 = arith.index_cast %parallel_loop3A_376 : i32 to index
        %parallel_loop3A_378 = arith.constant 128 : index
        %parallel_loop3A_379 = tpu.vector_load %arg10[%parallel_loop3A_377, %parallel_loop3A_378] {strides = array<i32>} : memref<128x256xf32, #tpu.memory_space<vmem>>, vector<1x16xf32>,
        %parallel_loop3A_380 = vector.shape_cast %parallel_loop3A_379 : vector<1x16xf32> to vector<16xf32>
        %parallel_loop3A_381 = arith.addf %parallel_loop3A_374, %parallel_loop3A_380 : vector<16xf32>
        %parallel_loop3A_382 = arith.constant 64 : i32
        %parallel_loop3A_383 = arith.addi %parallel_loop3A_382, %parallel_loop3A_130 : i32
        %parallel_loop3A_384 = arith.index_cast %parallel_loop3A_383 : i32 to index
        %parallel_loop3A_385 = arith.constant 128 : index
        %parallel_loop3A_386 = tpu.vector_load %arg10[%parallel_loop3A_384, %parallel_loop3A_385] {strides = array<i32>} : memref<128x256xf32, #tpu.memory_space<vmem>>, vector<1x16xf32>,
        %parallel_loop3A_387 = vector.shape_cast %parallel_loop3A_386 : vector<1x16xf32> to vector<16xf32>
        %parallel_loop3A_388 = arith.constant 96 : i32
        %parallel_loop3A_389 = arith.addi %parallel_loop3A_388, %parallel_loop3A_130 : i32
        %parallel_loop3A_390 = arith.index_cast %parallel_loop3A_389 : i32 to index
        %parallel_loop3A_391 = arith.constant 128 : index
        %parallel_loop3A_392 = tpu.vector_load %arg10[%parallel_loop3A_390, %parallel_loop3A_391] {strides = array<i32>} : memref<128x256xf32, #tpu.memory_space<vmem>>, vector<1x16xf32>,
        %parallel_loop3A_393 = vector.shape_cast %parallel_loop3A_392 : vector<1x16xf32> to vector<16xf32>
        %parallel_loop3A_394 = arith.addf %parallel_loop3A_387, %parallel_loop3A_393 : vector<16xf32>
        %parallel_loop3A_395 = arith.addf %parallel_loop3A_381, %parallel_loop3A_394 : vector<16xf32>
        %parallel_loop3A_396 = arith.index_cast %parallel_loop3A_130 : i32 to index
        %parallel_loop3A_397 = arith.constant 128 : index
        %parallel_loop3A_398 = tpu.vector_load %arg10[%parallel_loop3A_396, %parallel_loop3A_397] {strides = array<i32>} : memref<128x256xf32, #tpu.memory_space<vmem>>, vector<1x16xf32>,
        %parallel_loop3A_399 = vector.shape_cast %parallel_loop3A_398 : vector<1x16xf32> to vector<16xf32>
        %parallel_loop3A_400 = vector.shape_cast %parallel_loop3A_395 : vector<16xf32> to vector<1x16xf32>
        tpu.vector_store %arg10[%parallel_loop3A_396, %parallel_loop3A_397], %parallel_loop3A_400 {strides = array<i32>} : memref<128x256xf32, #tpu.memory_space<vmem>>, vector<1x16xf32>,
        %parallel_loop3A_401 = arith.index_cast %parallel_loop3A_130 : i32 to index
        %parallel_loop3A_402 = arith.constant 144 : index
        %parallel_loop3A_403 = tpu.vector_load %arg10[%parallel_loop3A_401, %parallel_loop3A_402] {strides = array<i32>} : memref<128x256xf32, #tpu.memory_space<vmem>>, vector<1x16xf32>,
        %parallel_loop3A_404 = vector.shape_cast %parallel_loop3A_403 : vector<1x16xf32> to vector<16xf32>
        %parallel_loop3A_405 = arith.constant 32 : i32
        %parallel_loop3A_406 = arith.addi %parallel_loop3A_405, %parallel_loop3A_130 : i32
        %parallel_loop3A_407 = arith.index_cast %parallel_loop3A_406 : i32 to index
        %parallel_loop3A_408 = arith.constant 144 : index
        %parallel_loop3A_409 = tpu.vector_load %arg10[%parallel_loop3A_407, %parallel_loop3A_408] {strides = array<i32>} : memref<128x256xf32, #tpu.memory_space<vmem>>, vector<1x16xf32>,
        %parallel_loop3A_410 = vector.shape_cast %parallel_loop3A_409 : vector<1x16xf32> to vector<16xf32>
        %parallel_loop3A_411 = arith.addf %parallel_loop3A_404, %parallel_loop3A_410 : vector<16xf32>
        %parallel_loop3A_412 = arith.constant 64 : i32
        %parallel_loop3A_413 = arith.addi %parallel_loop3A_412, %parallel_loop3A_130 : i32
        %parallel_loop3A_414 = arith.index_cast %parallel_loop3A_413 : i32 to index
        %parallel_loop3A_415 = arith.constant 144 : index
        %parallel_loop3A_416 = tpu.vector_load %arg10[%parallel_loop3A_414, %parallel_loop3A_415] {strides = array<i32>} : memref<128x256xf32, #tpu.memory_space<vmem>>, vector<1x16xf32>,
        %parallel_loop3A_417 = vector.shape_cast %parallel_loop3A_416 : vector<1x16xf32> to vector<16xf32>
        %parallel_loop3A_418 = arith.constant 96 : i32
        %parallel_loop3A_419 = arith.addi %parallel_loop3A_418, %parallel_loop3A_130 : i32
        %parallel_loop3A_420 = arith.index_cast %parallel_loop3A_419 : i32 to index
        %parallel_loop3A_421 = arith.constant 144 : index
        %parallel_loop3A_422 = tpu.vector_load %arg10[%parallel_loop3A_420, %parallel_loop3A_421] {strides = array<i32>} : memref<128x256xf32, #tpu.memory_space<vmem>>, vector<1x16xf32>,
        %parallel_loop3A_423 = vector.shape_cast %parallel_loop3A_422 : vector<1x16xf32> to vector<16xf32>
        %parallel_loop3A_424 = arith.addf %parallel_loop3A_417, %parallel_loop3A_423 : vector<16xf32>
        %parallel_loop3A_425 = arith.addf %parallel_loop3A_411, %parallel_loop3A_424 : vector<16xf32>
        %parallel_loop3A_426 = arith.index_cast %parallel_loop3A_130 : i32 to index
        %parallel_loop3A_427 = arith.constant 144 : index
        %parallel_loop3A_428 = tpu.vector_load %arg10[%parallel_loop3A_426, %parallel_loop3A_427] {strides = array<i32>} : memref<128x256xf32, #tpu.memory_space<vmem>>, vector<1x16xf32>,
        %parallel_loop3A_429 = vector.shape_cast %parallel_loop3A_428 : vector<1x16xf32> to vector<16xf32>
        %parallel_loop3A_430 = vector.shape_cast %parallel_loop3A_425 : vector<16xf32> to vector<1x16xf32>
        tpu.vector_store %arg10[%parallel_loop3A_426, %parallel_loop3A_427], %parallel_loop3A_430 {strides = array<i32>} : memref<128x256xf32, #tpu.memory_space<vmem>>, vector<1x16xf32>,
        %parallel_loop3A_431 = arith.index_cast %parallel_loop3A_130 : i32 to index
        %parallel_loop3A_432 = arith.constant 160 : index
        %parallel_loop3A_433 = tpu.vector_load %arg10[%parallel_loop3A_431, %parallel_loop3A_432] {strides = array<i32>} : memref<128x256xf32, #tpu.memory_space<vmem>>, vector<1x16xf32>,
        %parallel_loop3A_434 = vector.shape_cast %parallel_loop3A_433 : vector<1x16xf32> to vector<16xf32>
        %parallel_loop3A_435 = arith.constant 32 : i32
        %parallel_loop3A_436 = arith.addi %parallel_loop3A_435, %parallel_loop3A_130 : i32
        %parallel_loop3A_437 = arith.index_cast %parallel_loop3A_436 : i32 to index
        %parallel_loop3A_438 = arith.constant 160 : index
        %parallel_loop3A_439 = tpu.vector_load %arg10[%parallel_loop3A_437, %parallel_loop3A_438] {strides = array<i32>} : memref<128x256xf32, #tpu.memory_space<vmem>>, vector<1x16xf32>,
        %parallel_loop3A_440 = vector.shape_cast %parallel_loop3A_439 : vector<1x16xf32> to vector<16xf32>
        %parallel_loop3A_441 = arith.addf %parallel_loop3A_434, %parallel_loop3A_440 : vector<16xf32>
        %parallel_loop3A_442 = arith.constant 64 : i32
        %parallel_loop3A_443 = arith.addi %parallel_loop3A_442, %parallel_loop3A_130 : i32
        %parallel_loop3A_444 = arith.index_cast %parallel_loop3A_443 : i32 to index
        %parallel_loop3A_445 = arith.constant 160 : index
        %parallel_loop3A_446 = tpu.vector_load %arg10[%parallel_loop3A_444, %parallel_loop3A_445] {strides = array<i32>} : memref<128x256xf32, #tpu.memory_space<vmem>>, vector<1x16xf32>,
        %parallel_loop3A_447 = vector.shape_cast %parallel_loop3A_446 : vector<1x16xf32> to vector<16xf32>
        %parallel_loop3A_448 = arith.constant 96 : i32
        %parallel_loop3A_449 = arith.addi %parallel_loop3A_448, %parallel_loop3A_130 : i32
        %parallel_loop3A_450 = arith.index_cast %parallel_loop3A_449 : i32 to index
        %parallel_loop3A_451 = arith.constant 160 : index
        %parallel_loop3A_452 = tpu.vector_load %arg10[%parallel_loop3A_450, %parallel_loop3A_451] {strides = array<i32>} : memref<128x256xf32, #tpu.memory_space<vmem>>, vector<1x16xf32>,
        %parallel_loop3A_453 = vector.shape_cast %parallel_loop3A_452 : vector<1x16xf32> to vector<16xf32>
        %parallel_loop3A_454 = arith.addf %parallel_loop3A_447, %parallel_loop3A_453 : vector<16xf32>
        %parallel_loop3A_455 = arith.addf %parallel_loop3A_441, %parallel_loop3A_454 : vector<16xf32>
        %parallel_loop3A_456 = arith.index_cast %parallel_loop3A_130 : i32 to index
        %parallel_loop3A_457 = arith.constant 160 : index
        %parallel_loop3A_458 = tpu.vector_load %arg10[%parallel_loop3A_456, %parallel_loop3A_457] {strides = array<i32>} : memref<128x256xf32, #tpu.memory_space<vmem>>, vector<1x16xf32>,
        %parallel_loop3A_459 = vector.shape_cast %parallel_loop3A_458 : vector<1x16xf32> to vector<16xf32>
        %parallel_loop3A_460 = vector.shape_cast %parallel_loop3A_455 : vector<16xf32> to vector<1x16xf32>
        tpu.vector_store %arg10[%parallel_loop3A_456, %parallel_loop3A_457], %parallel_loop3A_460 {strides = array<i32>} : memref<128x256xf32, #tpu.memory_space<vmem>>, vector<1x16xf32>,
        %parallel_loop3A_461 = arith.index_cast %parallel_loop3A_130 : i32 to index
        %parallel_loop3A_462 = arith.constant 176 : index
        %parallel_loop3A_463 = tpu.vector_load %arg10[%parallel_loop3A_461, %parallel_loop3A_462] {strides = array<i32>} : memref<128x256xf32, #tpu.memory_space<vmem>>, vector<1x16xf32>,
        %parallel_loop3A_464 = vector.shape_cast %parallel_loop3A_463 : vector<1x16xf32> to vector<16xf32>
        %parallel_loop3A_465 = arith.constant 32 : i32
        %parallel_loop3A_466 = arith.addi %parallel_loop3A_465, %parallel_loop3A_130 : i32
        %parallel_loop3A_467 = arith.index_cast %parallel_loop3A_466 : i32 to index
        %parallel_loop3A_468 = arith.constant 176 : index
        %parallel_loop3A_469 = tpu.vector_load %arg10[%parallel_loop3A_467, %parallel_loop3A_468] {strides = array<i32>} : memref<128x256xf32, #tpu.memory_space<vmem>>, vector<1x16xf32>,
        %parallel_loop3A_470 = vector.shape_cast %parallel_loop3A_469 : vector<1x16xf32> to vector<16xf32>
        %parallel_loop3A_471 = arith.addf %parallel_loop3A_464, %parallel_loop3A_470 : vector<16xf32>
        %parallel_loop3A_472 = arith.constant 64 : i32
        %parallel_loop3A_473 = arith.addi %parallel_loop3A_472, %parallel_loop3A_130 : i32
        %parallel_loop3A_474 = arith.index_cast %parallel_loop3A_473 : i32 to index
        %parallel_loop3A_475 = arith.constant 176 : index
        %parallel_loop3A_476 = tpu.vector_load %arg10[%parallel_loop3A_474, %parallel_loop3A_475] {strides = array<i32>} : memref<128x256xf32, #tpu.memory_space<vmem>>, vector<1x16xf32>,
        %parallel_loop3A_477 = vector.shape_cast %parallel_loop3A_476 : vector<1x16xf32> to vector<16xf32>
        %parallel_loop3A_478 = arith.constant 96 : i32
        %parallel_loop3A_479 = arith.addi %parallel_loop3A_478, %parallel_loop3A_130 : i32
        %parallel_loop3A_480 = arith.index_cast %parallel_loop3A_479 : i32 to index
        %parallel_loop3A_481 = arith.constant 176 : index
        %parallel_loop3A_482 = tpu.vector_load %arg10[%parallel_loop3A_480, %parallel_loop3A_481] {strides = array<i32>} : memref<128x256xf32, #tpu.memory_space<vmem>>, vector<1x16xf32>,
        %parallel_loop3A_483 = vector.shape_cast %parallel_loop3A_482 : vector<1x16xf32> to vector<16xf32>
        %parallel_loop3A_484 = arith.addf %parallel_loop3A_477, %parallel_loop3A_483 : vector<16xf32>
        %parallel_loop3A_485 = arith.addf %parallel_loop3A_471, %parallel_loop3A_484 : vector<16xf32>
        %parallel_loop3A_486 = arith.index_cast %parallel_loop3A_130 : i32 to index
        %parallel_loop3A_487 = arith.constant 176 : index
        %parallel_loop3A_488 = tpu.vector_load %arg10[%parallel_loop3A_486, %parallel_loop3A_487] {strides = array<i32>} : memref<128x256xf32, #tpu.memory_space<vmem>>, vector<1x16xf32>,
        %parallel_loop3A_489 = vector.shape_cast %parallel_loop3A_488 : vector<1x16xf32> to vector<16xf32>
        %parallel_loop3A_490 = vector.shape_cast %parallel_loop3A_485 : vector<16xf32> to vector<1x16xf32>
        tpu.vector_store %arg10[%parallel_loop3A_486, %parallel_loop3A_487], %parallel_loop3A_490 {strides = array<i32>} : memref<128x256xf32, #tpu.memory_space<vmem>>, vector<1x16xf32>,
        %parallel_loop3A_491 = arith.index_cast %parallel_loop3A_130 : i32 to index
        %parallel_loop3A_492 = arith.constant 192 : index
        %parallel_loop3A_493 = tpu.vector_load %arg10[%parallel_loop3A_491, %parallel_loop3A_492] {strides = array<i32>} : memref<128x256xf32, #tpu.memory_space<vmem>>, vector<1x16xf32>,
        %parallel_loop3A_494 = vector.shape_cast %parallel_loop3A_493 : vector<1x16xf32> to vector<16xf32>
        %parallel_loop3A_495 = arith.constant 32 : i32
        %parallel_loop3A_496 = arith.addi %parallel_loop3A_495, %parallel_loop3A_130 : i32
        %parallel_loop3A_497 = arith.index_cast %parallel_loop3A_496 : i32 to index
        %parallel_loop3A_498 = arith.constant 192 : index
        %parallel_loop3A_499 = tpu.vector_load %arg10[%parallel_loop3A_497, %parallel_loop3A_498] {strides = array<i32>} : memref<128x256xf32, #tpu.memory_space<vmem>>, vector<1x16xf32>,
        %parallel_loop3A_500 = vector.shape_cast %parallel_loop3A_499 : vector<1x16xf32> to vector<16xf32>
        %parallel_loop3A_501 = arith.addf %parallel_loop3A_494, %parallel_loop3A_500 : vector<16xf32>
        %parallel_loop3A_502 = arith.constant 64 : i32
        %parallel_loop3A_503 = arith.addi %parallel_loop3A_502, %parallel_loop3A_130 : i32
        %parallel_loop3A_504 = arith.index_cast %parallel_loop3A_503 : i32 to index
        %parallel_loop3A_505 = arith.constant 192 : index
        %parallel_loop3A_506 = tpu.vector_load %arg10[%parallel_loop3A_504, %parallel_loop3A_505] {strides = array<i32>} : memref<128x256xf32, #tpu.memory_space<vmem>>, vector<1x16xf32>,
        %parallel_loop3A_507 = vector.shape_cast %parallel_loop3A_506 : vector<1x16xf32> to vector<16xf32>
        %parallel_loop3A_508 = arith.constant 96 : i32
        %parallel_loop3A_509 = arith.addi %parallel_loop3A_508, %parallel_loop3A_130 : i32
        %parallel_loop3A_510 = arith.index_cast %parallel_loop3A_509 : i32 to index
        %parallel_loop3A_511 = arith.constant 192 : index
        %parallel_loop3A_512 = tpu.vector_load %arg10[%parallel_loop3A_510, %parallel_loop3A_511] {strides = array<i32>} : memref<128x256xf32, #tpu.memory_space<vmem>>, vector<1x16xf32>,
        %parallel_loop3A_513 = vector.shape_cast %parallel_loop3A_512 : vector<1x16xf32> to vector<16xf32>
        %parallel_loop3A_514 = arith.addf %parallel_loop3A_507, %parallel_loop3A_513 : vector<16xf32>
        %parallel_loop3A_515 = arith.addf %parallel_loop3A_501, %parallel_loop3A_514 : vector<16xf32>
        %parallel_loop3A_516 = arith.index_cast %parallel_loop3A_130 : i32 to index
        %parallel_loop3A_517 = arith.constant 192 : index
        %parallel_loop3A_518 = tpu.vector_load %arg10[%parallel_loop3A_516, %parallel_loop3A_517] {strides = array<i32>} : memref<128x256xf32, #tpu.memory_space<vmem>>, vector<1x16xf32>,
        %parallel_loop3A_519 = vector.shape_cast %parallel_loop3A_518 : vector<1x16xf32> to vector<16xf32>
        %parallel_loop3A_520 = vector.shape_cast %parallel_loop3A_515 : vector<16xf32> to vector<1x16xf32>
        tpu.vector_store %arg10[%parallel_loop3A_516, %parallel_loop3A_517], %parallel_loop3A_520 {strides = array<i32>} : memref<128x256xf32, #tpu.memory_space<vmem>>, vector<1x16xf32>,
        %parallel_loop3A_521 = arith.index_cast %parallel_loop3A_130 : i32 to index
        %parallel_loop3A_522 = arith.constant 208 : index
        %parallel_loop3A_523 = tpu.vector_load %arg10[%parallel_loop3A_521, %parallel_loop3A_522] {strides = array<i32>} : memref<128x256xf32, #tpu.memory_space<vmem>>, vector<1x16xf32>,
        %parallel_loop3A_524 = vector.shape_cast %parallel_loop3A_523 : vector<1x16xf32> to vector<16xf32>
        %parallel_loop3A_525 = arith.constant 32 : i32
        %parallel_loop3A_526 = arith.addi %parallel_loop3A_525, %parallel_loop3A_130 : i32
        %parallel_loop3A_527 = arith.index_cast %parallel_loop3A_526 : i32 to index
        %parallel_loop3A_528 = arith.constant 208 : index
        %parallel_loop3A_529 = tpu.vector_load %arg10[%parallel_loop3A_527, %parallel_loop3A_528] {strides = array<i32>} : memref<128x256xf32, #tpu.memory_space<vmem>>, vector<1x16xf32>,
        %parallel_loop3A_530 = vector.shape_cast %parallel_loop3A_529 : vector<1x16xf32> to vector<16xf32>
        %parallel_loop3A_531 = arith.addf %parallel_loop3A_524, %parallel_loop3A_530 : vector<16xf32>
        %parallel_loop3A_532 = arith.constant 64 : i32
        %parallel_loop3A_533 = arith.addi %parallel_loop3A_532, %parallel_loop3A_130 : i32
        %parallel_loop3A_534 = arith.index_cast %parallel_loop3A_533 : i32 to index
        %parallel_loop3A_535 = arith.constant 208 : index
        %parallel_loop3A_536 = tpu.vector_load %arg10[%parallel_loop3A_534, %parallel_loop3A_535] {strides = array<i32>} : memref<128x256xf32, #tpu.memory_space<vmem>>, vector<1x16xf32>,
        %parallel_loop3A_537 = vector.shape_cast %parallel_loop3A_536 : vector<1x16xf32> to vector<16xf32>
        %parallel_loop3A_538 = arith.constant 96 : i32
        %parallel_loop3A_539 = arith.addi %parallel_loop3A_538, %parallel_loop3A_130 : i32
        %parallel_loop3A_540 = arith.index_cast %parallel_loop3A_539 : i32 to index
        %parallel_loop3A_541 = arith.constant 208 : index
        %parallel_loop3A_542 = tpu.vector_load %arg10[%parallel_loop3A_540, %parallel_loop3A_541] {strides = array<i32>} : memref<128x256xf32, #tpu.memory_space<vmem>>, vector<1x16xf32>,
        %parallel_loop3A_543 = vector.shape_cast %parallel_loop3A_542 : vector<1x16xf32> to vector<16xf32>
        %parallel_loop3A_544 = arith.addf %parallel_loop3A_537, %parallel_loop3A_543 : vector<16xf32>
        %parallel_loop3A_545 = arith.addf %parallel_loop3A_531, %parallel_loop3A_544 : vector<16xf32>
        %parallel_loop3A_546 = arith.index_cast %parallel_loop3A_130 : i32 to index
        %parallel_loop3A_547 = arith.constant 208 : index
        %parallel_loop3A_548 = tpu.vector_load %arg10[%parallel_loop3A_546, %parallel_loop3A_547] {strides = array<i32>} : memref<128x256xf32, #tpu.memory_space<vmem>>, vector<1x16xf32>,
        %parallel_loop3A_549 = vector.shape_cast %parallel_loop3A_548 : vector<1x16xf32> to vector<16xf32>
        %parallel_loop3A_550 = vector.shape_cast %parallel_loop3A_545 : vector<16xf32> to vector<1x16xf32>
        tpu.vector_store %arg10[%parallel_loop3A_546, %parallel_loop3A_547], %parallel_loop3A_550 {strides = array<i32>} : memref<128x256xf32, #tpu.memory_space<vmem>>, vector<1x16xf32>,
        %parallel_loop3A_551 = arith.index_cast %parallel_loop3A_130 : i32 to index
        %parallel_loop3A_552 = arith.constant 224 : index
        %parallel_loop3A_553 = tpu.vector_load %arg10[%parallel_loop3A_551, %parallel_loop3A_552] {strides = array<i32>} : memref<128x256xf32, #tpu.memory_space<vmem>>, vector<1x16xf32>,
        %parallel_loop3A_554 = vector.shape_cast %parallel_loop3A_553 : vector<1x16xf32> to vector<16xf32>
        %parallel_loop3A_555 = arith.constant 32 : i32
        %parallel_loop3A_556 = arith.addi %parallel_loop3A_555, %parallel_loop3A_130 : i32
        %parallel_loop3A_557 = arith.index_cast %parallel_loop3A_556 : i32 to index
        %parallel_loop3A_558 = arith.constant 224 : index
        %parallel_loop3A_559 = tpu.vector_load %arg10[%parallel_loop3A_557, %parallel_loop3A_558] {strides = array<i32>} : memref<128x256xf32, #tpu.memory_space<vmem>>, vector<1x16xf32>,
        %parallel_loop3A_560 = vector.shape_cast %parallel_loop3A_559 : vector<1x16xf32> to vector<16xf32>
        %parallel_loop3A_561 = arith.addf %parallel_loop3A_554, %parallel_loop3A_560 : vector<16xf32>
        %parallel_loop3A_562 = arith.constant 64 : i32
        %parallel_loop3A_563 = arith.addi %parallel_loop3A_562, %parallel_loop3A_130 : i32
        %parallel_loop3A_564 = arith.index_cast %parallel_loop3A_563 : i32 to index
        %parallel_loop3A_565 = arith.constant 224 : index
        %parallel_loop3A_566 = tpu.vector_load %arg10[%parallel_loop3A_564, %parallel_loop3A_565] {strides = array<i32>} : memref<128x256xf32, #tpu.memory_space<vmem>>, vector<1x16xf32>,
        %parallel_loop3A_567 = vector.shape_cast %parallel_loop3A_566 : vector<1x16xf32> to vector<16xf32>
        %parallel_loop3A_568 = arith.constant 96 : i32
        %parallel_loop3A_569 = arith.addi %parallel_loop3A_568, %parallel_loop3A_130 : i32
        %parallel_loop3A_570 = arith.index_cast %parallel_loop3A_569 : i32 to index
        %parallel_loop3A_571 = arith.constant 224 : index
        %parallel_loop3A_572 = tpu.vector_load %arg10[%parallel_loop3A_570, %parallel_loop3A_571] {strides = array<i32>} : memref<128x256xf32, #tpu.memory_space<vmem>>, vector<1x16xf32>,
        %parallel_loop3A_573 = vector.shape_cast %parallel_loop3A_572 : vector<1x16xf32> to vector<16xf32>
        %parallel_loop3A_574 = arith.addf %parallel_loop3A_567, %parallel_loop3A_573 : vector<16xf32>
        %parallel_loop3A_575 = arith.addf %parallel_loop3A_561, %parallel_loop3A_574 : vector<16xf32>
        %parallel_loop3A_576 = arith.index_cast %parallel_loop3A_130 : i32 to index
        %parallel_loop3A_577 = arith.constant 224 : index
        %parallel_loop3A_578 = tpu.vector_load %arg10[%parallel_loop3A_576, %parallel_loop3A_577] {strides = array<i32>} : memref<128x256xf32, #tpu.memory_space<vmem>>, vector<1x16xf32>,
        %parallel_loop3A_579 = vector.shape_cast %parallel_loop3A_578 : vector<1x16xf32> to vector<16xf32>
        %parallel_loop3A_580 = vector.shape_cast %parallel_loop3A_575 : vector<16xf32> to vector<1x16xf32>
        tpu.vector_store %arg10[%parallel_loop3A_576, %parallel_loop3A_577], %parallel_loop3A_580 {strides = array<i32>} : memref<128x256xf32, #tpu.memory_space<vmem>>, vector<1x16xf32>,
        %parallel_loop3A_581 = arith.index_cast %parallel_loop3A_130 : i32 to index
        %parallel_loop3A_582 = arith.constant 240 : index
        %parallel_loop3A_583 = tpu.vector_load %arg10[%parallel_loop3A_581, %parallel_loop3A_582] {strides = array<i32>} : memref<128x256xf32, #tpu.memory_space<vmem>>, vector<1x16xf32>,
        %parallel_loop3A_584 = vector.shape_cast %parallel_loop3A_583 : vector<1x16xf32> to vector<16xf32>
        %parallel_loop3A_585 = arith.constant 32 : i32
        %parallel_loop3A_586 = arith.addi %parallel_loop3A_585, %parallel_loop3A_130 : i32
        %parallel_loop3A_587 = arith.index_cast %parallel_loop3A_586 : i32 to index
        %parallel_loop3A_588 = arith.constant 240 : index
        %parallel_loop3A_589 = tpu.vector_load %arg10[%parallel_loop3A_587, %parallel_loop3A_588] {strides = array<i32>} : memref<128x256xf32, #tpu.memory_space<vmem>>, vector<1x16xf32>,
        %parallel_loop3A_590 = vector.shape_cast %parallel_loop3A_589 : vector<1x16xf32> to vector<16xf32>
        %parallel_loop3A_591 = arith.addf %parallel_loop3A_584, %parallel_loop3A_590 : vector<16xf32>
        %parallel_loop3A_592 = arith.constant 64 : i32
        %parallel_loop3A_593 = arith.addi %parallel_loop3A_592, %parallel_loop3A_130 : i32
        %parallel_loop3A_594 = arith.index_cast %parallel_loop3A_593 : i32 to index
        %parallel_loop3A_595 = arith.constant 240 : index
        %parallel_loop3A_596 = tpu.vector_load %arg10[%parallel_loop3A_594, %parallel_loop3A_595] {strides = array<i32>} : memref<128x256xf32, #tpu.memory_space<vmem>>, vector<1x16xf32>,
        %parallel_loop3A_597 = vector.shape_cast %parallel_loop3A_596 : vector<1x16xf32> to vector<16xf32>
        %parallel_loop3A_598 = arith.constant 96 : i32
        %parallel_loop3A_599 = arith.addi %parallel_loop3A_598, %parallel_loop3A_130 : i32
        %parallel_loop3A_600 = arith.index_cast %parallel_loop3A_599 : i32 to index
        %parallel_loop3A_601 = arith.constant 240 : index
        %parallel_loop3A_602 = tpu.vector_load %arg10[%parallel_loop3A_600, %parallel_loop3A_601] {strides = array<i32>} : memref<128x256xf32, #tpu.memory_space<vmem>>, vector<1x16xf32>,
        %parallel_loop3A_603 = vector.shape_cast %parallel_loop3A_602 : vector<1x16xf32> to vector<16xf32>
        %parallel_loop3A_604 = arith.addf %parallel_loop3A_597, %parallel_loop3A_603 : vector<16xf32>
        %parallel_loop3A_605 = arith.addf %parallel_loop3A_591, %parallel_loop3A_604 : vector<16xf32>
        %parallel_loop3A_606 = arith.index_cast %parallel_loop3A_130 : i32 to index
        %parallel_loop3A_607 = arith.constant 240 : index
        %parallel_loop3A_608 = tpu.vector_load %arg10[%parallel_loop3A_606, %parallel_loop3A_607] {strides = array<i32>} : memref<128x256xf32, #tpu.memory_space<vmem>>, vector<1x16xf32>,
        %parallel_loop3A_609 = vector.shape_cast %parallel_loop3A_608 : vector<1x16xf32> to vector<16xf32>
        %parallel_loop3A_610 = vector.shape_cast %parallel_loop3A_605 : vector<16xf32> to vector<1x16xf32>
        tpu.vector_store %arg10[%parallel_loop3A_606, %parallel_loop3A_607], %parallel_loop3A_610 {strides = array<i32>} : memref<128x256xf32, #tpu.memory_space<vmem>>, vector<1x16xf32>,
      } {sc.loop_unroll_factor = 2 : i64, sc.parallel_access}
      %mul3A_127 = arith.constant 32 : i32
      %mul3A_128 = arith.muli %add3A_103, %mul3A_127 : i32
      %add3A_129 = arith.addi %mul3A_26, %mul3A_128 : i32
      "tpu.region"() ({
        %run_scoped3A = tpu.sem_alloc : memref<!tpu.dma_semaphore, #tpu.memory_space<semaphore_mem>>
        %dma_start3A_130 = arith.constant 0 : i32
        %dma_start3A_131 = arith.constant 0 : i32
        %dma_start3A_132 = tpu.memref_slice %arg10[%dma_start3A_130, %dma_start3A_131] : memref<128x256xf32, #tpu.memory_space<vmem>> -> memref<32x256xf32, #tpu.memory_space<vmem>>
        %dma_start3A_133 = arith.constant 0 : i32
        %dma_start3A_134 = tpu.memref_slice %arg7[%add3A_129, %dma_start3A_133] : memref<161792x256xf32, #tpu.memory_space<hbm>> -> memref<32x256xf32, #tpu.memory_space<hbm>>
        %dma_start3A_135 = arith.constant 0 : i32
        %dma_start3A_136 = tpu.memref_slice %arg7[%add3A_129, %dma_start3A_135] : memref<161792x256xf32, #tpu.memory_space<hbm>> -> memref<32x256xf32, #tpu.memory_space<hbm>>
        %dma_start3A_137 = arith.constant 0 : i32
        %dma_start3A_138 = arith.constant 0 : i32
        %dma_start3A_139 = tpu.memref_slice %arg10[%dma_start3A_137, %dma_start3A_138] : memref<128x256xf32, #tpu.memory_space<vmem>> -> memref<32x256xf32, #tpu.memory_space<vmem>>
        tpu.enqueue_dma source(%dma_start3A_139 : memref<32x256xf32, #tpu.memory_space<vmem>>) target(%dma_start3A_136 : memref<32x256xf32, #tpu.memory_space<hbm>>) target_semaphore(%run_scoped3A : memref<!tpu.dma_semaphore, #tpu.memory_space<semaphore_mem>>)
        %dma_wait3A_140 = arith.constant 0 : i32
        %dma_wait3A_141 = arith.constant 0 : i32
        %dma_wait3A_142 = tpu.memref_slice %arg10[%dma_wait3A_140, %dma_wait3A_141] : memref<128x256xf32, #tpu.memory_space<vmem>> -> memref<32x256xf32, #tpu.memory_space<vmem>>
        %dma_wait3A_143 = arith.constant 0 : i32
        %dma_wait3A_144 = tpu.memref_slice %arg7[%add3A_129, %dma_wait3A_143] : memref<161792x256xf32, #tpu.memory_space<hbm>> -> memref<32x256xf32, #tpu.memory_space<hbm>>
        %dma_wait3A_145 = arith.constant 0 : i32
        %dma_wait3A_146 = tpu.memref_slice %arg7[%add3A_129, %dma_wait3A_145] : memref<161792x256xf32, #tpu.memory_space<hbm>> -> memref<32x256xf32, #tpu.memory_space<hbm>>
        %dma_wait3A_147 = arith.constant 0 : i32
        %dma_wait3A_148 = arith.constant 0 : i32
        %dma_wait3A_149 = tpu.memref_slice %arg10[%dma_wait3A_147, %dma_wait3A_148] : memref<128x256xf32, #tpu.memory_space<vmem>> -> memref<32x256xf32, #tpu.memory_space<vmem>>
        tpu.wait_dma2 semaphore(%run_scoped3A : memref<!tpu.dma_semaphore, #tpu.memory_space<semaphore_mem>>) src(%dma_wait3A_149 : memref<32x256xf32, #tpu.memory_space<vmem>>) dst(%dma_wait3A_146 : memref<32x256xf32, #tpu.memory_space<hbm>>)
        tpu.yield
      }) : () -> ()
    }
    %scan3A_50 = arith.constant 79 : i32
    return
  }
}

</mosaic_0001>

<sc_bundles>
// kernel: kernel.3.cloned.1.call-start
scs
__scs_entry_jumppad:
0x0: {  	(pc) =	sbr.rel $0x88, $3  }
0x1: {  	(tag) =	ssettag $0x0;
	lr =	simm.s32 $0x1  }
0x2: {  	[smem:$0x3F9D] =	sst lr;
	_ =	strace $0xD0000000  }
0x3: {  	_ = 	snop  }
0x4: {  	_ = 	snop  }
0x5: {  	_ = 	snop  }
0x6: {  	_ = 	snop  }
0x7: {  	_ = 	snop  }
__scs_overlays_trampoline_lowered:
0x8: {  	[smem:$0x3FAC] =	sst s0  }
0x9: {  	[smem:$0x3FAD] =	sst s1  }
0xa: {  	[smem:$0x3FAE] =	sst s2  }
0xb: {  	[smem:$0x3FAF] =	sst s3  }
0xc: {  	[smem:$0x3FB0] =	sst s4  }
0xd: {  	[smem:$0x3FB1] =	sst s5  }
0xe: {  	[smem:$0x3FB2] =	sst s6  }
0xf: {  	[smem:$0x3FB3] =	sst s7  }
0x10: {  	[smem:$0x3FB4] =	sst s8  }
0x11: {  	[smem:$0x3FB5] =	sst s9;
	s0 =	simm.s32 @!p0 $0x0  }
0x12: {  	s1 =	sld [smem:$0x3F9B];
	s0 =	simm.s32 @p0 $0x1  }
0x13: {  	[smem:$0x3FB6] =	sst s0;
	s0 =	simm.s32 @!p1 $0x0  }
0x14: {  	s2 =	sld [smem:$0x3F9A];
	s0 =	simm.s32 @p1 $0x1  }
0x15: {  	[smem:$0x3FB7] =	sst s0;
	s0 =	simm.s32 @!p2 $0x0  }
0x16: {  	s3 =	sld [smem:$0x3FDB];
	s0 =	simm.s32 @p2 $0x1  }
0x17: {  	s4 =	simm.s32 $0x1BF5;
	[smem:$0x3FB9] =	sst s0  }
0x18: {  	s0 =	sld [smem:$0x3F9C];
	_ =	swait.ge [sflag:s4], $0x0  }
0x19: {  	s7 =	sld [smem:$0x3F9D]  }
0x1a: {  	s8 =	sadd.s32 $0xFFFFE003, lr  }
0x1b: {  	s9 =	sadd.s32 $0xFFFFFEF7, lr;
	s5 =	simm.s32 $0xFFFFFFFF;
	p2 =	slt.u32 s8, $0xFFFFF086  }
0x1c: {  	p1 =	slt.u32 s9, $0xF7A;
	s5 =	simm.s32 @!p2 $0x0  }
0x1d: {  	s5 =	simm.s32 @p1 $0x1;
	p0 =	seq.s32 s7, s2  }
0x1e: {  	s7 =	smul.u32 @!p0 $0xF7A, s2;
	p2 =	seq.s32 @!p0 s5, $0x0  }
0x1f: {  	s9 =	smul.u32 $0xF7A, s1;
	s8 =	simm.s32 @!p0 $0x1BF5;
	p2 =	por !p2, p0  }
0x20: {  	[sflag:s8] =	ssyncset.s32 @!p0 $0xFFFFF086;
	s6 =	sadd.s32 @!p0 s3, s7;
	s7 =	simm.s32 @!p0 $0x108  }
0x21: {  	s3 =	sadd.s32 s3, s9;
	s6 =	sadd.s32 @!p0 $0x88, s6;
	s7 =	simm.s32 @p2 $0x1082  }
0x22: {  	[simem:s7], [sflag:s8] =	dma.local @!p0 [hbm:s6], $0xF7A  }
0x23: {  	s9 =	sor.u32 $0xD0000000, s2;
	s6 =	simm.s32 $0x108;
	_ =	swait.ge @!p0 [sflag:s8], $0x0  }
0x24: {  	s3 =	sadd.s32 $0x88, s3;
	s6 =	simm.s32 @!p1 $0x1082;
	[sflag:s4] =	ssyncset.s32 $0xFFFFF086  }
0x25: {  	[simem:s6], [sflag:s4] =	dma.local [hbm:s3], $0xF7A  }
0x26: {  	[smem:$0x3F9D] =	sst s1;
	(tag) =	ssettag s2;
	_ =	strace s9  }
0x27: {  	s1 =	sld [smem:$0x3FAD]  }
0x28: {  	s2 =	sld [smem:$0x3FAE]  }
0x29: {  	s4 =	sld [smem:$0x3FB0]  }
0x2a: {  	p0 =	seq.s32 s5, $0x0;
	s5 =	sld [smem:$0x3FB1]  }
0x2b: {  	s6 =	sld [smem:$0x3FB2]  }
0x2c: {  	s7 =	sld [smem:$0x3FB3]  }
0x2d: {  	s3 =	simm.s32 $0x108;
	s8 =	sld [smem:$0x3FB4]  }
0x2e: {  	s3 =	simm.s32 @!p0 $0x1082;
	s9 =	sld [smem:$0x3FB5]  }
0x2f: {  	lr =	sadd.s32 s0, s3;
	s0 =	sld [smem:$0x3FAC]  }
0x30: {  	s3 =	sld [smem:$0x3FAF]  }
0x31: {  	[smem:$0x3FB8] =	sst s10  }
0x32: {  	s10 =	sld [smem:$0x3FB6];
	_ =	sdelay $0x3  }
0x33: {  	p0 =	seq.s32 s10, $0x1;
	s10 =	sld [smem:$0x3FB8];
	_ =	sdelay $0x3  }
0x34: {  	[smem:$0x3FB8] =	sst s10  }
0x35: {  	s10 =	sld [smem:$0x3FB7];
	_ =	sdelay $0x3  }
0x36: {  	p1 =	seq.s32 s10, $0x1;
	s10 =	sld [smem:$0x3FB8];
	_ =	sdelay $0x3  }
0x37: {  	[smem:$0x3FB8] =	sst s10  }
0x38: {  	s10 =	sld [smem:$0x3FB9]  }
0x39: {  	_ = 	snop;
	(pc) =	sbr.ind lr, $3  }
0x3a: {  	_ = 	snop  }
0x3b: {  	_ = 	snop  }
0x3c: {  	p2 =	seq.s32 s10, $0x1;
	s10 =	sld [smem:$0x3FB8]  }
0x3d: {  	_ =	shalt  }
0x3e: {  	_ =	shalt  }
0x3f: {  	_ =	shalt  }
0x40: {  	_ =	shalt  }
0x41: {  	_ =	shalt  }
0x42: {  	_ =	shalt  }
0x43: {  	_ =	shalt  }
0x44: {  	_ =	shalt  }
0x45: {  	_ =	shalt  }
0x46: {  	_ =	shalt  }
0x47: {  	_ =	shalt  }
0x48: {  	_ =	shalt  }
0x49: {  	_ =	shalt  }
0x4a: {  	_ =	shalt  }
0x4b: {  	_ =	shalt  }
0x4c: {  	_ =	shalt  }
0x4d: {  	_ =	shalt  }
0x4e: {  	_ =	shalt  }
0x4f: {  	_ =	shalt  }
0x50: {  	_ =	shalt  }
0x51: {  	_ =	shalt  }
0x52: {  	_ =	shalt  }
0x53: {  	_ =	shalt  }
0x54: {  	_ =	shalt  }
0x55: {  	_ =	shalt  }
0x56: {  	_ =	shalt  }
0x57: {  	_ =	shalt  }
0x58: {  	_ =	shalt  }
0x59: {  	_ =	shalt  }
0x5a: {  	_ =	shalt  }
0x5b: {  	_ =	shalt  }
0x5c: {  	_ =	shalt  }
0x5d: {  	_ =	shalt  }
0x5e: {  	_ =	shalt  }
0x5f: {  	_ =	shalt  }
0x60: {  	_ =	shalt  }
0x61: {  	_ =	shalt  }
0x62: {  	_ =	shalt  }
0x63: {  	_ =	shalt  }
0x64: {  	_ =	shalt  }
0x65: {  	_ =	shalt  }
0x66: {  	_ =	shalt  }
0x67: {  	_ =	shalt  }
0x68: {  	_ =	shalt  }
0x69: {  	_ =	shalt  }
0x6a: {  	_ =	shalt  }
0x6b: {  	_ =	shalt  }
0x6c: {  	_ =	shalt  }
0x6d: {  	_ =	shalt  }
0x6e: {  	_ =	shalt  }
0x6f: {  	_ =	shalt  }
0x70: {  	_ =	shalt  }
0x71: {  	_ =	shalt  }
0x72: {  	_ =	shalt  }
0x73: {  	_ =	shalt  }
0x74: {  	_ =	shalt  }
0x75: {  	_ =	shalt  }
0x76: {  	_ =	shalt  }
0x77: {  	_ =	shalt  }
0x78: {  	_ =	shalt  }
0x79: {  	_ =	shalt  }
0x7a: {  	_ =	shalt  }
0x7b: {  	_ =	shalt  }
0x7c: {  	_ =	shalt  }
0x7d: {  	_ =	shalt  }
0x7e: {  	_ =	shalt  }
0x7f: {  	_ =	shalt  }
0x80: {  	_ =	shalt  }
0x81: {  	_ =	shalt  }
0x82: {  	_ =	shalt  }
0x83: {  	_ =	shalt  }
0x84: {  	_ =	shalt  }
0x85: {  	_ =	shalt  }
0x86: {  	_ =	shalt  }
0x87: {  	_ =	shalt  }
.Lfunc_end0:
.L_simem_size_0:
called_computation_lowered:
.L_overlay_start_0:
0x88: {  	s2 =	sld [smem:$0x3FD9]  }
0x89: {  	s3 =	sld [smem:$0x3FFE];
	_ =	sdelay $0x1  }
0x8a: {  	s1 =	srdreg.scid  }
0x8b: {  	s0 =	sand.u32 $0x1, s1  }
0x8c: {  	s14 =	sshll.u32 s0, $0xA;
	s2 =	sadd.s32 s3, s2  }
0x8d: {  	s2 =	sadd.s32 s2, s14  }
0x8e: {  	[smem:$0x3FC4] =	sst s2  }
0x8f: {  	_ = 	snop  }
0x90: {  	s2 =	sld [smem:$0x3FD0];
	_ =	sdelay $0x2  }
0x91: {  	s4 =	simm.s32 $0xA;
	s5 =	simm.s32 $0x10;
	s15 =	sld [smem:$0x3FC6]  }
0x92: {  	[smem:s5], [sflag:s4] =	dma.local [hbm:s2], $0x1  }
0x93: {  	_ =	swait.eq [sflag:s4], $0x1  }
0x94: {  	[sflag:s4] =	ssyncset.done $0x0  }
0x95: {  	s16 =	sld [smem:$0x10];
	[sflag:s4] =	ssyncadd.s32 $0xFFFFFFFF  }
0x96: {  	s17 =	sld [smem:$0x11];
	(tm) =	ssettm $0x1  }
0x97: {  	s18 =	sld [smem:$0x3FFB];
	_ =	sdelay $0x3  }
0x98: {  	_ =	strace s18  }
0x99: {  	s5 =	sld [smem:$0x3FFC];
	_ =	sdelay $0x3  }
0x9a: {  	_ =	strace s5  }
0x9b: {  	s5 =	sld [smem:$0x3FFD];
	_ =	sdelay $0x3  }
0x9c: {  	_ =	strace s5  }
0x9d: {  	_ =	strace $0x8FFFFFFF  }
0x9e: {  	s19 =	sld [smem:$0x3FDB];
	_ =	sdelay $0x1  }
0x9f: {  	s6 =	simm.s32 $_scs_section_size  }
0xa0: {  	s7 =	simm.s32 $_size__tile_overlayer_lowered;
	s8 =	simm.s32 $_tile_overlayer_lowered  }
0xa1: {  	s22 =	simm.s32 $0x1BFF;
	s21 =	sshll.u32 s8, $0x1;
	s5 =	sadd.s32 s6, s19  }
0xa2: {  	s9 =	simm.s32 $0x0;
	s20 =	sshll.u32 s7, $0x1;
	s7 =	sadd.s32 s21, s5  }
0xa3: {  	[timem:s9], [sflag:s22] =	dma.local [hbm:s7], s20  }
0xa4: {  	_ =	swait.ge [sflag:s22], s20  }
0xa5: {  	s6 =	ssub.s32 $0x0, s20;
	[sflag:s22] =	ssyncset.done $0x0  }
0xa6: {  	[sflag:s22] =	ssyncadd.s32 s6;
	_ =	sdelay $0x1  }
0xa7: {  	s23 =	simm.s32 $0x1B8B  }
0xa8: {  	_ =	swait.ge [sflag:s23], $0x1  }
0xa9: {  	[sflag:s23] =	ssyncset.done $0x0  }
0xaa: {  	s25 =	simm.s32 $0x1B8E;
	s24 =	sld [smem:$0x3FFE];
	[sflag:s23] =	ssyncadd.s32 $0xFFFFFFFF  }
0xab: {  	s26 =	simm.s32 $execute0_lowered;
	[smem:$0x3FD2] =	sst s25  }
0xac: {  	s7 =	sshll.u32 s26, $0x1;
	_ =	strace $0x80000046;
	[dreg:$0x1] =	wrdreg $0xFFFFFFFF  }
0xad: {  	s28 =	simm.s32 $_size_execute0_lowered;
	s5 =	sadd.s32 s5, s7;
	[dreg:$0x0] =	wrdreg $0x0  }
0xae: {  	s7 =	sshll.u32 s28, $0x1;
	[dreg:$0x2] =	wrdreg s5  }
0xaf: {  	[dreg:$0x3] =	wrdreg s7  }
0xb0: {  	[dreg:$0x4] =	wrdreg $0xC0  }
0xb1: {  	_ =	task [dreg:s9], $0x5FFFF  }
0xb2: {  	[dreg:$0x1] =	wrdreg $0xFFFFFFFF  }
0xb3: {  	[dreg:$0x0] =	wrdreg $0x60  }
0xb4: {  	[dreg:$0x2] =	wrdreg s24  }
0xb5: {  	[dreg:$0x3] =	wrdreg s16  }
0xb6: {  	[dreg:$0x4] =	wrdreg s15  }
0xb7: {  	[dreg:$0x5] =	wrdreg s17  }
0xb8: {  	[dreg:$0x6] =	wrdreg $0x9  }
0xb9: {  	_ =	task.clear_ibuf [dreg:s9], $0x7FFFF;
	_ =	strace $0x90000046  }
0xba: {  	s29 =	simm.s32 $0x9;
	_ =	strace $0x80000048  }
0xbb: {  	_ =	swait.ge [sflag:s29], $0x1  }
0xbc: {  	[sflag:s29] =	ssyncadd.s32 $0xFFFFFFFF  }
0xbd: {  	_ =	strace $0x90000048  }
0xbe: {  	_ =	sfence  }
0xbf: {  	s30 =	sld [smem:$0x0];
	_ =	sdelay $0x2  }
0xc0: {  	s31 =	sshll.u32 s1, $0xD;
	s1 =	sshrl.u32 s1, $0x2  }
0xc1: {  	s3 =	sand.u32 $0x4000, s31;
	s1 =	sadd.s32 s1, s30  }
0xc2: {  	s0 =	sor.u32 s3, s0;
	s1 =	sshll.u32 s1, $0x11  }
0xc3: {  	s0 =	sor.u32 s1, s0  }
0xc4: {  	s0 =	sadd.s32 $0x8F2B, s0  }
0xc5: {  	[sflag:s0] =	ssyncadd.remote.s32 $0x1  }
0xc6: {  	_ =	sfence.sel $0xFFFF  }
0xc7: {  	[dreg:$0x0] =	wrdreg $0xFFFFFFFF;
	(pc) =	sbr.abs _section_cstart, $3  }
0xc8: {  	[dreg:$0x1] =	wrdreg $0xFFFFFFFF  }
0xc9: {  	_ =	task.clear_ibuf [dreg:s9], $0x2FFFF;
	_ =	strace $0x9FFFFFFF  }
0xca: {  	(tm) =	ssettm $0x7FFFFFFF  }
0xcb: {  	_ =	shalt  }
tec
execute0_lowered:
.L_overlay_start_1:
0x0: {  	(tag) =	ssettag $0x1  }
0x1: {  	s0 =	rddreg [dreg:$0x0]  }
0x2: {  	s1 =	rddreg [dreg:$0x1]  }
0x3: {  	s3 =	srdreg.scid;
	s2 =	rddreg [dreg:$0x2]  }
0x4: {  	s4 =	stileid.u32;
	s22 =	rddreg [dreg:$0x3]  }
0x5: {  	s12 =	simm.s32 $0x5;
	s13 =	simm.s32 $0x4F00;
	s30 =	simm.s32 $0xCF00  }
0x6: {  	s23 =	simm.s32 $0x1;
	s3 =	sand.u32 $0x1, s3;
	s4 =	sshll.u32 s4, $0x1  }
0x7: {  	s24 =	simm.s32 $0x2;
	s25 =	simm.s32 $0x3;
	s8 =	sor.u32 s3, s4  }
0x8: {  	s26 =	simm.s32 $0x4;
	s4 =	simm.s32 $0x0;
	s5 =	smul.u32 $0xA0, s8  }
0x9: {  	s3 =	ssub.s32 $0x2, s3;
	[smem:$0x7FF] =	sst s4;
	s10 =	smul.u32 $0x9E0, s8  }
0xa: {  	s6 =	sadd.s32 $0x9E00, s0;
	s7 =	sshrl.u32 s3, $0x1;
	_ =	strace $0x80000047  }
0xb: {  	s29 =	ssub.s32 s3, s7;
	s9 =	sadd.s32 s5, s0;
	s1 =	sadd.s32 s1, s10  }
0xc: {  	v2 =	vlaneseq.u32;
	s5 =	sadd.s32 $0x1E00, s0;
	s0 =	smax.u32 s29, $0x1;
	[dreg:$0x6] =	wrdreg s1  }
0xd: {  	vm0 =	vmmov $0xffff;
	v1 =	vshrl.u32 v2, $0x3;
	s7 =	smul.u32 $0x14000, s8;
	s31 =	sadd.s32 $0xA00, s9;
	[dreg:$0x7] =	wrdreg s0  }
0xe: {  	v0 =	vand.u32 $0x7, v2;
	v2 =	vor.u32 $0x8, v2;
	v1 =	vmul.u32 $0x8, v1;
	s10 =	smul.u32 $0x13C000, s8;
	s1 =	simm.s32 $0x0;
	[dreg:$0x5] =	wrdreg s31  }
.LBB2_1:
0xf: {  	[dreg:$0x8] =	wrdreg s1  }
0x10: {  	s0 =	rddreg [dreg:$0x5]  }
0x11: {  	[tilespmem:s4], [sflag:$0x5] =	stream.linear.gather [hbm4b:s0+s4], $0x500, $0x38;
	[tilespmem:$0x14F00] =	vst v63  }
0x12: {  	_ =	swait.ge [sflag:s12], $0x500  }
0x13: {  	[sflag:s12] =	ssyncset.done $0x0  }
0x14: {  	[sflag:s12] =	ssyncadd.s32 $0xFFFFFB00  }
0x15: {  	v3 =	vld [tilespmem:$0x0];
	_ =	sdelay $0x4  }
0x16: {  	v4 =	vshll.u32 v3, $0x1  }
0x17: {  	v3 =	vand.u32 $0x7, v3;
	v4 =	vand.u32 $0xFFFFFFF0, v4  }
0x18: {  	v3 =	vor.u32 v3, v4  }
0x19: {  	v4 =	vperm.xlane v3, v0;
	_ =	sdelay $0x1  }
0x1a: {  	v3 =	vperm.xlane v3, v2;
	v4 =	vadd.s32 v1, v4;
	_ =	sdelay $0x1  }
0x1b: {  	v3 =	vadd.s32 v1, v3;
	_ =	sdelay $0x2  }
0x1c: {  	[tilespmem:s13], [sflag:$0x1] =	stream.indirect_vreg.gather [hbm4b:s5+s4], $0x80, v4, vm0, $0xb8;
	[tilespmem:$0x14F00] =	vst v63  }
0x1d: {  	s1 =	simm.s32 $0x5700  }
0x1e: {  	[tilespmem:s1], [sflag:$0x1] =	stream.indirect_vreg.gather [hbm4b:s5+s4], $0x80, v3, vm0, $0xb8;
	[tilespmem:$0x14F00] =	vst v63  }
0x1f: {  	v3 =	vld [tilespmem:$0x10];
	_ =	sdelay $0x4  }
0x20: {  	v57 =	vshll.u32 v3, $0x1  }
0x21: {  	v3 =	vand.u32 $0x7, v3;
	v4 =	vand.u32 $0xFFFFFFF0, v57  }
0x22: {  	v3 =	vor.u32 v3, v4  }
0x23: {  	v4 =	vperm.xlane v3, v0;
	_ =	sdelay $0x1  }
0x24: {  	v3 =	vperm.xlane v3, v2;
	v4 =	vadd.s32 v1, v4;
	_ =	sdelay $0x1  }
0x25: {  	v3 =	vadd.s32 v1, v3;
	_ =	sdelay $0x1  }
0x26: {  	s3 =	simm.s32 $0x5F00  }
0x27: {  	[tilespmem:s3], [sflag:$0x1] =	stream.indirect_vreg.gather [hbm4b:s5+s4], $0x80, v4, vm0, $0xb8;
	[tilespmem:$0x14F00] =	vst v63  }
0x28: {  	s8 =	simm.s32 $0x6700  }
0x29: {  	[tilespmem:s8], [sflag:$0x1] =	stream.indirect_vreg.gather [hbm4b:s5+s4], $0x80, v3, vm0, $0xb8;
	[tilespmem:$0x14F00] =	vst v63  }
0x2a: {  	v3 =	vld [tilespmem:$0x20];
	_ =	sdelay $0x4  }
0x2b: {  	v58 =	vshll.u32 v3, $0x1  }
0x2c: {  	v3 =	vand.u32 $0x7, v3;
	v4 =	vand.u32 $0xFFFFFFF0, v58  }
0x2d: {  	v3 =	vor.u32 v3, v4  }
0x2e: {  	v4 =	vperm.xlane v3, v0;
	_ =	sdelay $0x1  }
0x2f: {  	v3 =	vperm.xlane v3, v2;
	v4 =	vadd.s32 v1, v4;
	_ =	sdelay $0x1  }
0x30: {  	v3 =	vadd.s32 v1, v3;
	_ =	sdelay $0x1  }
0x31: {  	s9 =	simm.s32 $0x6F00  }
0x32: {  	[tilespmem:s9], [sflag:$0x1] =	stream.indirect_vreg.gather [hbm4b:s5+s4], $0x80, v4, vm0, $0xb8;
	[tilespmem:$0x14F00] =	vst v63  }
0x33: {  	s11 =	simm.s32 $0x7700  }
0x34: {  	[tilespmem:s11], [sflag:$0x1] =	stream.indirect_vreg.gather [hbm4b:s5+s4], $0x80, v3, vm0, $0xb8;
	[tilespmem:$0x14F00] =	vst v63  }
0x35: {  	v3 =	vld [tilespmem:$0x30];
	_ =	sdelay $0x4  }
0x36: {  	v59 =	vshll.u32 v3, $0x1  }
0x37: {  	v3 =	vand.u32 $0x7, v3;
	v4 =	vand.u32 $0xFFFFFFF0, v59  }
0x38: {  	v3 =	vor.u32 v3, v4  }
0x39: {  	v4 =	vperm.xlane v3, v0;
	_ =	sdelay $0x1  }
0x3a: {  	v3 =	vperm.xlane v3, v2;
	v4 =	vadd.s32 v1, v4;
	_ =	sdelay $0x1  }
0x3b: {  	v3 =	vadd.s32 v1, v3;
	_ =	sdelay $0x1  }
0x3c: {  	s14 =	simm.s32 $0x7F00  }
0x3d: {  	[tilespmem:s14], [sflag:$0x1] =	stream.indirect_vreg.gather [hbm4b:s5+s4], $0x80, v4, vm0, $0xb8;
	[tilespmem:$0x14F00] =	vst v63  }
0x3e: {  	s15 =	simm.s32 $0x8700  }
0x3f: {  	[tilespmem:s15], [sflag:$0x1] =	stream.indirect_vreg.gather [hbm4b:s5+s4], $0x80, v3, vm0, $0xb8;
	[tilespmem:$0x14F00] =	vst v63  }
0x40: {  	v3 =	vld [tilespmem:$0x40];
	_ =	sdelay $0x4  }
0x41: {  	v60 =	vshll.u32 v3, $0x1  }
0x42: {  	v3 =	vand.u32 $0x7, v3;
	v4 =	vand.u32 $0xFFFFFFF0, v60  }
0x43: {  	v3 =	vor.u32 v3, v4  }
0x44: {  	v4 =	vperm.xlane v3, v0;
	_ =	sdelay $0x1  }
0x45: {  	v3 =	vperm.xlane v3, v2;
	v4 =	vadd.s32 v1, v4;
	_ =	sdelay $0x1  }
0x46: {  	v3 =	vadd.s32 v1, v3;
	_ =	sdelay $0x1  }
0x47: {  	s16 =	simm.s32 $0x8F00  }
0x48: {  	[tilespmem:s16], [sflag:$0x2] =	stream.indirect_vreg.gather [hbm4b:s5+s4], $0x80, v4, vm0, $0xb8;
	[tilespmem:$0x14F00] =	vst v63  }
0x49: {  	s17 =	simm.s32 $0x9700  }
0x4a: {  	[tilespmem:s17], [sflag:$0x2] =	stream.indirect_vreg.gather [hbm4b:s5+s4], $0x80, v3, vm0, $0xb8;
	[tilespmem:$0x14F00] =	vst v63  }
0x4b: {  	v3 =	vld [tilespmem:$0x50];
	_ =	sdelay $0x4  }
0x4c: {  	v61 =	vshll.u32 v3, $0x1  }
0x4d: {  	v3 =	vand.u32 $0x7, v3;
	v4 =	vand.u32 $0xFFFFFFF0, v61  }
0x4e: {  	v3 =	vor.u32 v3, v4  }
0x4f: {  	v4 =	vperm.xlane v3, v0;
	_ =	sdelay $0x1  }
0x50: {  	v3 =	vperm.xlane v3, v2;
	v4 =	vadd.s32 v1, v4;
	_ =	sdelay $0x1  }
0x51: {  	v3 =	vadd.s32 v1, v3;
	_ =	sdelay $0x1  }
0x52: {  	s18 =	simm.s32 $0x9F00  }
0x53: {  	[tilespmem:s18], [sflag:$0x2] =	stream.indirect_vreg.gather [hbm4b:s5+s4], $0x80, v4, vm0, $0xb8;
	[tilespmem:$0x14F00] =	vst v63  }
0x54: {  	s19 =	simm.s32 $0xA700  }
0x55: {  	[tilespmem:s19], [sflag:$0x2] =	stream.indirect_vreg.gather [hbm4b:s5+s4], $0x80, v3, vm0, $0xb8;
	[tilespmem:$0x14F00] =	vst v63  }
0x56: {  	v3 =	vld [tilespmem:$0x60];
	_ =	sdelay $0x4  }
0x57: {  	v62 =	vshll.u32 v3, $0x1  }
0x58: {  	v3 =	vand.u32 $0x7, v3;
	v4 =	vand.u32 $0xFFFFFFF0, v62  }
0x59: {  	v3 =	vor.u32 v3, v4  }
0x5a: {  	v4 =	vperm.xlane v3, v0;
	_ =	sdelay $0x1  }
0x5b: {  	v3 =	vperm.xlane v3, v2;
	v4 =	vadd.s32 v1, v4;
	_ =	sdelay $0x1  }
0x5c: {  	v3 =	vadd.s32 v1, v3;
	_ =	sdelay $0x1  }
0x5d: {  	s20 =	simm.s32 $0xAF00  }
0x5e: {  	[tilespmem:s20], [sflag:$0x2] =	stream.indirect_vreg.gather [hbm4b:s5+s4], $0x80, v4, vm0, $0xb8;
	[tilespmem:$0x14F00] =	vst v63  }
0x5f: {  	s21 =	simm.s32 $0xB700  }
0x60: {  	[tilespmem:s21], [sflag:$0x2] =	stream.indirect_vreg.gather [hbm4b:s5+s4], $0x80, v3, vm0, $0xb8;
	[tilespmem:$0x14F00] =	vst v63  }
0x61: {  	v3 =	vld [tilespmem:$0x70];
	_ =	sdelay $0x4  }
0x62: {  	v63 =	vshll.u32 v3, $0x1  }
0x63: {  	v3 =	vand.u32 $0x7, v3;
	v4 =	vand.u32 $0xFFFFFFF0, v63  }
0x64: {  	v3 =	vor.u32 v3, v4  }
0x65: {  	v4 =	vperm.xlane v3, v0;
	_ =	sdelay $0x1  }
0x66: {  	v3 =	vperm.xlane v3, v2;
	v4 =	vadd.s32 v1, v4;
	_ =	sdelay $0x1  }
0x67: {  	v3 =	vadd.s32 v1, v3;
	_ =	sdelay $0x1  }
0x68: {  	s29 =	simm.s32 $0xBF00  }
0x69: {  	[tilespmem:s29], [sflag:$0x2] =	stream.indirect_vreg.gather [hbm4b:s5+s4], $0x80, v4, vm0, $0xb8;
	[tilespmem:$0x14F00] =	vst v63  }
0x6a: {  	s31 =	simm.s32 $0xC700;
	s28 =	simm.s32 $0x0  }
0x6b: {  	[tilespmem:s31], [sflag:$0x2] =	stream.indirect_vreg.gather [hbm4b:s5+s4], $0x80, v3, vm0, $0xb8;
	[tilespmem:$0x14F00] =	vst v63  }
.LBB2_2:
0x6c: {  	s29 =	sshllo.u32 s28, $0x1  }
0x6d: {  	s0 =	sshll.u32 s29, $0x7  }
0x6e: {  	s1 =	sand.u32 $0x3FFFFF80, s0  }
0x6f: {  	v3 =	vld [tilespmem:s1+$0x0];
	_ =	sdelay $0x4  }
0x70: {  	v4 =	vshll.u32 v3, $0x1  }
0x71: {  	v3 =	vand.u32 $0x7, v3;
	v4 =	vand.u32 $0xFFFFFFF0, v4  }
0x72: {  	v3 =	vor.u32 v3, v4  }
0x73: {  	v4 =	vperm.xlane v3, v0;
	_ =	sdelay $0x1  }
0x74: {  	v3 =	vperm.xlane v3, v2;
	v4 =	vadd.s32 v1, v4;
	_ =	sdelay $0x1  }
0x75: {  	v3 =	vadd.s32 v1, v3;
	_ =	sdelay $0x1  }
0x76: {  	s0 =	simm.s32 $0x0  }
0x77: {  	[tilespmem:s30], [sflag:$0x3] =	stream.indirect_vreg.gather [hbm4b:s5+s0], $0x80, v4, vm0, $0xb8;
	[tilespmem:$0x14F00] =	vst v63  }
0x78: {  	s3 =	simm.s32 $0xD700  }
0x79: {  	[tilespmem:s3], [sflag:$0x3] =	stream.indirect_vreg.gather [hbm4b:s5+s0], $0x80, v3, vm0, $0xb8;
	[tilespmem:$0x14F00] =	vst v63  }
0x7a: {  	v3 =	vld [tilespmem:s1+$0x10];
	_ =	sdelay $0x4  }
0x7b: {  	v4 =	vshll.u32 v3, $0x1  }
0x7c: {  	v3 =	vand.u32 $0x7, v3;
	v4 =	vand.u32 $0xFFFFFFF0, v4  }
0x7d: {  	v3 =	vor.u32 v3, v4  }
0x7e: {  	v4 =	vperm.xlane v3, v0;
	_ =	sdelay $0x1  }
0x7f: {  	v3 =	vperm.xlane v3, v2;
	v4 =	vadd.s32 v1, v4;
	_ =	sdelay $0x1  }
0x80: {  	v3 =	vadd.s32 v1, v3;
	_ =	sdelay $0x1  }
0x81: {  	s19 =	simm.s32 $0xDF00  }
0x82: {  	[tilespmem:s19], [sflag:$0x3] =	stream.indirect_vreg.gather [hbm4b:s5+s0], $0x80, v4, vm0, $0xb8;
	[tilespmem:$0x14F00] =	vst v63  }
0x83: {  	s20 =	simm.s32 $0xE700  }
0x84: {  	[tilespmem:s20], [sflag:$0x3] =	stream.indirect_vreg.gather [hbm4b:s5+s0], $0x80, v3, vm0, $0xb8;
	[tilespmem:$0x14F00] =	vst v63  }
0x85: {  	v3 =	vld [tilespmem:s1+$0x20];
	_ =	sdelay $0x4  }
0x86: {  	v4 =	vshll.u32 v3, $0x1  }
0x87: {  	v3 =	vand.u32 $0x7, v3;
	v4 =	vand.u32 $0xFFFFFFF0, v4  }
0x88: {  	v3 =	vor.u32 v3, v4  }
0x89: {  	v4 =	vperm.xlane v3, v0;
	_ =	sdelay $0x1  }
0x8a: {  	v3 =	vperm.xlane v3, v2;
	v4 =	vadd.s32 v1, v4;
	_ =	sdelay $0x1  }
0x8b: {  	v3 =	vadd.s32 v1, v3;
	_ =	sdelay $0x1  }
0x8c: {  	s21 =	simm.s32 $0xEF00  }
0x8d: {  	[tilespmem:s21], [sflag:$0x3] =	stream.indirect_vreg.gather [hbm4b:s5+s0], $0x80, v4, vm0, $0xb8;
	[tilespmem:$0x14F00] =	vst v63  }
0x8e: {  	s8 =	simm.s32 $0xF700  }
0x8f: {  	[tilespmem:s8], [sflag:$0x3] =	stream.indirect_vreg.gather [hbm4b:s5+s0], $0x80, v3, vm0, $0xb8;
	[tilespmem:$0x14F00] =	vst v63  }
0x90: {  	v3 =	vld [tilespmem:s1+$0x30];
	_ =	sdelay $0x4  }
0x91: {  	v4 =	vshll.u32 v3, $0x1  }
0x92: {  	v3 =	vand.u32 $0x7, v3;
	v4 =	vand.u32 $0xFFFFFFF0, v4  }
0x93: {  	v3 =	vor.u32 v3, v4  }
0x94: {  	v4 =	vperm.xlane v3, v0;
	_ =	sdelay $0x1  }
0x95: {  	v3 =	vperm.xlane v3, v2;
	v4 =	vadd.s32 v1, v4;
	_ =	sdelay $0x1  }
0x96: {  	v3 =	vadd.s32 v1, v3;
	_ =	sdelay $0x1  }
0x97: {  	s9 =	simm.s32 $0xFF00  }
0x98: {  	[tilespmem:s9], [sflag:$0x3] =	stream.indirect_vreg.gather [hbm4b:s5+s0], $0x80, v4, vm0, $0xb8;
	[tilespmem:$0x14F00] =	vst v63  }
0x99: {  	s11 =	simm.s32 $0x10700  }
0x9a: {  	[tilespmem:s11], [sflag:$0x3] =	stream.indirect_vreg.gather [hbm4b:s5+s0], $0x80, v3, vm0, $0xb8;
	[tilespmem:$0x14F00] =	vst v63  }
0x9b: {  	v3 =	vld [tilespmem:s1+$0x40];
	_ =	sdelay $0x4  }
0x9c: {  	v4 =	vshll.u32 v3, $0x1  }
0x9d: {  	v3 =	vand.u32 $0x7, v3;
	v4 =	vand.u32 $0xFFFFFFF0, v4  }
0x9e: {  	v3 =	vor.u32 v3, v4  }
0x9f: {  	v4 =	vperm.xlane v3, v0;
	_ =	sdelay $0x1  }
0xa0: {  	v3 =	vperm.xlane v3, v2;
	v4 =	vadd.s32 v1, v4;
	_ =	sdelay $0x1  }
0xa1: {  	v3 =	vadd.s32 v1, v3;
	_ =	sdelay $0x1  }
0xa2: {  	s14 =	simm.s32 $0x10F00  }
0xa3: {  	[tilespmem:s14], [sflag:$0x4] =	stream.indirect_vreg.gather [hbm4b:s5+s0], $0x80, v4, vm0, $0xb8;
	[tilespmem:$0x14F00] =	vst v63  }
0xa4: {  	s15 =	simm.s32 $0x11700  }
0xa5: {  	[tilespmem:s15], [sflag:$0x4] =	stream.indirect_vreg.gather [hbm4b:s5+s0], $0x80, v3, vm0, $0xb8;
	[tilespmem:$0x14F00] =	vst v63  }
0xa6: {  	v3 =	vld [tilespmem:s1+$0x50];
	_ =	sdelay $0x4  }
0xa7: {  	v4 =	vshll.u32 v3, $0x1  }
0xa8: {  	v3 =	vand.u32 $0x7, v3;
	v4 =	vand.u32 $0xFFFFFFF0, v4  }
0xa9: {  	v3 =	vor.u32 v3, v4  }
0xaa: {  	v4 =	vperm.xlane v3, v0;
	_ =	sdelay $0x1  }
0xab: {  	v3 =	vperm.xlane v3, v2;
	v4 =	vadd.s32 v1, v4;
	_ =	sdelay $0x1  }
0xac: {  	v3 =	vadd.s32 v1, v3;
	_ =	sdelay $0x1  }
0xad: {  	s16 =	simm.s32 $0x11F00  }
0xae: {  	[tilespmem:s16], [sflag:$0x4] =	stream.indirect_vreg.gather [hbm4b:s5+s0], $0x80, v4, vm0, $0xb8;
	[tilespmem:$0x14F00] =	vst v63  }
0xaf: {  	s17 =	simm.s32 $0x12700  }
0xb0: {  	[tilespmem:s17], [sflag:$0x4] =	stream.indirect_vreg.gather [hbm4b:s5+s0], $0x80, v3, vm0, $0xb8;
	[tilespmem:$0x14F00] =	vst v63  }
0xb1: {  	v3 =	vld [tilespmem:s1+$0x60];
	_ =	sdelay $0x4  }
0xb2: {  	v4 =	vshll.u32 v3, $0x1  }
0xb3: {  	v3 =	vand.u32 $0x7, v3;
	v4 =	vand.u32 $0xFFFFFFF0, v4  }
0xb4: {  	v3 =	vor.u32 v3, v4  }
0xb5: {  	v4 =	vperm.xlane v3, v0;
	_ =	sdelay $0x1  }
0xb6: {  	v3 =	vperm.xlane v3, v2;
	v4 =	vadd.s32 v1, v4;
	_ =	sdelay $0x1  }
0xb7: {  	v3 =	vadd.s32 v1, v3;
	_ =	sdelay $0x1  }
0xb8: {  	s18 =	simm.s32 $0x12F00  }
0xb9: {  	[tilespmem:s18], [sflag:$0x4] =	stream.indirect_vreg.gather [hbm4b:s5+s0], $0x80, v4, vm0, $0xb8;
	[tilespmem:$0x14F00] =	vst v63  }
0xba: {  	s19 =	simm.s32 $0x13700  }
0xbb: {  	[tilespmem:s19], [sflag:$0x4] =	stream.indirect_vreg.gather [hbm4b:s5+s0], $0x80, v3, vm0, $0xb8;
	[tilespmem:$0x14F00] =	vst v63  }
0xbc: {  	v3 =	vld [tilespmem:s1+$0x70];
	_ =	sdelay $0x4  }
0xbd: {  	v4 =	vshll.u32 v3, $0x1  }
0xbe: {  	v3 =	vand.u32 $0x7, v3;
	v4 =	vand.u32 $0xFFFFFFF0, v4  }
0xbf: {  	v3 =	vor.u32 v3, v4  }
0xc0: {  	v4 =	vperm.xlane v3, v0;
	_ =	sdelay $0x1  }
0xc1: {  	v3 =	vperm.xlane v3, v2;
	v4 =	vadd.s32 v1, v4;
	_ =	sdelay $0x1  }
0xc2: {  	v3 =	vadd.s32 v1, v3;
	_ =	sdelay $0x1  }
0xc3: {  	s20 =	simm.s32 $0x13F00  }
0xc4: {  	[tilespmem:s20], [sflag:$0x4] =	stream.indirect_vreg.gather [hbm4b:s5+s0], $0x80, v4, vm0, $0xb8;
	[tilespmem:$0x14F00] =	vst v63  }
0xc5: {  	s21 =	simm.s32 $0x14700  }
0xc6: {  	[tilespmem:s21], [sflag:$0x4] =	stream.indirect_vreg.gather [hbm4b:s5+s0], $0x80, v3, vm0, $0xb8;
	[tilespmem:$0x14F00] =	vst v63  }
0xc7: {  	s3 =	sand.u32 $0x1800, s0;
	_ =	swait.ge [sflag:s23], $0x4000  }
0xc8: {  	s8 =	simm.s32 $0x2100;
	s9 =	simm.s32 $0x1080;
	[sflag:s23] =	ssyncset.done $0x0  }
0xc9: {  	s11 =	simm.s32 $0x4100;
	s14 =	simm.s32 $0x2080;
	[sflag:s23] =	ssyncadd.s32 $0xFFFFC000  }
0xca: {  	s15 =	simm.s32 $0x6100;
	s16 =	simm.s32 $0x3080;
	_ =	swait.ge [sflag:s24], $0x4000  }
0xcb: {  	s17 =	sand.u32 $0x3800, s8;
	s0 =	sand.u32 $0x300, s0;
	[sflag:s24] =	ssyncset.done $0x0  }
0xcc: {  	s18 =	sand.u32 $0x380, s9;
	s3 =	sor.u32 s0, s3;
	[sflag:s24] =	ssyncadd.s32 $0xFFFFC000  }
0xcd: {  	s31 =	sor.u32 s18, s17;
	s19 =	sand.u32 $0x5800, s11;
	s20 =	sand.u32 $0x380, s14;
	v3 =	vld [tilespmem:s3+$0x4F80]  }
0xce: {  	s1 =	sor.u32 s20, s19;
	s21 =	sand.u32 $0x7800, s15;
	s0 =	sand.u32 $0x380, s16;
	v4 =	vld [tilespmem:s31+$0x4F00]  }
0xcf: {  	s0 =	sor.u32 s0, s21;
	v5 =	vld [tilespmem:s1+$0x4F00]  }
0xd0: {  	v6 =	vld [tilespmem:s0+$0x4F00];
	_ =	sdelay $0x4  }
0xd1: {  	v7 =	vld [tilespmem:s3+$0xAF00];
	v3 =	vadd.f32 v4, v3;
	v4 =	vadd.f32 v6, v5  }
0xd2: {  	v5 =	vld [tilespmem:s3+$0x4F00]  }
0xd3: {  	v6 =	vld [tilespmem:s3+$0x6F00];
	v3 =	vadd.f32 v4, v3  }
0xd4: {  	v4 =	vld [tilespmem:s3+$0x8F00]  }
0xd5: {  	[tilespmem:s3+$0x4F80] =	vst v3;
	v3 =	vld [tilespmem:s3+$0x4F90]  }
0xd6: {  	v8 =	vld [tilespmem:s31+$0x4F10]  }
0xd7: {  	v9 =	vld [tilespmem:s1+$0x4F10]  }
0xd8: {  	v10 =	vld [tilespmem:s0+$0x4F10]  }
0xd9: {  	v5 =	vadd.f32 v6, v5;
	v4 =	vadd.f32 v7, v4;
	_ =	sdelay $0x1  }
0xda: {  	v4 =	vadd.f32 v4, v5;
	_ =	sdelay $0x1  }
0xdb: {  	v6 =	vld [tilespmem:s3+$0x6F10];
	v3 =	vadd.f32 v8, v3;
	[tilespmem:s3+$0x4F00] =	vst v4;
	v4 =	vadd.f32 v10, v9  }
0xdc: {  	v7 =	vld [tilespmem:s3+$0xAF10]  }
0xdd: {  	v5 =	vld [tilespmem:s3+$0x4F10];
	v3 =	vadd.f32 v4, v3  }
0xde: {  	v4 =	vld [tilespmem:s3+$0x8F10]  }
0xdf: {  	[tilespmem:s3+$0x4F90] =	vst v3;
	v3 =	vld [tilespmem:s3+$0x4FA0]  }
0xe0: {  	v8 =	vld [tilespmem:s31+$0x4F20]  }
0xe1: {  	v9 =	vld [tilespmem:s1+$0x4F20]  }
0xe2: {  	v10 =	vld [tilespmem:s0+$0x4F20]  }
0xe3: {  	v5 =	vadd.f32 v6, v5;
	v4 =	vadd.f32 v7, v4;
	_ =	sdelay $0x1  }
0xe4: {  	v4 =	vadd.f32 v4, v5;
	_ =	sdelay $0x1  }
0xe5: {  	v6 =	vld [tilespmem:s3+$0x6F20];
	v3 =	vadd.f32 v8, v3;
	[tilespmem:s3+$0x4F10] =	vst v4;
	v4 =	vadd.f32 v10, v9  }
0xe6: {  	v7 =	vld [tilespmem:s3+$0xAF20]  }
0xe7: {  	v5 =	vld [tilespmem:s3+$0x4F20];
	v3 =	vadd.f32 v4, v3  }
0xe8: {  	v4 =	vld [tilespmem:s3+$0x8F20]  }
0xe9: {  	[tilespmem:s3+$0x4FA0] =	vst v3;
	v3 =	vld [tilespmem:s3+$0x4FB0]  }
0xea: {  	v8 =	vld [tilespmem:s31+$0x4F30]  }
0xeb: {  	v9 =	vld [tilespmem:s1+$0x4F30]  }
0xec: {  	v10 =	vld [tilespmem:s0+$0x4F30]  }
0xed: {  	v5 =	vadd.f32 v6, v5;
	v4 =	vadd.f32 v7, v4;
	_ =	sdelay $0x1  }
0xee: {  	v4 =	vadd.f32 v4, v5;
	_ =	sdelay $0x1  }
0xef: {  	v6 =	vld [tilespmem:s3+$0x6F30];
	v3 =	vadd.f32 v8, v3;
	[tilespmem:s3+$0x4F20] =	vst v4;
	v4 =	vadd.f32 v10, v9  }
0xf0: {  	v7 =	vld [tilespmem:s3+$0xAF30]  }
0xf1: {  	v5 =	vld [tilespmem:s3+$0x4F30];
	v3 =	vadd.f32 v4, v3  }
0xf2: {  	v4 =	vld [tilespmem:s3+$0x8F30]  }
0xf3: {  	[tilespmem:s3+$0x4FB0] =	vst v3;
	v3 =	vld [tilespmem:s3+$0x4FC0]  }
0xf4: {  	v8 =	vld [tilespmem:s31+$0x4F40]  }
0xf5: {  	v9 =	vld [tilespmem:s1+$0x4F40]  }
0xf6: {  	v10 =	vld [tilespmem:s0+$0x4F40]  }
0xf7: {  	v5 =	vadd.f32 v6, v5;
	v4 =	vadd.f32 v7, v4;
	_ =	sdelay $0x1  }
0xf8: {  	v4 =	vadd.f32 v4, v5;
	_ =	sdelay $0x1  }
0xf9: {  	v6 =	vld [tilespmem:s3+$0x6F40];
	v3 =	vadd.f32 v8, v3;
	[tilespmem:s3+$0x4F30] =	vst v4;
	v4 =	vadd.f32 v10, v9  }
0xfa: {  	v7 =	vld [tilespmem:s3+$0xAF40]  }
0xfb: {  	v5 =	vld [tilespmem:s3+$0x4F40];
	v3 =	vadd.f32 v4, v3  }
0xfc: {  	v4 =	vld [tilespmem:s3+$0x8F40]  }
0xfd: {  	[tilespmem:s3+$0x4FC0] =	vst v3;
	v3 =	vld [tilespmem:s3+$0x4FD0]  }
0xfe: {  	v8 =	vld [tilespmem:s31+$0x4F50]  }
0xff: {  	v9 =	vld [tilespmem:s1+$0x4F50]  }
0x100: {  	v10 =	vld [tilespmem:s0+$0x4F50]  }
0x101: {  	v5 =	vadd.f32 v6, v5;
	v6 =	vld [tilespmem:s3+$0x4F50];
	v4 =	vadd.f32 v7, v4  }
0x102: {  	v7 =	vld [tilespmem:s3+$0x6F50]  }
0x103: {  	v11 =	vld [tilespmem:s3+$0xAF50];
	v4 =	vadd.f32 v4, v5  }
0x104: {  	v5 =	vld [tilespmem:s3+$0x8F50]  }
0x105: {  	v3 =	vadd.f32 v8, v3;
	v8 =	vld [tilespmem:s3+$0x4F60];
	[tilespmem:s3+$0x4F40] =	vst v4;
	v4 =	vadd.f32 v10, v9  }
0x106: {  	v9 =	vld [tilespmem:s3+$0x6F60]  }
0x107: {  	v6 =	vadd.f32 v7, v6;
	v7 =	vld [tilespmem:s3+$0xAF60];
	v3 =	vadd.f32 v4, v3  }
0x108: {  	v4 =	vld [tilespmem:s3+$0x8F60]  }
0x109: {  	v5 =	vadd.f32 v11, v5;
	[tilespmem:s3+$0x4FD0] =	vst v3;
	v3 =	vld [tilespmem:s3+$0x4FE0]  }
0x10a: {  	v10 =	vld [tilespmem:s31+$0x4F60]  }
0x10b: {  	v5 =	vadd.f32 v5, v6;
	v6 =	vld [tilespmem:s1+$0x4F60]  }
0x10c: {  	v11 =	vld [tilespmem:s0+$0x4F60]  }
0x10d: {  	[tilespmem:s3+$0x4F50] =	vst v5;
	v5 =	vadd.f32 v9, v8;
	v4 =	vadd.f32 v7, v4;
	v7 =	vld [tilespmem:s3+$0x4F70]  }
0x10e: {  	v8 =	vld [tilespmem:s3+$0x6F70]  }
0x10f: {  	v9 =	vld [tilespmem:s3+$0xAF70];
	v4 =	vadd.f32 v4, v5  }
0x110: {  	v5 =	vld [tilespmem:s3+$0x8F70]  }
0x111: {  	v3 =	vadd.f32 v10, v3;
	v10 =	vld [tilespmem:s3+$0x7300];
	[tilespmem:s3+$0x4F60] =	vst v4;
	v4 =	vadd.f32 v11, v6  }
0x112: {  	v6 =	vld [tilespmem:s3+$0x5300]  }
0x113: {  	v7 =	vadd.f32 v8, v7;
	v8 =	vld [tilespmem:s3+$0xB300];
	v3 =	vadd.f32 v4, v3  }
0x114: {  	v4 =	vld [tilespmem:s3+$0x9300]  }
0x115: {  	v5 =	vadd.f32 v9, v5;
	[tilespmem:s3+$0x4FE0] =	vst v3;
	v3 =	vld [tilespmem:s3+$0x4FF0]  }
0x116: {  	v9 =	vld [tilespmem:s31+$0x4F70]  }
0x117: {  	v5 =	vadd.f32 v5, v7;
	v7 =	vld [tilespmem:s1+$0x4F70]  }
0x118: {  	v11 =	vld [tilespmem:s0+$0x4F70]  }
0x119: {  	[tilespmem:s3+$0x4F70] =	vst v5;
	v5 =	vadd.f32 v10, v6;
	v4 =	vadd.f32 v8, v4;
	v6 =	vld [tilespmem:s3+$0x5310]  }
0x11a: {  	v8 =	vld [tilespmem:s3+$0x7310]  }
0x11b: {  	v10 =	vld [tilespmem:s3+$0xB310];
	v4 =	vadd.f32 v4, v5  }
0x11c: {  	v5 =	vld [tilespmem:s3+$0x9310]  }
0x11d: {  	v3 =	vadd.f32 v9, v3;
	v9 =	vld [tilespmem:s3+$0x7320];
	[tilespmem:s3+$0x5300] =	vst v4;
	v4 =	vadd.f32 v11, v7  }
0x11e: {  	v7 =	vld [tilespmem:s3+$0x5320]  }
0x11f: {  	v6 =	vadd.f32 v8, v6;
	v8 =	vld [tilespmem:s3+$0xB320];
	v3 =	vadd.f32 v4, v3  }
0x120: {  	v4 =	vld [tilespmem:s3+$0x9320]  }
0x121: {  	v5 =	vadd.f32 v10, v5;
	[tilespmem:s3+$0x4FF0] =	vst v3;
	v3 =	vld [tilespmem:s3+$0x5380]  }
0x122: {  	v10 =	vld [tilespmem:s31+$0x5300]  }
0x123: {  	v5 =	vadd.f32 v5, v6;
	v6 =	vld [tilespmem:s1+$0x5300]  }
0x124: {  	v11 =	vld [tilespmem:s0+$0x5300]  }
0x125: {  	[tilespmem:s3+$0x5310] =	vst v5;
	v5 =	vadd.f32 v9, v7;
	v4 =	vadd.f32 v8, v4;
	v7 =	vld [tilespmem:s3+$0x5330]  }
0x126: {  	v8 =	vld [tilespmem:s3+$0x7330]  }
0x127: {  	v9 =	vld [tilespmem:s3+$0xB330];
	v4 =	vadd.f32 v4, v5  }
0x128: {  	v5 =	vld [tilespmem:s3+$0x9330]  }
0x129: {  	v3 =	vadd.f32 v10, v3;
	v10 =	vld [tilespmem:s3+$0x7340];
	[tilespmem:s3+$0x5320] =	vst v4;
	v4 =	vadd.f32 v11, v6  }
0x12a: {  	v6 =	vld [tilespmem:s3+$0x5340]  }
0x12b: {  	v7 =	vadd.f32 v8, v7;
	v8 =	vld [tilespmem:s3+$0xB340];
	v3 =	vadd.f32 v4, v3  }
0x12c: {  	v4 =	vld [tilespmem:s3+$0x9340]  }
0x12d: {  	v5 =	vadd.f32 v9, v5;
	[tilespmem:s3+$0x5380] =	vst v3;
	v3 =	vld [tilespmem:s3+$0x5390]  }
0x12e: {  	v9 =	vld [tilespmem:s31+$0x5310]  }
0x12f: {  	v5 =	vadd.f32 v5, v7;
	v7 =	vld [tilespmem:s1+$0x5310]  }
0x130: {  	v11 =	vld [tilespmem:s0+$0x5310]  }
0x131: {  	v12 =	vld [tilespmem:s3+$0xB350];
	[tilespmem:s3+$0x5330] =	vst v5;
	v5 =	vadd.f32 v10, v6;
	v4 =	vadd.f32 v8, v4  }
0x132: {  	v8 =	vld [tilespmem:s3+$0x5350]  }
0x133: {  	v10 =	vld [tilespmem:s3+$0x7350];
	v4 =	vadd.f32 v4, v5  }
0x134: {  	v5 =	vld [tilespmem:s3+$0x9350]  }
0x135: {  	v13 =	vld [tilespmem:s3+$0x7360];
	v3 =	vadd.f32 v9, v3;
	[tilespmem:s3+$0x5340] =	vst v4;
	v4 =	vadd.f32 v11, v7  }
0x136: {  	v11 =	vld [tilespmem:s3+$0x5360]  }
0x137: {  	v6 =	vadd.f32 v4, v3;
	v3 =	vld [tilespmem:s3+$0x9360]  }
0x138: {  	v4 =	vld [tilespmem:s3+$0xB360]  }
0x139: {  	v7 =	vadd.f32 v10, v8;
	v5 =	vadd.f32 v12, v5;
	[tilespmem:s3+$0x5390] =	vst v6;
	v6 =	vld [tilespmem:s3+$0x53A0]  }
0x13a: {  	v8 =	vld [tilespmem:s31+$0x5320]  }
0x13b: {  	v9 =	vld [tilespmem:s1+$0x5320];
	v7 =	vadd.f32 v5, v7  }
0x13c: {  	s8 =	simm.s32 $0x0;
	s9 =	simm.s32 $0x100;
	s11 =	simm.s32 $0x200;
	v5 =	vadd.f32 v13, v11;
	v10 =	vld [tilespmem:s0+$0x5320]  }
.LBB2_3:
0x13d: {  	s14 =	sand.u32 $0x1800, s11;
	s15 =	sand.u32 $0x300, s9;
	[tilespmem:s3+$0x5350] =	vst v7;
	v3 =	vadd.f32 v4, v3;
	v4 =	vld [tilespmem:s3+$0x5370]  }
0x13e: {  	s16 =	sadd.s32 $0x2100, s11;
	s17 =	sadd.s32 $0x1080, s9;
	s18 =	sadd.s32 $0x4100, s11;
	v7 =	vld [tilespmem:s3+$0x7370]  }
0x13f: {  	s19 =	sadd.s32 $0x2080, s9;
	s20 =	sadd.s32 $0x6100, s11;
	s21 =	sadd.s32 $0x3080, s9;
	v3 =	vadd.f32 v3, v5;
	v5 =	vld [tilespmem:s3+$0x9370]  }
0x140: {  	s14 =	sor.u32 s15, s14;
	s15 =	sand.u32 $0x3800, s16;
	s16 =	sand.u32 $0x380, s17;
	v11 =	vld [tilespmem:s3+$0xB370]  }
0x141: {  	s17 =	sand.u32 $0x380, s19;
	s15 =	sor.u32 s16, s15;
	s16 =	sand.u32 $0x5800, s18;
	v12 =	vld [tilespmem:s14+$0x4F80];
	[tilespmem:s3+$0x5360] =	vst v3;
	v3 =	vadd.f32 v8, v6;
	v6 =	vadd.f32 v10, v9  }
0x142: {  	s18 =	sand.u32 $0x380, s21;
	s16 =	sor.u32 s17, s16;
	s17 =	sand.u32 $0x7800, s20;
	v8 =	vld [tilespmem:s15+$0x4F00]  }
0x143: {  	s17 =	sor.u32 s18, s17;
	v9 =	vld [tilespmem:s16+$0x4F00];
	v4 =	vadd.f32 v7, v4;
	v3 =	vadd.f32 v6, v3  }
0x144: {  	v6 =	vld [tilespmem:s17+$0x4F00]  }
0x145: {  	v5 =	vadd.f32 v11, v5;
	[tilespmem:s3+$0x53A0] =	vst v3;
	v3 =	vld [tilespmem:s3+$0x53B0]  }
0x146: {  	v7 =	vld [tilespmem:s31+$0x5330]  }
0x147: {  	v4 =	vadd.f32 v5, v4;
	v5 =	vld [tilespmem:s1+$0x5330]  }
0x148: {  	v10 =	vld [tilespmem:s0+$0x5330]  }
0x149: {  	v8 =	vadd.f32 v8, v12;
	v11 =	vld [tilespmem:s14+$0x4F00];
	v6 =	vadd.f32 v6, v9;
	[tilespmem:s3+$0x5370] =	vst v4  }
0x14a: {  	v4 =	vld [tilespmem:s14+$0x6F00]  }
0x14b: {  	v9 =	vld [tilespmem:s14+$0x8F00];
	v6 =	vadd.f32 v6, v8  }
0x14c: {  	v8 =	vld [tilespmem:s14+$0xAF00]  }
0x14d: {  	v3 =	vadd.f32 v7, v3;
	[tilespmem:s14+$0x4F80] =	vst v6;
	v6 =	vld [tilespmem:s14+$0x4F90];
	v5 =	vadd.f32 v10, v5  }
0x14e: {  	v7 =	vld [tilespmem:s15+$0x4F10]  }
0x14f: {  	v4 =	vadd.f32 v4, v11;
	v10 =	vld [tilespmem:s16+$0x4F10];
	v3 =	vadd.f32 v5, v3  }
0x150: {  	v5 =	vld [tilespmem:s17+$0x4F10]  }
0x151: {  	v8 =	vadd.f32 v8, v9;
	[tilespmem:s3+$0x53B0] =	vst v3;
	v3 =	vld [tilespmem:s3+$0x53C0]  }
0x152: {  	v9 =	vld [tilespmem:s31+$0x5340]  }
0x153: {  	v4 =	vadd.f32 v8, v4;
	v8 =	vld [tilespmem:s1+$0x5340]  }
0x154: {  	v11 =	vld [tilespmem:s0+$0x5340]  }
0x155: {  	v6 =	vadd.f32 v7, v6;
	[tilespmem:s14+$0x4F00] =	vst v4;
	v4 =	vld [tilespmem:s14+$0x4F10];
	v5 =	vadd.f32 v5, v10  }
0x156: {  	v7 =	vld [tilespmem:s14+$0x6F10]  }
0x157: {  	v10 =	vld [tilespmem:s14+$0x8F10];
	v5 =	vadd.f32 v5, v6  }
0x158: {  	v6 =	vld [tilespmem:s14+$0xAF10]  }
0x159: {  	v3 =	vadd.f32 v9, v3;
	[tilespmem:s14+$0x4F90] =	vst v5;
	v5 =	vld [tilespmem:s14+$0x4FA0];
	v8 =	vadd.f32 v11, v8  }
0x15a: {  	v9 =	vld [tilespmem:s15+$0x4F20]  }
0x15b: {  	v4 =	vadd.f32 v7, v4;
	v7 =	vld [tilespmem:s16+$0x4F20];
	v3 =	vadd.f32 v8, v3  }
0x15c: {  	v8 =	vld [tilespmem:s17+$0x4F20]  }
0x15d: {  	v6 =	vadd.f32 v6, v10;
	[tilespmem:s3+$0x53C0] =	vst v3;
	v3 =	vld [tilespmem:s3+$0x53D0]  }
0x15e: {  	v10 =	vld [tilespmem:s31+$0x5350]  }
0x15f: {  	s8 =	sadd.s32 $0x2, s8;
	v4 =	vadd.f32 v6, v4;
	v6 =	vld [tilespmem:s1+$0x5350]  }
0x160: {  	p0 =	slt.u32 s8, $0x1E;
	v11 =	vld [tilespmem:s0+$0x5350]  }
0x161: {  	v5 =	vadd.f32 v9, v5;
	[tilespmem:s14+$0x4F10] =	vst v4;
	v4 =	vld [tilespmem:s14+$0x4F20];
	v7 =	vadd.f32 v8, v7  }
0x162: {  	v8 =	vld [tilespmem:s14+$0x6F20]  }
0x163: {  	v9 =	vld [tilespmem:s14+$0x8F20];
	v5 =	vadd.f32 v7, v5  }
0x164: {  	v7 =	vld [tilespmem:s14+$0xAF20]  }
0x165: {  	v3 =	vadd.f32 v10, v3;
	[tilespmem:s14+$0x4FA0] =	vst v5;
	v5 =	vld [tilespmem:s14+$0x4FB0];
	v6 =	vadd.f32 v11, v6  }
0x166: {  	v10 =	vld [tilespmem:s15+$0x4F30]  }
0x167: {  	v4 =	vadd.f32 v8, v4;
	v8 =	vld [tilespmem:s16+$0x4F30];
	v3 =	vadd.f32 v6, v3  }
0x168: {  	v6 =	vld [tilespmem:s17+$0x4F30]  }
0x169: {  	v7 =	vadd.f32 v7, v9;
	[tilespmem:s3+$0x53D0] =	vst v3;
	v3 =	vld [tilespmem:s3+$0x53E0]  }
0x16a: {  	v9 =	vld [tilespmem:s31+$0x5360]  }
0x16b: {  	v4 =	vadd.f32 v7, v4;
	v7 =	vld [tilespmem:s1+$0x5360]  }
0x16c: {  	v11 =	vld [tilespmem:s0+$0x5360]  }
0x16d: {  	v5 =	vadd.f32 v10, v5;
	[tilespmem:s14+$0x4F20] =	vst v4;
	v4 =	vld [tilespmem:s14+$0x4F30];
	v6 =	vadd.f32 v6, v8  }
0x16e: {  	v8 =	vld [tilespmem:s14+$0x6F30]  }
0x16f: {  	v10 =	vld [tilespmem:s14+$0x8F30];
	v5 =	vadd.f32 v6, v5  }
0x170: {  	v6 =	vld [tilespmem:s14+$0xAF30]  }
0x171: {  	v3 =	vadd.f32 v9, v3;
	[tilespmem:s14+$0x4FB0] =	vst v5;
	v5 =	vld [tilespmem:s14+$0x4FC0];
	v7 =	vadd.f32 v11, v7  }
0x172: {  	v9 =	vld [tilespmem:s15+$0x4F40]  }
0x173: {  	v4 =	vadd.f32 v8, v4;
	v8 =	vld [tilespmem:s16+$0x4F40];
	v3 =	vadd.f32 v7, v3  }
0x174: {  	v7 =	vld [tilespmem:s17+$0x4F40]  }
0x175: {  	v6 =	vadd.f32 v6, v10;
	[tilespmem:s3+$0x53E0] =	vst v3;
	v3 =	vld [tilespmem:s3+$0x53F0]  }
0x176: {  	v10 =	vld [tilespmem:s31+$0x5370];
	s31 =	smov.u32 s15  }
0x177: {  	v4 =	vadd.f32 v6, v4;
	v6 =	vld [tilespmem:s1+$0x5370];
	s1 =	smov.u32 s16  }
0x178: {  	v11 =	vld [tilespmem:s0+$0x5370];
	s0 =	smov.u32 s17  }
0x179: {  	v5 =	vadd.f32 v9, v5;
	[tilespmem:s14+$0x4F30] =	vst v4;
	v4 =	vld [tilespmem:s14+$0x4F40];
	v7 =	vadd.f32 v7, v8  }
0x17a: {  	v8 =	vld [tilespmem:s14+$0x6F40]  }
0x17b: {  	v9 =	vld [tilespmem:s14+$0x8F40];
	v5 =	vadd.f32 v7, v5  }
0x17c: {  	v7 =	vld [tilespmem:s14+$0xAF40]  }
0x17d: {  	v3 =	vadd.f32 v10, v3;
	[tilespmem:s14+$0x4FC0] =	vst v5;
	v5 =	vld [tilespmem:s14+$0x4FD0];
	v6 =	vadd.f32 v11, v6  }
0x17e: {  	v10 =	vld [tilespmem:s31+$0x4F50]  }
0x17f: {  	v4 =	vadd.f32 v8, v4;
	v8 =	vld [tilespmem:s1+$0x4F50];
	v3 =	vadd.f32 v6, v3  }
0x180: {  	v6 =	vld [tilespmem:s0+$0x4F50]  }
0x181: {  	v7 =	vadd.f32 v7, v9;
	v9 =	vld [tilespmem:s14+$0x4F50];
	[tilespmem:s3+$0x53F0] =	vst v3;
	s3 =	smov.u32 s14  }
0x182: {  	v3 =	vld [tilespmem:s3+$0x6F50]  }
0x183: {  	v4 =	vadd.f32 v7, v4;
	v7 =	vld [tilespmem:s3+$0x8F50]  }
0x184: {  	v11 =	vld [tilespmem:s3+$0xAF50]  }
0x185: {  	v5 =	vadd.f32 v10, v5;
	[tilespmem:s3+$0x4F40] =	vst v4;
	v4 =	vld [tilespmem:s3+$0x4F60];
	v6 =	vadd.f32 v6, v8  }
0x186: {  	v8 =	vld [tilespmem:s3+$0x6F60]  }
0x187: {  	v3 =	vadd.f32 v3, v9;
	v9 =	vld [tilespmem:s3+$0x8F60];
	v5 =	vadd.f32 v6, v5  }
0x188: {  	v6 =	vld [tilespmem:s3+$0xAF60]  }
0x189: {  	v7 =	vadd.f32 v11, v7;
	[tilespmem:s3+$0x4FD0] =	vst v5;
	v5 =	vld [tilespmem:s3+$0x4FE0]  }
0x18a: {  	v10 =	vld [tilespmem:s31+$0x4F60]  }
0x18b: {  	v3 =	vadd.f32 v7, v3;
	v4 =	vadd.f32 v8, v4;
	v7 =	vld [tilespmem:s1+$0x4F60]  }
0x18c: {  	v8 =	vld [tilespmem:s0+$0x4F60]  }
0x18d: {  	[tilespmem:s3+$0x4F50] =	vst v3;
	v3 =	vadd.f32 v6, v9;
	v6 =	vld [tilespmem:s3+$0x4F70]  }
0x18e: {  	v9 =	vld [tilespmem:s3+$0x6F70]  }
0x18f: {  	v3 =	vadd.f32 v3, v4;
	v4 =	vld [tilespmem:s3+$0x8F70]  }
0x190: {  	v11 =	vld [tilespmem:s3+$0xAF70]  }
0x191: {  	v5 =	vadd.f32 v10, v5;
	[tilespmem:s3+$0x4F60] =	vst v3;
	v3 =	vld [tilespmem:s3+$0x5300];
	v7 =	vadd.f32 v8, v7  }
0x192: {  	v8 =	vld [tilespmem:s3+$0x7300]  }
0x193: {  	v6 =	vadd.f32 v9, v6;
	v9 =	vld [tilespmem:s3+$0x9300];
	v5 =	vadd.f32 v7, v5  }
0x194: {  	v7 =	vld [tilespmem:s3+$0xB300]  }
0x195: {  	v4 =	vadd.f32 v11, v4;
	[tilespmem:s3+$0x4FE0] =	vst v5;
	v5 =	vld [tilespmem:s3+$0x4FF0]  }
0x196: {  	v10 =	vld [tilespmem:s31+$0x4F70]  }
0x197: {  	v4 =	vadd.f32 v4, v6;
	v3 =	vadd.f32 v8, v3;
	v6 =	vld [tilespmem:s1+$0x4F70]  }
0x198: {  	v8 =	vld [tilespmem:s0+$0x4F70]  }
0x199: {  	[tilespmem:s3+$0x4F70] =	vst v4;
	v4 =	vadd.f32 v7, v9;
	v7 =	vld [tilespmem:s3+$0x5310]  }
0x19a: {  	v9 =	vld [tilespmem:s3+$0x7310]  }
0x19b: {  	v3 =	vadd.f32 v4, v3;
	v4 =	vld [tilespmem:s3+$0x9310]  }
0x19c: {  	v11 =	vld [tilespmem:s3+$0xB310]  }
0x19d: {  	v5 =	vadd.f32 v10, v5;
	[tilespmem:s3+$0x5300] =	vst v3;
	v3 =	vld [tilespmem:s3+$0x5320];
	v6 =	vadd.f32 v8, v6  }
0x19e: {  	v8 =	vld [tilespmem:s3+$0x7320]  }
0x19f: {  	v7 =	vadd.f32 v9, v7;
	v9 =	vld [tilespmem:s3+$0x9320];
	v5 =	vadd.f32 v6, v5  }
0x1a0: {  	v6 =	vld [tilespmem:s3+$0xB320]  }
0x1a1: {  	v4 =	vadd.f32 v11, v4;
	[tilespmem:s3+$0x4FF0] =	vst v5;
	v5 =	vld [tilespmem:s3+$0x5380]  }
0x1a2: {  	v10 =	vld [tilespmem:s31+$0x5300]  }
0x1a3: {  	v4 =	vadd.f32 v4, v7;
	v3 =	vadd.f32 v8, v3;
	v7 =	vld [tilespmem:s1+$0x5300]  }
0x1a4: {  	v8 =	vld [tilespmem:s0+$0x5300]  }
0x1a5: {  	[tilespmem:s3+$0x5310] =	vst v4;
	v4 =	vadd.f32 v6, v9;
	v6 =	vld [tilespmem:s3+$0x5330]  }
0x1a6: {  	v9 =	vld [tilespmem:s3+$0x7330]  }
0x1a7: {  	v3 =	vadd.f32 v4, v3;
	v4 =	vld [tilespmem:s3+$0x9330]  }
0x1a8: {  	v11 =	vld [tilespmem:s3+$0xB330]  }
0x1a9: {  	v5 =	vadd.f32 v10, v5;
	[tilespmem:s3+$0x5320] =	vst v3;
	v3 =	vld [tilespmem:s3+$0x5340];
	v7 =	vadd.f32 v8, v7  }
0x1aa: {  	v8 =	vld [tilespmem:s3+$0x7340]  }
0x1ab: {  	v6 =	vadd.f32 v9, v6;
	v9 =	vld [tilespmem:s3+$0x9340];
	v5 =	vadd.f32 v7, v5  }
0x1ac: {  	v7 =	vld [tilespmem:s3+$0xB340]  }
0x1ad: {  	v4 =	vadd.f32 v11, v4;
	[tilespmem:s3+$0x5380] =	vst v5;
	v5 =	vld [tilespmem:s3+$0x5390]  }
0x1ae: {  	v10 =	vld [tilespmem:s31+$0x5310]  }
0x1af: {  	v4 =	vadd.f32 v4, v6;
	v3 =	vadd.f32 v8, v3;
	v6 =	vld [tilespmem:s1+$0x5310]  }
0x1b0: {  	v8 =	vld [tilespmem:s0+$0x5310]  }
0x1b1: {  	[tilespmem:s3+$0x5330] =	vst v4;
	v4 =	vadd.f32 v7, v9;
	v7 =	vld [tilespmem:s3+$0x5350]  }
0x1b2: {  	v9 =	vld [tilespmem:s3+$0x7350]  }
0x1b3: {  	v3 =	vadd.f32 v4, v3;
	v11 =	vld [tilespmem:s3+$0x9350]  }
0x1b4: {  	v12 =	vld [tilespmem:s3+$0xB350]  }
0x1b5: {  	v4 =	vadd.f32 v10, v5;
	[tilespmem:s3+$0x5340] =	vst v3;
	v13 =	vld [tilespmem:s3+$0x5360];
	v5 =	vadd.f32 v8, v6  }
0x1b6: {  	v10 =	vld [tilespmem:s3+$0x7360]  }
0x1b7: {  	v7 =	vadd.f32 v9, v7;
	v3 =	vld [tilespmem:s3+$0x9360];
	v5 =	vadd.f32 v5, v4  }
.Ltmp0:
0x1b8: {  	v4 =	vld [tilespmem:s3+$0xB360];
	(pc) =	sbr.rel @p0 .LBB2_3-.Ltmp0, $4  }
0x1b9: {  	v9 =	vadd.f32 v12, v11;
	[tilespmem:s3+$0x5390] =	vst v5;
	v6 =	vld [tilespmem:s3+$0x53A0]  }
0x1ba: {  	v8 =	vld [tilespmem:s31+$0x5320]  }
0x1bb: {  	v7 =	vadd.f32 v9, v7;
	v5 =	vadd.f32 v10, v13;
	v9 =	vld [tilespmem:s1+$0x5320]  }
0x1bc: {  	s9 =	sadd.s32 $0x100, s9;
	s11 =	sadd.s32 $0x200, s11;
	v10 =	vld [tilespmem:s0+$0x5320]  }
0x1bd: {  	_ =	sdelay $0x3  }
0x1be: {  	v6 =	vadd.f32 v8, v6;
	v35 =	vadd.f32 v10, v9;
	_ =	sdelay $0x1  }
0x1bf: {  	v6 =	vadd.f32 v35, v6;
	_ =	sdelay $0x1  }
0x1c0: {  	v36 =	vld [tilespmem:s3+$0x53B0];
	[tilespmem:s3+$0x53A0] =	vst v6  }
0x1c1: {  	v37 =	vld [tilespmem:s31+$0x5330]  }
0x1c2: {  	v38 =	vld [tilespmem:s1+$0x5330]  }
0x1c3: {  	v39 =	vld [tilespmem:s0+$0x5330];
	_ =	sdelay $0x4  }
0x1c4: {  	v6 =	vadd.f32 v37, v36;
	v40 =	vadd.f32 v39, v38;
	_ =	sdelay $0x1  }
0x1c5: {  	v6 =	vadd.f32 v40, v6;
	_ =	sdelay $0x1  }
0x1c6: {  	v41 =	vld [tilespmem:s3+$0x53C0];
	[tilespmem:s3+$0x53B0] =	vst v6  }
0x1c7: {  	v42 =	vld [tilespmem:s31+$0x5340]  }
0x1c8: {  	v43 =	vld [tilespmem:s1+$0x5340]  }
0x1c9: {  	v44 =	vld [tilespmem:s0+$0x5340];
	_ =	sdelay $0x4  }
0x1ca: {  	v6 =	vadd.f32 v42, v41;
	v45 =	vadd.f32 v44, v43;
	_ =	sdelay $0x1  }
0x1cb: {  	v6 =	vadd.f32 v45, v6;
	_ =	sdelay $0x1  }
0x1cc: {  	v46 =	vld [tilespmem:s3+$0x53D0];
	[tilespmem:s3+$0x53C0] =	vst v6  }
0x1cd: {  	v47 =	vld [tilespmem:s31+$0x5350]  }
0x1ce: {  	v48 =	vld [tilespmem:s1+$0x5350]  }
0x1cf: {  	v49 =	vld [tilespmem:s0+$0x5350];
	_ =	sdelay $0x4  }
0x1d0: {  	v6 =	vadd.f32 v47, v46;
	v50 =	vadd.f32 v49, v48;
	_ =	sdelay $0x1  }
0x1d1: {  	v6 =	vadd.f32 v50, v6;
	_ =	sdelay $0x1  }
0x1d2: {  	v51 =	vld [tilespmem:s3+$0x53E0];
	[tilespmem:s3+$0x53D0] =	vst v6  }
0x1d3: {  	v52 =	vld [tilespmem:s31+$0x5360]  }
0x1d4: {  	v53 =	vld [tilespmem:s1+$0x5360]  }
0x1d5: {  	v54 =	vld [tilespmem:s0+$0x5360];
	_ =	sdelay $0x4  }
0x1d6: {  	v56 =	vld [tilespmem:s3+$0x5370];
	v6 =	vadd.f32 v52, v51;
	v55 =	vadd.f32 v54, v53  }
0x1d7: {  	v57 =	vld [tilespmem:s3+$0x7370]  }
0x1d8: {  	v58 =	vld [tilespmem:s3+$0x9370];
	v6 =	vadd.f32 v55, v6  }
0x1d9: {  	v59 =	vld [tilespmem:s3+$0xB370]  }
0x1da: {  	v60 =	vld [tilespmem:s3+$0x53F0];
	[tilespmem:s3+$0x53E0] =	vst v6  }
0x1db: {  	v11 =	vld [tilespmem:s31+$0x5370]  }
0x1dc: {  	v12 =	vld [tilespmem:s1+$0x5370]  }
0x1dd: {  	v13 =	vld [tilespmem:s0+$0x5370]  }
0x1de: {  	v3 =	vadd.f32 v4, v3;
	_ =	sdelay $0x1  }
0x1df: {  	v3 =	vadd.f32 v3, v5  }
0x1e0: {  	v61 =	vadd.f32 v57, v56;
	v62 =	vadd.f32 v59, v58  }
0x1e1: {  	v6 =	vadd.f32 v11, v60;
	v63 =	vadd.f32 v13, v12  }
0x1e2: {  	[tilespmem:s3+$0x5350] =	vst v7;
	v4 =	vadd.f32 v62, v61;
	s31 =	sshll.u32 s28, $0xE  }
0x1e3: {  	[tilespmem:s3+$0x5360] =	vst v3;
	s0 =	sadd.s32 s7, s31;
	v3 =	vadd.f32 v63, v6  }
0x1e4: {  	p0 =	seq.s32 s28, $0x4;
	[tilespmem:s3+$0x5370] =	vst v4;
	s0 =	sshrl.u32 s0, $0x3  }
.Ltmp1:
0x1e5: {  	s0 =	sadd.s32 s22, s0;
	[tilespmem:s3+$0x53F0] =	vst v3;
	(pc) =	sbr.rel @p0 .LBB2_6-.Ltmp1, $4  }
0x1e6: {  	[hbm4b:s0+s4] =	stream.linear.scatter [tilespmem:s13], [sflag:$0x5], $0x2000, $0x38;
	[tilespmem:$0x14F00] =	vst v63  }
0x1e7: {  	_ =	swait.ge [sflag:s12], $0x2000  }
0x1e8: {  	[sflag:s12] =	ssyncset.done $0x0  }
0x1e9: {  	[sflag:s12] =	ssyncadd.s32 $0xFFFFE000  }
0x1ea: {  	s0 =	sshll.u32 s28, $0x8  }
0x1eb: {  	s0 =	sand.u32 $0x3FFFFF00, s0  }
0x1ec: {  	v3 =	vld [tilespmem:s0+$0x100];
	_ =	sdelay $0x4  }
0x1ed: {  	v4 =	vshll.u32 v3, $0x1  }
0x1ee: {  	v3 =	vand.u32 $0x7, v3;
	v4 =	vand.u32 $0xFFFFFFF0, v4  }
0x1ef: {  	v3 =	vor.u32 v3, v4  }
0x1f0: {  	v4 =	vperm.xlane v3, v0;
	_ =	sdelay $0x1  }
0x1f1: {  	v3 =	vperm.xlane v3, v2;
	v4 =	vadd.s32 v1, v4;
	_ =	sdelay $0x1  }
0x1f2: {  	v3 =	vadd.s32 v1, v3;
	_ =	sdelay $0x2  }
0x1f3: {  	[tilespmem:s13], [sflag:$0x1] =	stream.indirect_vreg.gather [hbm4b:s5+s4], $0x80, v4, vm0, $0xb8;
	[tilespmem:$0x14F00] =	vst v63  }
0x1f4: {  	s1 =	simm.s32 $0x5700  }
0x1f5: {  	[tilespmem:s1], [sflag:$0x1] =	stream.indirect_vreg.gather [hbm4b:s5+s4], $0x80, v3, vm0, $0xb8;
	[tilespmem:$0x14F00] =	vst v63  }
0x1f6: {  	v3 =	vld [tilespmem:s0+$0x110];
	_ =	sdelay $0x4  }
0x1f7: {  	v57 =	vshll.u32 v3, $0x1  }
0x1f8: {  	v3 =	vand.u32 $0x7, v3;
	v4 =	vand.u32 $0xFFFFFFF0, v57  }
0x1f9: {  	v3 =	vor.u32 v3, v4  }
0x1fa: {  	v4 =	vperm.xlane v3, v0;
	_ =	sdelay $0x1  }
0x1fb: {  	v3 =	vperm.xlane v3, v2;
	v4 =	vadd.s32 v1, v4;
	_ =	sdelay $0x1  }
0x1fc: {  	v3 =	vadd.s32 v1, v3;
	_ =	sdelay $0x1  }
0x1fd: {  	s31 =	simm.s32 $0x5F00  }
0x1fe: {  	[tilespmem:s31], [sflag:$0x1] =	stream.indirect_vreg.gather [hbm4b:s5+s4], $0x80, v4, vm0, $0xb8;
	[tilespmem:$0x14F00] =	vst v63  }
0x1ff: {  	s3 =	simm.s32 $0x6700  }
0x200: {  	[tilespmem:s3], [sflag:$0x1] =	stream.indirect_vreg.gather [hbm4b:s5+s4], $0x80, v3, vm0, $0xb8;
	[tilespmem:$0x14F00] =	vst v63  }
0x201: {  	v3 =	vld [tilespmem:s0+$0x120];
	_ =	sdelay $0x4  }
0x202: {  	v58 =	vshll.u32 v3, $0x1  }
0x203: {  	v3 =	vand.u32 $0x7, v3;
	v4 =	vand.u32 $0xFFFFFFF0, v58  }
0x204: {  	v3 =	vor.u32 v3, v4  }
0x205: {  	v4 =	vperm.xlane v3, v0;
	_ =	sdelay $0x1  }
0x206: {  	v3 =	vperm.xlane v3, v2;
	v4 =	vadd.s32 v1, v4;
	_ =	sdelay $0x1  }
0x207: {  	v3 =	vadd.s32 v1, v3;
	_ =	sdelay $0x1  }
0x208: {  	s8 =	simm.s32 $0x6F00  }
0x209: {  	[tilespmem:s8], [sflag:$0x1] =	stream.indirect_vreg.gather [hbm4b:s5+s4], $0x80, v4, vm0, $0xb8;
	[tilespmem:$0x14F00] =	vst v63  }
0x20a: {  	s9 =	simm.s32 $0x7700  }
0x20b: {  	[tilespmem:s9], [sflag:$0x1] =	stream.indirect_vreg.gather [hbm4b:s5+s4], $0x80, v3, vm0, $0xb8;
	[tilespmem:$0x14F00] =	vst v63  }
0x20c: {  	v3 =	vld [tilespmem:s0+$0x130];
	_ =	sdelay $0x4  }
0x20d: {  	v59 =	vshll.u32 v3, $0x1  }
0x20e: {  	v3 =	vand.u32 $0x7, v3;
	v4 =	vand.u32 $0xFFFFFFF0, v59  }
0x20f: {  	v3 =	vor.u32 v3, v4  }
0x210: {  	v4 =	vperm.xlane v3, v0;
	_ =	sdelay $0x1  }
0x211: {  	v3 =	vperm.xlane v3, v2;
	v4 =	vadd.s32 v1, v4;
	_ =	sdelay $0x1  }
0x212: {  	v3 =	vadd.s32 v1, v3;
	_ =	sdelay $0x1  }
0x213: {  	s11 =	simm.s32 $0x7F00  }
0x214: {  	[tilespmem:s11], [sflag:$0x1] =	stream.indirect_vreg.gather [hbm4b:s5+s4], $0x80, v4, vm0, $0xb8;
	[tilespmem:$0x14F00] =	vst v63  }
0x215: {  	s14 =	simm.s32 $0x8700  }
0x216: {  	[tilespmem:s14], [sflag:$0x1] =	stream.indirect_vreg.gather [hbm4b:s5+s4], $0x80, v3, vm0, $0xb8;
	[tilespmem:$0x14F00] =	vst v63  }
0x217: {  	v3 =	vld [tilespmem:s0+$0x140];
	_ =	sdelay $0x4  }
0x218: {  	v60 =	vshll.u32 v3, $0x1  }
0x219: {  	v3 =	vand.u32 $0x7, v3;
	v4 =	vand.u32 $0xFFFFFFF0, v60  }
0x21a: {  	v3 =	vor.u32 v3, v4  }
0x21b: {  	v4 =	vperm.xlane v3, v0;
	_ =	sdelay $0x1  }
0x21c: {  	v3 =	vperm.xlane v3, v2;
	v4 =	vadd.s32 v1, v4;
	_ =	sdelay $0x1  }
0x21d: {  	v3 =	vadd.s32 v1, v3;
	_ =	sdelay $0x1  }
0x21e: {  	s15 =	simm.s32 $0x8F00  }
0x21f: {  	[tilespmem:s15], [sflag:$0x2] =	stream.indirect_vreg.gather [hbm4b:s5+s4], $0x80, v4, vm0, $0xb8;
	[tilespmem:$0x14F00] =	vst v63  }
0x220: {  	s16 =	simm.s32 $0x9700  }
0x221: {  	[tilespmem:s16], [sflag:$0x2] =	stream.indirect_vreg.gather [hbm4b:s5+s4], $0x80, v3, vm0, $0xb8;
	[tilespmem:$0x14F00] =	vst v63  }
0x222: {  	v3 =	vld [tilespmem:s0+$0x150];
	_ =	sdelay $0x4  }
0x223: {  	v61 =	vshll.u32 v3, $0x1  }
0x224: {  	v3 =	vand.u32 $0x7, v3;
	v4 =	vand.u32 $0xFFFFFFF0, v61  }
0x225: {  	v3 =	vor.u32 v3, v4  }
0x226: {  	v4 =	vperm.xlane v3, v0;
	_ =	sdelay $0x1  }
0x227: {  	v3 =	vperm.xlane v3, v2;
	v4 =	vadd.s32 v1, v4;
	_ =	sdelay $0x1  }
0x228: {  	v3 =	vadd.s32 v1, v3;
	_ =	sdelay $0x1  }
0x229: {  	s17 =	simm.s32 $0x9F00  }
0x22a: {  	[tilespmem:s17], [sflag:$0x2] =	stream.indirect_vreg.gather [hbm4b:s5+s4], $0x80, v4, vm0, $0xb8;
	[tilespmem:$0x14F00] =	vst v63  }
0x22b: {  	s18 =	simm.s32 $0xA700  }
0x22c: {  	[tilespmem:s18], [sflag:$0x2] =	stream.indirect_vreg.gather [hbm4b:s5+s4], $0x80, v3, vm0, $0xb8;
	[tilespmem:$0x14F00] =	vst v63  }
0x22d: {  	v3 =	vld [tilespmem:s0+$0x160];
	_ =	sdelay $0x4  }
0x22e: {  	v62 =	vshll.u32 v3, $0x1  }
0x22f: {  	v3 =	vand.u32 $0x7, v3;
	v4 =	vand.u32 $0xFFFFFFF0, v62  }
0x230: {  	v3 =	vor.u32 v3, v4  }
0x231: {  	v4 =	vperm.xlane v3, v0;
	_ =	sdelay $0x1  }
0x232: {  	v3 =	vperm.xlane v3, v2;
	v4 =	vadd.s32 v1, v4;
	_ =	sdelay $0x1  }
0x233: {  	v3 =	vadd.s32 v1, v3;
	_ =	sdelay $0x1  }
0x234: {  	s19 =	simm.s32 $0xAF00  }
0x235: {  	[tilespmem:s19], [sflag:$0x2] =	stream.indirect_vreg.gather [hbm4b:s5+s4], $0x80, v4, vm0, $0xb8;
	[tilespmem:$0x14F00] =	vst v63  }
0x236: {  	s20 =	simm.s32 $0xB700  }
0x237: {  	[tilespmem:s20], [sflag:$0x2] =	stream.indirect_vreg.gather [hbm4b:s5+s4], $0x80, v3, vm0, $0xb8;
	[tilespmem:$0x14F00] =	vst v63  }
0x238: {  	v3 =	vld [tilespmem:s0+$0x170];
	_ =	sdelay $0x4  }
0x239: {  	v63 =	vshll.u32 v3, $0x1  }
0x23a: {  	v3 =	vand.u32 $0x7, v3;
	v4 =	vand.u32 $0xFFFFFFF0, v63  }
0x23b: {  	v3 =	vor.u32 v3, v4  }
0x23c: {  	v4 =	vperm.xlane v3, v0;
	_ =	sdelay $0x1  }
0x23d: {  	v3 =	vperm.xlane v3, v2;
	v4 =	vadd.s32 v1, v4;
	_ =	sdelay $0x1  }
0x23e: {  	v3 =	vadd.s32 v1, v3;
	_ =	sdelay $0x1  }
0x23f: {  	s21 =	simm.s32 $0xBF00  }
0x240: {  	[tilespmem:s21], [sflag:$0x2] =	stream.indirect_vreg.gather [hbm4b:s5+s4], $0x80, v4, vm0, $0xb8;
	[tilespmem:$0x14F00] =	vst v63  }
0x241: {  	s31 =	simm.s32 $0xC700  }
0x242: {  	[tilespmem:s31], [sflag:$0x2] =	stream.indirect_vreg.gather [hbm4b:s5+s4], $0x80, v3, vm0, $0xb8;
	[tilespmem:$0x14F00] =	vst v63  }
.LBB2_6:
0x243: {  	_ =	swait.ge [sflag:s25], $0x4000;
	s0 =	simm.s32 $0x0;
	s8 =	simm.s32 $0x2100  }
0x244: {  	s9 =	simm.s32 $0x1080;
	s11 =	simm.s32 $0x4100;
	[sflag:s25] =	ssyncset.done $0x0  }
0x245: {  	s14 =	simm.s32 $0x2080;
	s15 =	simm.s32 $0x6100;
	[sflag:s25] =	ssyncadd.s32 $0xFFFFC000  }
0x246: {  	s16 =	simm.s32 $0x3080;
	s1 =	sand.u32 $0x1800, s0;
	_ =	swait.ge [sflag:s26], $0x4000  }
0x247: {  	s0 =	sand.u32 $0x300, s0;
	s8 =	sand.u32 $0x3800, s8;
	[sflag:s26] =	ssyncset.done $0x0  }
0x248: {  	s9 =	sand.u32 $0x380, s9;
	s3 =	sor.u32 s0, s1;
	[sflag:s26] =	ssyncadd.s32 $0xFFFFC000  }
0x249: {  	s17 =	sand.u32 $0x5800, s11;
	s18 =	sand.u32 $0x380, s14;
	s31 =	sor.u32 s9, s8;
	v3 =	vld [tilespmem:s3+$0xCF80]  }
0x24a: {  	s19 =	sand.u32 $0x7800, s15;
	s20 =	sand.u32 $0x380, s16;
	s1 =	sor.u32 s18, s17;
	v4 =	vld [tilespmem:s31+$0xCF00]  }
0x24b: {  	s0 =	sor.u32 s20, s19;
	v5 =	vld [tilespmem:s1+$0xCF00]  }
0x24c: {  	v6 =	vld [tilespmem:s0+$0xCF00];
	_ =	sdelay $0x4  }
0x24d: {  	v3 =	vadd.f32 v4, v3;
	v4 =	vadd.f32 v6, v5;
	_ =	sdelay $0x1  }
0x24e: {  	v3 =	vadd.f32 v4, v3;
	_ =	sdelay $0x1  }
0x24f: {  	[tilespmem:s3+$0xCF80] =	vst v3;
	v3 =	vld [tilespmem:s3+$0xCF90]  }
0x250: {  	v4 =	vld [tilespmem:s31+$0xCF10]  }
0x251: {  	v5 =	vld [tilespmem:s1+$0xCF10]  }
0x252: {  	v6 =	vld [tilespmem:s0+$0xCF10];
	_ =	sdelay $0x4  }
0x253: {  	v3 =	vadd.f32 v4, v3;
	v4 =	vadd.f32 v6, v5;
	_ =	sdelay $0x1  }
0x254: {  	v3 =	vadd.f32 v4, v3;
	_ =	sdelay $0x1  }
0x255: {  	[tilespmem:s3+$0xCF90] =	vst v3;
	v3 =	vld [tilespmem:s3+$0xCFA0]  }
0x256: {  	v4 =	vld [tilespmem:s31+$0xCF20]  }
0x257: {  	v5 =	vld [tilespmem:s1+$0xCF20]  }
0x258: {  	v6 =	vld [tilespmem:s0+$0xCF20];
	_ =	sdelay $0x2  }
0x259: {  	s21 =	sadd.s32 $0xCF00, s3  }
0x25a: {  	v7 =	vld [tilespmem:s21+$0x4000]  }
0x25b: {  	v8 =	vld [tilespmem:s21+$0x6000];
	v3 =	vadd.f32 v4, v3;
	v4 =	vadd.f32 v6, v5  }
0x25c: {  	v9 =	vld [tilespmem:s21+$0x4010]  }
0x25d: {  	v10 =	vld [tilespmem:s21+$0x6010];
	v3 =	vadd.f32 v4, v3  }
0x25e: {  	v11 =	vld [tilespmem:s21+$0x4020]  }
0x25f: {  	[tilespmem:s3+$0xCFA0] =	vst v3;
	v3 =	vld [tilespmem:s3+$0xCFB0]  }
0x260: {  	v4 =	vld [tilespmem:s31+$0xCF30]  }
0x261: {  	v5 =	vld [tilespmem:s1+$0xCF30]  }
0x262: {  	v6 =	vld [tilespmem:s0+$0xCF30]  }
0x263: {  	v12 =	vld [tilespmem:s21+$0x4040]  }
0x264: {  	v16 =	vld [tilespmem:s21+$0x6040]  }
0x265: {  	v17 =	vld [tilespmem:s21+$0x4050]  }
0x266: {  	v18 =	vld [tilespmem:s21+$0x6050]  }
0x267: {  	v19 =	vld [tilespmem:s21+$0x4060];
	v3 =	vadd.f32 v4, v3;
	v4 =	vadd.f32 v6, v5  }
0x268: {  	v20 =	vld [tilespmem:s21+$0x6060]  }
0x269: {  	v21 =	vld [tilespmem:s21+$0x6400];
	v3 =	vadd.f32 v4, v3  }
0x26a: {  	v25 =	vld [tilespmem:s21+$0x4410]  }
0x26b: {  	[tilespmem:s3+$0xCFB0] =	vst v3;
	v3 =	vld [tilespmem:s3+$0xCFC0]  }
0x26c: {  	v13 =	vld [tilespmem:s31+$0xCF40]  }
0x26d: {  	v14 =	vld [tilespmem:s1+$0xCF40]  }
0x26e: {  	v15 =	vld [tilespmem:s0+$0xCF40]  }
0x26f: {  	v26 =	vld [tilespmem:s21+$0x6410]  }
0x270: {  	v27 =	vld [tilespmem:s21+$0x4420]  }
0x271: {  	v28 =	vld [tilespmem:s21+$0x6420]  }
0x272: {  	v29 =	vld [tilespmem:s21+$0x4430]  }
0x273: {  	v52 =	vld [tilespmem:s21+$0x6430];
	v3 =	vadd.f32 v13, v3;
	v13 =	vadd.f32 v15, v14  }
0x274: {  	v53 =	vld [tilespmem:s21+$0x4440]  }
0x275: {  	v54 =	vld [tilespmem:s21+$0x6440];
	v3 =	vadd.f32 v13, v3  }
0x276: {  	v30 =	vld [tilespmem:s21+$0x4450]  }
0x277: {  	[tilespmem:s3+$0xCFC0] =	vst v3;
	v3 =	vld [tilespmem:s3+$0xCFD0]  }
0x278: {  	v22 =	vld [tilespmem:s31+$0xCF50]  }
0x279: {  	v23 =	vld [tilespmem:s1+$0xCF50]  }
0x27a: {  	v24 =	vld [tilespmem:s0+$0xCF50]  }
0x27b: {  	v34 =	vld [tilespmem:s21+$0x6450]  }
0x27c: {  	v35 =	vld [tilespmem:s21+$0x4460]  }
0x27d: {  	v36 =	vld [tilespmem:s21+$0x6460]  }
0x27e: {  	v37 =	vld [tilespmem:s21+$0x4470]  }
0x27f: {  	v38 =	vld [tilespmem:s21+$0x6470];
	v3 =	vadd.f32 v22, v3;
	v51 =	vadd.f32 v24, v23  }
0x280: {  	v56 =	vld [tilespmem:s3+$0xCF00]  }
0x281: {  	v57 =	vld [tilespmem:s3+$0xEF00];
	v3 =	vadd.f32 v51, v3  }
0x282: {  	v58 =	vld [tilespmem:s3+$0xCF10]  }
0x283: {  	[tilespmem:s3+$0xCFD0] =	vst v3;
	v3 =	vld [tilespmem:s3+$0xCFE0]  }
0x284: {  	v31 =	vld [tilespmem:s31+$0xCF60]  }
0x285: {  	v32 =	vld [tilespmem:s1+$0xCF60]  }
0x286: {  	v33 =	vld [tilespmem:s0+$0xCF60]  }
0x287: {  	v39 =	vld [tilespmem:s3+$0xEF10];
	v7 =	vadd.f32 v8, v7;
	v8 =	vadd.f32 v57, v56  }
0x288: {  	v61 =	vld [tilespmem:s3+$0xEF20]  }
0x289: {  	v7 =	vadd.f32 v7, v8;
	v8 =	vld [tilespmem:s3+$0xCF20]  }
0x28a: {  	v5 =	vld [tilespmem:s21+$0x6020]  }
0x28b: {  	v6 =	vld [tilespmem:s21+$0x4030];
	v3 =	vadd.f32 v31, v3;
	v55 =	vadd.f32 v33, v32  }
0x28c: {  	v4 =	vld [tilespmem:s21+$0x6030]  }
0x28d: {  	v14 =	vld [tilespmem:s21+$0x4070];
	v3 =	vadd.f32 v55, v3  }
0x28e: {  	v15 =	vld [tilespmem:s21+$0x6070]  }
0x28f: {  	[tilespmem:s3+$0xCFE0] =	vst v3;
	v3 =	vld [tilespmem:s3+$0xCFF0]  }
0x290: {  	v40 =	vld [tilespmem:s31+$0xCF70]  }
0x291: {  	v59 =	vld [tilespmem:s1+$0xCF70]  }
0x292: {  	v9 =	vadd.f32 v10, v9;
	v10 =	vadd.f32 v39, v58;
	v60 =	vld [tilespmem:s0+$0xCF70]  }
0x293: {  	v13 =	vld [tilespmem:s21+$0x4400]  }
0x294: {  	[tilespmem:s3+$0xCF00] =	vst v7;
	v7 =	vadd.f32 v9, v10;
	v9 =	vld [tilespmem:s3+$0xCF30]  }
0x295: {  	v10 =	vld [tilespmem:s3+$0xEF30];
	_ =	sdelay $0x1  }
0x296: {  	[tilespmem:s3+$0xCF10] =	vst v7;
	v3 =	vadd.f32 v40, v3;
	v7 =	vadd.f32 v60, v59  }
0x297: {  	v62 =	vld [tilespmem:s3+$0xCF40];
	v8 =	vadd.f32 v61, v8  }
0x298: {  	v5 =	vadd.f32 v5, v11;
	v3 =	vadd.f32 v7, v3;
	v7 =	vld [tilespmem:s3+$0xEF40]  }
0x299: {  	v11 =	vld [tilespmem:s3+$0xCF50];
	v4 =	vadd.f32 v4, v6;
	v6 =	vadd.f32 v10, v9  }
0x29a: {  	v5 =	vadd.f32 v5, v8;
	[tilespmem:s3+$0xCFF0] =	vst v3;
	v3 =	vld [tilespmem:s3+$0xEF50]  }
0x29b: {  	v8 =	vld [tilespmem:s3+$0xD380];
	v4 =	vadd.f32 v4, v6  }
0x29c: {  	[tilespmem:s3+$0xCF20] =	vst v5;
	v6 =	vld [tilespmem:s31+$0xD300]  }
0x29d: {  	v9 =	vadd.f32 v16, v12;
	[tilespmem:s3+$0xCF30] =	vst v4;
	v4 =	vld [tilespmem:s0+$0xD300];
	v5 =	vadd.f32 v7, v62  }
0x29e: {  	v10 =	vadd.f32 v18, v17;
	v7 =	vld [tilespmem:s1+$0xD300]  }
0x29f: {  	v5 =	vadd.f32 v9, v5;
	v9 =	vld [tilespmem:s3+$0xCF60];
	v3 =	vadd.f32 v3, v11  }
0x2a0: {  	v11 =	vld [tilespmem:s3+$0xEF60]  }
0x2a1: {  	[tilespmem:s3+$0xCF40] =	vst v5;
	v3 =	vadd.f32 v10, v3;
	v5 =	vld [tilespmem:s3+$0xCF70]  }
0x2a2: {  	v10 =	vld [tilespmem:s3+$0xEF70]  }
0x2a3: {  	v12 =	vld [tilespmem:s3+$0xD340];
	v4 =	vadd.f32 v4, v7;
	[tilespmem:s3+$0xCF50] =	vst v3;
	v3 =	vadd.f32 v6, v8  }
0x2a4: {  	v6 =	vld [tilespmem:s3+$0xD300]  }
0x2a5: {  	v3 =	vadd.f32 v4, v3;
	v4 =	vld [tilespmem:s3+$0xF300]  }
0x2a6: {  	v7 =	vadd.f32 v20, v19;
	v8 =	vadd.f32 v11, v9;
	v9 =	vld [tilespmem:s3+$0xD310]  }
0x2a7: {  	v11 =	vadd.f32 v15, v14;
	v14 =	vld [tilespmem:s3+$0xF340];
	v5 =	vadd.f32 v10, v5  }
0x2a8: {  	[tilespmem:s3+$0xD380] =	vst v3;
	v3 =	vld [tilespmem:s3+$0xF310]  }
0x2a9: {  	v7 =	vadd.f32 v7, v8;
	v8 =	vld [tilespmem:s3+$0xD390];
	v5 =	vadd.f32 v11, v5  }
0x2aa: {  	v10 =	vld [tilespmem:s31+$0xD310];
	v11 =	vadd.f32 v21, v13;
	v4 =	vadd.f32 v4, v6  }
0x2ab: {  	[tilespmem:s3+$0xCF60] =	vst v7;
	v7 =	vld [tilespmem:s0+$0xD310]  }
0x2ac: {  	v6 =	vld [tilespmem:s1+$0xD310];
	v4 =	vadd.f32 v11, v4  }
0x2ad: {  	[tilespmem:s3+$0xCF70] =	vst v5;
	v5 =	vld [tilespmem:s3+$0xD320];
	v11 =	vadd.f32 v26, v25;
	v3 =	vadd.f32 v3, v9  }
0x2ae: {  	v9 =	vld [tilespmem:s3+$0xF320]  }
0x2af: {  	[tilespmem:s3+$0xD300] =	vst v4;
	v3 =	vadd.f32 v11, v3;
	v4 =	vld [tilespmem:s3+$0xD330]  }
0x2b0: {  	v11 =	vld [tilespmem:s3+$0xF330]  }
0x2b1: {  	v6 =	vadd.f32 v7, v6;
	[tilespmem:s3+$0xD310] =	vst v3;
	v3 =	vadd.f32 v10, v8;
	_ =	sdelay $0x1  }
0x2b2: {  	v15 =	vadd.f32 v52, v29;
	v8 =	vld [tilespmem:s3+$0xF350];
	v3 =	vadd.f32 v6, v3  }
0x2b3: {  	v10 =	vadd.f32 v28, v27;
	v13 =	vadd.f32 v9, v5;
	v6 =	vld [tilespmem:s3+$0xD350]  }
0x2b4: {  	v12 =	vadd.f32 v14, v12;
	v9 =	vld [tilespmem:s3+$0xD3A0];
	v11 =	vadd.f32 v11, v4;
	[tilespmem:s3+$0xD390] =	vst v3  }
0x2b5: {  	v7 =	vadd.f32 v54, v53;
	v63 =	vadd.f32 v10, v13;
	v10 =	vld [tilespmem:s31+$0xD320]  }
0x2b6: {  	v5 =	vadd.f32 v34, v30;
	v13 =	vld [tilespmem:s1+$0xD320];
	v11 =	vadd.f32 v15, v11  }
0x2b7: {  	s11 =	simm.s32 $0x200;
	s8 =	simm.s32 $0x0;
	s9 =	simm.s32 $0x100;
	v4 =	vadd.f32 v36, v35;
	v3 =	vadd.f32 v38, v37;
	[tilespmem:s3+$0xD320] =	vst v63;
	v14 =	vld [tilespmem:s0+$0xD320]  }
.LBB2_7:
0x2b8: {  	s14 =	sand.u32 $0x1800, s11;
	s15 =	sand.u32 $0x300, s9;
	[tilespmem:s3+$0xD330] =	vst v11;
	v7 =	vadd.f32 v7, v12;
	v6 =	vadd.f32 v8, v6;
	v8 =	vld [tilespmem:s3+$0xD360]  }
0x2b9: {  	s16 =	sadd.s32 $0x2100, s11;
	s17 =	sadd.s32 $0x1080, s9;
	s18 =	sadd.s32 $0x4100, s11;
	v11 =	vld [tilespmem:s3+$0xF360]  }
0x2ba: {  	s19 =	sadd.s32 $0x2080, s9;
	s20 =	sadd.s32 $0x6100, s11;
	s21 =	sadd.s32 $0x3080, s9;
	[tilespmem:s3+$0xD340] =	vst v7;
	v5 =	vadd.f32 v5, v6;
	v6 =	vld [tilespmem:s3+$0xD370]  }
0x2bb: {  	s15 =	sor.u32 s15, s14;
	s14 =	sand.u32 $0x3800, s16;
	s16 =	sand.u32 $0x380, s17;
	v7 =	vld [tilespmem:s3+$0xF370]  }
0x2bc: {  	s17 =	sand.u32 $0x380, s19;
	s16 =	sor.u32 s16, s14;
	s14 =	sand.u32 $0x5800, s18;
	v12 =	vld [tilespmem:s15+$0xCF80];
	[tilespmem:s3+$0xD350] =	vst v5;
	v5 =	vadd.f32 v10, v9;
	v9 =	vadd.f32 v14, v13  }
0x2bd: {  	s19 =	sand.u32 $0x380, s21;
	s18 =	sand.u32 $0x7800, s20;
	s17 =	sor.u32 s17, s14;
	v10 =	vld [tilespmem:s16+$0xCF00]  }
0x2be: {  	s14 =	sadd.s32 $0xCF00, s15;
	s18 =	sor.u32 s19, s18;
	v13 =	vld [tilespmem:s17+$0xCF00];
	v8 =	vadd.f32 v11, v8;
	v5 =	vadd.f32 v9, v5  }
0x2bf: {  	v9 =	vld [tilespmem:s18+$0xCF00]  }
0x2c0: {  	v4 =	vadd.f32 v4, v8;
	v6 =	vadd.f32 v7, v6;
	[tilespmem:s3+$0xD3A0] =	vst v5;
	v5 =	vld [tilespmem:s3+$0xD3B0]  }
0x2c1: {  	v7 =	vld [tilespmem:s31+$0xD330]  }
0x2c2: {  	[tilespmem:s3+$0xD360] =	vst v4;
	v3 =	vadd.f32 v3, v6;
	v4 =	vld [tilespmem:s1+$0xD330]  }
0x2c3: {  	v6 =	vld [tilespmem:s0+$0xD330]  }
0x2c4: {  	v10 =	vadd.f32 v10, v12;
	v8 =	vld [tilespmem:s14+$0x4000];
	v9 =	vadd.f32 v9, v13;
	[tilespmem:s3+$0xD370] =	vst v3  }
0x2c5: {  	v3 =	vld [tilespmem:s14+$0x6000]  }
0x2c6: {  	v11 =	vld [tilespmem:s14+$0x4010];
	v9 =	vadd.f32 v9, v10  }
0x2c7: {  	v10 =	vld [tilespmem:s14+$0x6010]  }
0x2c8: {  	v5 =	vadd.f32 v7, v5;
	[tilespmem:s15+$0xCF80] =	vst v9;
	v9 =	vld [tilespmem:s15+$0xCF90];
	v4 =	vadd.f32 v6, v4  }
0x2c9: {  	v7 =	vld [tilespmem:s16+$0xCF10]  }
0x2ca: {  	v8 =	vadd.f32 v3, v8;
	v3 =	vld [tilespmem:s17+$0xCF10];
	v4 =	vadd.f32 v4, v5  }
0x2cb: {  	v5 =	vld [tilespmem:s18+$0xCF10]  }
0x2cc: {  	v6 =	vadd.f32 v10, v11;
	[tilespmem:s3+$0xD3B0] =	vst v4;
	v4 =	vld [tilespmem:s3+$0xD3C0]  }
0x2cd: {  	v10 =	vld [tilespmem:s31+$0xD340]  }
0x2ce: {  	v11 =	vld [tilespmem:s1+$0xD340]  }
0x2cf: {  	v12 =	vld [tilespmem:s0+$0xD340]  }
0x2d0: {  	v7 =	vadd.f32 v7, v9;
	v13 =	vld [tilespmem:s14+$0x4020];
	v3 =	vadd.f32 v5, v3  }
0x2d1: {  	v5 =	vld [tilespmem:s14+$0x6020]  }
0x2d2: {  	v9 =	vld [tilespmem:s14+$0x4030];
	v3 =	vadd.f32 v3, v7  }
0x2d3: {  	v7 =	vld [tilespmem:s14+$0x6030]  }
0x2d4: {  	v4 =	vadd.f32 v10, v4;
	[tilespmem:s15+$0xCF90] =	vst v3;
	v3 =	vld [tilespmem:s15+$0xCFA0];
	v11 =	vadd.f32 v12, v11  }
0x2d5: {  	v12 =	vld [tilespmem:s16+$0xCF20]  }
0x2d6: {  	v10 =	vadd.f32 v5, v13;
	v5 =	vld [tilespmem:s17+$0xCF20];
	v4 =	vadd.f32 v11, v4  }
0x2d7: {  	v11 =	vld [tilespmem:s18+$0xCF20]  }
0x2d8: {  	v9 =	vadd.f32 v7, v9;
	[tilespmem:s3+$0xD3C0] =	vst v4;
	v4 =	vld [tilespmem:s3+$0xD3D0]  }
0x2d9: {  	v7 =	vld [tilespmem:s31+$0xD350]  }
0x2da: {  	s8 =	sadd.s32 $0x2, s8;
	v13 =	vld [tilespmem:s1+$0xD350]  }
0x2db: {  	p0 =	slt.u32 s8, $0x1E;
	v14 =	vld [tilespmem:s0+$0xD350]  }
0x2dc: {  	v3 =	vadd.f32 v12, v3;
	v15 =	vld [tilespmem:s14+$0x4040];
	v5 =	vadd.f32 v11, v5  }
0x2dd: {  	v11 =	vld [tilespmem:s14+$0x6040]  }
0x2de: {  	v16 =	vld [tilespmem:s14+$0x4050];
	v3 =	vadd.f32 v5, v3  }
0x2df: {  	v5 =	vld [tilespmem:s14+$0x6050]  }
0x2e0: {  	v4 =	vadd.f32 v7, v4;
	[tilespmem:s15+$0xCFA0] =	vst v3;
	v3 =	vld [tilespmem:s15+$0xCFB0];
	v7 =	vadd.f32 v14, v13  }
0x2e1: {  	v13 =	vld [tilespmem:s16+$0xCF30]  }
0x2e2: {  	v12 =	vadd.f32 v11, v15;
	v14 =	vld [tilespmem:s17+$0xCF30];
	v4 =	vadd.f32 v7, v4  }
0x2e3: {  	v7 =	vld [tilespmem:s18+$0xCF30]  }
0x2e4: {  	v11 =	vadd.f32 v5, v16;
	[tilespmem:s3+$0xD3D0] =	vst v4;
	v4 =	vld [tilespmem:s3+$0xD3E0]  }
0x2e5: {  	v5 =	vld [tilespmem:s31+$0xD360]  }
0x2e6: {  	v15 =	vld [tilespmem:s1+$0xD360]  }
0x2e7: {  	v16 =	vld [tilespmem:s0+$0xD360]  }
0x2e8: {  	v3 =	vadd.f32 v13, v3;
	v17 =	vld [tilespmem:s14+$0x4060];
	v7 =	vadd.f32 v7, v14  }
0x2e9: {  	v13 =	vld [tilespmem:s14+$0x6060]  }
0x2ea: {  	v18 =	vld [tilespmem:s14+$0x4070];
	v3 =	vadd.f32 v7, v3  }
0x2eb: {  	v7 =	vld [tilespmem:s14+$0x6070]  }
0x2ec: {  	v4 =	vadd.f32 v5, v4;
	[tilespmem:s15+$0xCFB0] =	vst v3;
	v3 =	vld [tilespmem:s15+$0xCFC0];
	v5 =	vadd.f32 v16, v15  }
0x2ed: {  	v15 =	vld [tilespmem:s16+$0xCF40]  }
0x2ee: {  	v14 =	vadd.f32 v13, v17;
	v16 =	vld [tilespmem:s17+$0xCF40];
	v4 =	vadd.f32 v5, v4  }
0x2ef: {  	v5 =	vld [tilespmem:s18+$0xCF40]  }
0x2f0: {  	v13 =	vadd.f32 v7, v18;
	[tilespmem:s3+$0xD3E0] =	vst v4;
	v4 =	vld [tilespmem:s3+$0xD3F0]  }
0x2f1: {  	v7 =	vld [tilespmem:s31+$0xD370];
	s31 =	smov.u32 s16  }
0x2f2: {  	v17 =	vld [tilespmem:s1+$0xD370];
	s1 =	smov.u32 s17  }
0x2f3: {  	v18 =	vld [tilespmem:s0+$0xD370];
	s0 =	smov.u32 s18  }
0x2f4: {  	v3 =	vadd.f32 v15, v3;
	v19 =	vld [tilespmem:s14+$0x4400];
	v5 =	vadd.f32 v5, v16  }
0x2f5: {  	v15 =	vld [tilespmem:s14+$0x6400]  }
0x2f6: {  	v16 =	vld [tilespmem:s14+$0x4410];
	v3 =	vadd.f32 v5, v3  }
0x2f7: {  	v5 =	vld [tilespmem:s14+$0x6410]  }
0x2f8: {  	v4 =	vadd.f32 v7, v4;
	[tilespmem:s15+$0xCFC0] =	vst v3;
	v3 =	vld [tilespmem:s15+$0xCFD0];
	v7 =	vadd.f32 v18, v17  }
0x2f9: {  	v20 =	vld [tilespmem:s31+$0xCF50]  }
0x2fa: {  	v18 =	vadd.f32 v15, v19;
	v15 =	vld [tilespmem:s1+$0xCF50];
	v4 =	vadd.f32 v7, v4  }
0x2fb: {  	v7 =	vld [tilespmem:s0+$0xCF50]  }
0x2fc: {  	v17 =	vadd.f32 v5, v16;
	v5 =	vld [tilespmem:s14+$0x4420];
	[tilespmem:s3+$0xD3F0] =	vst v4;
	s3 =	smov.u32 s15  }
0x2fd: {  	v4 =	vld [tilespmem:s14+$0x6420]  }
0x2fe: {  	v19 =	vld [tilespmem:s14+$0x4430]  }
0x2ff: {  	v21 =	vld [tilespmem:s14+$0x6430]  }
0x300: {  	v3 =	vadd.f32 v20, v3;
	v22 =	vld [tilespmem:s14+$0x4440];
	v7 =	vadd.f32 v7, v15  }
0x301: {  	v20 =	vld [tilespmem:s14+$0x6440]  }
0x302: {  	v16 =	vadd.f32 v4, v5;
	v4 =	vld [tilespmem:s14+$0x4450];
	v3 =	vadd.f32 v7, v3  }
0x303: {  	v5 =	vld [tilespmem:s14+$0x6450]  }
0x304: {  	v15 =	vadd.f32 v21, v19;
	[tilespmem:s3+$0xCFD0] =	vst v3;
	v3 =	vld [tilespmem:s3+$0xCFE0]  }
0x305: {  	v19 =	vld [tilespmem:s31+$0xCF60]  }
0x306: {  	v7 =	vadd.f32 v20, v22;
	v20 =	vld [tilespmem:s1+$0xCF60]  }
0x307: {  	v21 =	vld [tilespmem:s0+$0xCF60]  }
0x308: {  	v5 =	vadd.f32 v5, v4;
	v4 =	vld [tilespmem:s14+$0x4460]  }
0x309: {  	v22 =	vld [tilespmem:s14+$0x6460]  }
0x30a: {  	v23 =	vld [tilespmem:s14+$0x4470]  }
0x30b: {  	v24 =	vld [tilespmem:s14+$0x6470]  }
0x30c: {  	v3 =	vadd.f32 v19, v3;
	v25 =	vld [tilespmem:s3+$0xCF00];
	v19 =	vadd.f32 v21, v20  }
0x30d: {  	v20 =	vld [tilespmem:s3+$0xEF00]  }
0x30e: {  	v21 =	vld [tilespmem:s3+$0xCF10];
	v4 =	vadd.f32 v22, v4;
	v19 =	vadd.f32 v19, v3  }
0x30f: {  	v22 =	vld [tilespmem:s3+$0xEF10]  }
0x310: {  	v3 =	vadd.f32 v24, v23;
	[tilespmem:s3+$0xCFE0] =	vst v19;
	v19 =	vld [tilespmem:s3+$0xCFF0]  }
0x311: {  	v23 =	vld [tilespmem:s31+$0xCF70]  }
0x312: {  	v20 =	vadd.f32 v20, v25;
	v24 =	vld [tilespmem:s1+$0xCF70]  }
0x313: {  	v25 =	vld [tilespmem:s0+$0xCF70]  }
0x314: {  	v8 =	vadd.f32 v8, v20;
	v20 =	vadd.f32 v22, v21;
	v21 =	vld [tilespmem:s3+$0xCF20]  }
0x315: {  	v22 =	vld [tilespmem:s3+$0xEF20]  }
0x316: {  	[tilespmem:s3+$0xCF00] =	vst v8;
	v6 =	vadd.f32 v6, v20;
	v8 =	vld [tilespmem:s3+$0xCF30]  }
0x317: {  	v20 =	vld [tilespmem:s3+$0xEF30]  }
0x318: {  	v19 =	vadd.f32 v23, v19;
	[tilespmem:s3+$0xCF10] =	vst v6;
	v6 =	vld [tilespmem:s3+$0xCF40];
	v23 =	vadd.f32 v25, v24  }
0x319: {  	v24 =	vld [tilespmem:s3+$0xEF40]  }
0x31a: {  	v21 =	vadd.f32 v22, v21;
	v22 =	vld [tilespmem:s3+$0xCF50];
	v19 =	vadd.f32 v23, v19  }
0x31b: {  	v23 =	vld [tilespmem:s3+$0xEF50]  }
0x31c: {  	v10 =	vadd.f32 v10, v21;
	v8 =	vadd.f32 v20, v8;
	[tilespmem:s3+$0xCFF0] =	vst v19;
	v19 =	vld [tilespmem:s3+$0xD380]  }
0x31d: {  	v20 =	vld [tilespmem:s31+$0xD300]  }
0x31e: {  	[tilespmem:s3+$0xCF20] =	vst v10;
	v8 =	vadd.f32 v9, v8;
	v6 =	vadd.f32 v24, v6;
	v9 =	vld [tilespmem:s1+$0xD300]  }
0x31f: {  	v10 =	vld [tilespmem:s0+$0xD300]  }
0x320: {  	[tilespmem:s3+$0xCF30] =	vst v8;
	v6 =	vadd.f32 v12, v6;
	v8 =	vadd.f32 v23, v22;
	v12 =	vld [tilespmem:s3+$0xCF60]  }
0x321: {  	v21 =	vld [tilespmem:s3+$0xEF60]  }
0x322: {  	[tilespmem:s3+$0xCF40] =	vst v6;
	v6 =	vadd.f32 v11, v8;
	v8 =	vld [tilespmem:s3+$0xCF70]  }
0x323: {  	v11 =	vld [tilespmem:s3+$0xEF70]  }
0x324: {  	v19 =	vadd.f32 v20, v19;
	[tilespmem:s3+$0xCF50] =	vst v6;
	v6 =	vld [tilespmem:s3+$0xD300];
	v9 =	vadd.f32 v10, v9  }
0x325: {  	v10 =	vld [tilespmem:s3+$0xF300]  }
0x326: {  	v12 =	vadd.f32 v21, v12;
	v20 =	vld [tilespmem:s3+$0xD310];
	v9 =	vadd.f32 v9, v19  }
0x327: {  	v19 =	vld [tilespmem:s3+$0xF310]  }
0x328: {  	v12 =	vadd.f32 v14, v12;
	v8 =	vadd.f32 v11, v8;
	[tilespmem:s3+$0xD380] =	vst v9;
	v9 =	vld [tilespmem:s3+$0xD390]  }
0x329: {  	v11 =	vld [tilespmem:s31+$0xD310]  }
0x32a: {  	[tilespmem:s3+$0xCF60] =	vst v12;
	v8 =	vadd.f32 v13, v8;
	v6 =	vadd.f32 v10, v6;
	v10 =	vld [tilespmem:s1+$0xD310]  }
0x32b: {  	v12 =	vld [tilespmem:s0+$0xD310]  }
0x32c: {  	[tilespmem:s3+$0xCF70] =	vst v8;
	v6 =	vadd.f32 v18, v6;
	v8 =	vadd.f32 v19, v20;
	v13 =	vld [tilespmem:s3+$0xD320]  }
0x32d: {  	v14 =	vld [tilespmem:s3+$0xF320]  }
0x32e: {  	[tilespmem:s3+$0xD300] =	vst v6;
	v6 =	vadd.f32 v17, v8;
	v17 =	vld [tilespmem:s3+$0xD330]  }
0x32f: {  	v18 =	vld [tilespmem:s3+$0xF330]  }
0x330: {  	v8 =	vadd.f32 v11, v9;
	[tilespmem:s3+$0xD310] =	vst v6;
	v19 =	vld [tilespmem:s3+$0xD340];
	v9 =	vadd.f32 v12, v10  }
0x331: {  	v12 =	vld [tilespmem:s3+$0xF340]  }
0x332: {  	v10 =	vadd.f32 v14, v13;
	v6 =	vld [tilespmem:s3+$0xD350];
	v9 =	vadd.f32 v9, v8  }
.Ltmp2:
0x333: {  	v8 =	vld [tilespmem:s3+$0xF350];
	(pc) =	sbr.rel @p0 .LBB2_7-.Ltmp2, $4  }
0x334: {  	v11 =	vadd.f32 v16, v10;
	v13 =	vadd.f32 v18, v17;
	[tilespmem:s3+$0xD390] =	vst v9;
	v9 =	vld [tilespmem:s3+$0xD3A0]  }
0x335: {  	v10 =	vld [tilespmem:s31+$0xD320]  }
0x336: {  	[tilespmem:s3+$0xD320] =	vst v11;
	v11 =	vadd.f32 v15, v13;
	v12 =	vadd.f32 v12, v19;
	v13 =	vld [tilespmem:s1+$0xD320]  }
0x337: {  	s9 =	sadd.s32 $0x100, s9;
	s11 =	sadd.s32 $0x200, s11;
	v14 =	vld [tilespmem:s0+$0xD320]  }
0x338: {  	_ =	sdelay $0x3  }
0x339: {  	v9 =	vadd.f32 v10, v9;
	v31 =	vadd.f32 v14, v13;
	_ =	sdelay $0x1  }
0x33a: {  	v9 =	vadd.f32 v31, v9;
	_ =	sdelay $0x1  }
0x33b: {  	v32 =	vld [tilespmem:s3+$0xD3B0];
	[tilespmem:s3+$0xD3A0] =	vst v9  }
0x33c: {  	v33 =	vld [tilespmem:s31+$0xD330]  }
0x33d: {  	v34 =	vld [tilespmem:s1+$0xD330]  }
0x33e: {  	v35 =	vld [tilespmem:s0+$0xD330];
	_ =	sdelay $0x4  }
0x33f: {  	v9 =	vadd.f32 v33, v32;
	v36 =	vadd.f32 v35, v34;
	_ =	sdelay $0x1  }
0x340: {  	v9 =	vadd.f32 v36, v9;
	_ =	sdelay $0x1  }
0x341: {  	v37 =	vld [tilespmem:s3+$0xD3C0];
	[tilespmem:s3+$0xD3B0] =	vst v9  }
0x342: {  	v38 =	vld [tilespmem:s31+$0xD340]  }
0x343: {  	v39 =	vld [tilespmem:s1+$0xD340]  }
0x344: {  	v40 =	vld [tilespmem:s0+$0xD340];
	_ =	sdelay $0x4  }
0x345: {  	v9 =	vadd.f32 v38, v37;
	v41 =	vadd.f32 v40, v39;
	_ =	sdelay $0x1  }
0x346: {  	v9 =	vadd.f32 v41, v9;
	_ =	sdelay $0x1  }
0x347: {  	v42 =	vld [tilespmem:s3+$0xD3D0];
	[tilespmem:s3+$0xD3C0] =	vst v9  }
0x348: {  	v43 =	vld [tilespmem:s31+$0xD350]  }
0x349: {  	v44 =	vld [tilespmem:s1+$0xD350]  }
0x34a: {  	v45 =	vld [tilespmem:s0+$0xD350];
	_ =	sdelay $0x4  }
0x34b: {  	v9 =	vadd.f32 v43, v42;
	v46 =	vadd.f32 v45, v44;
	_ =	sdelay $0x1  }
0x34c: {  	v9 =	vadd.f32 v46, v9;
	_ =	sdelay $0x1  }
0x34d: {  	v47 =	vld [tilespmem:s3+$0xD3E0];
	[tilespmem:s3+$0xD3D0] =	vst v9  }
0x34e: {  	v48 =	vld [tilespmem:s31+$0xD360]  }
0x34f: {  	v49 =	vld [tilespmem:s1+$0xD360]  }
0x350: {  	v50 =	vld [tilespmem:s0+$0xD360];
	_ =	sdelay $0x4  }
0x351: {  	v51 =	vld [tilespmem:s3+$0xD360];
	v9 =	vadd.f32 v48, v47;
	v52 =	vadd.f32 v50, v49  }
0x352: {  	v53 =	vld [tilespmem:s3+$0xF360]  }
0x353: {  	v55 =	vld [tilespmem:s3+$0xD370];
	v54 =	vadd.f32 v52, v9  }
0x354: {  	v56 =	vld [tilespmem:s3+$0xF370]  }
0x355: {  	v57 =	vld [tilespmem:s3+$0xD3F0];
	[tilespmem:s3+$0xD3E0] =	vst v54  }
0x356: {  	v58 =	vld [tilespmem:s31+$0xD370]  }
0x357: {  	v59 =	vld [tilespmem:s1+$0xD370]  }
0x358: {  	v15 =	vld [tilespmem:s0+$0xD370]  }
0x359: {  	v6 =	vadd.f32 v8, v6  }
0x35a: {  	v60 =	vadd.f32 v53, v51  }
0x35b: {  	v7 =	vadd.f32 v7, v12;
	v5 =	vadd.f32 v5, v6  }
0x35c: {  	[tilespmem:s3+$0xD330] =	vst v11;
	v61 =	vadd.f32 v56, v55;
	v4 =	vadd.f32 v4, v60  }
0x35d: {  	[tilespmem:s3+$0xD340] =	vst v7;
	v7 =	vadd.f32 v58, v57;
	v62 =	vadd.f32 v15, v59  }
0x35e: {  	[tilespmem:s3+$0xD350] =	vst v5;
	v3 =	vadd.f32 v3, v61;
	s31 =	sshll.u32 s29, $0xD  }
0x35f: {  	s28 =	sadd.s32 $0x1, s28;
	[tilespmem:s3+$0xD360] =	vst v4;
	s0 =	sadd.s32 s7, s31;
	v63 =	vadd.f32 v62, v7  }
0x360: {  	p0 =	sne.s32 s28, $0x5;
	[tilespmem:s3+$0xD370] =	vst v3;
	s0 =	sshrl.u32 s0, $0x3  }
.Ltmp3:
0x361: {  	s0 =	sadd.s32 s22, s0;
	[tilespmem:s3+$0xD3F0] =	vst v63;
	(pc) =	sbr.rel @p0 .LBB2_2-.Ltmp3, $4  }
0x362: {  	[hbm4b:s0+s4] =	stream.linear.scatter [tilespmem:s30], [sflag:$0x5], $0x2000, $0x38;
	[tilespmem:$0x14F00] =	vst v63  }
0x363: {  	_ =	swait.ge [sflag:s12], $0x2000  }
0x364: {  	[sflag:s12] =	ssyncset.done $0x0  }
0x365: {  	[sflag:s12] =	ssyncadd.s32 $0xFFFFE000  }
0x366: {  	s28 =	simm.s32 $0x0;
	s0 =	rddreg [dreg:$0x6]  }
0x367: {  	[tilespmem:s28], [sflag:$0x5] =	stream.linear.gather [hbm4b:s0+s28], $0x4F00, $0x38;
	[tilespmem:$0x14F00] =	vst v63  }
0x368: {  	_ =	swait.ge [sflag:s12], $0x4F00  }
0x369: {  	[sflag:s12] =	ssyncset.done $0x0  }
0x36a: {  	[sflag:s12] =	ssyncadd.s32 $0xFFFFB100  }
0x36b: {  	v3 =	vld [tilespmem:$0x0];
	_ =	sdelay $0x4  }
0x36c: {  	v4 =	vshll.u32 v3, $0x1  }
0x36d: {  	v3 =	vand.u32 $0x7, v3;
	v4 =	vand.u32 $0xFFFFFFF0, v4  }
0x36e: {  	v3 =	vor.u32 v3, v4  }
0x36f: {  	v4 =	vperm.xlane v3, v0;
	_ =	sdelay $0x1  }
0x370: {  	v3 =	vperm.xlane v3, v2;
	v4 =	vadd.s32 v1, v4;
	_ =	sdelay $0x1  }
0x371: {  	v3 =	vadd.s32 v1, v3;
	_ =	sdelay $0x2  }
0x372: {  	[tilespmem:s13], [sflag:$0x1] =	stream.indirect_vreg.gather [hbm4b:s2+s28], $0x80, v4, vm0, $0xb8;
	[tilespmem:$0x14F00] =	vst v63  }
0x373: {  	s1 =	simm.s32 $0x5700  }
0x374: {  	[tilespmem:s1], [sflag:$0x1] =	stream.indirect_vreg.gather [hbm4b:s2+s28], $0x80, v3, vm0, $0xb8;
	[tilespmem:$0x14F00] =	vst v63  }
0x375: {  	v3 =	vld [tilespmem:$0x10];
	_ =	sdelay $0x4  }
0x376: {  	v57 =	vshll.u32 v3, $0x1  }
0x377: {  	v3 =	vand.u32 $0x7, v3;
	v4 =	vand.u32 $0xFFFFFFF0, v57  }
0x378: {  	v3 =	vor.u32 v3, v4  }
0x379: {  	v4 =	vperm.xlane v3, v0;
	_ =	sdelay $0x1  }
0x37a: {  	v3 =	vperm.xlane v3, v2;
	v4 =	vadd.s32 v1, v4;
	_ =	sdelay $0x1  }
0x37b: {  	v3 =	vadd.s32 v1, v3;
	_ =	sdelay $0x1  }
0x37c: {  	s3 =	simm.s32 $0x5F00  }
0x37d: {  	[tilespmem:s3], [sflag:$0x1] =	stream.indirect_vreg.gather [hbm4b:s2+s28], $0x80, v4, vm0, $0xb8;
	[tilespmem:$0x14F00] =	vst v63  }
0x37e: {  	s8 =	simm.s32 $0x6700  }
0x37f: {  	[tilespmem:s8], [sflag:$0x1] =	stream.indirect_vreg.gather [hbm4b:s2+s28], $0x80, v3, vm0, $0xb8;
	[tilespmem:$0x14F00] =	vst v63  }
0x380: {  	v3 =	vld [tilespmem:$0x20];
	_ =	sdelay $0x4  }
0x381: {  	v58 =	vshll.u32 v3, $0x1  }
0x382: {  	v3 =	vand.u32 $0x7, v3;
	v4 =	vand.u32 $0xFFFFFFF0, v58  }
0x383: {  	v3 =	vor.u32 v3, v4  }
0x384: {  	v4 =	vperm.xlane v3, v0;
	_ =	sdelay $0x1  }
0x385: {  	v3 =	vperm.xlane v3, v2;
	v4 =	vadd.s32 v1, v4;
	_ =	sdelay $0x1  }
0x386: {  	v3 =	vadd.s32 v1, v3;
	_ =	sdelay $0x1  }
0x387: {  	s9 =	simm.s32 $0x6F00  }
0x388: {  	[tilespmem:s9], [sflag:$0x1] =	stream.indirect_vreg.gather [hbm4b:s2+s28], $0x80, v4, vm0, $0xb8;
	[tilespmem:$0x14F00] =	vst v63  }
0x389: {  	s11 =	simm.s32 $0x7700  }
0x38a: {  	[tilespmem:s11], [sflag:$0x1] =	stream.indirect_vreg.gather [hbm4b:s2+s28], $0x80, v3, vm0, $0xb8;
	[tilespmem:$0x14F00] =	vst v63  }
0x38b: {  	v3 =	vld [tilespmem:$0x30];
	_ =	sdelay $0x4  }
0x38c: {  	v59 =	vshll.u32 v3, $0x1  }
0x38d: {  	v3 =	vand.u32 $0x7, v3;
	v4 =	vand.u32 $0xFFFFFFF0, v59  }
0x38e: {  	v3 =	vor.u32 v3, v4  }
0x38f: {  	v4 =	vperm.xlane v3, v0;
	_ =	sdelay $0x1  }
0x390: {  	v3 =	vperm.xlane v3, v2;
	v4 =	vadd.s32 v1, v4;
	_ =	sdelay $0x1  }
0x391: {  	v3 =	vadd.s32 v1, v3;
	_ =	sdelay $0x1  }
0x392: {  	s14 =	simm.s32 $0x7F00  }
0x393: {  	[tilespmem:s14], [sflag:$0x1] =	stream.indirect_vreg.gather [hbm4b:s2+s28], $0x80, v4, vm0, $0xb8;
	[tilespmem:$0x14F00] =	vst v63  }
0x394: {  	s15 =	simm.s32 $0x8700  }
0x395: {  	[tilespmem:s15], [sflag:$0x1] =	stream.indirect_vreg.gather [hbm4b:s2+s28], $0x80, v3, vm0, $0xb8;
	[tilespmem:$0x14F00] =	vst v63  }
0x396: {  	v3 =	vld [tilespmem:$0x40];
	_ =	sdelay $0x4  }
0x397: {  	v60 =	vshll.u32 v3, $0x1  }
0x398: {  	v3 =	vand.u32 $0x7, v3;
	v4 =	vand.u32 $0xFFFFFFF0, v60  }
0x399: {  	v3 =	vor.u32 v3, v4  }
0x39a: {  	v4 =	vperm.xlane v3, v0;
	_ =	sdelay $0x1  }
0x39b: {  	v3 =	vperm.xlane v3, v2;
	v4 =	vadd.s32 v1, v4;
	_ =	sdelay $0x1  }
0x39c: {  	v3 =	vadd.s32 v1, v3;
	_ =	sdelay $0x1  }
0x39d: {  	s16 =	simm.s32 $0x8F00  }
0x39e: {  	[tilespmem:s16], [sflag:$0x2] =	stream.indirect_vreg.gather [hbm4b:s2+s28], $0x80, v4, vm0, $0xb8;
	[tilespmem:$0x14F00] =	vst v63  }
0x39f: {  	s17 =	simm.s32 $0x9700  }
0x3a0: {  	[tilespmem:s17], [sflag:$0x2] =	stream.indirect_vreg.gather [hbm4b:s2+s28], $0x80, v3, vm0, $0xb8;
	[tilespmem:$0x14F00] =	vst v63  }
0x3a1: {  	v3 =	vld [tilespmem:$0x50];
	_ =	sdelay $0x4  }
0x3a2: {  	v61 =	vshll.u32 v3, $0x1  }
0x3a3: {  	v3 =	vand.u32 $0x7, v3;
	v4 =	vand.u32 $0xFFFFFFF0, v61  }
0x3a4: {  	v3 =	vor.u32 v3, v4  }
0x3a5: {  	v4 =	vperm.xlane v3, v0;
	_ =	sdelay $0x1  }
0x3a6: {  	v3 =	vperm.xlane v3, v2;
	v4 =	vadd.s32 v1, v4;
	_ =	sdelay $0x1  }
0x3a7: {  	v3 =	vadd.s32 v1, v3;
	_ =	sdelay $0x1  }
0x3a8: {  	s18 =	simm.s32 $0x9F00  }
0x3a9: {  	[tilespmem:s18], [sflag:$0x2] =	stream.indirect_vreg.gather [hbm4b:s2+s28], $0x80, v4, vm0, $0xb8;
	[tilespmem:$0x14F00] =	vst v63  }
0x3aa: {  	s19 =	simm.s32 $0xA700  }
0x3ab: {  	[tilespmem:s19], [sflag:$0x2] =	stream.indirect_vreg.gather [hbm4b:s2+s28], $0x80, v3, vm0, $0xb8;
	[tilespmem:$0x14F00] =	vst v63  }
0x3ac: {  	v3 =	vld [tilespmem:$0x60];
	_ =	sdelay $0x4  }
0x3ad: {  	v62 =	vshll.u32 v3, $0x1  }
0x3ae: {  	v3 =	vand.u32 $0x7, v3;
	v4 =	vand.u32 $0xFFFFFFF0, v62  }
0x3af: {  	v3 =	vor.u32 v3, v4  }
0x3b0: {  	v4 =	vperm.xlane v3, v0;
	_ =	sdelay $0x1  }
0x3b1: {  	v3 =	vperm.xlane v3, v2;
	v4 =	vadd.s32 v1, v4;
	_ =	sdelay $0x1  }
0x3b2: {  	v3 =	vadd.s32 v1, v3;
	_ =	sdelay $0x1  }
0x3b3: {  	s20 =	simm.s32 $0xAF00  }
0x3b4: {  	[tilespmem:s20], [sflag:$0x2] =	stream.indirect_vreg.gather [hbm4b:s2+s28], $0x80, v4, vm0, $0xb8;
	[tilespmem:$0x14F00] =	vst v63  }
0x3b5: {  	s21 =	simm.s32 $0xB700  }
0x3b6: {  	[tilespmem:s21], [sflag:$0x2] =	stream.indirect_vreg.gather [hbm4b:s2+s28], $0x80, v3, vm0, $0xb8;
	[tilespmem:$0x14F00] =	vst v63  }
0x3b7: {  	v3 =	vld [tilespmem:$0x70];
	_ =	sdelay $0x4  }
0x3b8: {  	v63 =	vshll.u32 v3, $0x1  }
0x3b9: {  	v3 =	vand.u32 $0x7, v3;
	v4 =	vand.u32 $0xFFFFFFF0, v63  }
0x3ba: {  	v3 =	vor.u32 v3, v4  }
0x3bb: {  	v4 =	vperm.xlane v3, v0;
	_ =	sdelay $0x1  }
0x3bc: {  	v3 =	vperm.xlane v3, v2;
	v4 =	vadd.s32 v1, v4;
	_ =	sdelay $0x1  }
0x3bd: {  	v3 =	vadd.s32 v1, v3;
	_ =	sdelay $0x1  }
0x3be: {  	s22 =	simm.s32 $0xBF00  }
0x3bf: {  	[tilespmem:s22], [sflag:$0x2] =	stream.indirect_vreg.gather [hbm4b:s2+s28], $0x80, v4, vm0, $0xb8;
	[tilespmem:$0x14F00] =	vst v63  }
0x3c0: {  	s31 =	simm.s32 $0xC700;
	s29 =	simm.s32 $0x0  }
0x3c1: {  	[tilespmem:s31], [sflag:$0x2] =	stream.indirect_vreg.gather [hbm4b:s2+s28], $0x80, v3, vm0, $0xb8;
	[tilespmem:$0x14F00] =	vst v63  }
.LBB2_10:
0x3c2: {  	s3 =	sshllo.u32 s29, $0x1  }
0x3c3: {  	s0 =	sshll.u32 s3, $0x7  }
0x3c4: {  	s0 =	sand.u32 $0x3FFFFF80, s0  }
0x3c5: {  	v3 =	vld [tilespmem:s0+$0x0];
	_ =	sdelay $0x4  }
0x3c6: {  	v4 =	vshll.u32 v3, $0x1  }
0x3c7: {  	v3 =	vand.u32 $0x7, v3;
	v4 =	vand.u32 $0xFFFFFFF0, v4  }
0x3c8: {  	v3 =	vor.u32 v3, v4  }
0x3c9: {  	v4 =	vperm.xlane v3, v0;
	_ =	sdelay $0x1  }
0x3ca: {  	v3 =	vperm.xlane v3, v2;
	v4 =	vadd.s32 v1, v4;
	_ =	sdelay $0x1  }
0x3cb: {  	v3 =	vadd.s32 v1, v3;
	_ =	sdelay $0x2  }
0x3cc: {  	[tilespmem:s30], [sflag:$0x3] =	stream.indirect_vreg.gather [hbm4b:s2+s28], $0x80, v4, vm0, $0xb8;
	[tilespmem:$0x14F00] =	vst v63  }
0x3cd: {  	s1 =	simm.s32 $0xD700  }
0x3ce: {  	[tilespmem:s1], [sflag:$0x3] =	stream.indirect_vreg.gather [hbm4b:s2+s28], $0x80, v3, vm0, $0xb8;
	[tilespmem:$0x14F00] =	vst v63  }
0x3cf: {  	v3 =	vld [tilespmem:s0+$0x10];
	_ =	sdelay $0x4  }
0x3d0: {  	v4 =	vshll.u32 v3, $0x1  }
0x3d1: {  	v3 =	vand.u32 $0x7, v3;
	v4 =	vand.u32 $0xFFFFFFF0, v4  }
0x3d2: {  	v3 =	vor.u32 v3, v4  }
0x3d3: {  	v4 =	vperm.xlane v3, v0;
	_ =	sdelay $0x1  }
0x3d4: {  	v3 =	vperm.xlane v3, v2;
	v4 =	vadd.s32 v1, v4;
	_ =	sdelay $0x1  }
0x3d5: {  	v3 =	vadd.s32 v1, v3;
	_ =	sdelay $0x1  }
0x3d6: {  	s21 =	simm.s32 $0xDF00  }
0x3d7: {  	[tilespmem:s21], [sflag:$0x3] =	stream.indirect_vreg.gather [hbm4b:s2+s28], $0x80, v4, vm0, $0xb8;
	[tilespmem:$0x14F00] =	vst v63  }
0x3d8: {  	s22 =	simm.s32 $0xE700  }
0x3d9: {  	[tilespmem:s22], [sflag:$0x3] =	stream.indirect_vreg.gather [hbm4b:s2+s28], $0x80, v3, vm0, $0xb8;
	[tilespmem:$0x14F00] =	vst v63  }
0x3da: {  	v3 =	vld [tilespmem:s0+$0x20];
	_ =	sdelay $0x4  }
0x3db: {  	v4 =	vshll.u32 v3, $0x1  }
0x3dc: {  	v3 =	vand.u32 $0x7, v3;
	v4 =	vand.u32 $0xFFFFFFF0, v4  }
0x3dd: {  	v3 =	vor.u32 v3, v4  }
0x3de: {  	v4 =	vperm.xlane v3, v0;
	_ =	sdelay $0x1  }
0x3df: {  	v3 =	vperm.xlane v3, v2;
	v4 =	vadd.s32 v1, v4;
	_ =	sdelay $0x1  }
0x3e0: {  	v3 =	vadd.s32 v1, v3;
	_ =	sdelay $0x1  }
0x3e1: {  	s8 =	simm.s32 $0xEF00  }
0x3e2: {  	[tilespmem:s8], [sflag:$0x3] =	stream.indirect_vreg.gather [hbm4b:s2+s28], $0x80, v4, vm0, $0xb8;
	[tilespmem:$0x14F00] =	vst v63  }
0x3e3: {  	s9 =	simm.s32 $0xF700  }
0x3e4: {  	[tilespmem:s9], [sflag:$0x3] =	stream.indirect_vreg.gather [hbm4b:s2+s28], $0x80, v3, vm0, $0xb8;
	[tilespmem:$0x14F00] =	vst v63  }
0x3e5: {  	v3 =	vld [tilespmem:s0+$0x30];
	_ =	sdelay $0x4  }
0x3e6: {  	v4 =	vshll.u32 v3, $0x1  }
0x3e7: {  	v3 =	vand.u32 $0x7, v3;
	v4 =	vand.u32 $0xFFFFFFF0, v4  }
0x3e8: {  	v3 =	vor.u32 v3, v4  }
0x3e9: {  	v4 =	vperm.xlane v3, v0;
	_ =	sdelay $0x1  }
0x3ea: {  	v3 =	vperm.xlane v3, v2;
	v4 =	vadd.s32 v1, v4;
	_ =	sdelay $0x1  }
0x3eb: {  	v3 =	vadd.s32 v1, v3;
	_ =	sdelay $0x1  }
0x3ec: {  	s11 =	simm.s32 $0xFF00  }
0x3ed: {  	[tilespmem:s11], [sflag:$0x3] =	stream.indirect_vreg.gather [hbm4b:s2+s28], $0x80, v4, vm0, $0xb8;
	[tilespmem:$0x14F00] =	vst v63  }
0x3ee: {  	s14 =	simm.s32 $0x10700  }
0x3ef: {  	[tilespmem:s14], [sflag:$0x3] =	stream.indirect_vreg.gather [hbm4b:s2+s28], $0x80, v3, vm0, $0xb8;
	[tilespmem:$0x14F00] =	vst v63  }
0x3f0: {  	v3 =	vld [tilespmem:s0+$0x40];
	_ =	sdelay $0x4  }
0x3f1: {  	v4 =	vshll.u32 v3, $0x1  }
0x3f2: {  	v3 =	vand.u32 $0x7, v3;
	v4 =	vand.u32 $0xFFFFFFF0, v4  }
0x3f3: {  	v3 =	vor.u32 v3, v4  }
0x3f4: {  	v4 =	vperm.xlane v3, v0;
	_ =	sdelay $0x1  }
0x3f5: {  	v3 =	vperm.xlane v3, v2;
	v4 =	vadd.s32 v1, v4;
	_ =	sdelay $0x1  }
0x3f6: {  	v3 =	vadd.s32 v1, v3;
	_ =	sdelay $0x1  }
0x3f7: {  	s15 =	simm.s32 $0x10F00  }
0x3f8: {  	[tilespmem:s15], [sflag:$0x4] =	stream.indirect_vreg.gather [hbm4b:s2+s28], $0x80, v4, vm0, $0xb8;
	[tilespmem:$0x14F00] =	vst v63  }
0x3f9: {  	s16 =	simm.s32 $0x11700  }
0x3fa: {  	[tilespmem:s16], [sflag:$0x4] =	stream.indirect_vreg.gather [hbm4b:s2+s28], $0x80, v3, vm0, $0xb8;
	[tilespmem:$0x14F00] =	vst v63  }
0x3fb: {  	v3 =	vld [tilespmem:s0+$0x50];
	_ =	sdelay $0x4  }
0x3fc: {  	v4 =	vshll.u32 v3, $0x1  }
0x3fd: {  	v3 =	vand.u32 $0x7, v3;
	v4 =	vand.u32 $0xFFFFFFF0, v4  }
0x3fe: {  	v3 =	vor.u32 v3, v4  }
0x3ff: {  	v4 =	vperm.xlane v3, v0;
	_ =	sdelay $0x1  }
0x400: {  	v3 =	vperm.xlane v3, v2;
	v4 =	vadd.s32 v1, v4;
	_ =	sdelay $0x1  }
0x401: {  	v3 =	vadd.s32 v1, v3;
	_ =	sdelay $0x1  }
0x402: {  	s17 =	simm.s32 $0x11F00  }
0x403: {  	[tilespmem:s17], [sflag:$0x4] =	stream.indirect_vreg.gather [hbm4b:s2+s28], $0x80, v4, vm0, $0xb8;
	[tilespmem:$0x14F00] =	vst v63  }
0x404: {  	s18 =	simm.s32 $0x12700  }
0x405: {  	[tilespmem:s18], [sflag:$0x4] =	stream.indirect_vreg.gather [hbm4b:s2+s28], $0x80, v3, vm0, $0xb8;
	[tilespmem:$0x14F00] =	vst v63  }
0x406: {  	v3 =	vld [tilespmem:s0+$0x60];
	_ =	sdelay $0x4  }
0x407: {  	v4 =	vshll.u32 v3, $0x1  }
0x408: {  	v3 =	vand.u32 $0x7, v3;
	v4 =	vand.u32 $0xFFFFFFF0, v4  }
0x409: {  	v3 =	vor.u32 v3, v4  }
0x40a: {  	v4 =	vperm.xlane v3, v0;
	_ =	sdelay $0x1  }
0x40b: {  	v3 =	vperm.xlane v3, v2;
	v4 =	vadd.s32 v1, v4;
	_ =	sdelay $0x1  }
0x40c: {  	v3 =	vadd.s32 v1, v3;
	_ =	sdelay $0x1  }
0x40d: {  	s19 =	simm.s32 $0x12F00  }
0x40e: {  	[tilespmem:s19], [sflag:$0x4] =	stream.indirect_vreg.gather [hbm4b:s2+s28], $0x80, v4, vm0, $0xb8;
	[tilespmem:$0x14F00] =	vst v63  }
0x40f: {  	s20 =	simm.s32 $0x13700  }
0x410: {  	[tilespmem:s20], [sflag:$0x4] =	stream.indirect_vreg.gather [hbm4b:s2+s28], $0x80, v3, vm0, $0xb8;
	[tilespmem:$0x14F00] =	vst v63  }
0x411: {  	v3 =	vld [tilespmem:s0+$0x70];
	_ =	sdelay $0x4  }
0x412: {  	v4 =	vshll.u32 v3, $0x1  }
0x413: {  	v3 =	vand.u32 $0x7, v3;
	v4 =	vand.u32 $0xFFFFFFF0, v4  }
0x414: {  	v3 =	vor.u32 v3, v4  }
0x415: {  	v4 =	vperm.xlane v3, v0;
	_ =	sdelay $0x1  }
0x416: {  	v3 =	vperm.xlane v3, v2;
	v4 =	vadd.s32 v1, v4;
	_ =	sdelay $0x1  }
0x417: {  	v3 =	vadd.s32 v1, v3;
	_ =	sdelay $0x1  }
0x418: {  	s21 =	simm.s32 $0x13F00  }
0x419: {  	[tilespmem:s21], [sflag:$0x4] =	stream.indirect_vreg.gather [hbm4b:s2+s28], $0x80, v4, vm0, $0xb8;
	[tilespmem:$0x14F00] =	vst v63  }
0x41a: {  	s22 =	simm.s32 $0x14700  }
0x41b: {  	[tilespmem:s22], [sflag:$0x4] =	stream.indirect_vreg.gather [hbm4b:s2+s28], $0x80, v3, vm0, $0xb8;
	[tilespmem:$0x14F00] =	vst v63  }
0x41c: {  	s1 =	sand.u32 $0x1800, s28;
	_ =	swait.ge [sflag:s23], $0x4000  }
0x41d: {  	s8 =	simm.s32 $0x2100;
	s9 =	simm.s32 $0x1080;
	[sflag:s23] =	ssyncset.done $0x0  }
0x41e: {  	s11 =	simm.s32 $0x4100;
	s14 =	simm.s32 $0x2080;
	[sflag:s23] =	ssyncadd.s32 $0xFFFFC000  }
0x41f: {  	s15 =	simm.s32 $0x6100;
	s16 =	sand.u32 $0x300, s28;
	_ =	swait.ge [sflag:s24], $0x4000  }
0x420: {  	s31 =	sor.u32 s16, s1;
	s16 =	simm.s32 $0x3080;
	[sflag:s24] =	ssyncset.done $0x0  }
0x421: {  	s17 =	sand.u32 $0x3800, s8;
	s18 =	sand.u32 $0x380, s9;
	[sflag:s24] =	ssyncadd.s32 $0xFFFFC000  }
0x422: {  	s1 =	sor.u32 s18, s17;
	s19 =	sand.u32 $0x5800, s11;
	s20 =	sand.u32 $0x380, s14;
	v3 =	vld [tilespmem:s31+$0x4F80]  }
0x423: {  	s0 =	sor.u32 s20, s19;
	s21 =	sand.u32 $0x7800, s15;
	s22 =	sand.u32 $0x380, s16;
	v4 =	vld [tilespmem:s1+$0x4F00]  }
0x424: {  	s8 =	sor.u32 s22, s21;
	v5 =	vld [tilespmem:s0+$0x4F00]  }
0x425: {  	v6 =	vld [tilespmem:s8+$0x4F00];
	_ =	sdelay $0x4  }
0x426: {  	v7 =	vld [tilespmem:s31+$0xAF00];
	v3 =	vadd.f32 v4, v3;
	v4 =	vadd.f32 v6, v5  }
0x427: {  	v5 =	vld [tilespmem:s31+$0x4F00]  }
0x428: {  	v6 =	vld [tilespmem:s31+$0x6F00];
	v3 =	vadd.f32 v4, v3  }
0x429: {  	v4 =	vld [tilespmem:s31+$0x8F00]  }
0x42a: {  	[tilespmem:s31+$0x4F80] =	vst v3;
	v3 =	vld [tilespmem:s31+$0x4F90]  }
0x42b: {  	v8 =	vld [tilespmem:s1+$0x4F10]  }
0x42c: {  	v9 =	vld [tilespmem:s0+$0x4F10]  }
0x42d: {  	v10 =	vld [tilespmem:s8+$0x4F10]  }
0x42e: {  	v5 =	vadd.f32 v6, v5;
	v4 =	vadd.f32 v7, v4;
	_ =	sdelay $0x1  }
0x42f: {  	v4 =	vadd.f32 v4, v5;
	_ =	sdelay $0x1  }
0x430: {  	v6 =	vld [tilespmem:s31+$0x6F10];
	v3 =	vadd.f32 v8, v3;
	[tilespmem:s31+$0x4F00] =	vst v4;
	v4 =	vadd.f32 v10, v9  }
0x431: {  	v7 =	vld [tilespmem:s31+$0xAF10]  }
0x432: {  	v5 =	vld [tilespmem:s31+$0x4F10];
	v3 =	vadd.f32 v4, v3  }
0x433: {  	v4 =	vld [tilespmem:s31+$0x8F10]  }
0x434: {  	[tilespmem:s31+$0x4F90] =	vst v3;
	v3 =	vld [tilespmem:s31+$0x4FA0]  }
0x435: {  	v8 =	vld [tilespmem:s1+$0x4F20]  }
0x436: {  	v9 =	vld [tilespmem:s0+$0x4F20]  }
0x437: {  	v10 =	vld [tilespmem:s8+$0x4F20]  }
0x438: {  	v5 =	vadd.f32 v6, v5;
	v4 =	vadd.f32 v7, v4;
	_ =	sdelay $0x1  }
0x439: {  	v4 =	vadd.f32 v4, v5;
	_ =	sdelay $0x1  }
0x43a: {  	v6 =	vld [tilespmem:s31+$0x6F20];
	v3 =	vadd.f32 v8, v3;
	[tilespmem:s31+$0x4F10] =	vst v4;
	v4 =	vadd.f32 v10, v9  }
0x43b: {  	v7 =	vld [tilespmem:s31+$0xAF20]  }
0x43c: {  	v5 =	vld [tilespmem:s31+$0x4F20];
	v3 =	vadd.f32 v4, v3  }
0x43d: {  	v4 =	vld [tilespmem:s31+$0x8F20]  }
0x43e: {  	[tilespmem:s31+$0x4FA0] =	vst v3;
	v3 =	vld [tilespmem:s31+$0x4FB0]  }
0x43f: {  	v8 =	vld [tilespmem:s1+$0x4F30]  }
0x440: {  	v9 =	vld [tilespmem:s0+$0x4F30]  }
0x441: {  	v10 =	vld [tilespmem:s8+$0x4F30]  }
0x442: {  	v5 =	vadd.f32 v6, v5;
	v4 =	vadd.f32 v7, v4;
	_ =	sdelay $0x1  }
0x443: {  	v4 =	vadd.f32 v4, v5;
	_ =	sdelay $0x1  }
0x444: {  	v6 =	vld [tilespmem:s31+$0x6F30];
	v3 =	vadd.f32 v8, v3;
	[tilespmem:s31+$0x4F20] =	vst v4;
	v4 =	vadd.f32 v10, v9  }
0x445: {  	v7 =	vld [tilespmem:s31+$0xAF30]  }
0x446: {  	v5 =	vld [tilespmem:s31+$0x4F30];
	v3 =	vadd.f32 v4, v3  }
0x447: {  	v4 =	vld [tilespmem:s31+$0x8F30]  }
0x448: {  	[tilespmem:s31+$0x4FB0] =	vst v3;
	v3 =	vld [tilespmem:s31+$0x4FC0]  }
0x449: {  	v8 =	vld [tilespmem:s1+$0x4F40]  }
0x44a: {  	v9 =	vld [tilespmem:s0+$0x4F40]  }
0x44b: {  	v10 =	vld [tilespmem:s8+$0x4F40]  }
0x44c: {  	v5 =	vadd.f32 v6, v5;
	v4 =	vadd.f32 v7, v4;
	_ =	sdelay $0x1  }
0x44d: {  	v4 =	vadd.f32 v4, v5;
	_ =	sdelay $0x1  }
0x44e: {  	v6 =	vld [tilespmem:s31+$0x6F40];
	v3 =	vadd.f32 v8, v3;
	[tilespmem:s31+$0x4F30] =	vst v4;
	v4 =	vadd.f32 v10, v9  }
0x44f: {  	v7 =	vld [tilespmem:s31+$0xAF40]  }
0x450: {  	v5 =	vld [tilespmem:s31+$0x4F40];
	v3 =	vadd.f32 v4, v3  }
0x451: {  	v4 =	vld [tilespmem:s31+$0x8F40]  }
0x452: {  	[tilespmem:s31+$0x4FC0] =	vst v3;
	v3 =	vld [tilespmem:s31+$0x4FD0]  }
0x453: {  	v8 =	vld [tilespmem:s1+$0x4F50]  }
0x454: {  	v9 =	vld [tilespmem:s0+$0x4F50]  }
0x455: {  	v10 =	vld [tilespmem:s8+$0x4F50]  }
0x456: {  	v5 =	vadd.f32 v6, v5;
	v6 =	vld [tilespmem:s31+$0x4F50];
	v4 =	vadd.f32 v7, v4  }
0x457: {  	v7 =	vld [tilespmem:s31+$0x6F50]  }
0x458: {  	v11 =	vld [tilespmem:s31+$0xAF50];
	v4 =	vadd.f32 v4, v5  }
0x459: {  	v5 =	vld [tilespmem:s31+$0x8F50]  }
0x45a: {  	v3 =	vadd.f32 v8, v3;
	v8 =	vld [tilespmem:s31+$0x4F60];
	[tilespmem:s31+$0x4F40] =	vst v4;
	v4 =	vadd.f32 v10, v9  }
0x45b: {  	v9 =	vld [tilespmem:s31+$0x6F60]  }
0x45c: {  	v6 =	vadd.f32 v7, v6;
	v7 =	vld [tilespmem:s31+$0xAF60];
	v3 =	vadd.f32 v4, v3  }
0x45d: {  	v4 =	vld [tilespmem:s31+$0x8F60]  }
0x45e: {  	v5 =	vadd.f32 v11, v5;
	[tilespmem:s31+$0x4FD0] =	vst v3;
	v3 =	vld [tilespmem:s31+$0x4FE0]  }
0x45f: {  	v10 =	vld [tilespmem:s1+$0x4F60]  }
0x460: {  	v5 =	vadd.f32 v5, v6;
	v6 =	vld [tilespmem:s0+$0x4F60]  }
0x461: {  	v11 =	vld [tilespmem:s8+$0x4F60]  }
0x462: {  	[tilespmem:s31+$0x4F50] =	vst v5;
	v5 =	vadd.f32 v9, v8;
	v4 =	vadd.f32 v7, v4;
	v7 =	vld [tilespmem:s31+$0x4F70]  }
0x463: {  	v8 =	vld [tilespmem:s31+$0x6F70]  }
0x464: {  	v9 =	vld [tilespmem:s31+$0xAF70];
	v4 =	vadd.f32 v4, v5  }
0x465: {  	v5 =	vld [tilespmem:s31+$0x8F70]  }
0x466: {  	v3 =	vadd.f32 v10, v3;
	v10 =	vld [tilespmem:s31+$0x7300];
	[tilespmem:s31+$0x4F60] =	vst v4;
	v4 =	vadd.f32 v11, v6  }
0x467: {  	v6 =	vld [tilespmem:s31+$0x5300]  }
0x468: {  	v7 =	vadd.f32 v8, v7;
	v8 =	vld [tilespmem:s31+$0xB300];
	v3 =	vadd.f32 v4, v3  }
0x469: {  	v4 =	vld [tilespmem:s31+$0x9300]  }
0x46a: {  	v5 =	vadd.f32 v9, v5;
	[tilespmem:s31+$0x4FE0] =	vst v3;
	v3 =	vld [tilespmem:s31+$0x4FF0]  }
0x46b: {  	v9 =	vld [tilespmem:s1+$0x4F70]  }
0x46c: {  	v5 =	vadd.f32 v5, v7;
	v7 =	vld [tilespmem:s0+$0x4F70]  }
0x46d: {  	v11 =	vld [tilespmem:s8+$0x4F70]  }
0x46e: {  	[tilespmem:s31+$0x4F70] =	vst v5;
	v5 =	vadd.f32 v10, v6;
	v4 =	vadd.f32 v8, v4;
	v6 =	vld [tilespmem:s31+$0x5310]  }
0x46f: {  	v8 =	vld [tilespmem:s31+$0x7310]  }
0x470: {  	v10 =	vld [tilespmem:s31+$0xB310];
	v4 =	vadd.f32 v4, v5  }
0x471: {  	v5 =	vld [tilespmem:s31+$0x9310]  }
0x472: {  	v3 =	vadd.f32 v9, v3;
	v9 =	vld [tilespmem:s31+$0x7320];
	[tilespmem:s31+$0x5300] =	vst v4;
	v4 =	vadd.f32 v11, v7  }
0x473: {  	v7 =	vld [tilespmem:s31+$0x5320]  }
0x474: {  	v6 =	vadd.f32 v8, v6;
	v8 =	vld [tilespmem:s31+$0xB320];
	v3 =	vadd.f32 v4, v3  }
0x475: {  	v4 =	vld [tilespmem:s31+$0x9320]  }
0x476: {  	v5 =	vadd.f32 v10, v5;
	[tilespmem:s31+$0x4FF0] =	vst v3;
	v3 =	vld [tilespmem:s31+$0x5380]  }
0x477: {  	v10 =	vld [tilespmem:s1+$0x5300]  }
0x478: {  	v5 =	vadd.f32 v5, v6;
	v6 =	vld [tilespmem:s0+$0x5300]  }
0x479: {  	v11 =	vld [tilespmem:s8+$0x5300]  }
0x47a: {  	[tilespmem:s31+$0x5310] =	vst v5;
	v5 =	vadd.f32 v9, v7;
	v4 =	vadd.f32 v8, v4;
	v7 =	vld [tilespmem:s31+$0x5330]  }
0x47b: {  	v8 =	vld [tilespmem:s31+$0x7330]  }
0x47c: {  	v9 =	vld [tilespmem:s31+$0xB330];
	v4 =	vadd.f32 v4, v5  }
0x47d: {  	v5 =	vld [tilespmem:s31+$0x9330]  }
0x47e: {  	v3 =	vadd.f32 v10, v3;
	v10 =	vld [tilespmem:s31+$0x7340];
	[tilespmem:s31+$0x5320] =	vst v4;
	v4 =	vadd.f32 v11, v6  }
0x47f: {  	v6 =	vld [tilespmem:s31+$0x5340]  }
0x480: {  	v7 =	vadd.f32 v8, v7;
	v8 =	vld [tilespmem:s31+$0xB340];
	v3 =	vadd.f32 v4, v3  }
0x481: {  	v4 =	vld [tilespmem:s31+$0x9340]  }
0x482: {  	v5 =	vadd.f32 v9, v5;
	[tilespmem:s31+$0x5380] =	vst v3;
	v3 =	vld [tilespmem:s31+$0x5390]  }
0x483: {  	v9 =	vld [tilespmem:s1+$0x5310]  }
0x484: {  	v5 =	vadd.f32 v5, v7;
	v7 =	vld [tilespmem:s0+$0x5310]  }
0x485: {  	v11 =	vld [tilespmem:s8+$0x5310]  }
0x486: {  	v12 =	vld [tilespmem:s31+$0xB350];
	[tilespmem:s31+$0x5330] =	vst v5;
	v5 =	vadd.f32 v10, v6;
	v4 =	vadd.f32 v8, v4  }
0x487: {  	v8 =	vld [tilespmem:s31+$0x5350]  }
0x488: {  	v10 =	vld [tilespmem:s31+$0x7350];
	v4 =	vadd.f32 v4, v5  }
0x489: {  	v5 =	vld [tilespmem:s31+$0x9350]  }
0x48a: {  	v13 =	vld [tilespmem:s31+$0x7360];
	v3 =	vadd.f32 v9, v3;
	[tilespmem:s31+$0x5340] =	vst v4;
	v4 =	vadd.f32 v11, v7  }
0x48b: {  	v11 =	vld [tilespmem:s31+$0x5360]  }
0x48c: {  	v6 =	vadd.f32 v4, v3;
	v3 =	vld [tilespmem:s31+$0x9360]  }
0x48d: {  	v4 =	vld [tilespmem:s31+$0xB360]  }
0x48e: {  	v7 =	vadd.f32 v10, v8;
	v5 =	vadd.f32 v12, v5;
	[tilespmem:s31+$0x5390] =	vst v6;
	v6 =	vld [tilespmem:s31+$0x53A0]  }
0x48f: {  	v8 =	vld [tilespmem:s1+$0x5320]  }
0x490: {  	v9 =	vld [tilespmem:s0+$0x5320];
	v7 =	vadd.f32 v5, v7  }
0x491: {  	s9 =	simm.s32 $0x0;
	s11 =	simm.s32 $0x100;
	s14 =	simm.s32 $0x200;
	v5 =	vadd.f32 v13, v11;
	v10 =	vld [tilespmem:s8+$0x5320]  }
.LBB2_11:
0x492: {  	s15 =	sand.u32 $0x1800, s14;
	s16 =	sand.u32 $0x300, s11;
	[tilespmem:s31+$0x5350] =	vst v7;
	v3 =	vadd.f32 v4, v3;
	v4 =	vld [tilespmem:s31+$0x5370]  }
0x493: {  	s17 =	sadd.s32 $0x2100, s14;
	s18 =	sadd.s32 $0x1080, s11;
	s19 =	sadd.s32 $0x4100, s14;
	v7 =	vld [tilespmem:s31+$0x7370]  }
0x494: {  	s20 =	sadd.s32 $0x2080, s11;
	s21 =	sadd.s32 $0x6100, s14;
	s22 =	sadd.s32 $0x3080, s11;
	v3 =	vadd.f32 v3, v5;
	v5 =	vld [tilespmem:s31+$0x9370]  }
0x495: {  	s15 =	sor.u32 s16, s15;
	s16 =	sand.u32 $0x3800, s17;
	s17 =	sand.u32 $0x380, s18;
	v11 =	vld [tilespmem:s31+$0xB370]  }
0x496: {  	s18 =	sand.u32 $0x380, s20;
	s16 =	sor.u32 s17, s16;
	s17 =	sand.u32 $0x5800, s19;
	v12 =	vld [tilespmem:s15+$0x4F80];
	[tilespmem:s31+$0x5360] =	vst v3;
	v3 =	vadd.f32 v8, v6;
	v6 =	vadd.f32 v10, v9  }
0x497: {  	s19 =	sand.u32 $0x380, s22;
	s17 =	sor.u32 s18, s17;
	s18 =	sand.u32 $0x7800, s21;
	v8 =	vld [tilespmem:s16+$0x4F00]  }
0x498: {  	s18 =	sor.u32 s19, s18;
	v9 =	vld [tilespmem:s17+$0x4F00];
	v4 =	vadd.f32 v7, v4;
	v3 =	vadd.f32 v6, v3  }
0x499: {  	v6 =	vld [tilespmem:s18+$0x4F00]  }
0x49a: {  	v5 =	vadd.f32 v11, v5;
	[tilespmem:s31+$0x53A0] =	vst v3;
	v3 =	vld [tilespmem:s31+$0x53B0]  }
0x49b: {  	v7 =	vld [tilespmem:s1+$0x5330]  }
0x49c: {  	v4 =	vadd.f32 v5, v4;
	v5 =	vld [tilespmem:s0+$0x5330]  }
0x49d: {  	v10 =	vld [tilespmem:s8+$0x5330]  }
0x49e: {  	v8 =	vadd.f32 v8, v12;
	v11 =	vld [tilespmem:s15+$0x4F00];
	v6 =	vadd.f32 v6, v9;
	[tilespmem:s31+$0x5370] =	vst v4  }
0x49f: {  	v4 =	vld [tilespmem:s15+$0x6F00]  }
0x4a0: {  	v9 =	vld [tilespmem:s15+$0x8F00];
	v6 =	vadd.f32 v6, v8  }
0x4a1: {  	v8 =	vld [tilespmem:s15+$0xAF00]  }
0x4a2: {  	v3 =	vadd.f32 v7, v3;
	[tilespmem:s15+$0x4F80] =	vst v6;
	v6 =	vld [tilespmem:s15+$0x4F90];
	v5 =	vadd.f32 v10, v5  }
0x4a3: {  	v7 =	vld [tilespmem:s16+$0x4F10]  }
0x4a4: {  	v4 =	vadd.f32 v4, v11;
	v10 =	vld [tilespmem:s17+$0x4F10];
	v3 =	vadd.f32 v5, v3  }
0x4a5: {  	v5 =	vld [tilespmem:s18+$0x4F10]  }
0x4a6: {  	v8 =	vadd.f32 v8, v9;
	[tilespmem:s31+$0x53B0] =	vst v3;
	v3 =	vld [tilespmem:s31+$0x53C0]  }
0x4a7: {  	v9 =	vld [tilespmem:s1+$0x5340]  }
0x4a8: {  	v4 =	vadd.f32 v8, v4;
	v8 =	vld [tilespmem:s0+$0x5340]  }
0x4a9: {  	v11 =	vld [tilespmem:s8+$0x5340]  }
0x4aa: {  	v6 =	vadd.f32 v7, v6;
	[tilespmem:s15+$0x4F00] =	vst v4;
	v4 =	vld [tilespmem:s15+$0x4F10];
	v5 =	vadd.f32 v5, v10  }
0x4ab: {  	v7 =	vld [tilespmem:s15+$0x6F10]  }
0x4ac: {  	v10 =	vld [tilespmem:s15+$0x8F10];
	v5 =	vadd.f32 v5, v6  }
0x4ad: {  	v6 =	vld [tilespmem:s15+$0xAF10]  }
0x4ae: {  	v3 =	vadd.f32 v9, v3;
	[tilespmem:s15+$0x4F90] =	vst v5;
	v5 =	vld [tilespmem:s15+$0x4FA0];
	v8 =	vadd.f32 v11, v8  }
0x4af: {  	v9 =	vld [tilespmem:s16+$0x4F20]  }
0x4b0: {  	v4 =	vadd.f32 v7, v4;
	v7 =	vld [tilespmem:s17+$0x4F20];
	v3 =	vadd.f32 v8, v3  }
0x4b1: {  	v8 =	vld [tilespmem:s18+$0x4F20]  }
0x4b2: {  	v6 =	vadd.f32 v6, v10;
	[tilespmem:s31+$0x53C0] =	vst v3;
	v3 =	vld [tilespmem:s31+$0x53D0]  }
0x4b3: {  	v10 =	vld [tilespmem:s1+$0x5350]  }
0x4b4: {  	s9 =	sadd.s32 $0x2, s9;
	v4 =	vadd.f32 v6, v4;
	v6 =	vld [tilespmem:s0+$0x5350]  }
0x4b5: {  	p0 =	slt.u32 s9, $0x1E;
	v11 =	vld [tilespmem:s8+$0x5350]  }
0x4b6: {  	v5 =	vadd.f32 v9, v5;
	[tilespmem:s15+$0x4F10] =	vst v4;
	v4 =	vld [tilespmem:s15+$0x4F20];
	v7 =	vadd.f32 v8, v7  }
0x4b7: {  	v8 =	vld [tilespmem:s15+$0x6F20]  }
0x4b8: {  	v9 =	vld [tilespmem:s15+$0x8F20];
	v5 =	vadd.f32 v7, v5  }
0x4b9: {  	v7 =	vld [tilespmem:s15+$0xAF20]  }
0x4ba: {  	v3 =	vadd.f32 v10, v3;
	[tilespmem:s15+$0x4FA0] =	vst v5;
	v5 =	vld [tilespmem:s15+$0x4FB0];
	v6 =	vadd.f32 v11, v6  }
0x4bb: {  	v10 =	vld [tilespmem:s16+$0x4F30]  }
0x4bc: {  	v4 =	vadd.f32 v8, v4;
	v8 =	vld [tilespmem:s17+$0x4F30];
	v3 =	vadd.f32 v6, v3  }
0x4bd: {  	v6 =	vld [tilespmem:s18+$0x4F30]  }
0x4be: {  	v7 =	vadd.f32 v7, v9;
	[tilespmem:s31+$0x53D0] =	vst v3;
	v3 =	vld [tilespmem:s31+$0x53E0]  }
0x4bf: {  	v9 =	vld [tilespmem:s1+$0x5360]  }
0x4c0: {  	v4 =	vadd.f32 v7, v4;
	v7 =	vld [tilespmem:s0+$0x5360]  }
0x4c1: {  	v11 =	vld [tilespmem:s8+$0x5360]  }
0x4c2: {  	v5 =	vadd.f32 v10, v5;
	[tilespmem:s15+$0x4F20] =	vst v4;
	v4 =	vld [tilespmem:s15+$0x4F30];
	v6 =	vadd.f32 v6, v8  }
0x4c3: {  	v8 =	vld [tilespmem:s15+$0x6F30]  }
0x4c4: {  	v10 =	vld [tilespmem:s15+$0x8F30];
	v5 =	vadd.f32 v6, v5  }
0x4c5: {  	v6 =	vld [tilespmem:s15+$0xAF30]  }
0x4c6: {  	v3 =	vadd.f32 v9, v3;
	[tilespmem:s15+$0x4FB0] =	vst v5;
	v5 =	vld [tilespmem:s15+$0x4FC0];
	v7 =	vadd.f32 v11, v7  }
0x4c7: {  	v9 =	vld [tilespmem:s16+$0x4F40]  }
0x4c8: {  	v4 =	vadd.f32 v8, v4;
	v8 =	vld [tilespmem:s17+$0x4F40];
	v3 =	vadd.f32 v7, v3  }
0x4c9: {  	v7 =	vld [tilespmem:s18+$0x4F40]  }
0x4ca: {  	v6 =	vadd.f32 v6, v10;
	[tilespmem:s31+$0x53E0] =	vst v3;
	v3 =	vld [tilespmem:s31+$0x53F0]  }
0x4cb: {  	v10 =	vld [tilespmem:s1+$0x5370];
	s1 =	smov.u32 s16  }
0x4cc: {  	v4 =	vadd.f32 v6, v4;
	v6 =	vld [tilespmem:s0+$0x5370];
	s0 =	smov.u32 s17  }
0x4cd: {  	v11 =	vld [tilespmem:s8+$0x5370];
	s8 =	smov.u32 s18  }
0x4ce: {  	v5 =	vadd.f32 v9, v5;
	[tilespmem:s15+$0x4F30] =	vst v4;
	v4 =	vld [tilespmem:s15+$0x4F40];
	v7 =	vadd.f32 v7, v8  }
0x4cf: {  	v8 =	vld [tilespmem:s15+$0x6F40]  }
0x4d0: {  	v9 =	vld [tilespmem:s15+$0x8F40];
	v5 =	vadd.f32 v7, v5  }
0x4d1: {  	v7 =	vld [tilespmem:s15+$0xAF40]  }
0x4d2: {  	v3 =	vadd.f32 v10, v3;
	[tilespmem:s15+$0x4FC0] =	vst v5;
	v5 =	vld [tilespmem:s15+$0x4FD0];
	v6 =	vadd.f32 v11, v6  }
0x4d3: {  	v10 =	vld [tilespmem:s1+$0x4F50]  }
0x4d4: {  	v4 =	vadd.f32 v8, v4;
	v8 =	vld [tilespmem:s0+$0x4F50];
	v3 =	vadd.f32 v6, v3  }
0x4d5: {  	v6 =	vld [tilespmem:s8+$0x4F50]  }
0x4d6: {  	v7 =	vadd.f32 v7, v9;
	v9 =	vld [tilespmem:s15+$0x4F50];
	[tilespmem:s31+$0x53F0] =	vst v3;
	s31 =	smov.u32 s15  }
0x4d7: {  	v3 =	vld [tilespmem:s31+$0x6F50]  }
0x4d8: {  	v4 =	vadd.f32 v7, v4;
	v7 =	vld [tilespmem:s31+$0x8F50]  }
0x4d9: {  	v11 =	vld [tilespmem:s31+$0xAF50]  }
0x4da: {  	v5 =	vadd.f32 v10, v5;
	[tilespmem:s31+$0x4F40] =	vst v4;
	v4 =	vld [tilespmem:s31+$0x4F60];
	v6 =	vadd.f32 v6, v8  }
0x4db: {  	v8 =	vld [tilespmem:s31+$0x6F60]  }
0x4dc: {  	v3 =	vadd.f32 v3, v9;
	v9 =	vld [tilespmem:s31+$0x8F60];
	v5 =	vadd.f32 v6, v5  }
0x4dd: {  	v6 =	vld [tilespmem:s31+$0xAF60]  }
0x4de: {  	v7 =	vadd.f32 v11, v7;
	[tilespmem:s31+$0x4FD0] =	vst v5;
	v5 =	vld [tilespmem:s31+$0x4FE0]  }
0x4df: {  	v10 =	vld [tilespmem:s1+$0x4F60]  }
0x4e0: {  	v3 =	vadd.f32 v7, v3;
	v4 =	vadd.f32 v8, v4;
	v7 =	vld [tilespmem:s0+$0x4F60]  }
0x4e1: {  	v8 =	vld [tilespmem:s8+$0x4F60]  }
0x4e2: {  	[tilespmem:s31+$0x4F50] =	vst v3;
	v3 =	vadd.f32 v6, v9;
	v6 =	vld [tilespmem:s31+$0x4F70]  }
0x4e3: {  	v9 =	vld [tilespmem:s31+$0x6F70]  }
0x4e4: {  	v3 =	vadd.f32 v3, v4;
	v4 =	vld [tilespmem:s31+$0x8F70]  }
0x4e5: {  	v11 =	vld [tilespmem:s31+$0xAF70]  }
0x4e6: {  	v5 =	vadd.f32 v10, v5;
	[tilespmem:s31+$0x4F60] =	vst v3;
	v3 =	vld [tilespmem:s31+$0x5300];
	v7 =	vadd.f32 v8, v7  }
0x4e7: {  	v8 =	vld [tilespmem:s31+$0x7300]  }
0x4e8: {  	v6 =	vadd.f32 v9, v6;
	v9 =	vld [tilespmem:s31+$0x9300];
	v5 =	vadd.f32 v7, v5  }
0x4e9: {  	v7 =	vld [tilespmem:s31+$0xB300]  }
0x4ea: {  	v4 =	vadd.f32 v11, v4;
	[tilespmem:s31+$0x4FE0] =	vst v5;
	v5 =	vld [tilespmem:s31+$0x4FF0]  }
0x4eb: {  	v10 =	vld [tilespmem:s1+$0x4F70]  }
0x4ec: {  	v4 =	vadd.f32 v4, v6;
	v3 =	vadd.f32 v8, v3;
	v6 =	vld [tilespmem:s0+$0x4F70]  }
0x4ed: {  	v8 =	vld [tilespmem:s8+$0x4F70]  }
0x4ee: {  	[tilespmem:s31+$0x4F70] =	vst v4;
	v4 =	vadd.f32 v7, v9;
	v7 =	vld [tilespmem:s31+$0x5310]  }
0x4ef: {  	v9 =	vld [tilespmem:s31+$0x7310]  }
0x4f0: {  	v3 =	vadd.f32 v4, v3;
	v4 =	vld [tilespmem:s31+$0x9310]  }
0x4f1: {  	v11 =	vld [tilespmem:s31+$0xB310]  }
0x4f2: {  	v5 =	vadd.f32 v10, v5;
	[tilespmem:s31+$0x5300] =	vst v3;
	v3 =	vld [tilespmem:s31+$0x5320];
	v6 =	vadd.f32 v8, v6  }
0x4f3: {  	v8 =	vld [tilespmem:s31+$0x7320]  }
0x4f4: {  	v7 =	vadd.f32 v9, v7;
	v9 =	vld [tilespmem:s31+$0x9320];
	v5 =	vadd.f32 v6, v5  }
0x4f5: {  	v6 =	vld [tilespmem:s31+$0xB320]  }
0x4f6: {  	v4 =	vadd.f32 v11, v4;
	[tilespmem:s31+$0x4FF0] =	vst v5;
	v5 =	vld [tilespmem:s31+$0x5380]  }
0x4f7: {  	v10 =	vld [tilespmem:s1+$0x5300]  }
0x4f8: {  	v4 =	vadd.f32 v4, v7;
	v3 =	vadd.f32 v8, v3;
	v7 =	vld [tilespmem:s0+$0x5300]  }
0x4f9: {  	v8 =	vld [tilespmem:s8+$0x5300]  }
0x4fa: {  	[tilespmem:s31+$0x5310] =	vst v4;
	v4 =	vadd.f32 v6, v9;
	v6 =	vld [tilespmem:s31+$0x5330]  }
0x4fb: {  	v9 =	vld [tilespmem:s31+$0x7330]  }
0x4fc: {  	v3 =	vadd.f32 v4, v3;
	v4 =	vld [tilespmem:s31+$0x9330]  }
0x4fd: {  	v11 =	vld [tilespmem:s31+$0xB330]  }
0x4fe: {  	v5 =	vadd.f32 v10, v5;
	[tilespmem:s31+$0x5320] =	vst v3;
	v3 =	vld [tilespmem:s31+$0x5340];
	v7 =	vadd.f32 v8, v7  }
0x4ff: {  	v8 =	vld [tilespmem:s31+$0x7340]  }
0x500: {  	v6 =	vadd.f32 v9, v6;
	v9 =	vld [tilespmem:s31+$0x9340];
	v5 =	vadd.f32 v7, v5  }
0x501: {  	v7 =	vld [tilespmem:s31+$0xB340]  }
0x502: {  	v4 =	vadd.f32 v11, v4;
	[tilespmem:s31+$0x5380] =	vst v5;
	v5 =	vld [tilespmem:s31+$0x5390]  }
0x503: {  	v10 =	vld [tilespmem:s1+$0x5310]  }
0x504: {  	v4 =	vadd.f32 v4, v6;
	v3 =	vadd.f32 v8, v3;
	v6 =	vld [tilespmem:s0+$0x5310]  }
0x505: {  	v8 =	vld [tilespmem:s8+$0x5310]  }
0x506: {  	[tilespmem:s31+$0x5330] =	vst v4;
	v4 =	vadd.f32 v7, v9;
	v7 =	vld [tilespmem:s31+$0x5350]  }
0x507: {  	v9 =	vld [tilespmem:s31+$0x7350]  }
0x508: {  	v3 =	vadd.f32 v4, v3;
	v11 =	vld [tilespmem:s31+$0x9350]  }
0x509: {  	v12 =	vld [tilespmem:s31+$0xB350]  }
0x50a: {  	v4 =	vadd.f32 v10, v5;
	[tilespmem:s31+$0x5340] =	vst v3;
	v13 =	vld [tilespmem:s31+$0x5360];
	v5 =	vadd.f32 v8, v6  }
0x50b: {  	v10 =	vld [tilespmem:s31+$0x7360]  }
0x50c: {  	v7 =	vadd.f32 v9, v7;
	v3 =	vld [tilespmem:s31+$0x9360];
	v5 =	vadd.f32 v5, v4  }
.Ltmp4:
0x50d: {  	v4 =	vld [tilespmem:s31+$0xB360];
	(pc) =	sbr.rel @p0 .LBB2_11-.Ltmp4, $4  }
0x50e: {  	v9 =	vadd.f32 v12, v11;
	[tilespmem:s31+$0x5390] =	vst v5;
	v6 =	vld [tilespmem:s31+$0x53A0]  }
0x50f: {  	v8 =	vld [tilespmem:s1+$0x5320]  }
0x510: {  	v7 =	vadd.f32 v9, v7;
	v5 =	vadd.f32 v10, v13;
	v9 =	vld [tilespmem:s0+$0x5320]  }
0x511: {  	s11 =	sadd.s32 $0x100, s11;
	s14 =	sadd.s32 $0x200, s14;
	v10 =	vld [tilespmem:s8+$0x5320]  }
0x512: {  	_ =	sdelay $0x3  }
0x513: {  	v6 =	vadd.f32 v8, v6;
	v35 =	vadd.f32 v10, v9;
	_ =	sdelay $0x1  }
0x514: {  	v6 =	vadd.f32 v35, v6;
	_ =	sdelay $0x1  }
0x515: {  	v36 =	vld [tilespmem:s31+$0x53B0];
	[tilespmem:s31+$0x53A0] =	vst v6  }
0x516: {  	v37 =	vld [tilespmem:s1+$0x5330]  }
0x517: {  	v38 =	vld [tilespmem:s0+$0x5330]  }
0x518: {  	v39 =	vld [tilespmem:s8+$0x5330];
	_ =	sdelay $0x4  }
0x519: {  	v6 =	vadd.f32 v37, v36;
	v40 =	vadd.f32 v39, v38;
	_ =	sdelay $0x1  }
0x51a: {  	v6 =	vadd.f32 v40, v6;
	_ =	sdelay $0x1  }
0x51b: {  	v41 =	vld [tilespmem:s31+$0x53C0];
	[tilespmem:s31+$0x53B0] =	vst v6  }
0x51c: {  	v42 =	vld [tilespmem:s1+$0x5340]  }
0x51d: {  	v43 =	vld [tilespmem:s0+$0x5340]  }
0x51e: {  	v44 =	vld [tilespmem:s8+$0x5340];
	_ =	sdelay $0x4  }
0x51f: {  	v6 =	vadd.f32 v42, v41;
	v45 =	vadd.f32 v44, v43;
	_ =	sdelay $0x1  }
0x520: {  	v6 =	vadd.f32 v45, v6;
	_ =	sdelay $0x1  }
0x521: {  	v46 =	vld [tilespmem:s31+$0x53D0];
	[tilespmem:s31+$0x53C0] =	vst v6  }
0x522: {  	v47 =	vld [tilespmem:s1+$0x5350]  }
0x523: {  	v48 =	vld [tilespmem:s0+$0x5350]  }
0x524: {  	v49 =	vld [tilespmem:s8+$0x5350];
	_ =	sdelay $0x4  }
0x525: {  	v6 =	vadd.f32 v47, v46;
	v50 =	vadd.f32 v49, v48;
	_ =	sdelay $0x1  }
0x526: {  	v6 =	vadd.f32 v50, v6;
	_ =	sdelay $0x1  }
0x527: {  	v51 =	vld [tilespmem:s31+$0x53E0];
	[tilespmem:s31+$0x53D0] =	vst v6  }
0x528: {  	v52 =	vld [tilespmem:s1+$0x5360]  }
0x529: {  	v53 =	vld [tilespmem:s0+$0x5360]  }
0x52a: {  	v54 =	vld [tilespmem:s8+$0x5360];
	_ =	sdelay $0x4  }
0x52b: {  	v56 =	vld [tilespmem:s31+$0x5370];
	v6 =	vadd.f32 v52, v51;
	v55 =	vadd.f32 v54, v53  }
0x52c: {  	v57 =	vld [tilespmem:s31+$0x7370]  }
0x52d: {  	v58 =	vld [tilespmem:s31+$0x9370];
	v6 =	vadd.f32 v55, v6  }
0x52e: {  	v59 =	vld [tilespmem:s31+$0xB370]  }
0x52f: {  	v60 =	vld [tilespmem:s31+$0x53F0];
	[tilespmem:s31+$0x53E0] =	vst v6  }
0x530: {  	v11 =	vld [tilespmem:s1+$0x5370]  }
0x531: {  	v12 =	vld [tilespmem:s0+$0x5370]  }
0x532: {  	v13 =	vld [tilespmem:s8+$0x5370]  }
0x533: {  	v3 =	vadd.f32 v4, v3;
	_ =	sdelay $0x1  }
0x534: {  	v3 =	vadd.f32 v3, v5  }
0x535: {  	v61 =	vadd.f32 v57, v56;
	v62 =	vadd.f32 v59, v58  }
0x536: {  	v6 =	vadd.f32 v11, v60;
	v63 =	vadd.f32 v13, v12  }
0x537: {  	[tilespmem:s31+$0x5350] =	vst v7;
	s22 =	sshll.u32 s29, $0xE;
	v4 =	vadd.f32 v62, v61  }
0x538: {  	[tilespmem:s31+$0x5360] =	vst v3;
	s0 =	sadd.s32 s10, s22;
	v3 =	vadd.f32 v63, v6  }
0x539: {  	p0 =	seq.s32 s29, $0x4E;
	[tilespmem:s31+$0x5370] =	vst v4;
	s0 =	sshrl.u32 s0, $0x3  }
.Ltmp5:
0x53a: {  	s0 =	sadd.s32 s6, s0;
	[tilespmem:s31+$0x53F0] =	vst v3;
	(pc) =	sbr.rel @p0 .LBB2_14-.Ltmp5, $4  }
0x53b: {  	[hbm4b:s0+s4] =	stream.linear.scatter [tilespmem:s13], [sflag:$0x5], $0x2000, $0x38;
	[tilespmem:$0x14F00] =	vst v63  }
0x53c: {  	_ =	swait.ge [sflag:s12], $0x2000  }
0x53d: {  	[sflag:s12] =	ssyncset.done $0x0  }
0x53e: {  	[sflag:s12] =	ssyncadd.s32 $0xFFFFE000  }
0x53f: {  	s0 =	sshll.u32 s29, $0x8  }
0x540: {  	s0 =	sand.u32 $0x3FFFFF00, s0  }
0x541: {  	v3 =	vld [tilespmem:s0+$0x100];
	_ =	sdelay $0x4  }
0x542: {  	v4 =	vshll.u32 v3, $0x1  }
0x543: {  	v3 =	vand.u32 $0x7, v3;
	v4 =	vand.u32 $0xFFFFFFF0, v4  }
0x544: {  	v3 =	vor.u32 v3, v4  }
0x545: {  	v4 =	vperm.xlane v3, v0;
	_ =	sdelay $0x1  }
0x546: {  	v3 =	vperm.xlane v3, v2;
	v4 =	vadd.s32 v1, v4;
	_ =	sdelay $0x1  }
0x547: {  	v3 =	vadd.s32 v1, v3;
	_ =	sdelay $0x2  }
0x548: {  	[tilespmem:s13], [sflag:$0x1] =	stream.indirect_vreg.gather [hbm4b:s2+s4], $0x80, v4, vm0, $0xb8;
	[tilespmem:$0x14F00] =	vst v63  }
0x549: {  	s1 =	simm.s32 $0x5700  }
0x54a: {  	[tilespmem:s1], [sflag:$0x1] =	stream.indirect_vreg.gather [hbm4b:s2+s4], $0x80, v3, vm0, $0xb8;
	[tilespmem:$0x14F00] =	vst v63  }
0x54b: {  	v3 =	vld [tilespmem:s0+$0x110];
	_ =	sdelay $0x4  }
0x54c: {  	v57 =	vshll.u32 v3, $0x1  }
0x54d: {  	v3 =	vand.u32 $0x7, v3;
	v4 =	vand.u32 $0xFFFFFFF0, v57  }
0x54e: {  	v3 =	vor.u32 v3, v4  }
0x54f: {  	v4 =	vperm.xlane v3, v0;
	_ =	sdelay $0x1  }
0x550: {  	v3 =	vperm.xlane v3, v2;
	v4 =	vadd.s32 v1, v4;
	_ =	sdelay $0x1  }
0x551: {  	v3 =	vadd.s32 v1, v3;
	_ =	sdelay $0x1  }
0x552: {  	s31 =	simm.s32 $0x5F00  }
0x553: {  	[tilespmem:s31], [sflag:$0x1] =	stream.indirect_vreg.gather [hbm4b:s2+s4], $0x80, v4, vm0, $0xb8;
	[tilespmem:$0x14F00] =	vst v63  }
0x554: {  	s8 =	simm.s32 $0x6700  }
0x555: {  	[tilespmem:s8], [sflag:$0x1] =	stream.indirect_vreg.gather [hbm4b:s2+s4], $0x80, v3, vm0, $0xb8;
	[tilespmem:$0x14F00] =	vst v63  }
0x556: {  	v3 =	vld [tilespmem:s0+$0x120];
	_ =	sdelay $0x4  }
0x557: {  	v58 =	vshll.u32 v3, $0x1  }
0x558: {  	v3 =	vand.u32 $0x7, v3;
	v4 =	vand.u32 $0xFFFFFFF0, v58  }
0x559: {  	v3 =	vor.u32 v3, v4  }
0x55a: {  	v4 =	vperm.xlane v3, v0;
	_ =	sdelay $0x1  }
0x55b: {  	v3 =	vperm.xlane v3, v2;
	v4 =	vadd.s32 v1, v4;
	_ =	sdelay $0x1  }
0x55c: {  	v3 =	vadd.s32 v1, v3;
	_ =	sdelay $0x1  }
0x55d: {  	s9 =	simm.s32 $0x6F00  }
0x55e: {  	[tilespmem:s9], [sflag:$0x1] =	stream.indirect_vreg.gather [hbm4b:s2+s4], $0x80, v4, vm0, $0xb8;
	[tilespmem:$0x14F00] =	vst v63  }
0x55f: {  	s11 =	simm.s32 $0x7700  }
0x560: {  	[tilespmem:s11], [sflag:$0x1] =	stream.indirect_vreg.gather [hbm4b:s2+s4], $0x80, v3, vm0, $0xb8;
	[tilespmem:$0x14F00] =	vst v63  }
0x561: {  	v3 =	vld [tilespmem:s0+$0x130];
	_ =	sdelay $0x4  }
0x562: {  	v59 =	vshll.u32 v3, $0x1  }
0x563: {  	v3 =	vand.u32 $0x7, v3;
	v4 =	vand.u32 $0xFFFFFFF0, v59  }
0x564: {  	v3 =	vor.u32 v3, v4  }
0x565: {  	v4 =	vperm.xlane v3, v0;
	_ =	sdelay $0x1  }
0x566: {  	v3 =	vperm.xlane v3, v2;
	v4 =	vadd.s32 v1, v4;
	_ =	sdelay $0x1  }
0x567: {  	v3 =	vadd.s32 v1, v3;
	_ =	sdelay $0x1  }
0x568: {  	s14 =	simm.s32 $0x7F00  }
0x569: {  	[tilespmem:s14], [sflag:$0x1] =	stream.indirect_vreg.gather [hbm4b:s2+s4], $0x80, v4, vm0, $0xb8;
	[tilespmem:$0x14F00] =	vst v63  }
0x56a: {  	s15 =	simm.s32 $0x8700  }
0x56b: {  	[tilespmem:s15], [sflag:$0x1] =	stream.indirect_vreg.gather [hbm4b:s2+s4], $0x80, v3, vm0, $0xb8;
	[tilespmem:$0x14F00] =	vst v63  }
0x56c: {  	v3 =	vld [tilespmem:s0+$0x140];
	_ =	sdelay $0x4  }
0x56d: {  	v60 =	vshll.u32 v3, $0x1  }
0x56e: {  	v3 =	vand.u32 $0x7, v3;
	v4 =	vand.u32 $0xFFFFFFF0, v60  }
0x56f: {  	v3 =	vor.u32 v3, v4  }
0x570: {  	v4 =	vperm.xlane v3, v0;
	_ =	sdelay $0x1  }
0x571: {  	v3 =	vperm.xlane v3, v2;
	v4 =	vadd.s32 v1, v4;
	_ =	sdelay $0x1  }
0x572: {  	v3 =	vadd.s32 v1, v3;
	_ =	sdelay $0x1  }
0x573: {  	s16 =	simm.s32 $0x8F00  }
0x574: {  	[tilespmem:s16], [sflag:$0x2] =	stream.indirect_vreg.gather [hbm4b:s2+s4], $0x80, v4, vm0, $0xb8;
	[tilespmem:$0x14F00] =	vst v63  }
0x575: {  	s17 =	simm.s32 $0x9700  }
0x576: {  	[tilespmem:s17], [sflag:$0x2] =	stream.indirect_vreg.gather [hbm4b:s2+s4], $0x80, v3, vm0, $0xb8;
	[tilespmem:$0x14F00] =	vst v63  }
0x577: {  	v3 =	vld [tilespmem:s0+$0x150];
	_ =	sdelay $0x4  }
0x578: {  	v61 =	vshll.u32 v3, $0x1  }
0x579: {  	v3 =	vand.u32 $0x7, v3;
	v4 =	vand.u32 $0xFFFFFFF0, v61  }
0x57a: {  	v3 =	vor.u32 v3, v4  }
0x57b: {  	v4 =	vperm.xlane v3, v0;
	_ =	sdelay $0x1  }
0x57c: {  	v3 =	vperm.xlane v3, v2;
	v4 =	vadd.s32 v1, v4;
	_ =	sdelay $0x1  }
0x57d: {  	v3 =	vadd.s32 v1, v3;
	_ =	sdelay $0x1  }
0x57e: {  	s18 =	simm.s32 $0x9F00  }
0x57f: {  	[tilespmem:s18], [sflag:$0x2] =	stream.indirect_vreg.gather [hbm4b:s2+s4], $0x80, v4, vm0, $0xb8;
	[tilespmem:$0x14F00] =	vst v63  }
0x580: {  	s19 =	simm.s32 $0xA700  }
0x581: {  	[tilespmem:s19], [sflag:$0x2] =	stream.indirect_vreg.gather [hbm4b:s2+s4], $0x80, v3, vm0, $0xb8;
	[tilespmem:$0x14F00] =	vst v63  }
0x582: {  	v3 =	vld [tilespmem:s0+$0x160];
	_ =	sdelay $0x4  }
0x583: {  	v62 =	vshll.u32 v3, $0x1  }
0x584: {  	v3 =	vand.u32 $0x7, v3;
	v4 =	vand.u32 $0xFFFFFFF0, v62  }
0x585: {  	v3 =	vor.u32 v3, v4  }
0x586: {  	v4 =	vperm.xlane v3, v0;
	_ =	sdelay $0x1  }
0x587: {  	v3 =	vperm.xlane v3, v2;
	v4 =	vadd.s32 v1, v4;
	_ =	sdelay $0x1  }
0x588: {  	v3 =	vadd.s32 v1, v3;
	_ =	sdelay $0x1  }
0x589: {  	s20 =	simm.s32 $0xAF00  }
0x58a: {  	[tilespmem:s20], [sflag:$0x2] =	stream.indirect_vreg.gather [hbm4b:s2+s4], $0x80, v4, vm0, $0xb8;
	[tilespmem:$0x14F00] =	vst v63  }
0x58b: {  	s21 =	simm.s32 $0xB700  }
0x58c: {  	[tilespmem:s21], [sflag:$0x2] =	stream.indirect_vreg.gather [hbm4b:s2+s4], $0x80, v3, vm0, $0xb8;
	[tilespmem:$0x14F00] =	vst v63  }
0x58d: {  	v3 =	vld [tilespmem:s0+$0x170];
	_ =	sdelay $0x4  }
0x58e: {  	v63 =	vshll.u32 v3, $0x1  }
0x58f: {  	v3 =	vand.u32 $0x7, v3;
	v4 =	vand.u32 $0xFFFFFFF0, v63  }
0x590: {  	v3 =	vor.u32 v3, v4  }
0x591: {  	v4 =	vperm.xlane v3, v0;
	_ =	sdelay $0x1  }
0x592: {  	v3 =	vperm.xlane v3, v2;
	v4 =	vadd.s32 v1, v4;
	_ =	sdelay $0x1  }
0x593: {  	v3 =	vadd.s32 v1, v3;
	_ =	sdelay $0x1  }
0x594: {  	s22 =	simm.s32 $0xBF00  }
0x595: {  	[tilespmem:s22], [sflag:$0x2] =	stream.indirect_vreg.gather [hbm4b:s2+s4], $0x80, v4, vm0, $0xb8;
	[tilespmem:$0x14F00] =	vst v63  }
0x596: {  	s31 =	simm.s32 $0xC700  }
0x597: {  	[tilespmem:s31], [sflag:$0x2] =	stream.indirect_vreg.gather [hbm4b:s2+s4], $0x80, v3, vm0, $0xb8;
	[tilespmem:$0x14F00] =	vst v63  }
.LBB2_14:
0x598: {  	_ =	swait.ge [sflag:s25], $0x4000;
	s0 =	simm.s32 $0x0;
	s8 =	simm.s32 $0x2100  }
0x599: {  	s9 =	simm.s32 $0x1080;
	s11 =	simm.s32 $0x4100;
	[sflag:s25] =	ssyncset.done $0x0  }
0x59a: {  	s14 =	simm.s32 $0x2080;
	s15 =	simm.s32 $0x6100;
	[sflag:s25] =	ssyncadd.s32 $0xFFFFC000  }
0x59b: {  	s16 =	simm.s32 $0x3080;
	s1 =	sand.u32 $0x1800, s0;
	_ =	swait.ge [sflag:s26], $0x4000  }
0x59c: {  	s0 =	sand.u32 $0x300, s0;
	s8 =	sand.u32 $0x3800, s8;
	[sflag:s26] =	ssyncset.done $0x0  }
0x59d: {  	s17 =	sand.u32 $0x380, s9;
	s31 =	sor.u32 s0, s1;
	[sflag:s26] =	ssyncadd.s32 $0xFFFFC000  }
0x59e: {  	s18 =	sand.u32 $0x5800, s11;
	s19 =	sand.u32 $0x380, s14;
	s1 =	sor.u32 s17, s8;
	v3 =	vld [tilespmem:s31+$0xCF80]  }
0x59f: {  	s20 =	sand.u32 $0x7800, s15;
	s21 =	sand.u32 $0x380, s16;
	s0 =	sor.u32 s19, s18;
	v4 =	vld [tilespmem:s1+$0xCF00]  }
0x5a0: {  	s8 =	sor.u32 s21, s20;
	v5 =	vld [tilespmem:s0+$0xCF00]  }
0x5a1: {  	v6 =	vld [tilespmem:s8+$0xCF00];
	_ =	sdelay $0x4  }
0x5a2: {  	v3 =	vadd.f32 v4, v3;
	v4 =	vadd.f32 v6, v5;
	_ =	sdelay $0x1  }
0x5a3: {  	v3 =	vadd.f32 v4, v3;
	_ =	sdelay $0x1  }
0x5a4: {  	[tilespmem:s31+$0xCF80] =	vst v3;
	v3 =	vld [tilespmem:s31+$0xCF90]  }
0x5a5: {  	v4 =	vld [tilespmem:s1+$0xCF10]  }
0x5a6: {  	v5 =	vld [tilespmem:s0+$0xCF10]  }
0x5a7: {  	v6 =	vld [tilespmem:s8+$0xCF10];
	_ =	sdelay $0x4  }
0x5a8: {  	v3 =	vadd.f32 v4, v3;
	v4 =	vadd.f32 v6, v5;
	_ =	sdelay $0x1  }
0x5a9: {  	v3 =	vadd.f32 v4, v3;
	_ =	sdelay $0x1  }
0x5aa: {  	[tilespmem:s31+$0xCF90] =	vst v3;
	v3 =	vld [tilespmem:s31+$0xCFA0]  }
0x5ab: {  	v4 =	vld [tilespmem:s1+$0xCF20]  }
0x5ac: {  	v5 =	vld [tilespmem:s0+$0xCF20]  }
0x5ad: {  	v6 =	vld [tilespmem:s8+$0xCF20];
	_ =	sdelay $0x2  }
0x5ae: {  	s22 =	sadd.s32 $0xCF00, s31  }
0x5af: {  	v7 =	vld [tilespmem:s22+$0x4000]  }
0x5b0: {  	v8 =	vld [tilespmem:s22+$0x6000];
	v3 =	vadd.f32 v4, v3;
	v4 =	vadd.f32 v6, v5  }
0x5b1: {  	v9 =	vld [tilespmem:s22+$0x4010]  }
0x5b2: {  	v10 =	vld [tilespmem:s22+$0x6010];
	v3 =	vadd.f32 v4, v3  }
0x5b3: {  	v11 =	vld [tilespmem:s22+$0x4020]  }
0x5b4: {  	[tilespmem:s31+$0xCFA0] =	vst v3;
	v3 =	vld [tilespmem:s31+$0xCFB0]  }
0x5b5: {  	v4 =	vld [tilespmem:s1+$0xCF30]  }
0x5b6: {  	v5 =	vld [tilespmem:s0+$0xCF30]  }
0x5b7: {  	v6 =	vld [tilespmem:s8+$0xCF30]  }
0x5b8: {  	v12 =	vld [tilespmem:s22+$0x4040]  }
0x5b9: {  	v16 =	vld [tilespmem:s22+$0x6040]  }
0x5ba: {  	v17 =	vld [tilespmem:s22+$0x4050]  }
0x5bb: {  	v18 =	vld [tilespmem:s22+$0x6050]  }
0x5bc: {  	v19 =	vld [tilespmem:s22+$0x4060];
	v3 =	vadd.f32 v4, v3;
	v4 =	vadd.f32 v6, v5  }
0x5bd: {  	v20 =	vld [tilespmem:s22+$0x6060]  }
0x5be: {  	v21 =	vld [tilespmem:s22+$0x6400];
	v3 =	vadd.f32 v4, v3  }
0x5bf: {  	v25 =	vld [tilespmem:s22+$0x4410]  }
0x5c0: {  	[tilespmem:s31+$0xCFB0] =	vst v3;
	v3 =	vld [tilespmem:s31+$0xCFC0]  }
0x5c1: {  	v13 =	vld [tilespmem:s1+$0xCF40]  }
0x5c2: {  	v14 =	vld [tilespmem:s0+$0xCF40]  }
0x5c3: {  	v15 =	vld [tilespmem:s8+$0xCF40]  }
0x5c4: {  	v26 =	vld [tilespmem:s22+$0x6410]  }
0x5c5: {  	v27 =	vld [tilespmem:s22+$0x4420]  }
0x5c6: {  	v28 =	vld [tilespmem:s22+$0x6420]  }
0x5c7: {  	v29 =	vld [tilespmem:s22+$0x4430]  }
0x5c8: {  	v52 =	vld [tilespmem:s22+$0x6430];
	v3 =	vadd.f32 v13, v3;
	v13 =	vadd.f32 v15, v14  }
0x5c9: {  	v53 =	vld [tilespmem:s22+$0x4440]  }
0x5ca: {  	v54 =	vld [tilespmem:s22+$0x6440];
	v3 =	vadd.f32 v13, v3  }
0x5cb: {  	v30 =	vld [tilespmem:s22+$0x4450]  }
0x5cc: {  	[tilespmem:s31+$0xCFC0] =	vst v3;
	v3 =	vld [tilespmem:s31+$0xCFD0]  }
0x5cd: {  	v22 =	vld [tilespmem:s1+$0xCF50]  }
0x5ce: {  	v23 =	vld [tilespmem:s0+$0xCF50]  }
0x5cf: {  	v24 =	vld [tilespmem:s8+$0xCF50]  }
0x5d0: {  	v34 =	vld [tilespmem:s22+$0x6450]  }
0x5d1: {  	v35 =	vld [tilespmem:s22+$0x4460]  }
0x5d2: {  	v36 =	vld [tilespmem:s22+$0x6460]  }
0x5d3: {  	v37 =	vld [tilespmem:s22+$0x4470]  }
0x5d4: {  	v38 =	vld [tilespmem:s22+$0x6470];
	v3 =	vadd.f32 v22, v3;
	v51 =	vadd.f32 v24, v23  }
0x5d5: {  	v56 =	vld [tilespmem:s31+$0xCF00]  }
0x5d6: {  	v57 =	vld [tilespmem:s31+$0xEF00];
	v3 =	vadd.f32 v51, v3  }
0x5d7: {  	v58 =	vld [tilespmem:s31+$0xCF10]  }
0x5d8: {  	[tilespmem:s31+$0xCFD0] =	vst v3;
	v3 =	vld [tilespmem:s31+$0xCFE0]  }
0x5d9: {  	v31 =	vld [tilespmem:s1+$0xCF60]  }
0x5da: {  	v32 =	vld [tilespmem:s0+$0xCF60]  }
0x5db: {  	v33 =	vld [tilespmem:s8+$0xCF60]  }
0x5dc: {  	v39 =	vld [tilespmem:s31+$0xEF10];
	v7 =	vadd.f32 v8, v7;
	v8 =	vadd.f32 v57, v56  }
0x5dd: {  	v61 =	vld [tilespmem:s31+$0xEF20]  }
0x5de: {  	v7 =	vadd.f32 v7, v8;
	v8 =	vld [tilespmem:s31+$0xCF20]  }
0x5df: {  	v5 =	vld [tilespmem:s22+$0x6020]  }
0x5e0: {  	v6 =	vld [tilespmem:s22+$0x4030];
	v3 =	vadd.f32 v31, v3;
	v55 =	vadd.f32 v33, v32  }
0x5e1: {  	v4 =	vld [tilespmem:s22+$0x6030]  }
0x5e2: {  	v14 =	vld [tilespmem:s22+$0x4070];
	v3 =	vadd.f32 v55, v3  }
0x5e3: {  	v15 =	vld [tilespmem:s22+$0x6070]  }
0x5e4: {  	[tilespmem:s31+$0xCFE0] =	vst v3;
	v3 =	vld [tilespmem:s31+$0xCFF0]  }
0x5e5: {  	v40 =	vld [tilespmem:s1+$0xCF70]  }
0x5e6: {  	v59 =	vld [tilespmem:s0+$0xCF70]  }
0x5e7: {  	v9 =	vadd.f32 v10, v9;
	v10 =	vadd.f32 v39, v58;
	v60 =	vld [tilespmem:s8+$0xCF70]  }
0x5e8: {  	v13 =	vld [tilespmem:s22+$0x4400]  }
0x5e9: {  	[tilespmem:s31+$0xCF00] =	vst v7;
	v7 =	vadd.f32 v9, v10;
	v9 =	vld [tilespmem:s31+$0xCF30]  }
0x5ea: {  	v10 =	vld [tilespmem:s31+$0xEF30];
	_ =	sdelay $0x1  }
0x5eb: {  	[tilespmem:s31+$0xCF10] =	vst v7;
	v3 =	vadd.f32 v40, v3;
	v7 =	vadd.f32 v60, v59  }
0x5ec: {  	v62 =	vld [tilespmem:s31+$0xCF40];
	v8 =	vadd.f32 v61, v8  }
0x5ed: {  	v5 =	vadd.f32 v5, v11;
	v3 =	vadd.f32 v7, v3;
	v7 =	vld [tilespmem:s31+$0xEF40]  }
0x5ee: {  	v11 =	vld [tilespmem:s31+$0xCF50];
	v4 =	vadd.f32 v4, v6;
	v6 =	vadd.f32 v10, v9  }
0x5ef: {  	v5 =	vadd.f32 v5, v8;
	[tilespmem:s31+$0xCFF0] =	vst v3;
	v3 =	vld [tilespmem:s31+$0xEF50]  }
0x5f0: {  	v8 =	vld [tilespmem:s31+$0xD380];
	v4 =	vadd.f32 v4, v6  }
0x5f1: {  	[tilespmem:s31+$0xCF20] =	vst v5;
	v6 =	vld [tilespmem:s1+$0xD300]  }
0x5f2: {  	v9 =	vadd.f32 v16, v12;
	[tilespmem:s31+$0xCF30] =	vst v4;
	v4 =	vld [tilespmem:s8+$0xD300];
	v5 =	vadd.f32 v7, v62  }
0x5f3: {  	v10 =	vadd.f32 v18, v17;
	v7 =	vld [tilespmem:s0+$0xD300]  }
0x5f4: {  	v5 =	vadd.f32 v9, v5;
	v9 =	vld [tilespmem:s31+$0xCF60];
	v3 =	vadd.f32 v3, v11  }
0x5f5: {  	v11 =	vld [tilespmem:s31+$0xEF60]  }
0x5f6: {  	[tilespmem:s31+$0xCF40] =	vst v5;
	v3 =	vadd.f32 v10, v3;
	v5 =	vld [tilespmem:s31+$0xCF70]  }
0x5f7: {  	v10 =	vld [tilespmem:s31+$0xEF70]  }
0x5f8: {  	v12 =	vld [tilespmem:s31+$0xD340];
	v4 =	vadd.f32 v4, v7;
	[tilespmem:s31+$0xCF50] =	vst v3;
	v3 =	vadd.f32 v6, v8  }
0x5f9: {  	v6 =	vld [tilespmem:s31+$0xD300]  }
0x5fa: {  	v3 =	vadd.f32 v4, v3;
	v4 =	vld [tilespmem:s31+$0xF300]  }
0x5fb: {  	v7 =	vadd.f32 v20, v19;
	v8 =	vadd.f32 v11, v9;
	v9 =	vld [tilespmem:s31+$0xD310]  }
0x5fc: {  	v11 =	vadd.f32 v15, v14;
	v14 =	vld [tilespmem:s31+$0xF340];
	v5 =	vadd.f32 v10, v5  }
0x5fd: {  	[tilespmem:s31+$0xD380] =	vst v3;
	v3 =	vld [tilespmem:s31+$0xF310]  }
0x5fe: {  	v7 =	vadd.f32 v7, v8;
	v8 =	vld [tilespmem:s31+$0xD390];
	v5 =	vadd.f32 v11, v5  }
0x5ff: {  	v10 =	vld [tilespmem:s1+$0xD310];
	v11 =	vadd.f32 v21, v13;
	v4 =	vadd.f32 v4, v6  }
0x600: {  	[tilespmem:s31+$0xCF60] =	vst v7;
	v7 =	vld [tilespmem:s8+$0xD310]  }
0x601: {  	v6 =	vld [tilespmem:s0+$0xD310];
	v4 =	vadd.f32 v11, v4  }
0x602: {  	[tilespmem:s31+$0xCF70] =	vst v5;
	v5 =	vld [tilespmem:s31+$0xD320];
	v11 =	vadd.f32 v26, v25;
	v3 =	vadd.f32 v3, v9  }
0x603: {  	v9 =	vld [tilespmem:s31+$0xF320]  }
0x604: {  	[tilespmem:s31+$0xD300] =	vst v4;
	v3 =	vadd.f32 v11, v3;
	v4 =	vld [tilespmem:s31+$0xD330]  }
0x605: {  	v11 =	vld [tilespmem:s31+$0xF330]  }
0x606: {  	v6 =	vadd.f32 v7, v6;
	[tilespmem:s31+$0xD310] =	vst v3;
	v3 =	vadd.f32 v10, v8;
	_ =	sdelay $0x1  }
0x607: {  	v15 =	vadd.f32 v52, v29;
	v8 =	vld [tilespmem:s31+$0xF350];
	v3 =	vadd.f32 v6, v3  }
0x608: {  	v10 =	vadd.f32 v28, v27;
	v13 =	vadd.f32 v9, v5;
	v6 =	vld [tilespmem:s31+$0xD350]  }
0x609: {  	v12 =	vadd.f32 v14, v12;
	v9 =	vld [tilespmem:s31+$0xD3A0];
	v11 =	vadd.f32 v11, v4;
	[tilespmem:s31+$0xD390] =	vst v3  }
0x60a: {  	v7 =	vadd.f32 v54, v53;
	v63 =	vadd.f32 v10, v13;
	v10 =	vld [tilespmem:s1+$0xD320]  }
0x60b: {  	v5 =	vadd.f32 v34, v30;
	v13 =	vld [tilespmem:s0+$0xD320];
	v11 =	vadd.f32 v15, v11  }
0x60c: {  	s9 =	simm.s32 $0x0;
	s11 =	simm.s32 $0x100;
	s14 =	simm.s32 $0x200;
	v4 =	vadd.f32 v36, v35;
	v3 =	vadd.f32 v38, v37;
	[tilespmem:s31+$0xD320] =	vst v63;
	v14 =	vld [tilespmem:s8+$0xD320]  }
.LBB2_15:
0x60d: {  	s15 =	sand.u32 $0x1800, s14;
	s16 =	sand.u32 $0x300, s11;
	[tilespmem:s31+$0xD330] =	vst v11;
	v7 =	vadd.f32 v7, v12;
	v6 =	vadd.f32 v8, v6;
	v8 =	vld [tilespmem:s31+$0xD360]  }
0x60e: {  	s17 =	sadd.s32 $0x2100, s14;
	s18 =	sadd.s32 $0x1080, s11;
	s19 =	sadd.s32 $0x4100, s14;
	v11 =	vld [tilespmem:s31+$0xF360]  }
0x60f: {  	s20 =	sadd.s32 $0x2080, s11;
	s21 =	sadd.s32 $0x6100, s14;
	s22 =	sadd.s32 $0x3080, s11;
	[tilespmem:s31+$0xD340] =	vst v7;
	v5 =	vadd.f32 v5, v6;
	v6 =	vld [tilespmem:s31+$0xD370]  }
0x610: {  	s16 =	sor.u32 s16, s15;
	s15 =	sand.u32 $0x3800, s17;
	s17 =	sand.u32 $0x380, s18;
	v7 =	vld [tilespmem:s31+$0xF370]  }
0x611: {  	s18 =	sand.u32 $0x380, s20;
	s17 =	sor.u32 s17, s15;
	s15 =	sand.u32 $0x5800, s19;
	v12 =	vld [tilespmem:s16+$0xCF80];
	[tilespmem:s31+$0xD350] =	vst v5;
	v5 =	vadd.f32 v10, v9;
	v9 =	vadd.f32 v14, v13  }
0x612: {  	s20 =	sand.u32 $0x380, s22;
	s19 =	sand.u32 $0x7800, s21;
	s18 =	sor.u32 s18, s15;
	v10 =	vld [tilespmem:s17+$0xCF00]  }
0x613: {  	s15 =	sadd.s32 $0xCF00, s16;
	s19 =	sor.u32 s20, s19;
	v13 =	vld [tilespmem:s18+$0xCF00];
	v8 =	vadd.f32 v11, v8;
	v5 =	vadd.f32 v9, v5  }
0x614: {  	v9 =	vld [tilespmem:s19+$0xCF00]  }
0x615: {  	v4 =	vadd.f32 v4, v8;
	v6 =	vadd.f32 v7, v6;
	[tilespmem:s31+$0xD3A0] =	vst v5;
	v5 =	vld [tilespmem:s31+$0xD3B0]  }
0x616: {  	v7 =	vld [tilespmem:s1+$0xD330]  }
0x617: {  	[tilespmem:s31+$0xD360] =	vst v4;
	v3 =	vadd.f32 v3, v6;
	v4 =	vld [tilespmem:s0+$0xD330]  }
0x618: {  	v6 =	vld [tilespmem:s8+$0xD330]  }
0x619: {  	v10 =	vadd.f32 v10, v12;
	v8 =	vld [tilespmem:s15+$0x4000];
	v9 =	vadd.f32 v9, v13;
	[tilespmem:s31+$0xD370] =	vst v3  }
0x61a: {  	v3 =	vld [tilespmem:s15+$0x6000]  }
0x61b: {  	v11 =	vld [tilespmem:s15+$0x4010];
	v9 =	vadd.f32 v9, v10  }
0x61c: {  	v10 =	vld [tilespmem:s15+$0x6010]  }
0x61d: {  	v5 =	vadd.f32 v7, v5;
	[tilespmem:s16+$0xCF80] =	vst v9;
	v9 =	vld [tilespmem:s16+$0xCF90];
	v4 =	vadd.f32 v6, v4  }
0x61e: {  	v7 =	vld [tilespmem:s17+$0xCF10]  }
0x61f: {  	v8 =	vadd.f32 v3, v8;
	v3 =	vld [tilespmem:s18+$0xCF10];
	v4 =	vadd.f32 v4, v5  }
0x620: {  	v5 =	vld [tilespmem:s19+$0xCF10]  }
0x621: {  	v6 =	vadd.f32 v10, v11;
	[tilespmem:s31+$0xD3B0] =	vst v4;
	v4 =	vld [tilespmem:s31+$0xD3C0]  }
0x622: {  	v10 =	vld [tilespmem:s1+$0xD340]  }
0x623: {  	v11 =	vld [tilespmem:s0+$0xD340]  }
0x624: {  	v12 =	vld [tilespmem:s8+$0xD340]  }
0x625: {  	v7 =	vadd.f32 v7, v9;
	v13 =	vld [tilespmem:s15+$0x4020];
	v3 =	vadd.f32 v5, v3  }
0x626: {  	v5 =	vld [tilespmem:s15+$0x6020]  }
0x627: {  	v9 =	vld [tilespmem:s15+$0x4030];
	v3 =	vadd.f32 v3, v7  }
0x628: {  	v7 =	vld [tilespmem:s15+$0x6030]  }
0x629: {  	v4 =	vadd.f32 v10, v4;
	[tilespmem:s16+$0xCF90] =	vst v3;
	v3 =	vld [tilespmem:s16+$0xCFA0];
	v11 =	vadd.f32 v12, v11  }
0x62a: {  	v12 =	vld [tilespmem:s17+$0xCF20]  }
0x62b: {  	v10 =	vadd.f32 v5, v13;
	v5 =	vld [tilespmem:s18+$0xCF20];
	v4 =	vadd.f32 v11, v4  }
0x62c: {  	v11 =	vld [tilespmem:s19+$0xCF20]  }
0x62d: {  	v9 =	vadd.f32 v7, v9;
	[tilespmem:s31+$0xD3C0] =	vst v4;
	v4 =	vld [tilespmem:s31+$0xD3D0]  }
0x62e: {  	v7 =	vld [tilespmem:s1+$0xD350]  }
0x62f: {  	s9 =	sadd.s32 $0x2, s9;
	v13 =	vld [tilespmem:s0+$0xD350]  }
0x630: {  	p0 =	slt.u32 s9, $0x1E;
	v14 =	vld [tilespmem:s8+$0xD350]  }
0x631: {  	v3 =	vadd.f32 v12, v3;
	v15 =	vld [tilespmem:s15+$0x4040];
	v5 =	vadd.f32 v11, v5  }
0x632: {  	v11 =	vld [tilespmem:s15+$0x6040]  }
0x633: {  	v16 =	vld [tilespmem:s15+$0x4050];
	v3 =	vadd.f32 v5, v3  }
0x634: {  	v5 =	vld [tilespmem:s15+$0x6050]  }
0x635: {  	v4 =	vadd.f32 v7, v4;
	[tilespmem:s16+$0xCFA0] =	vst v3;
	v3 =	vld [tilespmem:s16+$0xCFB0];
	v7 =	vadd.f32 v14, v13  }
0x636: {  	v13 =	vld [tilespmem:s17+$0xCF30]  }
0x637: {  	v12 =	vadd.f32 v11, v15;
	v14 =	vld [tilespmem:s18+$0xCF30];
	v4 =	vadd.f32 v7, v4  }
0x638: {  	v7 =	vld [tilespmem:s19+$0xCF30]  }
0x639: {  	v11 =	vadd.f32 v5, v16;
	[tilespmem:s31+$0xD3D0] =	vst v4;
	v4 =	vld [tilespmem:s31+$0xD3E0]  }
0x63a: {  	v5 =	vld [tilespmem:s1+$0xD360]  }
0x63b: {  	v15 =	vld [tilespmem:s0+$0xD360]  }
0x63c: {  	v16 =	vld [tilespmem:s8+$0xD360]  }
0x63d: {  	v3 =	vadd.f32 v13, v3;
	v17 =	vld [tilespmem:s15+$0x4060];
	v7 =	vadd.f32 v7, v14  }
0x63e: {  	v13 =	vld [tilespmem:s15+$0x6060]  }
0x63f: {  	v18 =	vld [tilespmem:s15+$0x4070];
	v3 =	vadd.f32 v7, v3  }
0x640: {  	v7 =	vld [tilespmem:s15+$0x6070]  }
0x641: {  	v4 =	vadd.f32 v5, v4;
	[tilespmem:s16+$0xCFB0] =	vst v3;
	v3 =	vld [tilespmem:s16+$0xCFC0];
	v5 =	vadd.f32 v16, v15  }
0x642: {  	v15 =	vld [tilespmem:s17+$0xCF40]  }
0x643: {  	v14 =	vadd.f32 v13, v17;
	v16 =	vld [tilespmem:s18+$0xCF40];
	v4 =	vadd.f32 v5, v4  }
0x644: {  	v5 =	vld [tilespmem:s19+$0xCF40]  }
0x645: {  	v13 =	vadd.f32 v7, v18;
	[tilespmem:s31+$0xD3E0] =	vst v4;
	v4 =	vld [tilespmem:s31+$0xD3F0]  }
0x646: {  	v7 =	vld [tilespmem:s1+$0xD370];
	s1 =	smov.u32 s17  }
0x647: {  	v17 =	vld [tilespmem:s0+$0xD370];
	s0 =	smov.u32 s18  }
0x648: {  	v18 =	vld [tilespmem:s8+$0xD370];
	s8 =	smov.u32 s19  }
0x649: {  	v3 =	vadd.f32 v15, v3;
	v19 =	vld [tilespmem:s15+$0x4400];
	v5 =	vadd.f32 v5, v16  }
0x64a: {  	v15 =	vld [tilespmem:s15+$0x6400]  }
0x64b: {  	v16 =	vld [tilespmem:s15+$0x4410];
	v3 =	vadd.f32 v5, v3  }
0x64c: {  	v5 =	vld [tilespmem:s15+$0x6410]  }
0x64d: {  	v4 =	vadd.f32 v7, v4;
	[tilespmem:s16+$0xCFC0] =	vst v3;
	v3 =	vld [tilespmem:s16+$0xCFD0];
	v7 =	vadd.f32 v18, v17  }
0x64e: {  	v20 =	vld [tilespmem:s1+$0xCF50]  }
0x64f: {  	v18 =	vadd.f32 v15, v19;
	v15 =	vld [tilespmem:s0+$0xCF50];
	v4 =	vadd.f32 v7, v4  }
0x650: {  	v7 =	vld [tilespmem:s8+$0xCF50]  }
0x651: {  	v17 =	vadd.f32 v5, v16;
	v5 =	vld [tilespmem:s15+$0x4420];
	[tilespmem:s31+$0xD3F0] =	vst v4;
	s31 =	smov.u32 s16  }
0x652: {  	v4 =	vld [tilespmem:s15+$0x6420]  }
0x653: {  	v19 =	vld [tilespmem:s15+$0x4430]  }
0x654: {  	v21 =	vld [tilespmem:s15+$0x6430]  }
0x655: {  	v3 =	vadd.f32 v20, v3;
	v22 =	vld [tilespmem:s15+$0x4440];
	v7 =	vadd.f32 v7, v15  }
0x656: {  	v20 =	vld [tilespmem:s15+$0x6440]  }
0x657: {  	v16 =	vadd.f32 v4, v5;
	v4 =	vld [tilespmem:s15+$0x4450];
	v3 =	vadd.f32 v7, v3  }
0x658: {  	v5 =	vld [tilespmem:s15+$0x6450]  }
0x659: {  	v15 =	vadd.f32 v21, v19;
	[tilespmem:s31+$0xCFD0] =	vst v3;
	v3 =	vld [tilespmem:s31+$0xCFE0]  }
0x65a: {  	v19 =	vld [tilespmem:s1+$0xCF60]  }
0x65b: {  	v7 =	vadd.f32 v20, v22;
	v20 =	vld [tilespmem:s0+$0xCF60]  }
0x65c: {  	v21 =	vld [tilespmem:s8+$0xCF60]  }
0x65d: {  	v5 =	vadd.f32 v5, v4;
	v4 =	vld [tilespmem:s15+$0x4460]  }
0x65e: {  	v22 =	vld [tilespmem:s15+$0x6460]  }
0x65f: {  	v23 =	vld [tilespmem:s15+$0x4470]  }
0x660: {  	v24 =	vld [tilespmem:s15+$0x6470]  }
0x661: {  	v3 =	vadd.f32 v19, v3;
	v25 =	vld [tilespmem:s31+$0xCF00];
	v19 =	vadd.f32 v21, v20  }
0x662: {  	v20 =	vld [tilespmem:s31+$0xEF00]  }
0x663: {  	v21 =	vld [tilespmem:s31+$0xCF10];
	v4 =	vadd.f32 v22, v4;
	v19 =	vadd.f32 v19, v3  }
0x664: {  	v22 =	vld [tilespmem:s31+$0xEF10]  }
0x665: {  	v3 =	vadd.f32 v24, v23;
	[tilespmem:s31+$0xCFE0] =	vst v19;
	v19 =	vld [tilespmem:s31+$0xCFF0]  }
0x666: {  	v23 =	vld [tilespmem:s1+$0xCF70]  }
0x667: {  	v20 =	vadd.f32 v20, v25;
	v24 =	vld [tilespmem:s0+$0xCF70]  }
0x668: {  	v25 =	vld [tilespmem:s8+$0xCF70]  }
0x669: {  	v8 =	vadd.f32 v8, v20;
	v20 =	vadd.f32 v22, v21;
	v21 =	vld [tilespmem:s31+$0xCF20]  }
0x66a: {  	v22 =	vld [tilespmem:s31+$0xEF20]  }
0x66b: {  	[tilespmem:s31+$0xCF00] =	vst v8;
	v6 =	vadd.f32 v6, v20;
	v8 =	vld [tilespmem:s31+$0xCF30]  }
0x66c: {  	v20 =	vld [tilespmem:s31+$0xEF30]  }
0x66d: {  	v19 =	vadd.f32 v23, v19;
	[tilespmem:s31+$0xCF10] =	vst v6;
	v6 =	vld [tilespmem:s31+$0xCF40];
	v23 =	vadd.f32 v25, v24  }
0x66e: {  	v24 =	vld [tilespmem:s31+$0xEF40]  }
0x66f: {  	v21 =	vadd.f32 v22, v21;
	v22 =	vld [tilespmem:s31+$0xCF50];
	v19 =	vadd.f32 v23, v19  }
0x670: {  	v23 =	vld [tilespmem:s31+$0xEF50]  }
0x671: {  	v10 =	vadd.f32 v10, v21;
	v8 =	vadd.f32 v20, v8;
	[tilespmem:s31+$0xCFF0] =	vst v19;
	v19 =	vld [tilespmem:s31+$0xD380]  }
0x672: {  	v20 =	vld [tilespmem:s1+$0xD300]  }
0x673: {  	[tilespmem:s31+$0xCF20] =	vst v10;
	v8 =	vadd.f32 v9, v8;
	v6 =	vadd.f32 v24, v6;
	v9 =	vld [tilespmem:s0+$0xD300]  }
0x674: {  	v10 =	vld [tilespmem:s8+$0xD300]  }
0x675: {  	[tilespmem:s31+$0xCF30] =	vst v8;
	v6 =	vadd.f32 v12, v6;
	v8 =	vadd.f32 v23, v22;
	v12 =	vld [tilespmem:s31+$0xCF60]  }
0x676: {  	v21 =	vld [tilespmem:s31+$0xEF60]  }
0x677: {  	[tilespmem:s31+$0xCF40] =	vst v6;
	v6 =	vadd.f32 v11, v8;
	v8 =	vld [tilespmem:s31+$0xCF70]  }
0x678: {  	v11 =	vld [tilespmem:s31+$0xEF70]  }
0x679: {  	v19 =	vadd.f32 v20, v19;
	[tilespmem:s31+$0xCF50] =	vst v6;
	v6 =	vld [tilespmem:s31+$0xD300];
	v9 =	vadd.f32 v10, v9  }
0x67a: {  	v10 =	vld [tilespmem:s31+$0xF300]  }
0x67b: {  	v12 =	vadd.f32 v21, v12;
	v20 =	vld [tilespmem:s31+$0xD310];
	v9 =	vadd.f32 v9, v19  }
0x67c: {  	v19 =	vld [tilespmem:s31+$0xF310]  }
0x67d: {  	v12 =	vadd.f32 v14, v12;
	v8 =	vadd.f32 v11, v8;
	[tilespmem:s31+$0xD380] =	vst v9;
	v9 =	vld [tilespmem:s31+$0xD390]  }
0x67e: {  	v11 =	vld [tilespmem:s1+$0xD310]  }
0x67f: {  	[tilespmem:s31+$0xCF60] =	vst v12;
	v8 =	vadd.f32 v13, v8;
	v6 =	vadd.f32 v10, v6;
	v10 =	vld [tilespmem:s0+$0xD310]  }
0x680: {  	v12 =	vld [tilespmem:s8+$0xD310]  }
0x681: {  	[tilespmem:s31+$0xCF70] =	vst v8;
	v6 =	vadd.f32 v18, v6;
	v8 =	vadd.f32 v19, v20;
	v13 =	vld [tilespmem:s31+$0xD320]  }
0x682: {  	v14 =	vld [tilespmem:s31+$0xF320]  }
0x683: {  	[tilespmem:s31+$0xD300] =	vst v6;
	v6 =	vadd.f32 v17, v8;
	v17 =	vld [tilespmem:s31+$0xD330]  }
0x684: {  	v18 =	vld [tilespmem:s31+$0xF330]  }
0x685: {  	v8 =	vadd.f32 v11, v9;
	[tilespmem:s31+$0xD310] =	vst v6;
	v19 =	vld [tilespmem:s31+$0xD340];
	v9 =	vadd.f32 v12, v10  }
0x686: {  	v12 =	vld [tilespmem:s31+$0xF340]  }
0x687: {  	v10 =	vadd.f32 v14, v13;
	v6 =	vld [tilespmem:s31+$0xD350];
	v9 =	vadd.f32 v9, v8  }
.Ltmp6:
0x688: {  	v8 =	vld [tilespmem:s31+$0xF350];
	(pc) =	sbr.rel @p0 .LBB2_15-.Ltmp6, $4  }
0x689: {  	v11 =	vadd.f32 v16, v10;
	v13 =	vadd.f32 v18, v17;
	[tilespmem:s31+$0xD390] =	vst v9;
	v9 =	vld [tilespmem:s31+$0xD3A0]  }
0x68a: {  	v10 =	vld [tilespmem:s1+$0xD320]  }
0x68b: {  	[tilespmem:s31+$0xD320] =	vst v11;
	v11 =	vadd.f32 v15, v13;
	v12 =	vadd.f32 v12, v19;
	v13 =	vld [tilespmem:s0+$0xD320]  }
0x68c: {  	s11 =	sadd.s32 $0x100, s11;
	s14 =	sadd.s32 $0x200, s14;
	v14 =	vld [tilespmem:s8+$0xD320]  }
0x68d: {  	_ =	sdelay $0x3  }
0x68e: {  	v9 =	vadd.f32 v10, v9;
	v31 =	vadd.f32 v14, v13;
	_ =	sdelay $0x1  }
0x68f: {  	v9 =	vadd.f32 v31, v9;
	_ =	sdelay $0x1  }
0x690: {  	v32 =	vld [tilespmem:s31+$0xD3B0];
	[tilespmem:s31+$0xD3A0] =	vst v9  }
0x691: {  	v33 =	vld [tilespmem:s1+$0xD330]  }
0x692: {  	v34 =	vld [tilespmem:s0+$0xD330]  }
0x693: {  	v35 =	vld [tilespmem:s8+$0xD330];
	_ =	sdelay $0x4  }
0x694: {  	v9 =	vadd.f32 v33, v32;
	v36 =	vadd.f32 v35, v34;
	_ =	sdelay $0x1  }
0x695: {  	v9 =	vadd.f32 v36, v9;
	_ =	sdelay $0x1  }
0x696: {  	v37 =	vld [tilespmem:s31+$0xD3C0];
	[tilespmem:s31+$0xD3B0] =	vst v9  }
0x697: {  	v38 =	vld [tilespmem:s1+$0xD340]  }
0x698: {  	v39 =	vld [tilespmem:s0+$0xD340]  }
0x699: {  	v40 =	vld [tilespmem:s8+$0xD340];
	_ =	sdelay $0x4  }
0x69a: {  	v9 =	vadd.f32 v38, v37;
	v41 =	vadd.f32 v40, v39;
	_ =	sdelay $0x1  }
0x69b: {  	v9 =	vadd.f32 v41, v9;
	_ =	sdelay $0x1  }
0x69c: {  	v42 =	vld [tilespmem:s31+$0xD3D0];
	[tilespmem:s31+$0xD3C0] =	vst v9  }
0x69d: {  	v43 =	vld [tilespmem:s1+$0xD350]  }
0x69e: {  	v44 =	vld [tilespmem:s0+$0xD350]  }
0x69f: {  	v45 =	vld [tilespmem:s8+$0xD350];
	_ =	sdelay $0x4  }
0x6a0: {  	v9 =	vadd.f32 v43, v42;
	v46 =	vadd.f32 v45, v44;
	_ =	sdelay $0x1  }
0x6a1: {  	v9 =	vadd.f32 v46, v9;
	_ =	sdelay $0x1  }
0x6a2: {  	v47 =	vld [tilespmem:s31+$0xD3E0];
	[tilespmem:s31+$0xD3D0] =	vst v9  }
0x6a3: {  	v48 =	vld [tilespmem:s1+$0xD360]  }
0x6a4: {  	v49 =	vld [tilespmem:s0+$0xD360]  }
0x6a5: {  	v50 =	vld [tilespmem:s8+$0xD360];
	_ =	sdelay $0x4  }
0x6a6: {  	v51 =	vld [tilespmem:s31+$0xD360];
	v9 =	vadd.f32 v48, v47;
	v52 =	vadd.f32 v50, v49  }
0x6a7: {  	v53 =	vld [tilespmem:s31+$0xF360]  }
0x6a8: {  	v55 =	vld [tilespmem:s31+$0xD370];
	v54 =	vadd.f32 v52, v9  }
0x6a9: {  	v56 =	vld [tilespmem:s31+$0xF370]  }
0x6aa: {  	v57 =	vld [tilespmem:s31+$0xD3F0];
	[tilespmem:s31+$0xD3E0] =	vst v54  }
0x6ab: {  	v58 =	vld [tilespmem:s1+$0xD370]  }
0x6ac: {  	v59 =	vld [tilespmem:s0+$0xD370]  }
0x6ad: {  	v15 =	vld [tilespmem:s8+$0xD370]  }
0x6ae: {  	v6 =	vadd.f32 v8, v6  }
0x6af: {  	v60 =	vadd.f32 v53, v51  }
0x6b0: {  	v7 =	vadd.f32 v7, v12;
	v5 =	vadd.f32 v5, v6  }
0x6b1: {  	[tilespmem:s31+$0xD330] =	vst v11;
	v61 =	vadd.f32 v56, v55;
	v4 =	vadd.f32 v4, v60  }
0x6b2: {  	[tilespmem:s31+$0xD340] =	vst v7;
	v7 =	vadd.f32 v58, v57;
	v62 =	vadd.f32 v15, v59  }
0x6b3: {  	s22 =	sshll.u32 s3, $0xD;
	[tilespmem:s31+$0xD350] =	vst v5;
	v3 =	vadd.f32 v3, v61  }
0x6b4: {  	s29 =	sadd.s32 $0x1, s29;
	[tilespmem:s31+$0xD360] =	vst v4;
	s0 =	sadd.s32 s10, s22;
	v63 =	vadd.f32 v62, v7  }
0x6b5: {  	p0 =	sne.s32 s29, $0x4F;
	[tilespmem:s31+$0xD370] =	vst v3;
	s0 =	sshrl.u32 s0, $0x3  }
.Ltmp7:
0x6b6: {  	s0 =	sadd.s32 s6, s0;
	[tilespmem:s31+$0xD3F0] =	vst v63;
	(pc) =	sbr.rel @p0 .LBB2_10-.Ltmp7, $4  }
0x6b7: {  	[hbm4b:s0+s4] =	stream.linear.scatter [tilespmem:s30], [sflag:$0x5], $0x2000, $0x38;
	[tilespmem:$0x14F00] =	vst v63  }
0x6b8: {  	_ =	swait.ge [sflag:s12], $0x2000  }
0x6b9: {  	[sflag:s12] =	ssyncset.done $0x0  }
0x6ba: {  	[sflag:s12] =	ssyncadd.s32 $0xFFFFE000  }
0x6bb: {  	s1 =	rddreg [dreg:$0x8]  }
0x6bc: {  	s0 =	rddreg [dreg:$0x7];
	s1 =	sadd.s32 $0x1, s1  }
0x6bd: {  	p0 =	sne.s32 s1, s0  }
.Ltmp8:
0x6be: {  	_ = 	snop;
	(pc) =	sbr.rel @p0 .LBB2_1-.Ltmp8, $2  }
0x6bf: {  	_ =	sdelay $0x2  }
0x6c0: {  	s22 =	rddreg [dreg:$0x3]  }
0x6c1: {  	_ =	sfence.sel $0x180000  }
0x6c2: {  	[bflag:$0x0] =	sbarrier.arrive $0xFFFF  }
0x6c3: {  	_ =	strace $0x90000047  }
0x6c4: {  	s0 =	stileid.u32;
	[bflag:$0x2] =	sbarrier.arrive $0xFFFF  }
0x6c5: {  	p0 =	sne.s32 s0, $0x0;
	s0 =	rddreg [dreg:$0x4]  }
0x6c6: {  	s0 =	sadd.s32 @!p0 $0x100000, s0  }
0x6c7: {  	[sflag:s0] =	ssyncadd.tile.s32 @!p0 $0x1;
	_ =	shalt  }
.Lfunc_end2:
_tile_overlayer_lowered:
.L_overlay_start_2:
0x6c8: {  	(tag) =	ssettag $0x2  }
0x6c9: {  	s0 =	rddreg [dreg:$0x0];
	s2 =	stileid.u32  }
0x6ca: {  	s1 =	rddreg [dreg:$0x1];
	p0 =	sne.s32 s2, $0x0  }
0x6cb: {  	s3 =	rddreg [dreg:$0x2];
	[bflag:$0x3] =	sbarrier.arrive $0xFFFF;
	s2 =	simm.s32 @!p0 $0x1C05  }
0x6cc: {  	[timem:s3], [sflag:s2] =	dma.local @!p0 [hbm:s0], s1  }
0x6cd: {  	s0 =	simm.s32 @!p0 $0x5  }
0x6ce: {  	_ =	swait.ge @!p0 [sflag:s0], s1  }
0x6cf: {  	s1 =	ssub.s32 @!p0 $0x0, s1;
	[sflag:s0] =	ssyncset.done @!p0 $0x0  }
0x6d0: {  	[sflag:s0] =	ssyncadd.s32 @!p0 s1  }
0x6d1: {  	[bflag:$0x3] =	sbarrier.arrive $0xFFFF  }
0x6d2: {  	_ =	shalt  }

</sc_bundles>
